<compile_context>
chip_gen: v7x
topology: tpu7x:2x2x1
jax: 0.10.2.dev20260603
libtpu: 0.0.44.dev20260713+nightly
codegen_flags: <defaults>
</compile_context>

<pallas_src>
import functools

import jax
import jax.numpy as jnp
from jax import lax
from jax.experimental import pallas as pl
from jax.experimental.pallas import tpu as pltpu
from jax.experimental.pallas import tpu_sc as plsc

N_NODES = 10000
N_PAD = 10240
D = 128
E = 320000
NC, NS = 2, 16
NW = NC * NS
CHUNK = 128
N_CHUNKS = 80
E_PAD = NW * N_CHUNKS * CHUNK
SLAB = 20
NSLAB = N_CHUNKS // SLAB
SLABS_PER_STRIP = 2 * NSLAB
NSLAB_SLOW, NSLAB_FAST = 2, 6
DUMMY = N_NODES
ROWS_PER_TILE = N_PAD // NS
BLK = 512
GRID = N_PAD // BLK

_mesh = plsc.VectorSubcoreMesh(
    core_axis_name="c", subcore_axis_name="s", num_cores=NC, num_subcores=NS)



@functools.partial(
    pl.kernel,
    out_type=jax.ShapeDtypeStruct((NC, N_PAD, 16), jnp.float32),
    mesh=_mesh,
    scratch_types=[
        pltpu.VMEM((SLAB, CHUNK), jnp.int32),
        pltpu.VMEM((CHUNK,), jnp.int32),
        pltpu.VMEM((CHUNK, 16), jnp.float32),
        pltpu.VMEM((CHUNK, 16), jnp.float32),
        pltpu.VMEM_SHARED((N_PAD, 16), jnp.float32),
    ],
)
def _deg_kernel(dst_hbm, out_hbm, dst_v, dst_cur, ones_v, zeros_v, acc):
    c = lax.axis_index("c")
    s = lax.axis_index("s")
    wid = s * NC + c

    one16 = jnp.ones((16,), jnp.float32)
    zero16 = jnp.zeros((16,), jnp.float32)

    def _fill(r, _):
        ones_v[r, pl.ds(0, 16)] = one16
        zeros_v[r, pl.ds(0, 16)] = zero16
        return 0

    lax.fori_loop(0, CHUNK, _fill, 0)
    for k in range(ROWS_PER_TILE // CHUNK):
        pltpu.sync_copy(zeros_v, acc.at[pl.ds(s * ROWS_PER_TILE + k * CHUNK, CHUNK)])
    plsc.subcore_barrier()

    def _slab(t, _):
        pltpu.sync_copy(dst_hbm.at[wid * NSLAB + t], dst_v)

        def _body(j, _):
            for k in range(CHUNK // 16):
                dst_cur[pl.ds(k * 16, 16)] = dst_v[j, pl.ds(k * 16, 16)]
            pltpu.sync_copy(ones_v, acc.at[dst_cur], add=True)
            return 0

        lax.fori_loop(0, SLAB, _body, 0)
        return 0

    lax.fori_loop(0, NSLAB, _slab, 0)
    plsc.subcore_barrier()
    pltpu.sync_copy(acc.at[pl.ds(s * ROWS_PER_TILE, ROWS_PER_TILE)],
                    out_hbm.at[c, pl.ds(s * ROWS_PER_TILE, ROWS_PER_TILE)])


@functools.partial(
    pl.kernel,
    out_type=jax.ShapeDtypeStruct((NC, N_PAD, D), jnp.float32),
    mesh=_mesh,
    scratch_types=[
        pltpu.VMEM((SLAB, CHUNK), jnp.int32),
        pltpu.VMEM((SLAB, CHUNK), jnp.int32),
        pltpu.VMEM((CHUNK,), jnp.int32),
        pltpu.VMEM((CHUNK,), jnp.int32),
        pltpu.VMEM((CHUNK,), jnp.int32),
        pltpu.VMEM((CHUNK, D), jnp.float32),
        pltpu.VMEM((CHUNK, D), jnp.float32),
        pltpu.VMEM_SHARED((N_PAD, D), jnp.float32),
        pltpu.SemaphoreType.DMA,
        pltpu.SemaphoreType.DMA,
    ],
)
def _prop_kernel(y_hbm, src_hbm, dst_hbm, out_hbm,
                 src_v, dst_v, sidx0, sidx1, didx, buf0, buf1, acc, sem0, sem1):
    c = lax.axis_index("c")
    s = lax.axis_index("s")
    nslab_c = jnp.where(c == 0, NSLAB_FAST, NSLAB_SLOW)
    slab_base = s * SLABS_PER_STRIP + c * NSLAB_FAST

    zero16 = jnp.zeros((16,), jnp.float32)

    def _zrow(r, _):
        for k in range(D // 16):
            buf0[r, pl.ds(k * 16, 16)] = zero16
        return 0

    lax.fori_loop(0, CHUNK, _zrow, 0)
    for k in range(ROWS_PER_TILE // CHUNK):
        pltpu.sync_copy(buf0, acc.at[pl.ds(s * ROWS_PER_TILE + k * CHUNK, CHUNK)])
    plsc.subcore_barrier()

    def _fill(cur, row_ref, j):
        for k in range(CHUNK // 16):
            cur[pl.ds(k * 16, 16)] = row_ref[j, pl.ds(k * 16, 16)]

    def _slab(t, _):
        pltpu.sync_copy(src_hbm.at[slab_base + t], src_v)
        pltpu.sync_copy(dst_hbm.at[slab_base + t], dst_v)
        _fill(sidx0, src_v, 0)
        pltpu.async_copy(y_hbm.at[sidx0], buf0, sem0)
        _fill(sidx1, src_v, 1)
        pltpu.async_copy(y_hbm.at[sidx1], buf1, sem1)

        def _body(i, _):
            j = 2 * i
            pltpu.make_async_copy(y_hbm.at[sidx0], buf0, sem0).wait()
            _fill(didx, dst_v, j)
            pltpu.sync_copy(buf0, acc.at[didx], add=True)

            @pl.when(j + 2 < SLAB)
            def _():
                _fill(sidx0, src_v, j + 2)
                pltpu.async_copy(y_hbm.at[sidx0], buf0, sem0)

            pltpu.make_async_copy(y_hbm.at[sidx1], buf1, sem1).wait()
            _fill(didx, dst_v, j + 1)
            pltpu.sync_copy(buf1, acc.at[didx], add=True)

            @pl.when(j + 3 < SLAB)
            def _():
                _fill(sidx1, src_v, j + 3)
                pltpu.async_copy(y_hbm.at[sidx1], buf1, sem1)

            return 0

        lax.fori_loop(0, SLAB // 2, _body, 0)
        return 0

    lax.fori_loop(0, nslab_c, _slab, 0)
    plsc.subcore_barrier()
    pltpu.sync_copy(acc.at[pl.ds(s * ROWS_PER_TILE, ROWS_PER_TILE)],
                    out_hbm.at[c, pl.ds(s * ROWS_PER_TILE, ROWS_PER_TILE)])



def _mm_body(x_ref, w_ref, o_ref):
    o_ref[...] = jnp.dot(x_ref[...], w_ref[...],
                         preferred_element_type=jnp.float32)


def _matmul(x, w):
    return pl.pallas_call(
        _mm_body,
        grid=(GRID,),
        in_specs=[pl.BlockSpec((BLK, D), lambda i: (i, 0)),
                  pl.BlockSpec((D, D), lambda i: (0, 0))],
        out_specs=pl.BlockSpec((BLK, D), lambda i: (i, 0)),
        out_shape=jax.ShapeDtypeStruct((N_PAD, D), jnp.float32),
    )(x, w)


def _dis_of(dg_ref):
    return lax.rsqrt(dg_ref[:, 0:1] + 1.0)


def _scale_body(dg_ref, xw_ref, y_ref):
    y_ref[...] = _dis_of(dg_ref) * xw_ref[...]


def _scale(deg16, xw):
    return pl.pallas_call(
        _scale_body,
        grid=(GRID,),
        in_specs=[pl.BlockSpec((BLK, 16), lambda i: (i, 0)),
                  pl.BlockSpec((BLK, D), lambda i: (i, 0))],
        out_specs=pl.BlockSpec((BLK, D), lambda i: (i, 0)),
        out_shape=jax.ShapeDtypeStruct((N_PAD, D), jnp.float32),
    )(deg16, xw)


def _hrelu_body(s_ref, xw_ref, dg_ref, b1_ref, h_ref):
    dis = _dis_of(dg_ref)
    h_ref[...] = jnp.maximum(
        dis * s_ref[...] + dis * dis * xw_ref[...] + b1_ref[...], 0.0)


def _hrelu(S1, xw1, deg16, b1r):
    return pl.pallas_call(
        _hrelu_body,
        grid=(GRID,),
        in_specs=[pl.BlockSpec((BLK, D), lambda i: (i, 0)),
                  pl.BlockSpec((BLK, D), lambda i: (i, 0)),
                  pl.BlockSpec((BLK, 16), lambda i: (i, 0)),
                  pl.BlockSpec((1, D), lambda i: (0, 0))],
        out_specs=pl.BlockSpec((BLK, D), lambda i: (i, 0)),
        out_shape=jax.ShapeDtypeStruct((N_PAD, D), jnp.float32),
    )(S1, xw1, deg16, b1r)


def _final_body(s_ref, xw_ref, dg_ref, b2_ref, o_ref):
    dis = _dis_of(dg_ref)
    o_ref[...] = dis * s_ref[...] + dis * dis * xw_ref[...] + b2_ref[...]


def _final(S2, xw2, deg16, b2r):
    return pl.pallas_call(
        _final_body,
        grid=(GRID,),
        in_specs=[pl.BlockSpec((BLK, D), lambda i: (i, 0)),
                  pl.BlockSpec((BLK, D), lambda i: (i, 0)),
                  pl.BlockSpec((BLK, 16), lambda i: (i, 0)),
                  pl.BlockSpec((1, D), lambda i: (0, 0))],
        out_specs=pl.BlockSpec((BLK, D), lambda i: (i, 0)),
        out_shape=jax.ShapeDtypeStruct((N_PAD, D), jnp.float32),
    )(S2, xw2, deg16, b2r)




def kernel(x, edge_index, W1, b1, W2, b2):
    ei = edge_index.astype(jnp.int32)
    pad = E_PAD - E
    src3 = jnp.concatenate(
        [ei[0], jnp.full((pad,), DUMMY, jnp.int32)]).reshape(NW * NSLAB, SLAB, CHUNK)
    dst3 = jnp.concatenate(
        [ei[1], jnp.full((pad,), DUMMY, jnp.int32)]).reshape(NW * NSLAB, SLAB, CHUNK)
    x_pad = jnp.zeros((N_PAD, D), jnp.float32).at[:N_NODES, :].set(x)

    degp = _deg_kernel(dst3)
    degp, src3, dst3 = jax.lax.optimization_barrier((degp, src3, dst3))
    deg16 = degp[0] + degp[1]
    xw1 = _matmul(x_pad, W1)
    y1 = _scale(deg16, xw1)
    s1p = _prop_kernel(y1, src3, dst3)
    S1 = s1p[0] + s1p[1]
    h = _hrelu(S1, xw1, deg16, b1.reshape(1, D))
    xw2 = _matmul(h, W2)
    y2 = _scale(deg16, xw2)
    s2p = _prop_kernel(y2, src3, dst3)
    S2 = s2p[0] + s2p[1]
    out = _final(S2, xw2, deg16, b2.reshape(1, D))
    return out[:N_NODES]

# --- scband reference (transcript-rebuilt; emitter-appended) ---
"""Pipeline reference for scband-gcn-15126874816523 (READ-ONLY COPY).

The authoritative reference and input builder live on the scoring server;
editing this copy changes nothing except your own understanding.
"""

import jax, jax.numpy as jnp
import numpy as np

N_NODES = 10000
N_EDGES = 320000
D_IN = 128
D_HID = 128
D_OUT = 128


def gcn_conv(x, edge_index, W, b, num_nodes):
    # PyG GCNConv: add self-loops, symmetric normalization, then propagate.
    src = edge_index[0]
    dst = edge_index[1]
    loop = jnp.arange(num_nodes, dtype=edge_index.dtype)
    src = jnp.concatenate([src, loop])
    dst = jnp.concatenate([dst, loop])
    xw = x @ W
    deg = jnp.zeros((num_nodes,), dtype=x.dtype).at[dst].add(1.0)
    deg_inv_sqrt = jnp.where(deg > 0, jax.lax.rsqrt(deg), 0.0)
    norm = deg_inv_sqrt[src] * deg_inv_sqrt[dst]
    msg = xw[src] * norm[:, None]
    out = jnp.zeros((num_nodes, xw.shape[1]), dtype=x.dtype).at[dst].add(msg)
    return out + b


def setup_inputs(seed: int = 0) -> dict:
    key = jax.random.key(seed)
    k1, k2, k3, k4, k5, k6 = jax.random.split(key, 6)
    x = jax.random.normal(k1, (N_NODES, D_IN), dtype=jnp.float32)
    edge_index = jax.random.randint(k2, (2, N_EDGES), 0, N_NODES, dtype=jnp.int64)
    # Glorot-style init for the two GCNConv layers
    s1 = 1.0 / np.sqrt(D_IN)
    s2 = 1.0 / np.sqrt(D_HID)
    W1 = jax.random.uniform(k3, (D_IN, D_HID), dtype=jnp.float32, minval=-s1, maxval=s1)
    b1 = jnp.zeros((D_HID,), dtype=jnp.float32)
    W2 = jax.random.uniform(k4, (D_HID, D_OUT), dtype=jnp.float32, minval=-s2, maxval=s2)
    b2 = jnp.zeros((D_OUT,), dtype=jnp.float32)
    return {"x": x, "edge_index": edge_index, "W1": W1, "b1": b1, "W2": W2, "b2": b2}


def reference(x, edge_index, W1, b1, W2, b2):
    # conv1 -> relu -> dropout(eval mode: identity) -> conv2
    h = gcn_conv(x, edge_index, W1, b1, N_NODES)
    h = jax.nn.relu(h)
    # F.dropout with training=False is the identity
    out = gcn_conv(h, edge_index, W2, b2, N_NODES)
    return out

if __name__ == "__main__":
    import jax
    _d = setup_inputs()
    print(jax.jit(kernel)(*tuple(_d.values())))

</pallas_src>

<mosaic_0001>
#map = affine_map<(d0, d1) -> (0, 0)>
#map1 = affine_map<(d0, d1) -> (0, 0, 0)>
module attributes {stable_mosaic.version = 14 : i64} {
  func.func @_prop_kernel(%arg0: i32, %arg1: i32, %arg2: memref<10240x128xf32, #tpu.memory_space<hbm>>, %arg3: memref<128x20x128xi32, #tpu.memory_space<hbm>>, %arg4: memref<128x20x128xi32, #tpu.memory_space<hbm>>, %arg5: memref<2x10240x128xf32, #tpu.memory_space<hbm>>, %arg6: memref<20x128xi32, #tpu.memory_space<vmem>>, %arg7: memref<20x128xi32, #tpu.memory_space<vmem>>, %arg8: memref<128xi32, #tpu.memory_space<vmem>>, %arg9: memref<128xi32, #tpu.memory_space<vmem>>, %arg10: memref<128xi32, #tpu.memory_space<vmem>>, %arg11: memref<128x128xf32, #tpu.memory_space<vmem>>, %arg12: memref<128x128xf32, #tpu.memory_space<vmem>>, %arg13: memref<10240x128xf32, #tpu.memory_space<vmem_shared>>, %arg14: memref<!tpu.dma_semaphore, #tpu.memory_space<semaphore_mem>>, %arg15: memref<!tpu.dma_semaphore, #tpu.memory_space<semaphore_mem>>) attributes {dimension_semantics = [#tpu.dimension_semantics<core_parallel>, #tpu.dimension_semantics<subcore_parallel>], iteration_bounds = array<i64: 2, 16>, scalar_prefetch = 0 : i64, scratch_operands = 10 : i64, tpu.core_type = #tpu.core_type<sc_vector_subcore>, window_params = [{transform_indices = #map}, {transform_indices = #map1}, {transform_indices = #map1}, {transform_indices = #map1}]} {
    %eq3A = arith.constant 0 : i32
    %eq3A_0 = arith.cmpi eq, %arg0, %eq3A : i32
    %jit3A = arith.constant 6 : i32
    %jit3A_1 = arith.constant 2 : i32
    %select_n3A = arith.select %eq3A_0, %jit3A, %jit3A_1 : i32
    %mul3A = arith.constant 8 : i32
    %mul3A_2 = arith.muli %arg1, %mul3A : i32
    %mul3A_3 = arith.constant 6 : i32
    %mul3A_4 = arith.muli %arg0, %mul3A_3 : i32
    %add3A = arith.addi %mul3A_2, %mul3A_4 : i32
    %broadcast_in_dim3A = arith.constant 0.000000e+00 : f32
    %broadcast_in_dim3A_5 = vector.broadcast %broadcast_in_dim3A : f32 to vector<16xf32>
    %scan3A = arith.constant 0 : i32
    %scan3A_6 = arith.constant 0 : i32
    %scan3A_7 = arith.constant 128 : i32
    %scan3A_8 = arith.addi %scan3A_6, %scan3A_7 : i32
    %scan3A_9 = arith.constant 1 : i32
    %scan3A_10 = scf.for %scan3A_48 = %scan3A_6 to %scan3A_8 step %scan3A_9 iter_args(%scan3A_49 = %scan3A) -> (i32)  : i32 {
      %swap3A = arith.index_cast %scan3A_48 : i32 to index
      %swap3A_50 = arith.constant 0 : index
      %swap3A_51 = tpu.vector_load %arg11[%swap3A, %swap3A_50] {strides = array<i32>} : memref<128x128xf32, #tpu.memory_space<vmem>>, vector<1x16xf32>,
      %swap3A_52 = vector.shape_cast %swap3A_51 : vector<1x16xf32> to vector<16xf32>
      %swap3A_53 = vector.shape_cast %broadcast_in_dim3A_5 : vector<16xf32> to vector<1x16xf32>
      tpu.vector_store %arg11[%swap3A, %swap3A_50], %swap3A_53 {strides = array<i32>} : memref<128x128xf32, #tpu.memory_space<vmem>>, vector<1x16xf32>,
      %swap3A_54 = arith.index_cast %scan3A_48 : i32 to index
      %swap3A_55 = arith.constant 16 : index
      %swap3A_56 = tpu.vector_load %arg11[%swap3A_54, %swap3A_55] {strides = array<i32>} : memref<128x128xf32, #tpu.memory_space<vmem>>, vector<1x16xf32>,
      %swap3A_57 = vector.shape_cast %swap3A_56 : vector<1x16xf32> to vector<16xf32>
      %swap3A_58 = vector.shape_cast %broadcast_in_dim3A_5 : vector<16xf32> to vector<1x16xf32>
      tpu.vector_store %arg11[%swap3A_54, %swap3A_55], %swap3A_58 {strides = array<i32>} : memref<128x128xf32, #tpu.memory_space<vmem>>, vector<1x16xf32>,
      %swap3A_59 = arith.index_cast %scan3A_48 : i32 to index
      %swap3A_60 = arith.constant 32 : index
      %swap3A_61 = tpu.vector_load %arg11[%swap3A_59, %swap3A_60] {strides = array<i32>} : memref<128x128xf32, #tpu.memory_space<vmem>>, vector<1x16xf32>,
      %swap3A_62 = vector.shape_cast %swap3A_61 : vector<1x16xf32> to vector<16xf32>
      %swap3A_63 = vector.shape_cast %broadcast_in_dim3A_5 : vector<16xf32> to vector<1x16xf32>
      tpu.vector_store %arg11[%swap3A_59, %swap3A_60], %swap3A_63 {strides = array<i32>} : memref<128x128xf32, #tpu.memory_space<vmem>>, vector<1x16xf32>,
      %swap3A_64 = arith.index_cast %scan3A_48 : i32 to index
      %swap3A_65 = arith.constant 48 : index
      %swap3A_66 = tpu.vector_load %arg11[%swap3A_64, %swap3A_65] {strides = array<i32>} : memref<128x128xf32, #tpu.memory_space<vmem>>, vector<1x16xf32>,
      %swap3A_67 = vector.shape_cast %swap3A_66 : vector<1x16xf32> to vector<16xf32>
      %swap3A_68 = vector.shape_cast %broadcast_in_dim3A_5 : vector<16xf32> to vector<1x16xf32>
      tpu.vector_store %arg11[%swap3A_64, %swap3A_65], %swap3A_68 {strides = array<i32>} : memref<128x128xf32, #tpu.memory_space<vmem>>, vector<1x16xf32>,
      %swap3A_69 = arith.index_cast %scan3A_48 : i32 to index
      %swap3A_70 = arith.constant 64 : index
      %swap3A_71 = tpu.vector_load %arg11[%swap3A_69, %swap3A_70] {strides = array<i32>} : memref<128x128xf32, #tpu.memory_space<vmem>>, vector<1x16xf32>,
      %swap3A_72 = vector.shape_cast %swap3A_71 : vector<1x16xf32> to vector<16xf32>
      %swap3A_73 = vector.shape_cast %broadcast_in_dim3A_5 : vector<16xf32> to vector<1x16xf32>
      tpu.vector_store %arg11[%swap3A_69, %swap3A_70], %swap3A_73 {strides = array<i32>} : memref<128x128xf32, #tpu.memory_space<vmem>>, vector<1x16xf32>,
      %swap3A_74 = arith.index_cast %scan3A_48 : i32 to index
      %swap3A_75 = arith.constant 80 : index
      %swap3A_76 = tpu.vector_load %arg11[%swap3A_74, %swap3A_75] {strides = array<i32>} : memref<128x128xf32, #tpu.memory_space<vmem>>, vector<1x16xf32>,
      %swap3A_77 = vector.shape_cast %swap3A_76 : vector<1x16xf32> to vector<16xf32>
      %swap3A_78 = vector.shape_cast %broadcast_in_dim3A_5 : vector<16xf32> to vector<1x16xf32>
      tpu.vector_store %arg11[%swap3A_74, %swap3A_75], %swap3A_78 {strides = array<i32>} : memref<128x128xf32, #tpu.memory_space<vmem>>, vector<1x16xf32>,
      %swap3A_79 = arith.index_cast %scan3A_48 : i32 to index
      %swap3A_80 = arith.constant 96 : index
      %swap3A_81 = tpu.vector_load %arg11[%swap3A_79, %swap3A_80] {strides = array<i32>} : memref<128x128xf32, #tpu.memory_space<vmem>>, vector<1x16xf32>,
      %swap3A_82 = vector.shape_cast %swap3A_81 : vector<1x16xf32> to vector<16xf32>
      %swap3A_83 = vector.shape_cast %broadcast_in_dim3A_5 : vector<16xf32> to vector<1x16xf32>
      tpu.vector_store %arg11[%swap3A_79, %swap3A_80], %swap3A_83 {strides = array<i32>} : memref<128x128xf32, #tpu.memory_space<vmem>>, vector<1x16xf32>,
      %swap3A_84 = arith.index_cast %scan3A_48 : i32 to index
      %swap3A_85 = arith.constant 112 : index
      %swap3A_86 = tpu.vector_load %arg11[%swap3A_84, %swap3A_85] {strides = array<i32>} : memref<128x128xf32, #tpu.memory_space<vmem>>, vector<1x16xf32>,
      %swap3A_87 = vector.shape_cast %swap3A_86 : vector<1x16xf32> to vector<16xf32>
      %swap3A_88 = vector.shape_cast %broadcast_in_dim3A_5 : vector<16xf32> to vector<1x16xf32>
      tpu.vector_store %arg11[%swap3A_84, %swap3A_85], %swap3A_88 {strides = array<i32>} : memref<128x128xf32, #tpu.memory_space<vmem>>, vector<1x16xf32>,
      %scan3A_89 = arith.constant 0 : i32
      scf.yield %scan3A_89 : i32
    }
    %scan3A_11 = arith.constant 128 : i32
    %mul3A_12 = arith.constant 640 : i32
    %mul3A_13 = arith.muli %arg1, %mul3A_12 : i32
    %add3A_14 = arith.constant 0 : i32
    %add3A_15 = arith.addi %mul3A_13, %add3A_14 : i32
    "tpu.region"() ({
      %run_scoped3A = tpu.sem_alloc : memref<!tpu.dma_semaphore, #tpu.memory_space<semaphore_mem>>
      %dma_start3A = arith.constant 0 : i32
      %dma_start3A_48 = tpu.memref_slice %arg13[%add3A_15, %dma_start3A] : memref<10240x128xf32, #tpu.memory_space<vmem_shared>> -> memref<128x128xf32, #tpu.memory_space<vmem_shared>>
      %dma_start3A_49 = arith.constant 0 : i32
      %dma_start3A_50 = tpu.memref_slice %arg13[%add3A_15, %dma_start3A_49] : memref<10240x128xf32, #tpu.memory_space<vmem_shared>> -> memref<128x128xf32, #tpu.memory_space<vmem_shared>>
      tpu.enqueue_dma source(%arg11 : memref<128x128xf32, #tpu.memory_space<vmem>>) target(%dma_start3A_50 : memref<128x128xf32, #tpu.memory_space<vmem_shared>>) target_semaphore(%run_scoped3A : memref<!tpu.dma_semaphore, #tpu.memory_space<semaphore_mem>>)
      %dma_wait3A = arith.constant 0 : i32
      %dma_wait3A_51 = tpu.memref_slice %arg13[%add3A_15, %dma_wait3A] : memref<10240x128xf32, #tpu.memory_space<vmem_shared>> -> memref<128x128xf32, #tpu.memory_space<vmem_shared>>
      %dma_wait3A_52 = arith.constant 0 : i32
      %dma_wait3A_53 = tpu.memref_slice %arg13[%add3A_15, %dma_wait3A_52] : memref<10240x128xf32, #tpu.memory_space<vmem_shared>> -> memref<128x128xf32, #tpu.memory_space<vmem_shared>>
      tpu.wait_dma2 semaphore(%run_scoped3A : memref<!tpu.dma_semaphore, #tpu.memory_space<semaphore_mem>>) src(%arg11 : memref<128x128xf32, #tpu.memory_space<vmem>>) dst(%dma_wait3A_53 : memref<128x128xf32, #tpu.memory_space<vmem_shared>>)
      tpu.yield
    }) : () -> ()
    %mul3A_16 = arith.constant 640 : i32
    %mul3A_17 = arith.muli %arg1, %mul3A_16 : i32
    %add3A_18 = arith.constant 128 : i32
    %add3A_19 = arith.addi %mul3A_17, %add3A_18 : i32
    "tpu.region"() ({
      %run_scoped3A = tpu.sem_alloc : memref<!tpu.dma_semaphore, #tpu.memory_space<semaphore_mem>>
      %dma_start3A = arith.constant 0 : i32
      %dma_start3A_48 = tpu.memref_slice %arg13[%add3A_19, %dma_start3A] : memref<10240x128xf32, #tpu.memory_space<vmem_shared>> -> memref<128x128xf32, #tpu.memory_space<vmem_shared>>
      %dma_start3A_49 = arith.constant 0 : i32
      %dma_start3A_50 = tpu.memref_slice %arg13[%add3A_19, %dma_start3A_49] : memref<10240x128xf32, #tpu.memory_space<vmem_shared>> -> memref<128x128xf32, #tpu.memory_space<vmem_shared>>
      tpu.enqueue_dma source(%arg11 : memref<128x128xf32, #tpu.memory_space<vmem>>) target(%dma_start3A_50 : memref<128x128xf32, #tpu.memory_space<vmem_shared>>) target_semaphore(%run_scoped3A : memref<!tpu.dma_semaphore, #tpu.memory_space<semaphore_mem>>)
      %dma_wait3A = arith.constant 0 : i32
      %dma_wait3A_51 = tpu.memref_slice %arg13[%add3A_19, %dma_wait3A] : memref<10240x128xf32, #tpu.memory_space<vmem_shared>> -> memref<128x128xf32, #tpu.memory_space<vmem_shared>>
      %dma_wait3A_52 = arith.constant 0 : i32
      %dma_wait3A_53 = tpu.memref_slice %arg13[%add3A_19, %dma_wait3A_52] : memref<10240x128xf32, #tpu.memory_space<vmem_shared>> -> memref<128x128xf32, #tpu.memory_space<vmem_shared>>
      tpu.wait_dma2 semaphore(%run_scoped3A : memref<!tpu.dma_semaphore, #tpu.memory_space<semaphore_mem>>) src(%arg11 : memref<128x128xf32, #tpu.memory_space<vmem>>) dst(%dma_wait3A_53 : memref<128x128xf32, #tpu.memory_space<vmem_shared>>)
      tpu.yield
    }) : () -> ()
    %mul3A_20 = arith.constant 640 : i32
    %mul3A_21 = arith.muli %arg1, %mul3A_20 : i32
    %add3A_22 = arith.constant 256 : i32
    %add3A_23 = arith.addi %mul3A_21, %add3A_22 : i32
    "tpu.region"() ({
      %run_scoped3A = tpu.sem_alloc : memref<!tpu.dma_semaphore, #tpu.memory_space<semaphore_mem>>
      %dma_start3A = arith.constant 0 : i32
      %dma_start3A_48 = tpu.memref_slice %arg13[%add3A_23, %dma_start3A] : memref<10240x128xf32, #tpu.memory_space<vmem_shared>> -> memref<128x128xf32, #tpu.memory_space<vmem_shared>>
      %dma_start3A_49 = arith.constant 0 : i32
      %dma_start3A_50 = tpu.memref_slice %arg13[%add3A_23, %dma_start3A_49] : memref<10240x128xf32, #tpu.memory_space<vmem_shared>> -> memref<128x128xf32, #tpu.memory_space<vmem_shared>>
      tpu.enqueue_dma source(%arg11 : memref<128x128xf32, #tpu.memory_space<vmem>>) target(%dma_start3A_50 : memref<128x128xf32, #tpu.memory_space<vmem_shared>>) target_semaphore(%run_scoped3A : memref<!tpu.dma_semaphore, #tpu.memory_space<semaphore_mem>>)
      %dma_wait3A = arith.constant 0 : i32
      %dma_wait3A_51 = tpu.memref_slice %arg13[%add3A_23, %dma_wait3A] : memref<10240x128xf32, #tpu.memory_space<vmem_shared>> -> memref<128x128xf32, #tpu.memory_space<vmem_shared>>
      %dma_wait3A_52 = arith.constant 0 : i32
      %dma_wait3A_53 = tpu.memref_slice %arg13[%add3A_23, %dma_wait3A_52] : memref<10240x128xf32, #tpu.memory_space<vmem_shared>> -> memref<128x128xf32, #tpu.memory_space<vmem_shared>>
      tpu.wait_dma2 semaphore(%run_scoped3A : memref<!tpu.dma_semaphore, #tpu.memory_space<semaphore_mem>>) src(%arg11 : memref<128x128xf32, #tpu.memory_space<vmem>>) dst(%dma_wait3A_53 : memref<128x128xf32, #tpu.memory_space<vmem_shared>>)
      tpu.yield
    }) : () -> ()
    %mul3A_24 = arith.constant 640 : i32
    %mul3A_25 = arith.muli %arg1, %mul3A_24 : i32
    %add3A_26 = arith.constant 384 : i32
    %add3A_27 = arith.addi %mul3A_25, %add3A_26 : i32
    "tpu.region"() ({
      %run_scoped3A = tpu.sem_alloc : memref<!tpu.dma_semaphore, #tpu.memory_space<semaphore_mem>>
      %dma_start3A = arith.constant 0 : i32
      %dma_start3A_48 = tpu.memref_slice %arg13[%add3A_27, %dma_start3A] : memref<10240x128xf32, #tpu.memory_space<vmem_shared>> -> memref<128x128xf32, #tpu.memory_space<vmem_shared>>
      %dma_start3A_49 = arith.constant 0 : i32
      %dma_start3A_50 = tpu.memref_slice %arg13[%add3A_27, %dma_start3A_49] : memref<10240x128xf32, #tpu.memory_space<vmem_shared>> -> memref<128x128xf32, #tpu.memory_space<vmem_shared>>
      tpu.enqueue_dma source(%arg11 : memref<128x128xf32, #tpu.memory_space<vmem>>) target(%dma_start3A_50 : memref<128x128xf32, #tpu.memory_space<vmem_shared>>) target_semaphore(%run_scoped3A : memref<!tpu.dma_semaphore, #tpu.memory_space<semaphore_mem>>)
      %dma_wait3A = arith.constant 0 : i32
      %dma_wait3A_51 = tpu.memref_slice %arg13[%add3A_27, %dma_wait3A] : memref<10240x128xf32, #tpu.memory_space<vmem_shared>> -> memref<128x128xf32, #tpu.memory_space<vmem_shared>>
      %dma_wait3A_52 = arith.constant 0 : i32
      %dma_wait3A_53 = tpu.memref_slice %arg13[%add3A_27, %dma_wait3A_52] : memref<10240x128xf32, #tpu.memory_space<vmem_shared>> -> memref<128x128xf32, #tpu.memory_space<vmem_shared>>
      tpu.wait_dma2 semaphore(%run_scoped3A : memref<!tpu.dma_semaphore, #tpu.memory_space<semaphore_mem>>) src(%arg11 : memref<128x128xf32, #tpu.memory_space<vmem>>) dst(%dma_wait3A_53 : memref<128x128xf32, #tpu.memory_space<vmem_shared>>)
      tpu.yield
    }) : () -> ()
    %mul3A_28 = arith.constant 640 : i32
    %mul3A_29 = arith.muli %arg1, %mul3A_28 : i32
    %add3A_30 = arith.constant 512 : i32
    %add3A_31 = arith.addi %mul3A_29, %add3A_30 : i32
    "tpu.region"() ({
      %run_scoped3A = tpu.sem_alloc : memref<!tpu.dma_semaphore, #tpu.memory_space<semaphore_mem>>
      %dma_start3A = arith.constant 0 : i32
      %dma_start3A_48 = tpu.memref_slice %arg13[%add3A_31, %dma_start3A] : memref<10240x128xf32, #tpu.memory_space<vmem_shared>> -> memref<128x128xf32, #tpu.memory_space<vmem_shared>>
      %dma_start3A_49 = arith.constant 0 : i32
      %dma_start3A_50 = tpu.memref_slice %arg13[%add3A_31, %dma_start3A_49] : memref<10240x128xf32, #tpu.memory_space<vmem_shared>> -> memref<128x128xf32, #tpu.memory_space<vmem_shared>>
      tpu.enqueue_dma source(%arg11 : memref<128x128xf32, #tpu.memory_space<vmem>>) target(%dma_start3A_50 : memref<128x128xf32, #tpu.memory_space<vmem_shared>>) target_semaphore(%run_scoped3A : memref<!tpu.dma_semaphore, #tpu.memory_space<semaphore_mem>>)
      %dma_wait3A = arith.constant 0 : i32
      %dma_wait3A_51 = tpu.memref_slice %arg13[%add3A_31, %dma_wait3A] : memref<10240x128xf32, #tpu.memory_space<vmem_shared>> -> memref<128x128xf32, #tpu.memory_space<vmem_shared>>
      %dma_wait3A_52 = arith.constant 0 : i32
      %dma_wait3A_53 = tpu.memref_slice %arg13[%add3A_31, %dma_wait3A_52] : memref<10240x128xf32, #tpu.memory_space<vmem_shared>> -> memref<128x128xf32, #tpu.memory_space<vmem_shared>>
      tpu.wait_dma2 semaphore(%run_scoped3A : memref<!tpu.dma_semaphore, #tpu.memory_space<semaphore_mem>>) src(%arg11 : memref<128x128xf32, #tpu.memory_space<vmem>>) dst(%dma_wait3A_53 : memref<128x128xf32, #tpu.memory_space<vmem_shared>>)
      tpu.yield
    }) : () -> ()
    %barrier3A = arith.constant 0 : index
    tpu.barrier barrier_id(%barrier3A)
    %while3A = arith.constant 0 : i32
    %while3A_32 = arith.constant 0 : i32
    %while3A_33 = arith.subi %select_n3A, %while3A : i32
    %while3A_34 = arith.addi %while3A, %while3A_33 : i32
    %while3A_35 = arith.constant 1 : i32
    %while3A_36 = arith.divsi %while3A_33, %while3A_35 : i32
    %while3A_37 = arith.muli %while3A_36, %while3A_35 : i32
    %while3A_38 = arith.addi %while3A, %while3A_37 : i32
    %while3A_39 = arith.constant 1 : i32
    %while3A_40 = scf.for %while3A_48 = %while3A to %while3A_38 step %while3A_39 iter_args(%while3A_49 = %while3A_32) -> (i32)  : i32 {
      %add3A_50 = arith.addi %add3A, %while3A_48 : i32
      "tpu.region"() ({
        %run_scoped3A = tpu.sem_alloc : memref<!tpu.dma_semaphore, #tpu.memory_space<semaphore_mem>>
        %dma_start3A_207 = arith.constant 0 : i32
        %dma_start3A_208 = arith.constant 0 : i32
        %dma_start3A_209 = tpu.memref_slice %arg3[%add3A_50, %dma_start3A_207, %dma_start3A_208] : memref<128x20x128xi32, #tpu.memory_space<hbm>> -> memref<1x20x128xi32, #tpu.memory_space<hbm>>
        %dma_start3A_210 = tpu.memref_squeeze %dma_start3A_209 : memref<1x20x128xi32, #tpu.memory_space<hbm>> -> memref<20x128xi32, #tpu.memory_space<hbm>>
        %dma_start3A_211 = arith.constant 0 : i32
        %dma_start3A_212 = arith.constant 0 : i32
        %dma_start3A_213 = tpu.memref_slice %arg3[%add3A_50, %dma_start3A_211, %dma_start3A_212] : memref<128x20x128xi32, #tpu.memory_space<hbm>> -> memref<1x20x128xi32, #tpu.memory_space<hbm>>
        %dma_start3A_214 = tpu.memref_squeeze %dma_start3A_213 : memref<1x20x128xi32, #tpu.memory_space<hbm>> -> memref<20x128xi32, #tpu.memory_space<hbm>>
        tpu.enqueue_dma source(%dma_start3A_214 : memref<20x128xi32, #tpu.memory_space<hbm>>) target(%arg6 : memref<20x128xi32, #tpu.memory_space<vmem>>) target_semaphore(%run_scoped3A : memref<!tpu.dma_semaphore, #tpu.memory_space<semaphore_mem>>)
        %dma_wait3A = arith.constant 0 : i32
        %dma_wait3A_215 = arith.constant 0 : i32
        %dma_wait3A_216 = tpu.memref_slice %arg3[%add3A_50, %dma_wait3A, %dma_wait3A_215] : memref<128x20x128xi32, #tpu.memory_space<hbm>> -> memref<1x20x128xi32, #tpu.memory_space<hbm>>
        %dma_wait3A_217 = tpu.memref_squeeze %dma_wait3A_216 : memref<1x20x128xi32, #tpu.memory_space<hbm>> -> memref<20x128xi32, #tpu.memory_space<hbm>>
        %dma_wait3A_218 = arith.constant 0 : i32
        %dma_wait3A_219 = arith.constant 0 : i32
        %dma_wait3A_220 = tpu.memref_slice %arg3[%add3A_50, %dma_wait3A_218, %dma_wait3A_219] : memref<128x20x128xi32, #tpu.memory_space<hbm>> -> memref<1x20x128xi32, #tpu.memory_space<hbm>>
        %dma_wait3A_221 = tpu.memref_squeeze %dma_wait3A_220 : memref<1x20x128xi32, #tpu.memory_space<hbm>> -> memref<20x128xi32, #tpu.memory_space<hbm>>
        tpu.wait_dma2 semaphore(%run_scoped3A : memref<!tpu.dma_semaphore, #tpu.memory_space<semaphore_mem>>) src(%dma_wait3A_221 : memref<20x128xi32, #tpu.memory_space<hbm>>) dst(%arg6 : memref<20x128xi32, #tpu.memory_space<vmem>>)
        tpu.yield
      }) : () -> ()
      %add3A_51 = arith.addi %add3A, %while3A_48 : i32
      "tpu.region"() ({
        %run_scoped3A = tpu.sem_alloc : memref<!tpu.dma_semaphore, #tpu.memory_space<semaphore_mem>>
        %dma_start3A_207 = arith.constant 0 : i32
        %dma_start3A_208 = arith.constant 0 : i32
        %dma_start3A_209 = tpu.memref_slice %arg4[%add3A_51, %dma_start3A_207, %dma_start3A_208] : memref<128x20x128xi32, #tpu.memory_space<hbm>> -> memref<1x20x128xi32, #tpu.memory_space<hbm>>
        %dma_start3A_210 = tpu.memref_squeeze %dma_start3A_209 : memref<1x20x128xi32, #tpu.memory_space<hbm>> -> memref<20x128xi32, #tpu.memory_space<hbm>>
        %dma_start3A_211 = arith.constant 0 : i32
        %dma_start3A_212 = arith.constant 0 : i32
        %dma_start3A_213 = tpu.memref_slice %arg4[%add3A_51, %dma_start3A_211, %dma_start3A_212] : memref<128x20x128xi32, #tpu.memory_space<hbm>> -> memref<1x20x128xi32, #tpu.memory_space<hbm>>
        %dma_start3A_214 = tpu.memref_squeeze %dma_start3A_213 : memref<1x20x128xi32, #tpu.memory_space<hbm>> -> memref<20x128xi32, #tpu.memory_space<hbm>>
        tpu.enqueue_dma source(%dma_start3A_214 : memref<20x128xi32, #tpu.memory_space<hbm>>) target(%arg7 : memref<20x128xi32, #tpu.memory_space<vmem>>) target_semaphore(%run_scoped3A : memref<!tpu.dma_semaphore, #tpu.memory_space<semaphore_mem>>)
        %dma_wait3A = arith.constant 0 : i32
        %dma_wait3A_215 = arith.constant 0 : i32
        %dma_wait3A_216 = tpu.memref_slice %arg4[%add3A_51, %dma_wait3A, %dma_wait3A_215] : memref<128x20x128xi32, #tpu.memory_space<hbm>> -> memref<1x20x128xi32, #tpu.memory_space<hbm>>
        %dma_wait3A_217 = tpu.memref_squeeze %dma_wait3A_216 : memref<1x20x128xi32, #tpu.memory_space<hbm>> -> memref<20x128xi32, #tpu.memory_space<hbm>>
        %dma_wait3A_218 = arith.constant 0 : i32
        %dma_wait3A_219 = arith.constant 0 : i32
        %dma_wait3A_220 = tpu.memref_slice %arg4[%add3A_51, %dma_wait3A_218, %dma_wait3A_219] : memref<128x20x128xi32, #tpu.memory_space<hbm>> -> memref<1x20x128xi32, #tpu.memory_space<hbm>>
        %dma_wait3A_221 = tpu.memref_squeeze %dma_wait3A_220 : memref<1x20x128xi32, #tpu.memory_space<hbm>> -> memref<20x128xi32, #tpu.memory_space<hbm>>
        tpu.wait_dma2 semaphore(%run_scoped3A : memref<!tpu.dma_semaphore, #tpu.memory_space<semaphore_mem>>) src(%dma_wait3A_221 : memref<20x128xi32, #tpu.memory_space<hbm>>) dst(%arg7 : memref<20x128xi32, #tpu.memory_space<vmem>>)
        tpu.yield
      }) : () -> ()
      %get3A = arith.constant 0 : i32
      %get3A_52 = arith.index_cast %get3A : i32 to index
      %get3A_53 = arith.constant 0 : index
      %get3A_54 = tpu.vector_load %arg6[%get3A_52, %get3A_53] {strides = array<i32>} : memref<20x128xi32, #tpu.memory_space<vmem>>, vector<1x16xi32>,
      %get3A_55 = vector.shape_cast %get3A_54 : vector<1x16xi32> to vector<16xi32>
      %swap3A = arith.constant 0 : index
      %swap3A_56 = tpu.vector_load %arg8[%swap3A] {strides = array<i32>} : memref<128xi32, #tpu.memory_space<vmem>>, vector<16xi32>,
      %swap3A_57 = vector.shape_cast %swap3A_56 : vector<16xi32> to vector<16xi32>
      %swap3A_58 = vector.shape_cast %get3A_55 : vector<16xi32> to vector<16xi32>
      tpu.vector_store %arg8[%swap3A], %swap3A_58 {strides = array<i32>} : memref<128xi32, #tpu.memory_space<vmem>>, vector<16xi32>,
      %get3A_59 = arith.constant 0 : i32
      %get3A_60 = arith.index_cast %get3A_59 : i32 to index
      %get3A_61 = arith.constant 16 : index
      %get3A_62 = tpu.vector_load %arg6[%get3A_60, %get3A_61] {strides = array<i32>} : memref<20x128xi32, #tpu.memory_space<vmem>>, vector<1x16xi32>,
      %get3A_63 = vector.shape_cast %get3A_62 : vector<1x16xi32> to vector<16xi32>
      %swap3A_64 = arith.constant 16 : index
      %swap3A_65 = tpu.vector_load %arg8[%swap3A_64] {strides = array<i32>} : memref<128xi32, #tpu.memory_space<vmem>>, vector<16xi32>,
      %swap3A_66 = vector.shape_cast %swap3A_65 : vector<16xi32> to vector<16xi32>
      %swap3A_67 = vector.shape_cast %get3A_63 : vector<16xi32> to vector<16xi32>
      tpu.vector_store %arg8[%swap3A_64], %swap3A_67 {strides = array<i32>} : memref<128xi32, #tpu.memory_space<vmem>>, vector<16xi32>,
      %get3A_68 = arith.constant 0 : i32
      %get3A_69 = arith.index_cast %get3A_68 : i32 to index
      %get3A_70 = arith.constant 32 : index
      %get3A_71 = tpu.vector_load %arg6[%get3A_69, %get3A_70] {strides = array<i32>} : memref<20x128xi32, #tpu.memory_space<vmem>>, vector<1x16xi32>,
      %get3A_72 = vector.shape_cast %get3A_71 : vector<1x16xi32> to vector<16xi32>
      %swap3A_73 = arith.constant 32 : index
      %swap3A_74 = tpu.vector_load %arg8[%swap3A_73] {strides = array<i32>} : memref<128xi32, #tpu.memory_space<vmem>>, vector<16xi32>,
      %swap3A_75 = vector.shape_cast %swap3A_74 : vector<16xi32> to vector<16xi32>
      %swap3A_76 = vector.shape_cast %get3A_72 : vector<16xi32> to vector<16xi32>
      tpu.vector_store %arg8[%swap3A_73], %swap3A_76 {strides = array<i32>} : memref<128xi32, #tpu.memory_space<vmem>>, vector<16xi32>,
      %get3A_77 = arith.constant 0 : i32
      %get3A_78 = arith.index_cast %get3A_77 : i32 to index
      %get3A_79 = arith.constant 48 : index
      %get3A_80 = tpu.vector_load %arg6[%get3A_78, %get3A_79] {strides = array<i32>} : memref<20x128xi32, #tpu.memory_space<vmem>>, vector<1x16xi32>,
      %get3A_81 = vector.shape_cast %get3A_80 : vector<1x16xi32> to vector<16xi32>
      %swap3A_82 = arith.constant 48 : index
      %swap3A_83 = tpu.vector_load %arg8[%swap3A_82] {strides = array<i32>} : memref<128xi32, #tpu.memory_space<vmem>>, vector<16xi32>,
      %swap3A_84 = vector.shape_cast %swap3A_83 : vector<16xi32> to vector<16xi32>
      %swap3A_85 = vector.shape_cast %get3A_81 : vector<16xi32> to vector<16xi32>
      tpu.vector_store %arg8[%swap3A_82], %swap3A_85 {strides = array<i32>} : memref<128xi32, #tpu.memory_space<vmem>>, vector<16xi32>,
      %get3A_86 = arith.constant 0 : i32
      %get3A_87 = arith.index_cast %get3A_86 : i32 to index
      %get3A_88 = arith.constant 64 : index
      %get3A_89 = tpu.vector_load %arg6[%get3A_87, %get3A_88] {strides = array<i32>} : memref<20x128xi32, #tpu.memory_space<vmem>>, vector<1x16xi32>,
      %get3A_90 = vector.shape_cast %get3A_89 : vector<1x16xi32> to vector<16xi32>
      %swap3A_91 = arith.constant 64 : index
      %swap3A_92 = tpu.vector_load %arg8[%swap3A_91] {strides = array<i32>} : memref<128xi32, #tpu.memory_space<vmem>>, vector<16xi32>,
      %swap3A_93 = vector.shape_cast %swap3A_92 : vector<16xi32> to vector<16xi32>
      %swap3A_94 = vector.shape_cast %get3A_90 : vector<16xi32> to vector<16xi32>
      tpu.vector_store %arg8[%swap3A_91], %swap3A_94 {strides = array<i32>} : memref<128xi32, #tpu.memory_space<vmem>>, vector<16xi32>,
      %get3A_95 = arith.constant 0 : i32
      %get3A_96 = arith.index_cast %get3A_95 : i32 to index
      %get3A_97 = arith.constant 80 : index
      %get3A_98 = tpu.vector_load %arg6[%get3A_96, %get3A_97] {strides = array<i32>} : memref<20x128xi32, #tpu.memory_space<vmem>>, vector<1x16xi32>,
      %get3A_99 = vector.shape_cast %get3A_98 : vector<1x16xi32> to vector<16xi32>
      %swap3A_100 = arith.constant 80 : index
      %swap3A_101 = tpu.vector_load %arg8[%swap3A_100] {strides = array<i32>} : memref<128xi32, #tpu.memory_space<vmem>>, vector<16xi32>,
      %swap3A_102 = vector.shape_cast %swap3A_101 : vector<16xi32> to vector<16xi32>
      %swap3A_103 = vector.shape_cast %get3A_99 : vector<16xi32> to vector<16xi32>
      tpu.vector_store %arg8[%swap3A_100], %swap3A_103 {strides = array<i32>} : memref<128xi32, #tpu.memory_space<vmem>>, vector<16xi32>,
      %get3A_104 = arith.constant 0 : i32
      %get3A_105 = arith.index_cast %get3A_104 : i32 to index
      %get3A_106 = arith.constant 96 : index
      %get3A_107 = tpu.vector_load %arg6[%get3A_105, %get3A_106] {strides = array<i32>} : memref<20x128xi32, #tpu.memory_space<vmem>>, vector<1x16xi32>,
      %get3A_108 = vector.shape_cast %get3A_107 : vector<1x16xi32> to vector<16xi32>
      %swap3A_109 = arith.constant 96 : index
      %swap3A_110 = tpu.vector_load %arg8[%swap3A_109] {strides = array<i32>} : memref<128xi32, #tpu.memory_space<vmem>>, vector<16xi32>,
      %swap3A_111 = vector.shape_cast %swap3A_110 : vector<16xi32> to vector<16xi32>
      %swap3A_112 = vector.shape_cast %get3A_108 : vector<16xi32> to vector<16xi32>
      tpu.vector_store %arg8[%swap3A_109], %swap3A_112 {strides = array<i32>} : memref<128xi32, #tpu.memory_space<vmem>>, vector<16xi32>,
      %get3A_113 = arith.constant 0 : i32
      %get3A_114 = arith.index_cast %get3A_113 : i32 to index
      %get3A_115 = arith.constant 112 : index
      %get3A_116 = tpu.vector_load %arg6[%get3A_114, %get3A_115] {strides = array<i32>} : memref<20x128xi32, #tpu.memory_space<vmem>>, vector<1x16xi32>,
      %get3A_117 = vector.shape_cast %get3A_116 : vector<1x16xi32> to vector<16xi32>
      %swap3A_118 = arith.constant 112 : index
      %swap3A_119 = tpu.vector_load %arg8[%swap3A_118] {strides = array<i32>} : memref<128xi32, #tpu.memory_space<vmem>>, vector<16xi32>,
      %swap3A_120 = vector.shape_cast %swap3A_119 : vector<16xi32> to vector<16xi32>
      %swap3A_121 = vector.shape_cast %get3A_117 : vector<16xi32> to vector<16xi32>
      tpu.vector_store %arg8[%swap3A_118], %swap3A_121 {strides = array<i32>} : memref<128xi32, #tpu.memory_space<vmem>>, vector<16xi32>,
      %dma_start3A = arith.constant 0 : i32
      %dma_start3A_122 = arith.constant 0 : i32
      %dma_start3A_123 = tpu.memref_slice %arg2[%dma_start3A, %dma_start3A_122] : memref<10240x128xf32, #tpu.memory_space<hbm>> -> memref<10240x128xf32, #tpu.memory_space<hbm>>
      tpu.enqueue_indirect_dma source(%dma_start3A_123 : memref<10240x128xf32, #tpu.memory_space<hbm>>) target(%arg11 : memref<128x128xf32, #tpu.memory_space<vmem>>) offsets(%arg8 : memref<128xi32, #tpu.memory_space<vmem>>) semaphore(%arg14 : memref<!tpu.dma_semaphore, #tpu.memory_space<semaphore_mem>>)
      %get3A_124 = arith.constant 1 : i32
      %get3A_125 = arith.index_cast %get3A_124 : i32 to index
      %get3A_126 = arith.constant 0 : index
      %get3A_127 = tpu.vector_load %arg6[%get3A_125, %get3A_126] {strides = array<i32>} : memref<20x128xi32, #tpu.memory_space<vmem>>, vector<1x16xi32>,
      %get3A_128 = vector.shape_cast %get3A_127 : vector<1x16xi32> to vector<16xi32>
      %swap3A_129 = arith.constant 0 : index
      %swap3A_130 = tpu.vector_load %arg9[%swap3A_129] {strides = array<i32>} : memref<128xi32, #tpu.memory_space<vmem>>, vector<16xi32>,
      %swap3A_131 = vector.shape_cast %swap3A_130 : vector<16xi32> to vector<16xi32>
      %swap3A_132 = vector.shape_cast %get3A_128 : vector<16xi32> to vector<16xi32>
      tpu.vector_store %arg9[%swap3A_129], %swap3A_132 {strides = array<i32>} : memref<128xi32, #tpu.memory_space<vmem>>, vector<16xi32>,
      %get3A_133 = arith.constant 1 : i32
      %get3A_134 = arith.index_cast %get3A_133 : i32 to index
      %get3A_135 = arith.constant 16 : index
      %get3A_136 = tpu.vector_load %arg6[%get3A_134, %get3A_135] {strides = array<i32>} : memref<20x128xi32, #tpu.memory_space<vmem>>, vector<1x16xi32>,
      %get3A_137 = vector.shape_cast %get3A_136 : vector<1x16xi32> to vector<16xi32>
      %swap3A_138 = arith.constant 16 : index
      %swap3A_139 = tpu.vector_load %arg9[%swap3A_138] {strides = array<i32>} : memref<128xi32, #tpu.memory_space<vmem>>, vector<16xi32>,
      %swap3A_140 = vector.shape_cast %swap3A_139 : vector<16xi32> to vector<16xi32>
      %swap3A_141 = vector.shape_cast %get3A_137 : vector<16xi32> to vector<16xi32>
      tpu.vector_store %arg9[%swap3A_138], %swap3A_141 {strides = array<i32>} : memref<128xi32, #tpu.memory_space<vmem>>, vector<16xi32>,
      %get3A_142 = arith.constant 1 : i32
      %get3A_143 = arith.index_cast %get3A_142 : i32 to index
      %get3A_144 = arith.constant 32 : index
      %get3A_145 = tpu.vector_load %arg6[%get3A_143, %get3A_144] {strides = array<i32>} : memref<20x128xi32, #tpu.memory_space<vmem>>, vector<1x16xi32>,
      %get3A_146 = vector.shape_cast %get3A_145 : vector<1x16xi32> to vector<16xi32>
      %swap3A_147 = arith.constant 32 : index
      %swap3A_148 = tpu.vector_load %arg9[%swap3A_147] {strides = array<i32>} : memref<128xi32, #tpu.memory_space<vmem>>, vector<16xi32>,
      %swap3A_149 = vector.shape_cast %swap3A_148 : vector<16xi32> to vector<16xi32>
      %swap3A_150 = vector.shape_cast %get3A_146 : vector<16xi32> to vector<16xi32>
      tpu.vector_store %arg9[%swap3A_147], %swap3A_150 {strides = array<i32>} : memref<128xi32, #tpu.memory_space<vmem>>, vector<16xi32>,
      %get3A_151 = arith.constant 1 : i32
      %get3A_152 = arith.index_cast %get3A_151 : i32 to index
      %get3A_153 = arith.constant 48 : index
      %get3A_154 = tpu.vector_load %arg6[%get3A_152, %get3A_153] {strides = array<i32>} : memref<20x128xi32, #tpu.memory_space<vmem>>, vector<1x16xi32>,
      %get3A_155 = vector.shape_cast %get3A_154 : vector<1x16xi32> to vector<16xi32>
      %swap3A_156 = arith.constant 48 : index
      %swap3A_157 = tpu.vector_load %arg9[%swap3A_156] {strides = array<i32>} : memref<128xi32, #tpu.memory_space<vmem>>, vector<16xi32>,
      %swap3A_158 = vector.shape_cast %swap3A_157 : vector<16xi32> to vector<16xi32>
      %swap3A_159 = vector.shape_cast %get3A_155 : vector<16xi32> to vector<16xi32>
      tpu.vector_store %arg9[%swap3A_156], %swap3A_159 {strides = array<i32>} : memref<128xi32, #tpu.memory_space<vmem>>, vector<16xi32>,
      %get3A_160 = arith.constant 1 : i32
      %get3A_161 = arith.index_cast %get3A_160 : i32 to index
      %get3A_162 = arith.constant 64 : index
      %get3A_163 = tpu.vector_load %arg6[%get3A_161, %get3A_162] {strides = array<i32>} : memref<20x128xi32, #tpu.memory_space<vmem>>, vector<1x16xi32>,
      %get3A_164 = vector.shape_cast %get3A_163 : vector<1x16xi32> to vector<16xi32>
      %swap3A_165 = arith.constant 64 : index
      %swap3A_166 = tpu.vector_load %arg9[%swap3A_165] {strides = array<i32>} : memref<128xi32, #tpu.memory_space<vmem>>, vector<16xi32>,
      %swap3A_167 = vector.shape_cast %swap3A_166 : vector<16xi32> to vector<16xi32>
      %swap3A_168 = vector.shape_cast %get3A_164 : vector<16xi32> to vector<16xi32>
      tpu.vector_store %arg9[%swap3A_165], %swap3A_168 {strides = array<i32>} : memref<128xi32, #tpu.memory_space<vmem>>, vector<16xi32>,
      %get3A_169 = arith.constant 1 : i32
      %get3A_170 = arith.index_cast %get3A_169 : i32 to index
      %get3A_171 = arith.constant 80 : index
      %get3A_172 = tpu.vector_load %arg6[%get3A_170, %get3A_171] {strides = array<i32>} : memref<20x128xi32, #tpu.memory_space<vmem>>, vector<1x16xi32>,
      %get3A_173 = vector.shape_cast %get3A_172 : vector<1x16xi32> to vector<16xi32>
      %swap3A_174 = arith.constant 80 : index
      %swap3A_175 = tpu.vector_load %arg9[%swap3A_174] {strides = array<i32>} : memref<128xi32, #tpu.memory_space<vmem>>, vector<16xi32>,
      %swap3A_176 = vector.shape_cast %swap3A_175 : vector<16xi32> to vector<16xi32>
      %swap3A_177 = vector.shape_cast %get3A_173 : vector<16xi32> to vector<16xi32>
      tpu.vector_store %arg9[%swap3A_174], %swap3A_177 {strides = array<i32>} : memref<128xi32, #tpu.memory_space<vmem>>, vector<16xi32>,
      %get3A_178 = arith.constant 1 : i32
      %get3A_179 = arith.index_cast %get3A_178 : i32 to index
      %get3A_180 = arith.constant 96 : index
      %get3A_181 = tpu.vector_load %arg6[%get3A_179, %get3A_180] {strides = array<i32>} : memref<20x128xi32, #tpu.memory_space<vmem>>, vector<1x16xi32>,
      %get3A_182 = vector.shape_cast %get3A_181 : vector<1x16xi32> to vector<16xi32>
      %swap3A_183 = arith.constant 96 : index
      %swap3A_184 = tpu.vector_load %arg9[%swap3A_183] {strides = array<i32>} : memref<128xi32, #tpu.memory_space<vmem>>, vector<16xi32>,
      %swap3A_185 = vector.shape_cast %swap3A_184 : vector<16xi32> to vector<16xi32>
      %swap3A_186 = vector.shape_cast %get3A_182 : vector<16xi32> to vector<16xi32>
      tpu.vector_store %arg9[%swap3A_183], %swap3A_186 {strides = array<i32>} : memref<128xi32, #tpu.memory_space<vmem>>, vector<16xi32>,
      %get3A_187 = arith.constant 1 : i32
      %get3A_188 = arith.index_cast %get3A_187 : i32 to index
      %get3A_189 = arith.constant 112 : index
      %get3A_190 = tpu.vector_load %arg6[%get3A_188, %get3A_189] {strides = array<i32>} : memref<20x128xi32, #tpu.memory_space<vmem>>, vector<1x16xi32>,
      %get3A_191 = vector.shape_cast %get3A_190 : vector<1x16xi32> to vector<16xi32>
      %swap3A_192 = arith.constant 112 : index
      %swap3A_193 = tpu.vector_load %arg9[%swap3A_192] {strides = array<i32>} : memref<128xi32, #tpu.memory_space<vmem>>, vector<16xi32>,
      %swap3A_194 = vector.shape_cast %swap3A_193 : vector<16xi32> to vector<16xi32>
      %swap3A_195 = vector.shape_cast %get3A_191 : vector<16xi32> to vector<16xi32>
      tpu.vector_store %arg9[%swap3A_192], %swap3A_195 {strides = array<i32>} : memref<128xi32, #tpu.memory_space<vmem>>, vector<16xi32>,
      %dma_start3A_196 = arith.constant 0 : i32
      %dma_start3A_197 = arith.constant 0 : i32
      %dma_start3A_198 = tpu.memref_slice %arg2[%dma_start3A_196, %dma_start3A_197] : memref<10240x128xf32, #tpu.memory_space<hbm>> -> memref<10240x128xf32, #tpu.memory_space<hbm>>
      tpu.enqueue_indirect_dma source(%dma_start3A_198 : memref<10240x128xf32, #tpu.memory_space<hbm>>) target(%arg12 : memref<128x128xf32, #tpu.memory_space<vmem>>) offsets(%arg9 : memref<128xi32, #tpu.memory_space<vmem>>) semaphore(%arg15 : memref<!tpu.dma_semaphore, #tpu.memory_space<semaphore_mem>>)
      %scan3A_199 = arith.constant 0 : i32
      %scan3A_200 = arith.constant 0 : i32
      %scan3A_201 = arith.constant 10 : i32
      %scan3A_202 = arith.addi %scan3A_200, %scan3A_201 : i32
      %scan3A_203 = arith.constant 1 : i32
      %scan3A_204 = scf.for %scan3A_207 = %scan3A_200 to %scan3A_202 step %scan3A_203 iter_args(%scan3A_208 = %scan3A_199) -> (i32)  : i32 {
        %mul3A_209 = arith.constant 2 : i32
        %mul3A_210 = arith.muli %mul3A_209, %scan3A_207 : i32
        %dma_wait3A = arith.constant 0 : i32
        %dma_wait3A_211 = arith.constant 0 : i32
        %dma_wait3A_212 = tpu.memref_slice %arg2[%dma_wait3A, %dma_wait3A_211] : memref<10240x128xf32, #tpu.memory_space<hbm>> -> memref<10240x128xf32, #tpu.memory_space<hbm>>
        tpu.wait_indirect_dma semaphore(%arg14 : memref<!tpu.dma_semaphore, #tpu.memory_space<semaphore_mem>>) src(%dma_wait3A_212 : memref<10240x128xf32, #tpu.memory_space<hbm>>) dst(%arg11 : memref<128x128xf32, #tpu.memory_space<vmem>>)
        %get3A_213 = arith.index_cast %mul3A_210 : i32 to index
        %get3A_214 = arith.constant 0 : index
        %get3A_215 = tpu.vector_load %arg7[%get3A_213, %get3A_214] {strides = array<i32>} : memref<20x128xi32, #tpu.memory_space<vmem>>, vector<1x16xi32>,
        %get3A_216 = vector.shape_cast %get3A_215 : vector<1x16xi32> to vector<16xi32>
        %swap3A_217 = arith.constant 0 : index
        %swap3A_218 = tpu.vector_load %arg10[%swap3A_217] {strides = array<i32>} : memref<128xi32, #tpu.memory_space<vmem>>, vector<16xi32>,
        %swap3A_219 = vector.shape_cast %swap3A_218 : vector<16xi32> to vector<16xi32>
        %swap3A_220 = vector.shape_cast %get3A_216 : vector<16xi32> to vector<16xi32>
        tpu.vector_store %arg10[%swap3A_217], %swap3A_220 {strides = array<i32>} : memref<128xi32, #tpu.memory_space<vmem>>, vector<16xi32>,
        %get3A_221 = arith.index_cast %mul3A_210 : i32 to index
        %get3A_222 = arith.constant 16 : index
        %get3A_223 = tpu.vector_load %arg7[%get3A_221, %get3A_222] {strides = array<i32>} : memref<20x128xi32, #tpu.memory_space<vmem>>, vector<1x16xi32>,
        %get3A_224 = vector.shape_cast %get3A_223 : vector<1x16xi32> to vector<16xi32>
        %swap3A_225 = arith.constant 16 : index
        %swap3A_226 = tpu.vector_load %arg10[%swap3A_225] {strides = array<i32>} : memref<128xi32, #tpu.memory_space<vmem>>, vector<16xi32>,
        %swap3A_227 = vector.shape_cast %swap3A_226 : vector<16xi32> to vector<16xi32>
        %swap3A_228 = vector.shape_cast %get3A_224 : vector<16xi32> to vector<16xi32>
        tpu.vector_store %arg10[%swap3A_225], %swap3A_228 {strides = array<i32>} : memref<128xi32, #tpu.memory_space<vmem>>, vector<16xi32>,
        %get3A_229 = arith.index_cast %mul3A_210 : i32 to index
        %get3A_230 = arith.constant 32 : index
        %get3A_231 = tpu.vector_load %arg7[%get3A_229, %get3A_230] {strides = array<i32>} : memref<20x128xi32, #tpu.memory_space<vmem>>, vector<1x16xi32>,
        %get3A_232 = vector.shape_cast %get3A_231 : vector<1x16xi32> to vector<16xi32>
        %swap3A_233 = arith.constant 32 : index
        %swap3A_234 = tpu.vector_load %arg10[%swap3A_233] {strides = array<i32>} : memref<128xi32, #tpu.memory_space<vmem>>, vector<16xi32>,
        %swap3A_235 = vector.shape_cast %swap3A_234 : vector<16xi32> to vector<16xi32>
        %swap3A_236 = vector.shape_cast %get3A_232 : vector<16xi32> to vector<16xi32>
        tpu.vector_store %arg10[%swap3A_233], %swap3A_236 {strides = array<i32>} : memref<128xi32, #tpu.memory_space<vmem>>, vector<16xi32>,
        %get3A_237 = arith.index_cast %mul3A_210 : i32 to index
        %get3A_238 = arith.constant 48 : index
        %get3A_239 = tpu.vector_load %arg7[%get3A_237, %get3A_238] {strides = array<i32>} : memref<20x128xi32, #tpu.memory_space<vmem>>, vector<1x16xi32>,
        %get3A_240 = vector.shape_cast %get3A_239 : vector<1x16xi32> to vector<16xi32>
        %swap3A_241 = arith.constant 48 : index
        %swap3A_242 = tpu.vector_load %arg10[%swap3A_241] {strides = array<i32>} : memref<128xi32, #tpu.memory_space<vmem>>, vector<16xi32>,
        %swap3A_243 = vector.shape_cast %swap3A_242 : vector<16xi32> to vector<16xi32>
        %swap3A_244 = vector.shape_cast %get3A_240 : vector<16xi32> to vector<16xi32>
        tpu.vector_store %arg10[%swap3A_241], %swap3A_244 {strides = array<i32>} : memref<128xi32, #tpu.memory_space<vmem>>, vector<16xi32>,
        %get3A_245 = arith.index_cast %mul3A_210 : i32 to index
        %get3A_246 = arith.constant 64 : index
        %get3A_247 = tpu.vector_load %arg7[%get3A_245, %get3A_246] {strides = array<i32>} : memref<20x128xi32, #tpu.memory_space<vmem>>, vector<1x16xi32>,
        %get3A_248 = vector.shape_cast %get3A_247 : vector<1x16xi32> to vector<16xi32>
        %swap3A_249 = arith.constant 64 : index
        %swap3A_250 = tpu.vector_load %arg10[%swap3A_249] {strides = array<i32>} : memref<128xi32, #tpu.memory_space<vmem>>, vector<16xi32>,
        %swap3A_251 = vector.shape_cast %swap3A_250 : vector<16xi32> to vector<16xi32>
        %swap3A_252 = vector.shape_cast %get3A_248 : vector<16xi32> to vector<16xi32>
        tpu.vector_store %arg10[%swap3A_249], %swap3A_252 {strides = array<i32>} : memref<128xi32, #tpu.memory_space<vmem>>, vector<16xi32>,
        %get3A_253 = arith.index_cast %mul3A_210 : i32 to index
        %get3A_254 = arith.constant 80 : index
        %get3A_255 = tpu.vector_load %arg7[%get3A_253, %get3A_254] {strides = array<i32>} : memref<20x128xi32, #tpu.memory_space<vmem>>, vector<1x16xi32>,
        %get3A_256 = vector.shape_cast %get3A_255 : vector<1x16xi32> to vector<16xi32>
        %swap3A_257 = arith.constant 80 : index
        %swap3A_258 = tpu.vector_load %arg10[%swap3A_257] {strides = array<i32>} : memref<128xi32, #tpu.memory_space<vmem>>, vector<16xi32>,
        %swap3A_259 = vector.shape_cast %swap3A_258 : vector<16xi32> to vector<16xi32>
        %swap3A_260 = vector.shape_cast %get3A_256 : vector<16xi32> to vector<16xi32>
        tpu.vector_store %arg10[%swap3A_257], %swap3A_260 {strides = array<i32>} : memref<128xi32, #tpu.memory_space<vmem>>, vector<16xi32>,
        %get3A_261 = arith.index_cast %mul3A_210 : i32 to index
        %get3A_262 = arith.constant 96 : index
        %get3A_263 = tpu.vector_load %arg7[%get3A_261, %get3A_262] {strides = array<i32>} : memref<20x128xi32, #tpu.memory_space<vmem>>, vector<1x16xi32>,
        %get3A_264 = vector.shape_cast %get3A_263 : vector<1x16xi32> to vector<16xi32>
        %swap3A_265 = arith.constant 96 : index
        %swap3A_266 = tpu.vector_load %arg10[%swap3A_265] {strides = array<i32>} : memref<128xi32, #tpu.memory_space<vmem>>, vector<16xi32>,
        %swap3A_267 = vector.shape_cast %swap3A_266 : vector<16xi32> to vector<16xi32>
        %swap3A_268 = vector.shape_cast %get3A_264 : vector<16xi32> to vector<16xi32>
        tpu.vector_store %arg10[%swap3A_265], %swap3A_268 {strides = array<i32>} : memref<128xi32, #tpu.memory_space<vmem>>, vector<16xi32>,
        %get3A_269 = arith.index_cast %mul3A_210 : i32 to index
        %get3A_270 = arith.constant 112 : index
        %get3A_271 = tpu.vector_load %arg7[%get3A_269, %get3A_270] {strides = array<i32>} : memref<20x128xi32, #tpu.memory_space<vmem>>, vector<1x16xi32>,
        %get3A_272 = vector.shape_cast %get3A_271 : vector<1x16xi32> to vector<16xi32>
        %swap3A_273 = arith.constant 112 : index
        %swap3A_274 = tpu.vector_load %arg10[%swap3A_273] {strides = array<i32>} : memref<128xi32, #tpu.memory_space<vmem>>, vector<16xi32>,
        %swap3A_275 = vector.shape_cast %swap3A_274 : vector<16xi32> to vector<16xi32>
        %swap3A_276 = vector.shape_cast %get3A_272 : vector<16xi32> to vector<16xi32>
        tpu.vector_store %arg10[%swap3A_273], %swap3A_276 {strides = array<i32>} : memref<128xi32, #tpu.memory_space<vmem>>, vector<16xi32>,
        "tpu.region"() ({
          %run_scoped3A = tpu.sem_alloc : memref<!tpu.dma_semaphore, #tpu.memory_space<semaphore_mem>>
          %dma_start3A_358 = arith.constant 0 : i32
          %dma_start3A_359 = arith.constant 0 : i32
          %dma_start3A_360 = tpu.memref_slice %arg13[%dma_start3A_358, %dma_start3A_359] : memref<10240x128xf32, #tpu.memory_space<vmem_shared>> -> memref<10240x128xf32, #tpu.memory_space<vmem_shared>>
          tpu.enqueue_indirect_dma source(%arg11 : memref<128x128xf32, #tpu.memory_space<vmem>>) target(%dma_start3A_360 : memref<10240x128xf32, #tpu.memory_space<vmem_shared>>) offsets(%arg10 : memref<128xi32, #tpu.memory_space<vmem>>) semaphore(%run_scoped3A : memref<!tpu.dma_semaphore, #tpu.memory_space<semaphore_mem>>) {add = true}
          %dma_wait3A_361 = arith.constant 0 : i32
          %dma_wait3A_362 = arith.constant 0 : i32
          %dma_wait3A_363 = tpu.memref_slice %arg13[%dma_wait3A_361, %dma_wait3A_362] : memref<10240x128xf32, #tpu.memory_space<vmem_shared>> -> memref<10240x128xf32, #tpu.memory_space<vmem_shared>>
          tpu.wait_indirect_dma semaphore(%run_scoped3A : memref<!tpu.dma_semaphore, #tpu.memory_space<semaphore_mem>>) src(%arg11 : memref<128x128xf32, #tpu.memory_space<vmem>>) dst(%dma_wait3A_363 : memref<10240x128xf32, #tpu.memory_space<vmem_shared>>)
          tpu.yield
        }) : () -> ()
        %add3A_277 = arith.constant 2 : i32
        %add3A_278 = arith.addi %mul3A_210, %add3A_277 : i32
        %lt3A = arith.constant 20 : i32
        %lt3A_279 = arith.cmpi slt, %add3A_278, %lt3A : i32
        %convert_element_type3A = arith.extui %lt3A_279 : i1 to i32
        %cond3A = arith.constant 0 : i32
        %cond3A_280 = arith.cmpi ne, %convert_element_type3A, %cond3A : i32
        scf.if %cond3A_280 {
          %add3A_358 = arith.constant 2 : i32
          %add3A_359 = arith.addi %mul3A_210, %add3A_358 : i32
          %get3A_360 = arith.index_cast %add3A_359 : i32 to index
          %get3A_361 = arith.constant 0 : index
          %get3A_362 = tpu.vector_load %arg6[%get3A_360, %get3A_361] {strides = array<i32>} : memref<20x128xi32, #tpu.memory_space<vmem>>, vector<1x16xi32>,
          %get3A_363 = vector.shape_cast %get3A_362 : vector<1x16xi32> to vector<16xi32>
          %swap3A_364 = arith.constant 0 : index
          %swap3A_365 = tpu.vector_load %arg8[%swap3A_364] {strides = array<i32>} : memref<128xi32, #tpu.memory_space<vmem>>, vector<16xi32>,
          %swap3A_366 = vector.shape_cast %swap3A_365 : vector<16xi32> to vector<16xi32>
          %swap3A_367 = vector.shape_cast %get3A_363 : vector<16xi32> to vector<16xi32>
          tpu.vector_store %arg8[%swap3A_364], %swap3A_367 {strides = array<i32>} : memref<128xi32, #tpu.memory_space<vmem>>, vector<16xi32>,
          %get3A_368 = arith.index_cast %add3A_359 : i32 to index
          %get3A_369 = arith.constant 16 : index
          %get3A_370 = tpu.vector_load %arg6[%get3A_368, %get3A_369] {strides = array<i32>} : memref<20x128xi32, #tpu.memory_space<vmem>>, vector<1x16xi32>,
          %get3A_371 = vector.shape_cast %get3A_370 : vector<1x16xi32> to vector<16xi32>
          %swap3A_372 = arith.constant 16 : index
          %swap3A_373 = tpu.vector_load %arg8[%swap3A_372] {strides = array<i32>} : memref<128xi32, #tpu.memory_space<vmem>>, vector<16xi32>,
          %swap3A_374 = vector.shape_cast %swap3A_373 : vector<16xi32> to vector<16xi32>
          %swap3A_375 = vector.shape_cast %get3A_371 : vector<16xi32> to vector<16xi32>
          tpu.vector_store %arg8[%swap3A_372], %swap3A_375 {strides = array<i32>} : memref<128xi32, #tpu.memory_space<vmem>>, vector<16xi32>,
          %get3A_376 = arith.index_cast %add3A_359 : i32 to index
          %get3A_377 = arith.constant 32 : index
          %get3A_378 = tpu.vector_load %arg6[%get3A_376, %get3A_377] {strides = array<i32>} : memref<20x128xi32, #tpu.memory_space<vmem>>, vector<1x16xi32>,
          %get3A_379 = vector.shape_cast %get3A_378 : vector<1x16xi32> to vector<16xi32>
          %swap3A_380 = arith.constant 32 : index
          %swap3A_381 = tpu.vector_load %arg8[%swap3A_380] {strides = array<i32>} : memref<128xi32, #tpu.memory_space<vmem>>, vector<16xi32>,
          %swap3A_382 = vector.shape_cast %swap3A_381 : vector<16xi32> to vector<16xi32>
          %swap3A_383 = vector.shape_cast %get3A_379 : vector<16xi32> to vector<16xi32>
          tpu.vector_store %arg8[%swap3A_380], %swap3A_383 {strides = array<i32>} : memref<128xi32, #tpu.memory_space<vmem>>, vector<16xi32>,
          %get3A_384 = arith.index_cast %add3A_359 : i32 to index
          %get3A_385 = arith.constant 48 : index
          %get3A_386 = tpu.vector_load %arg6[%get3A_384, %get3A_385] {strides = array<i32>} : memref<20x128xi32, #tpu.memory_space<vmem>>, vector<1x16xi32>,
          %get3A_387 = vector.shape_cast %get3A_386 : vector<1x16xi32> to vector<16xi32>
          %swap3A_388 = arith.constant 48 : index
          %swap3A_389 = tpu.vector_load %arg8[%swap3A_388] {strides = array<i32>} : memref<128xi32, #tpu.memory_space<vmem>>, vector<16xi32>,
          %swap3A_390 = vector.shape_cast %swap3A_389 : vector<16xi32> to vector<16xi32>
          %swap3A_391 = vector.shape_cast %get3A_387 : vector<16xi32> to vector<16xi32>
          tpu.vector_store %arg8[%swap3A_388], %swap3A_391 {strides = array<i32>} : memref<128xi32, #tpu.memory_space<vmem>>, vector<16xi32>,
          %get3A_392 = arith.index_cast %add3A_359 : i32 to index
          %get3A_393 = arith.constant 64 : index
          %get3A_394 = tpu.vector_load %arg6[%get3A_392, %get3A_393] {strides = array<i32>} : memref<20x128xi32, #tpu.memory_space<vmem>>, vector<1x16xi32>,
          %get3A_395 = vector.shape_cast %get3A_394 : vector<1x16xi32> to vector<16xi32>
          %swap3A_396 = arith.constant 64 : index
          %swap3A_397 = tpu.vector_load %arg8[%swap3A_396] {strides = array<i32>} : memref<128xi32, #tpu.memory_space<vmem>>, vector<16xi32>,
          %swap3A_398 = vector.shape_cast %swap3A_397 : vector<16xi32> to vector<16xi32>
          %swap3A_399 = vector.shape_cast %get3A_395 : vector<16xi32> to vector<16xi32>
          tpu.vector_store %arg8[%swap3A_396], %swap3A_399 {strides = array<i32>} : memref<128xi32, #tpu.memory_space<vmem>>, vector<16xi32>,
          %get3A_400 = arith.index_cast %add3A_359 : i32 to index
          %get3A_401 = arith.constant 80 : index
          %get3A_402 = tpu.vector_load %arg6[%get3A_400, %get3A_401] {strides = array<i32>} : memref<20x128xi32, #tpu.memory_space<vmem>>, vector<1x16xi32>,
          %get3A_403 = vector.shape_cast %get3A_402 : vector<1x16xi32> to vector<16xi32>
          %swap3A_404 = arith.constant 80 : index
          %swap3A_405 = tpu.vector_load %arg8[%swap3A_404] {strides = array<i32>} : memref<128xi32, #tpu.memory_space<vmem>>, vector<16xi32>,
          %swap3A_406 = vector.shape_cast %swap3A_405 : vector<16xi32> to vector<16xi32>
          %swap3A_407 = vector.shape_cast %get3A_403 : vector<16xi32> to vector<16xi32>
          tpu.vector_store %arg8[%swap3A_404], %swap3A_407 {strides = array<i32>} : memref<128xi32, #tpu.memory_space<vmem>>, vector<16xi32>,
          %get3A_408 = arith.index_cast %add3A_359 : i32 to index
          %get3A_409 = arith.constant 96 : index
          %get3A_410 = tpu.vector_load %arg6[%get3A_408, %get3A_409] {strides = array<i32>} : memref<20x128xi32, #tpu.memory_space<vmem>>, vector<1x16xi32>,
          %get3A_411 = vector.shape_cast %get3A_410 : vector<1x16xi32> to vector<16xi32>
          %swap3A_412 = arith.constant 96 : index
          %swap3A_413 = tpu.vector_load %arg8[%swap3A_412] {strides = array<i32>} : memref<128xi32, #tpu.memory_space<vmem>>, vector<16xi32>,
          %swap3A_414 = vector.shape_cast %swap3A_413 : vector<16xi32> to vector<16xi32>
          %swap3A_415 = vector.shape_cast %get3A_411 : vector<16xi32> to vector<16xi32>
          tpu.vector_store %arg8[%swap3A_412], %swap3A_415 {strides = array<i32>} : memref<128xi32, #tpu.memory_space<vmem>>, vector<16xi32>,
          %get3A_416 = arith.index_cast %add3A_359 : i32 to index
          %get3A_417 = arith.constant 112 : index
          %get3A_418 = tpu.vector_load %arg6[%get3A_416, %get3A_417] {strides = array<i32>} : memref<20x128xi32, #tpu.memory_space<vmem>>, vector<1x16xi32>,
          %get3A_419 = vector.shape_cast %get3A_418 : vector<1x16xi32> to vector<16xi32>
          %swap3A_420 = arith.constant 112 : index
          %swap3A_421 = tpu.vector_load %arg8[%swap3A_420] {strides = array<i32>} : memref<128xi32, #tpu.memory_space<vmem>>, vector<16xi32>,
          %swap3A_422 = vector.shape_cast %swap3A_421 : vector<16xi32> to vector<16xi32>
          %swap3A_423 = vector.shape_cast %get3A_419 : vector<16xi32> to vector<16xi32>
          tpu.vector_store %arg8[%swap3A_420], %swap3A_423 {strides = array<i32>} : memref<128xi32, #tpu.memory_space<vmem>>, vector<16xi32>,
          %dma_start3A_424 = arith.constant 0 : i32
          %dma_start3A_425 = arith.constant 0 : i32
          %dma_start3A_426 = tpu.memref_slice %arg2[%dma_start3A_424, %dma_start3A_425] : memref<10240x128xf32, #tpu.memory_space<hbm>> -> memref<10240x128xf32, #tpu.memory_space<hbm>>
          tpu.enqueue_indirect_dma source(%dma_start3A_426 : memref<10240x128xf32, #tpu.memory_space<hbm>>) target(%arg11 : memref<128x128xf32, #tpu.memory_space<vmem>>) offsets(%arg8 : memref<128xi32, #tpu.memory_space<vmem>>) semaphore(%arg14 : memref<!tpu.dma_semaphore, #tpu.memory_space<semaphore_mem>>)
        } else {
        }
        %dma_wait3A_281 = arith.constant 0 : i32
        %dma_wait3A_282 = arith.constant 0 : i32
        %dma_wait3A_283 = tpu.memref_slice %arg2[%dma_wait3A_281, %dma_wait3A_282] : memref<10240x128xf32, #tpu.memory_space<hbm>> -> memref<10240x128xf32, #tpu.memory_space<hbm>>
        tpu.wait_indirect_dma semaphore(%arg15 : memref<!tpu.dma_semaphore, #tpu.memory_space<semaphore_mem>>) src(%dma_wait3A_283 : memref<10240x128xf32, #tpu.memory_space<hbm>>) dst(%arg12 : memref<128x128xf32, #tpu.memory_space<vmem>>)
        %add3A_284 = arith.constant 1 : i32
        %add3A_285 = arith.addi %mul3A_210, %add3A_284 : i32
        %get3A_286 = arith.index_cast %add3A_285 : i32 to index
        %get3A_287 = arith.constant 0 : index
        %get3A_288 = tpu.vector_load %arg7[%get3A_286, %get3A_287] {strides = array<i32>} : memref<20x128xi32, #tpu.memory_space<vmem>>, vector<1x16xi32>,
        %get3A_289 = vector.shape_cast %get3A_288 : vector<1x16xi32> to vector<16xi32>
        %swap3A_290 = arith.constant 0 : index
        %swap3A_291 = tpu.vector_load %arg10[%swap3A_290] {strides = array<i32>} : memref<128xi32, #tpu.memory_space<vmem>>, vector<16xi32>,
        %swap3A_292 = vector.shape_cast %swap3A_291 : vector<16xi32> to vector<16xi32>
        %swap3A_293 = vector.shape_cast %get3A_289 : vector<16xi32> to vector<16xi32>
        tpu.vector_store %arg10[%swap3A_290], %swap3A_293 {strides = array<i32>} : memref<128xi32, #tpu.memory_space<vmem>>, vector<16xi32>,
        %get3A_294 = arith.index_cast %add3A_285 : i32 to index
        %get3A_295 = arith.constant 16 : index
        %get3A_296 = tpu.vector_load %arg7[%get3A_294, %get3A_295] {strides = array<i32>} : memref<20x128xi32, #tpu.memory_space<vmem>>, vector<1x16xi32>,
        %get3A_297 = vector.shape_cast %get3A_296 : vector<1x16xi32> to vector<16xi32>
        %swap3A_298 = arith.constant 16 : index
        %swap3A_299 = tpu.vector_load %arg10[%swap3A_298] {strides = array<i32>} : memref<128xi32, #tpu.memory_space<vmem>>, vector<16xi32>,
        %swap3A_300 = vector.shape_cast %swap3A_299 : vector<16xi32> to vector<16xi32>
        %swap3A_301 = vector.shape_cast %get3A_297 : vector<16xi32> to vector<16xi32>
        tpu.vector_store %arg10[%swap3A_298], %swap3A_301 {strides = array<i32>} : memref<128xi32, #tpu.memory_space<vmem>>, vector<16xi32>,
        %get3A_302 = arith.index_cast %add3A_285 : i32 to index
        %get3A_303 = arith.constant 32 : index
        %get3A_304 = tpu.vector_load %arg7[%get3A_302, %get3A_303] {strides = array<i32>} : memref<20x128xi32, #tpu.memory_space<vmem>>, vector<1x16xi32>,
        %get3A_305 = vector.shape_cast %get3A_304 : vector<1x16xi32> to vector<16xi32>
        %swap3A_306 = arith.constant 32 : index
        %swap3A_307 = tpu.vector_load %arg10[%swap3A_306] {strides = array<i32>} : memref<128xi32, #tpu.memory_space<vmem>>, vector<16xi32>,
        %swap3A_308 = vector.shape_cast %swap3A_307 : vector<16xi32> to vector<16xi32>
        %swap3A_309 = vector.shape_cast %get3A_305 : vector<16xi32> to vector<16xi32>
        tpu.vector_store %arg10[%swap3A_306], %swap3A_309 {strides = array<i32>} : memref<128xi32, #tpu.memory_space<vmem>>, vector<16xi32>,
        %get3A_310 = arith.index_cast %add3A_285 : i32 to index
        %get3A_311 = arith.constant 48 : index
        %get3A_312 = tpu.vector_load %arg7[%get3A_310, %get3A_311] {strides = array<i32>} : memref<20x128xi32, #tpu.memory_space<vmem>>, vector<1x16xi32>,
        %get3A_313 = vector.shape_cast %get3A_312 : vector<1x16xi32> to vector<16xi32>
        %swap3A_314 = arith.constant 48 : index
        %swap3A_315 = tpu.vector_load %arg10[%swap3A_314] {strides = array<i32>} : memref<128xi32, #tpu.memory_space<vmem>>, vector<16xi32>,
        %swap3A_316 = vector.shape_cast %swap3A_315 : vector<16xi32> to vector<16xi32>
        %swap3A_317 = vector.shape_cast %get3A_313 : vector<16xi32> to vector<16xi32>
        tpu.vector_store %arg10[%swap3A_314], %swap3A_317 {strides = array<i32>} : memref<128xi32, #tpu.memory_space<vmem>>, vector<16xi32>,
        %get3A_318 = arith.index_cast %add3A_285 : i32 to index
        %get3A_319 = arith.constant 64 : index
        %get3A_320 = tpu.vector_load %arg7[%get3A_318, %get3A_319] {strides = array<i32>} : memref<20x128xi32, #tpu.memory_space<vmem>>, vector<1x16xi32>,
        %get3A_321 = vector.shape_cast %get3A_320 : vector<1x16xi32> to vector<16xi32>
        %swap3A_322 = arith.constant 64 : index
        %swap3A_323 = tpu.vector_load %arg10[%swap3A_322] {strides = array<i32>} : memref<128xi32, #tpu.memory_space<vmem>>, vector<16xi32>,
        %swap3A_324 = vector.shape_cast %swap3A_323 : vector<16xi32> to vector<16xi32>
        %swap3A_325 = vector.shape_cast %get3A_321 : vector<16xi32> to vector<16xi32>
        tpu.vector_store %arg10[%swap3A_322], %swap3A_325 {strides = array<i32>} : memref<128xi32, #tpu.memory_space<vmem>>, vector<16xi32>,
        %get3A_326 = arith.index_cast %add3A_285 : i32 to index
        %get3A_327 = arith.constant 80 : index
        %get3A_328 = tpu.vector_load %arg7[%get3A_326, %get3A_327] {strides = array<i32>} : memref<20x128xi32, #tpu.memory_space<vmem>>, vector<1x16xi32>,
        %get3A_329 = vector.shape_cast %get3A_328 : vector<1x16xi32> to vector<16xi32>
        %swap3A_330 = arith.constant 80 : index
        %swap3A_331 = tpu.vector_load %arg10[%swap3A_330] {strides = array<i32>} : memref<128xi32, #tpu.memory_space<vmem>>, vector<16xi32>,
        %swap3A_332 = vector.shape_cast %swap3A_331 : vector<16xi32> to vector<16xi32>
        %swap3A_333 = vector.shape_cast %get3A_329 : vector<16xi32> to vector<16xi32>
        tpu.vector_store %arg10[%swap3A_330], %swap3A_333 {strides = array<i32>} : memref<128xi32, #tpu.memory_space<vmem>>, vector<16xi32>,
        %get3A_334 = arith.index_cast %add3A_285 : i32 to index
        %get3A_335 = arith.constant 96 : index
        %get3A_336 = tpu.vector_load %arg7[%get3A_334, %get3A_335] {strides = array<i32>} : memref<20x128xi32, #tpu.memory_space<vmem>>, vector<1x16xi32>,
        %get3A_337 = vector.shape_cast %get3A_336 : vector<1x16xi32> to vector<16xi32>
        %swap3A_338 = arith.constant 96 : index
        %swap3A_339 = tpu.vector_load %arg10[%swap3A_338] {strides = array<i32>} : memref<128xi32, #tpu.memory_space<vmem>>, vector<16xi32>,
        %swap3A_340 = vector.shape_cast %swap3A_339 : vector<16xi32> to vector<16xi32>
        %swap3A_341 = vector.shape_cast %get3A_337 : vector<16xi32> to vector<16xi32>
        tpu.vector_store %arg10[%swap3A_338], %swap3A_341 {strides = array<i32>} : memref<128xi32, #tpu.memory_space<vmem>>, vector<16xi32>,
        %get3A_342 = arith.index_cast %add3A_285 : i32 to index
        %get3A_343 = arith.constant 112 : index
        %get3A_344 = tpu.vector_load %arg7[%get3A_342, %get3A_343] {strides = array<i32>} : memref<20x128xi32, #tpu.memory_space<vmem>>, vector<1x16xi32>,
        %get3A_345 = vector.shape_cast %get3A_344 : vector<1x16xi32> to vector<16xi32>
        %swap3A_346 = arith.constant 112 : index
        %swap3A_347 = tpu.vector_load %arg10[%swap3A_346] {strides = array<i32>} : memref<128xi32, #tpu.memory_space<vmem>>, vector<16xi32>,
        %swap3A_348 = vector.shape_cast %swap3A_347 : vector<16xi32> to vector<16xi32>
        %swap3A_349 = vector.shape_cast %get3A_345 : vector<16xi32> to vector<16xi32>
        tpu.vector_store %arg10[%swap3A_346], %swap3A_349 {strides = array<i32>} : memref<128xi32, #tpu.memory_space<vmem>>, vector<16xi32>,
        "tpu.region"() ({
          %run_scoped3A = tpu.sem_alloc : memref<!tpu.dma_semaphore, #tpu.memory_space<semaphore_mem>>
          %dma_start3A_358 = arith.constant 0 : i32
          %dma_start3A_359 = arith.constant 0 : i32
          %dma_start3A_360 = tpu.memref_slice %arg13[%dma_start3A_358, %dma_start3A_359] : memref<10240x128xf32, #tpu.memory_space<vmem_shared>> -> memref<10240x128xf32, #tpu.memory_space<vmem_shared>>
          tpu.enqueue_indirect_dma source(%arg12 : memref<128x128xf32, #tpu.memory_space<vmem>>) target(%dma_start3A_360 : memref<10240x128xf32, #tpu.memory_space<vmem_shared>>) offsets(%arg10 : memref<128xi32, #tpu.memory_space<vmem>>) semaphore(%run_scoped3A : memref<!tpu.dma_semaphore, #tpu.memory_space<semaphore_mem>>) {add = true}
          %dma_wait3A_361 = arith.constant 0 : i32
          %dma_wait3A_362 = arith.constant 0 : i32
          %dma_wait3A_363 = tpu.memref_slice %arg13[%dma_wait3A_361, %dma_wait3A_362] : memref<10240x128xf32, #tpu.memory_space<vmem_shared>> -> memref<10240x128xf32, #tpu.memory_space<vmem_shared>>
          tpu.wait_indirect_dma semaphore(%run_scoped3A : memref<!tpu.dma_semaphore, #tpu.memory_space<semaphore_mem>>) src(%arg12 : memref<128x128xf32, #tpu.memory_space<vmem>>) dst(%dma_wait3A_363 : memref<10240x128xf32, #tpu.memory_space<vmem_shared>>)
          tpu.yield
        }) : () -> ()
        %add3A_350 = arith.constant 3 : i32
        %add3A_351 = arith.addi %mul3A_210, %add3A_350 : i32
        %lt3A_352 = arith.constant 20 : i32
        %lt3A_353 = arith.cmpi slt, %add3A_351, %lt3A_352 : i32
        %convert_element_type3A_354 = arith.extui %lt3A_353 : i1 to i32
        %cond3A_355 = arith.constant 0 : i32
        %cond3A_356 = arith.cmpi ne, %convert_element_type3A_354, %cond3A_355 : i32
        scf.if %cond3A_356 {
          %add3A_358 = arith.constant 3 : i32
          %add3A_359 = arith.addi %mul3A_210, %add3A_358 : i32
          %get3A_360 = arith.index_cast %add3A_359 : i32 to index
          %get3A_361 = arith.constant 0 : index
          %get3A_362 = tpu.vector_load %arg6[%get3A_360, %get3A_361] {strides = array<i32>} : memref<20x128xi32, #tpu.memory_space<vmem>>, vector<1x16xi32>,
          %get3A_363 = vector.shape_cast %get3A_362 : vector<1x16xi32> to vector<16xi32>
          %swap3A_364 = arith.constant 0 : index
          %swap3A_365 = tpu.vector_load %arg9[%swap3A_364] {strides = array<i32>} : memref<128xi32, #tpu.memory_space<vmem>>, vector<16xi32>,
          %swap3A_366 = vector.shape_cast %swap3A_365 : vector<16xi32> to vector<16xi32>
          %swap3A_367 = vector.shape_cast %get3A_363 : vector<16xi32> to vector<16xi32>
          tpu.vector_store %arg9[%swap3A_364], %swap3A_367 {strides = array<i32>} : memref<128xi32, #tpu.memory_space<vmem>>, vector<16xi32>,
          %get3A_368 = arith.index_cast %add3A_359 : i32 to index
          %get3A_369 = arith.constant 16 : index
          %get3A_370 = tpu.vector_load %arg6[%get3A_368, %get3A_369] {strides = array<i32>} : memref<20x128xi32, #tpu.memory_space<vmem>>, vector<1x16xi32>,
          %get3A_371 = vector.shape_cast %get3A_370 : vector<1x16xi32> to vector<16xi32>
          %swap3A_372 = arith.constant 16 : index
          %swap3A_373 = tpu.vector_load %arg9[%swap3A_372] {strides = array<i32>} : memref<128xi32, #tpu.memory_space<vmem>>, vector<16xi32>,
          %swap3A_374 = vector.shape_cast %swap3A_373 : vector<16xi32> to vector<16xi32>
          %swap3A_375 = vector.shape_cast %get3A_371 : vector<16xi32> to vector<16xi32>
          tpu.vector_store %arg9[%swap3A_372], %swap3A_375 {strides = array<i32>} : memref<128xi32, #tpu.memory_space<vmem>>, vector<16xi32>,
          %get3A_376 = arith.index_cast %add3A_359 : i32 to index
          %get3A_377 = arith.constant 32 : index
          %get3A_378 = tpu.vector_load %arg6[%get3A_376, %get3A_377] {strides = array<i32>} : memref<20x128xi32, #tpu.memory_space<vmem>>, vector<1x16xi32>,
          %get3A_379 = vector.shape_cast %get3A_378 : vector<1x16xi32> to vector<16xi32>
          %swap3A_380 = arith.constant 32 : index
          %swap3A_381 = tpu.vector_load %arg9[%swap3A_380] {strides = array<i32>} : memref<128xi32, #tpu.memory_space<vmem>>, vector<16xi32>,
          %swap3A_382 = vector.shape_cast %swap3A_381 : vector<16xi32> to vector<16xi32>
          %swap3A_383 = vector.shape_cast %get3A_379 : vector<16xi32> to vector<16xi32>
          tpu.vector_store %arg9[%swap3A_380], %swap3A_383 {strides = array<i32>} : memref<128xi32, #tpu.memory_space<vmem>>, vector<16xi32>,
          %get3A_384 = arith.index_cast %add3A_359 : i32 to index
          %get3A_385 = arith.constant 48 : index
          %get3A_386 = tpu.vector_load %arg6[%get3A_384, %get3A_385] {strides = array<i32>} : memref<20x128xi32, #tpu.memory_space<vmem>>, vector<1x16xi32>,
          %get3A_387 = vector.shape_cast %get3A_386 : vector<1x16xi32> to vector<16xi32>
          %swap3A_388 = arith.constant 48 : index
          %swap3A_389 = tpu.vector_load %arg9[%swap3A_388] {strides = array<i32>} : memref<128xi32, #tpu.memory_space<vmem>>, vector<16xi32>,
          %swap3A_390 = vector.shape_cast %swap3A_389 : vector<16xi32> to vector<16xi32>
          %swap3A_391 = vector.shape_cast %get3A_387 : vector<16xi32> to vector<16xi32>
          tpu.vector_store %arg9[%swap3A_388], %swap3A_391 {strides = array<i32>} : memref<128xi32, #tpu.memory_space<vmem>>, vector<16xi32>,
          %get3A_392 = arith.index_cast %add3A_359 : i32 to index
          %get3A_393 = arith.constant 64 : index
          %get3A_394 = tpu.vector_load %arg6[%get3A_392, %get3A_393] {strides = array<i32>} : memref<20x128xi32, #tpu.memory_space<vmem>>, vector<1x16xi32>,
          %get3A_395 = vector.shape_cast %get3A_394 : vector<1x16xi32> to vector<16xi32>
          %swap3A_396 = arith.constant 64 : index
          %swap3A_397 = tpu.vector_load %arg9[%swap3A_396] {strides = array<i32>} : memref<128xi32, #tpu.memory_space<vmem>>, vector<16xi32>,
          %swap3A_398 = vector.shape_cast %swap3A_397 : vector<16xi32> to vector<16xi32>
          %swap3A_399 = vector.shape_cast %get3A_395 : vector<16xi32> to vector<16xi32>
          tpu.vector_store %arg9[%swap3A_396], %swap3A_399 {strides = array<i32>} : memref<128xi32, #tpu.memory_space<vmem>>, vector<16xi32>,
          %get3A_400 = arith.index_cast %add3A_359 : i32 to index
          %get3A_401 = arith.constant 80 : index
          %get3A_402 = tpu.vector_load %arg6[%get3A_400, %get3A_401] {strides = array<i32>} : memref<20x128xi32, #tpu.memory_space<vmem>>, vector<1x16xi32>,
          %get3A_403 = vector.shape_cast %get3A_402 : vector<1x16xi32> to vector<16xi32>
          %swap3A_404 = arith.constant 80 : index
          %swap3A_405 = tpu.vector_load %arg9[%swap3A_404] {strides = array<i32>} : memref<128xi32, #tpu.memory_space<vmem>>, vector<16xi32>,
          %swap3A_406 = vector.shape_cast %swap3A_405 : vector<16xi32> to vector<16xi32>
          %swap3A_407 = vector.shape_cast %get3A_403 : vector<16xi32> to vector<16xi32>
          tpu.vector_store %arg9[%swap3A_404], %swap3A_407 {strides = array<i32>} : memref<128xi32, #tpu.memory_space<vmem>>, vector<16xi32>,
          %get3A_408 = arith.index_cast %add3A_359 : i32 to index
          %get3A_409 = arith.constant 96 : index
          %get3A_410 = tpu.vector_load %arg6[%get3A_408, %get3A_409] {strides = array<i32>} : memref<20x128xi32, #tpu.memory_space<vmem>>, vector<1x16xi32>,
          %get3A_411 = vector.shape_cast %get3A_410 : vector<1x16xi32> to vector<16xi32>
          %swap3A_412 = arith.constant 96 : index
          %swap3A_413 = tpu.vector_load %arg9[%swap3A_412] {strides = array<i32>} : memref<128xi32, #tpu.memory_space<vmem>>, vector<16xi32>,
          %swap3A_414 = vector.shape_cast %swap3A_413 : vector<16xi32> to vector<16xi32>
          %swap3A_415 = vector.shape_cast %get3A_411 : vector<16xi32> to vector<16xi32>
          tpu.vector_store %arg9[%swap3A_412], %swap3A_415 {strides = array<i32>} : memref<128xi32, #tpu.memory_space<vmem>>, vector<16xi32>,
          %get3A_416 = arith.index_cast %add3A_359 : i32 to index
          %get3A_417 = arith.constant 112 : index
          %get3A_418 = tpu.vector_load %arg6[%get3A_416, %get3A_417] {strides = array<i32>} : memref<20x128xi32, #tpu.memory_space<vmem>>, vector<1x16xi32>,
          %get3A_419 = vector.shape_cast %get3A_418 : vector<1x16xi32> to vector<16xi32>
          %swap3A_420 = arith.constant 112 : index
          %swap3A_421 = tpu.vector_load %arg9[%swap3A_420] {strides = array<i32>} : memref<128xi32, #tpu.memory_space<vmem>>, vector<16xi32>,
          %swap3A_422 = vector.shape_cast %swap3A_421 : vector<16xi32> to vector<16xi32>
          %swap3A_423 = vector.shape_cast %get3A_419 : vector<16xi32> to vector<16xi32>
          tpu.vector_store %arg9[%swap3A_420], %swap3A_423 {strides = array<i32>} : memref<128xi32, #tpu.memory_space<vmem>>, vector<16xi32>,
          %dma_start3A_424 = arith.constant 0 : i32
          %dma_start3A_425 = arith.constant 0 : i32
          %dma_start3A_426 = tpu.memref_slice %arg2[%dma_start3A_424, %dma_start3A_425] : memref<10240x128xf32, #tpu.memory_space<hbm>> -> memref<10240x128xf32, #tpu.memory_space<hbm>>
          tpu.enqueue_indirect_dma source(%dma_start3A_426 : memref<10240x128xf32, #tpu.memory_space<hbm>>) target(%arg12 : memref<128x128xf32, #tpu.memory_space<vmem>>) offsets(%arg9 : memref<128xi32, #tpu.memory_space<vmem>>) semaphore(%arg15 : memref<!tpu.dma_semaphore, #tpu.memory_space<semaphore_mem>>)
        } else {
        }
        %scan3A_357 = arith.constant 0 : i32
        scf.yield %scan3A_357 : i32
      }
      %scan3A_205 = arith.constant 10 : i32
      %while3A_206 = arith.constant 0 : i32
      scf.yield %while3A_206 : i32
    }
    %while3A_41 = arith.constant 1 : i32
    %while3A_42 = scf.for %while3A_48 = %while3A_38 to %while3A_34 step %while3A_41 iter_args(%while3A_49 = %while3A_40) -> (i32)  : i32 {
      %add3A_50 = arith.addi %add3A, %while3A_48 : i32
      "tpu.region"() ({
        %run_scoped3A = tpu.sem_alloc : memref<!tpu.dma_semaphore, #tpu.memory_space<semaphore_mem>>
        %dma_start3A_207 = arith.constant 0 : i32
        %dma_start3A_208 = arith.constant 0 : i32
        %dma_start3A_209 = tpu.memref_slice %arg3[%add3A_50, %dma_start3A_207, %dma_start3A_208] : memref<128x20x128xi32, #tpu.memory_space<hbm>> -> memref<1x20x128xi32, #tpu.memory_space<hbm>>
        %dma_start3A_210 = tpu.memref_squeeze %dma_start3A_209 : memref<1x20x128xi32, #tpu.memory_space<hbm>> -> memref<20x128xi32, #tpu.memory_space<hbm>>
        %dma_start3A_211 = arith.constant 0 : i32
        %dma_start3A_212 = arith.constant 0 : i32
        %dma_start3A_213 = tpu.memref_slice %arg3[%add3A_50, %dma_start3A_211, %dma_start3A_212] : memref<128x20x128xi32, #tpu.memory_space<hbm>> -> memref<1x20x128xi32, #tpu.memory_space<hbm>>
        %dma_start3A_214 = tpu.memref_squeeze %dma_start3A_213 : memref<1x20x128xi32, #tpu.memory_space<hbm>> -> memref<20x128xi32, #tpu.memory_space<hbm>>
        tpu.enqueue_dma source(%dma_start3A_214 : memref<20x128xi32, #tpu.memory_space<hbm>>) target(%arg6 : memref<20x128xi32, #tpu.memory_space<vmem>>) target_semaphore(%run_scoped3A : memref<!tpu.dma_semaphore, #tpu.memory_space<semaphore_mem>>)
        %dma_wait3A = arith.constant 0 : i32
        %dma_wait3A_215 = arith.constant 0 : i32
        %dma_wait3A_216 = tpu.memref_slice %arg3[%add3A_50, %dma_wait3A, %dma_wait3A_215] : memref<128x20x128xi32, #tpu.memory_space<hbm>> -> memref<1x20x128xi32, #tpu.memory_space<hbm>>
        %dma_wait3A_217 = tpu.memref_squeeze %dma_wait3A_216 : memref<1x20x128xi32, #tpu.memory_space<hbm>> -> memref<20x128xi32, #tpu.memory_space<hbm>>
        %dma_wait3A_218 = arith.constant 0 : i32
        %dma_wait3A_219 = arith.constant 0 : i32
        %dma_wait3A_220 = tpu.memref_slice %arg3[%add3A_50, %dma_wait3A_218, %dma_wait3A_219] : memref<128x20x128xi32, #tpu.memory_space<hbm>> -> memref<1x20x128xi32, #tpu.memory_space<hbm>>
        %dma_wait3A_221 = tpu.memref_squeeze %dma_wait3A_220 : memref<1x20x128xi32, #tpu.memory_space<hbm>> -> memref<20x128xi32, #tpu.memory_space<hbm>>
        tpu.wait_dma2 semaphore(%run_scoped3A : memref<!tpu.dma_semaphore, #tpu.memory_space<semaphore_mem>>) src(%dma_wait3A_221 : memref<20x128xi32, #tpu.memory_space<hbm>>) dst(%arg6 : memref<20x128xi32, #tpu.memory_space<vmem>>)
        tpu.yield
      }) : () -> ()
      %add3A_51 = arith.addi %add3A, %while3A_48 : i32
      "tpu.region"() ({
        %run_scoped3A = tpu.sem_alloc : memref<!tpu.dma_semaphore, #tpu.memory_space<semaphore_mem>>
        %dma_start3A_207 = arith.constant 0 : i32
        %dma_start3A_208 = arith.constant 0 : i32
        %dma_start3A_209 = tpu.memref_slice %arg4[%add3A_51, %dma_start3A_207, %dma_start3A_208] : memref<128x20x128xi32, #tpu.memory_space<hbm>> -> memref<1x20x128xi32, #tpu.memory_space<hbm>>
        %dma_start3A_210 = tpu.memref_squeeze %dma_start3A_209 : memref<1x20x128xi32, #tpu.memory_space<hbm>> -> memref<20x128xi32, #tpu.memory_space<hbm>>
        %dma_start3A_211 = arith.constant 0 : i32
        %dma_start3A_212 = arith.constant 0 : i32
        %dma_start3A_213 = tpu.memref_slice %arg4[%add3A_51, %dma_start3A_211, %dma_start3A_212] : memref<128x20x128xi32, #tpu.memory_space<hbm>> -> memref<1x20x128xi32, #tpu.memory_space<hbm>>
        %dma_start3A_214 = tpu.memref_squeeze %dma_start3A_213 : memref<1x20x128xi32, #tpu.memory_space<hbm>> -> memref<20x128xi32, #tpu.memory_space<hbm>>
        tpu.enqueue_dma source(%dma_start3A_214 : memref<20x128xi32, #tpu.memory_space<hbm>>) target(%arg7 : memref<20x128xi32, #tpu.memory_space<vmem>>) target_semaphore(%run_scoped3A : memref<!tpu.dma_semaphore, #tpu.memory_space<semaphore_mem>>)
        %dma_wait3A = arith.constant 0 : i32
        %dma_wait3A_215 = arith.constant 0 : i32
        %dma_wait3A_216 = tpu.memref_slice %arg4[%add3A_51, %dma_wait3A, %dma_wait3A_215] : memref<128x20x128xi32, #tpu.memory_space<hbm>> -> memref<1x20x128xi32, #tpu.memory_space<hbm>>
        %dma_wait3A_217 = tpu.memref_squeeze %dma_wait3A_216 : memref<1x20x128xi32, #tpu.memory_space<hbm>> -> memref<20x128xi32, #tpu.memory_space<hbm>>
        %dma_wait3A_218 = arith.constant 0 : i32
        %dma_wait3A_219 = arith.constant 0 : i32
        %dma_wait3A_220 = tpu.memref_slice %arg4[%add3A_51, %dma_wait3A_218, %dma_wait3A_219] : memref<128x20x128xi32, #tpu.memory_space<hbm>> -> memref<1x20x128xi32, #tpu.memory_space<hbm>>
        %dma_wait3A_221 = tpu.memref_squeeze %dma_wait3A_220 : memref<1x20x128xi32, #tpu.memory_space<hbm>> -> memref<20x128xi32, #tpu.memory_space<hbm>>
        tpu.wait_dma2 semaphore(%run_scoped3A : memref<!tpu.dma_semaphore, #tpu.memory_space<semaphore_mem>>) src(%dma_wait3A_221 : memref<20x128xi32, #tpu.memory_space<hbm>>) dst(%arg7 : memref<20x128xi32, #tpu.memory_space<vmem>>)
        tpu.yield
      }) : () -> ()
      %get3A = arith.constant 0 : i32
      %get3A_52 = arith.index_cast %get3A : i32 to index
      %get3A_53 = arith.constant 0 : index
      %get3A_54 = tpu.vector_load %arg6[%get3A_52, %get3A_53] {strides = array<i32>} : memref<20x128xi32, #tpu.memory_space<vmem>>, vector<1x16xi32>,
      %get3A_55 = vector.shape_cast %get3A_54 : vector<1x16xi32> to vector<16xi32>
      %swap3A = arith.constant 0 : index
      %swap3A_56 = tpu.vector_load %arg8[%swap3A] {strides = array<i32>} : memref<128xi32, #tpu.memory_space<vmem>>, vector<16xi32>,
      %swap3A_57 = vector.shape_cast %swap3A_56 : vector<16xi32> to vector<16xi32>
      %swap3A_58 = vector.shape_cast %get3A_55 : vector<16xi32> to vector<16xi32>
      tpu.vector_store %arg8[%swap3A], %swap3A_58 {strides = array<i32>} : memref<128xi32, #tpu.memory_space<vmem>>, vector<16xi32>,
      %get3A_59 = arith.constant 0 : i32
      %get3A_60 = arith.index_cast %get3A_59 : i32 to index
      %get3A_61 = arith.constant 16 : index
      %get3A_62 = tpu.vector_load %arg6[%get3A_60, %get3A_61] {strides = array<i32>} : memref<20x128xi32, #tpu.memory_space<vmem>>, vector<1x16xi32>,
      %get3A_63 = vector.shape_cast %get3A_62 : vector<1x16xi32> to vector<16xi32>
      %swap3A_64 = arith.constant 16 : index
      %swap3A_65 = tpu.vector_load %arg8[%swap3A_64] {strides = array<i32>} : memref<128xi32, #tpu.memory_space<vmem>>, vector<16xi32>,
      %swap3A_66 = vector.shape_cast %swap3A_65 : vector<16xi32> to vector<16xi32>
      %swap3A_67 = vector.shape_cast %get3A_63 : vector<16xi32> to vector<16xi32>
      tpu.vector_store %arg8[%swap3A_64], %swap3A_67 {strides = array<i32>} : memref<128xi32, #tpu.memory_space<vmem>>, vector<16xi32>,
      %get3A_68 = arith.constant 0 : i32
      %get3A_69 = arith.index_cast %get3A_68 : i32 to index
      %get3A_70 = arith.constant 32 : index
      %get3A_71 = tpu.vector_load %arg6[%get3A_69, %get3A_70] {strides = array<i32>} : memref<20x128xi32, #tpu.memory_space<vmem>>, vector<1x16xi32>,
      %get3A_72 = vector.shape_cast %get3A_71 : vector<1x16xi32> to vector<16xi32>
      %swap3A_73 = arith.constant 32 : index
      %swap3A_74 = tpu.vector_load %arg8[%swap3A_73] {strides = array<i32>} : memref<128xi32, #tpu.memory_space<vmem>>, vector<16xi32>,
      %swap3A_75 = vector.shape_cast %swap3A_74 : vector<16xi32> to vector<16xi32>
      %swap3A_76 = vector.shape_cast %get3A_72 : vector<16xi32> to vector<16xi32>
      tpu.vector_store %arg8[%swap3A_73], %swap3A_76 {strides = array<i32>} : memref<128xi32, #tpu.memory_space<vmem>>, vector<16xi32>,
      %get3A_77 = arith.constant 0 : i32
      %get3A_78 = arith.index_cast %get3A_77 : i32 to index
      %get3A_79 = arith.constant 48 : index
      %get3A_80 = tpu.vector_load %arg6[%get3A_78, %get3A_79] {strides = array<i32>} : memref<20x128xi32, #tpu.memory_space<vmem>>, vector<1x16xi32>,
      %get3A_81 = vector.shape_cast %get3A_80 : vector<1x16xi32> to vector<16xi32>
      %swap3A_82 = arith.constant 48 : index
      %swap3A_83 = tpu.vector_load %arg8[%swap3A_82] {strides = array<i32>} : memref<128xi32, #tpu.memory_space<vmem>>, vector<16xi32>,
      %swap3A_84 = vector.shape_cast %swap3A_83 : vector<16xi32> to vector<16xi32>
      %swap3A_85 = vector.shape_cast %get3A_81 : vector<16xi32> to vector<16xi32>
      tpu.vector_store %arg8[%swap3A_82], %swap3A_85 {strides = array<i32>} : memref<128xi32, #tpu.memory_space<vmem>>, vector<16xi32>,
      %get3A_86 = arith.constant 0 : i32
      %get3A_87 = arith.index_cast %get3A_86 : i32 to index
      %get3A_88 = arith.constant 64 : index
      %get3A_89 = tpu.vector_load %arg6[%get3A_87, %get3A_88] {strides = array<i32>} : memref<20x128xi32, #tpu.memory_space<vmem>>, vector<1x16xi32>,
      %get3A_90 = vector.shape_cast %get3A_89 : vector<1x16xi32> to vector<16xi32>
      %swap3A_91 = arith.constant 64 : index
      %swap3A_92 = tpu.vector_load %arg8[%swap3A_91] {strides = array<i32>} : memref<128xi32, #tpu.memory_space<vmem>>, vector<16xi32>,
      %swap3A_93 = vector.shape_cast %swap3A_92 : vector<16xi32> to vector<16xi32>
      %swap3A_94 = vector.shape_cast %get3A_90 : vector<16xi32> to vector<16xi32>
      tpu.vector_store %arg8[%swap3A_91], %swap3A_94 {strides = array<i32>} : memref<128xi32, #tpu.memory_space<vmem>>, vector<16xi32>,
      %get3A_95 = arith.constant 0 : i32
      %get3A_96 = arith.index_cast %get3A_95 : i32 to index
      %get3A_97 = arith.constant 80 : index
      %get3A_98 = tpu.vector_load %arg6[%get3A_96, %get3A_97] {strides = array<i32>} : memref<20x128xi32, #tpu.memory_space<vmem>>, vector<1x16xi32>,
      %get3A_99 = vector.shape_cast %get3A_98 : vector<1x16xi32> to vector<16xi32>
      %swap3A_100 = arith.constant 80 : index
      %swap3A_101 = tpu.vector_load %arg8[%swap3A_100] {strides = array<i32>} : memref<128xi32, #tpu.memory_space<vmem>>, vector<16xi32>,
      %swap3A_102 = vector.shape_cast %swap3A_101 : vector<16xi32> to vector<16xi32>
      %swap3A_103 = vector.shape_cast %get3A_99 : vector<16xi32> to vector<16xi32>
      tpu.vector_store %arg8[%swap3A_100], %swap3A_103 {strides = array<i32>} : memref<128xi32, #tpu.memory_space<vmem>>, vector<16xi32>,
      %get3A_104 = arith.constant 0 : i32
      %get3A_105 = arith.index_cast %get3A_104 : i32 to index
      %get3A_106 = arith.constant 96 : index
      %get3A_107 = tpu.vector_load %arg6[%get3A_105, %get3A_106] {strides = array<i32>} : memref<20x128xi32, #tpu.memory_space<vmem>>, vector<1x16xi32>,
      %get3A_108 = vector.shape_cast %get3A_107 : vector<1x16xi32> to vector<16xi32>
      %swap3A_109 = arith.constant 96 : index
      %swap3A_110 = tpu.vector_load %arg8[%swap3A_109] {strides = array<i32>} : memref<128xi32, #tpu.memory_space<vmem>>, vector<16xi32>,
      %swap3A_111 = vector.shape_cast %swap3A_110 : vector<16xi32> to vector<16xi32>
      %swap3A_112 = vector.shape_cast %get3A_108 : vector<16xi32> to vector<16xi32>
      tpu.vector_store %arg8[%swap3A_109], %swap3A_112 {strides = array<i32>} : memref<128xi32, #tpu.memory_space<vmem>>, vector<16xi32>,
      %get3A_113 = arith.constant 0 : i32
      %get3A_114 = arith.index_cast %get3A_113 : i32 to index
      %get3A_115 = arith.constant 112 : index
      %get3A_116 = tpu.vector_load %arg6[%get3A_114, %get3A_115] {strides = array<i32>} : memref<20x128xi32, #tpu.memory_space<vmem>>, vector<1x16xi32>,
      %get3A_117 = vector.shape_cast %get3A_116 : vector<1x16xi32> to vector<16xi32>
      %swap3A_118 = arith.constant 112 : index
      %swap3A_119 = tpu.vector_load %arg8[%swap3A_118] {strides = array<i32>} : memref<128xi32, #tpu.memory_space<vmem>>, vector<16xi32>,
      %swap3A_120 = vector.shape_cast %swap3A_119 : vector<16xi32> to vector<16xi32>
      %swap3A_121 = vector.shape_cast %get3A_117 : vector<16xi32> to vector<16xi32>
      tpu.vector_store %arg8[%swap3A_118], %swap3A_121 {strides = array<i32>} : memref<128xi32, #tpu.memory_space<vmem>>, vector<16xi32>,
      %dma_start3A = arith.constant 0 : i32
      %dma_start3A_122 = arith.constant 0 : i32
      %dma_start3A_123 = tpu.memref_slice %arg2[%dma_start3A, %dma_start3A_122] : memref<10240x128xf32, #tpu.memory_space<hbm>> -> memref<10240x128xf32, #tpu.memory_space<hbm>>
      tpu.enqueue_indirect_dma source(%dma_start3A_123 : memref<10240x128xf32, #tpu.memory_space<hbm>>) target(%arg11 : memref<128x128xf32, #tpu.memory_space<vmem>>) offsets(%arg8 : memref<128xi32, #tpu.memory_space<vmem>>) semaphore(%arg14 : memref<!tpu.dma_semaphore, #tpu.memory_space<semaphore_mem>>)
      %get3A_124 = arith.constant 1 : i32
      %get3A_125 = arith.index_cast %get3A_124 : i32 to index
      %get3A_126 = arith.constant 0 : index
      %get3A_127 = tpu.vector_load %arg6[%get3A_125, %get3A_126] {strides = array<i32>} : memref<20x128xi32, #tpu.memory_space<vmem>>, vector<1x16xi32>,
      %get3A_128 = vector.shape_cast %get3A_127 : vector<1x16xi32> to vector<16xi32>
      %swap3A_129 = arith.constant 0 : index
      %swap3A_130 = tpu.vector_load %arg9[%swap3A_129] {strides = array<i32>} : memref<128xi32, #tpu.memory_space<vmem>>, vector<16xi32>,
      %swap3A_131 = vector.shape_cast %swap3A_130 : vector<16xi32> to vector<16xi32>
      %swap3A_132 = vector.shape_cast %get3A_128 : vector<16xi32> to vector<16xi32>
      tpu.vector_store %arg9[%swap3A_129], %swap3A_132 {strides = array<i32>} : memref<128xi32, #tpu.memory_space<vmem>>, vector<16xi32>,
      %get3A_133 = arith.constant 1 : i32
      %get3A_134 = arith.index_cast %get3A_133 : i32 to index
      %get3A_135 = arith.constant 16 : index
      %get3A_136 = tpu.vector_load %arg6[%get3A_134, %get3A_135] {strides = array<i32>} : memref<20x128xi32, #tpu.memory_space<vmem>>, vector<1x16xi32>,
      %get3A_137 = vector.shape_cast %get3A_136 : vector<1x16xi32> to vector<16xi32>
      %swap3A_138 = arith.constant 16 : index
      %swap3A_139 = tpu.vector_load %arg9[%swap3A_138] {strides = array<i32>} : memref<128xi32, #tpu.memory_space<vmem>>, vector<16xi32>,
      %swap3A_140 = vector.shape_cast %swap3A_139 : vector<16xi32> to vector<16xi32>
      %swap3A_141 = vector.shape_cast %get3A_137 : vector<16xi32> to vector<16xi32>
      tpu.vector_store %arg9[%swap3A_138], %swap3A_141 {strides = array<i32>} : memref<128xi32, #tpu.memory_space<vmem>>, vector<16xi32>,
      %get3A_142 = arith.constant 1 : i32
      %get3A_143 = arith.index_cast %get3A_142 : i32 to index
      %get3A_144 = arith.constant 32 : index
      %get3A_145 = tpu.vector_load %arg6[%get3A_143, %get3A_144] {strides = array<i32>} : memref<20x128xi32, #tpu.memory_space<vmem>>, vector<1x16xi32>,
      %get3A_146 = vector.shape_cast %get3A_145 : vector<1x16xi32> to vector<16xi32>
      %swap3A_147 = arith.constant 32 : index
      %swap3A_148 = tpu.vector_load %arg9[%swap3A_147] {strides = array<i32>} : memref<128xi32, #tpu.memory_space<vmem>>, vector<16xi32>,
      %swap3A_149 = vector.shape_cast %swap3A_148 : vector<16xi32> to vector<16xi32>
      %swap3A_150 = vector.shape_cast %get3A_146 : vector<16xi32> to vector<16xi32>
      tpu.vector_store %arg9[%swap3A_147], %swap3A_150 {strides = array<i32>} : memref<128xi32, #tpu.memory_space<vmem>>, vector<16xi32>,
      %get3A_151 = arith.constant 1 : i32
      %get3A_152 = arith.index_cast %get3A_151 : i32 to index
      %get3A_153 = arith.constant 48 : index
      %get3A_154 = tpu.vector_load %arg6[%get3A_152, %get3A_153] {strides = array<i32>} : memref<20x128xi32, #tpu.memory_space<vmem>>, vector<1x16xi32>,
      %get3A_155 = vector.shape_cast %get3A_154 : vector<1x16xi32> to vector<16xi32>
      %swap3A_156 = arith.constant 48 : index
      %swap3A_157 = tpu.vector_load %arg9[%swap3A_156] {strides = array<i32>} : memref<128xi32, #tpu.memory_space<vmem>>, vector<16xi32>,
      %swap3A_158 = vector.shape_cast %swap3A_157 : vector<16xi32> to vector<16xi32>
      %swap3A_159 = vector.shape_cast %get3A_155 : vector<16xi32> to vector<16xi32>
      tpu.vector_store %arg9[%swap3A_156], %swap3A_159 {strides = array<i32>} : memref<128xi32, #tpu.memory_space<vmem>>, vector<16xi32>,
      %get3A_160 = arith.constant 1 : i32
      %get3A_161 = arith.index_cast %get3A_160 : i32 to index
      %get3A_162 = arith.constant 64 : index
      %get3A_163 = tpu.vector_load %arg6[%get3A_161, %get3A_162] {strides = array<i32>} : memref<20x128xi32, #tpu.memory_space<vmem>>, vector<1x16xi32>,
      %get3A_164 = vector.shape_cast %get3A_163 : vector<1x16xi32> to vector<16xi32>
      %swap3A_165 = arith.constant 64 : index
      %swap3A_166 = tpu.vector_load %arg9[%swap3A_165] {strides = array<i32>} : memref<128xi32, #tpu.memory_space<vmem>>, vector<16xi32>,
      %swap3A_167 = vector.shape_cast %swap3A_166 : vector<16xi32> to vector<16xi32>
      %swap3A_168 = vector.shape_cast %get3A_164 : vector<16xi32> to vector<16xi32>
      tpu.vector_store %arg9[%swap3A_165], %swap3A_168 {strides = array<i32>} : memref<128xi32, #tpu.memory_space<vmem>>, vector<16xi32>,
      %get3A_169 = arith.constant 1 : i32
      %get3A_170 = arith.index_cast %get3A_169 : i32 to index
      %get3A_171 = arith.constant 80 : index
      %get3A_172 = tpu.vector_load %arg6[%get3A_170, %get3A_171] {strides = array<i32>} : memref<20x128xi32, #tpu.memory_space<vmem>>, vector<1x16xi32>,
      %get3A_173 = vector.shape_cast %get3A_172 : vector<1x16xi32> to vector<16xi32>
      %swap3A_174 = arith.constant 80 : index
      %swap3A_175 = tpu.vector_load %arg9[%swap3A_174] {strides = array<i32>} : memref<128xi32, #tpu.memory_space<vmem>>, vector<16xi32>,
      %swap3A_176 = vector.shape_cast %swap3A_175 : vector<16xi32> to vector<16xi32>
      %swap3A_177 = vector.shape_cast %get3A_173 : vector<16xi32> to vector<16xi32>
      tpu.vector_store %arg9[%swap3A_174], %swap3A_177 {strides = array<i32>} : memref<128xi32, #tpu.memory_space<vmem>>, vector<16xi32>,
      %get3A_178 = arith.constant 1 : i32
      %get3A_179 = arith.index_cast %get3A_178 : i32 to index
      %get3A_180 = arith.constant 96 : index
      %get3A_181 = tpu.vector_load %arg6[%get3A_179, %get3A_180] {strides = array<i32>} : memref<20x128xi32, #tpu.memory_space<vmem>>, vector<1x16xi32>,
      %get3A_182 = vector.shape_cast %get3A_181 : vector<1x16xi32> to vector<16xi32>
      %swap3A_183 = arith.constant 96 : index
      %swap3A_184 = tpu.vector_load %arg9[%swap3A_183] {strides = array<i32>} : memref<128xi32, #tpu.memory_space<vmem>>, vector<16xi32>,
      %swap3A_185 = vector.shape_cast %swap3A_184 : vector<16xi32> to vector<16xi32>
      %swap3A_186 = vector.shape_cast %get3A_182 : vector<16xi32> to vector<16xi32>
      tpu.vector_store %arg9[%swap3A_183], %swap3A_186 {strides = array<i32>} : memref<128xi32, #tpu.memory_space<vmem>>, vector<16xi32>,
      %get3A_187 = arith.constant 1 : i32
      %get3A_188 = arith.index_cast %get3A_187 : i32 to index
      %get3A_189 = arith.constant 112 : index
      %get3A_190 = tpu.vector_load %arg6[%get3A_188, %get3A_189] {strides = array<i32>} : memref<20x128xi32, #tpu.memory_space<vmem>>, vector<1x16xi32>,
      %get3A_191 = vector.shape_cast %get3A_190 : vector<1x16xi32> to vector<16xi32>
      %swap3A_192 = arith.constant 112 : index
      %swap3A_193 = tpu.vector_load %arg9[%swap3A_192] {strides = array<i32>} : memref<128xi32, #tpu.memory_space<vmem>>, vector<16xi32>,
      %swap3A_194 = vector.shape_cast %swap3A_193 : vector<16xi32> to vector<16xi32>
      %swap3A_195 = vector.shape_cast %get3A_191 : vector<16xi32> to vector<16xi32>
      tpu.vector_store %arg9[%swap3A_192], %swap3A_195 {strides = array<i32>} : memref<128xi32, #tpu.memory_space<vmem>>, vector<16xi32>,
      %dma_start3A_196 = arith.constant 0 : i32
      %dma_start3A_197 = arith.constant 0 : i32
      %dma_start3A_198 = tpu.memref_slice %arg2[%dma_start3A_196, %dma_start3A_197] : memref<10240x128xf32, #tpu.memory_space<hbm>> -> memref<10240x128xf32, #tpu.memory_space<hbm>>
      tpu.enqueue_indirect_dma source(%dma_start3A_198 : memref<10240x128xf32, #tpu.memory_space<hbm>>) target(%arg12 : memref<128x128xf32, #tpu.memory_space<vmem>>) offsets(%arg9 : memref<128xi32, #tpu.memory_space<vmem>>) semaphore(%arg15 : memref<!tpu.dma_semaphore, #tpu.memory_space<semaphore_mem>>)
      %scan3A_199 = arith.constant 0 : i32
      %scan3A_200 = arith.constant 0 : i32
      %scan3A_201 = arith.constant 10 : i32
      %scan3A_202 = arith.addi %scan3A_200, %scan3A_201 : i32
      %scan3A_203 = arith.constant 1 : i32
      %scan3A_204 = scf.for %scan3A_207 = %scan3A_200 to %scan3A_202 step %scan3A_203 iter_args(%scan3A_208 = %scan3A_199) -> (i32)  : i32 {
        %mul3A_209 = arith.constant 2 : i32
        %mul3A_210 = arith.muli %mul3A_209, %scan3A_207 : i32
        %dma_wait3A = arith.constant 0 : i32
        %dma_wait3A_211 = arith.constant 0 : i32
        %dma_wait3A_212 = tpu.memref_slice %arg2[%dma_wait3A, %dma_wait3A_211] : memref<10240x128xf32, #tpu.memory_space<hbm>> -> memref<10240x128xf32, #tpu.memory_space<hbm>>
        tpu.wait_indirect_dma semaphore(%arg14 : memref<!tpu.dma_semaphore, #tpu.memory_space<semaphore_mem>>) src(%dma_wait3A_212 : memref<10240x128xf32, #tpu.memory_space<hbm>>) dst(%arg11 : memref<128x128xf32, #tpu.memory_space<vmem>>)
        %get3A_213 = arith.index_cast %mul3A_210 : i32 to index
        %get3A_214 = arith.constant 0 : index
        %get3A_215 = tpu.vector_load %arg7[%get3A_213, %get3A_214] {strides = array<i32>} : memref<20x128xi32, #tpu.memory_space<vmem>>, vector<1x16xi32>,
        %get3A_216 = vector.shape_cast %get3A_215 : vector<1x16xi32> to vector<16xi32>
        %swap3A_217 = arith.constant 0 : index
        %swap3A_218 = tpu.vector_load %arg10[%swap3A_217] {strides = array<i32>} : memref<128xi32, #tpu.memory_space<vmem>>, vector<16xi32>,
        %swap3A_219 = vector.shape_cast %swap3A_218 : vector<16xi32> to vector<16xi32>
        %swap3A_220 = vector.shape_cast %get3A_216 : vector<16xi32> to vector<16xi32>
        tpu.vector_store %arg10[%swap3A_217], %swap3A_220 {strides = array<i32>} : memref<128xi32, #tpu.memory_space<vmem>>, vector<16xi32>,
        %get3A_221 = arith.index_cast %mul3A_210 : i32 to index
        %get3A_222 = arith.constant 16 : index
        %get3A_223 = tpu.vector_load %arg7[%get3A_221, %get3A_222] {strides = array<i32>} : memref<20x128xi32, #tpu.memory_space<vmem>>, vector<1x16xi32>,
        %get3A_224 = vector.shape_cast %get3A_223 : vector<1x16xi32> to vector<16xi32>
        %swap3A_225 = arith.constant 16 : index
        %swap3A_226 = tpu.vector_load %arg10[%swap3A_225] {strides = array<i32>} : memref<128xi32, #tpu.memory_space<vmem>>, vector<16xi32>,
        %swap3A_227 = vector.shape_cast %swap3A_226 : vector<16xi32> to vector<16xi32>
        %swap3A_228 = vector.shape_cast %get3A_224 : vector<16xi32> to vector<16xi32>
        tpu.vector_store %arg10[%swap3A_225], %swap3A_228 {strides = array<i32>} : memref<128xi32, #tpu.memory_space<vmem>>, vector<16xi32>,
        %get3A_229 = arith.index_cast %mul3A_210 : i32 to index
        %get3A_230 = arith.constant 32 : index
        %get3A_231 = tpu.vector_load %arg7[%get3A_229, %get3A_230] {strides = array<i32>} : memref<20x128xi32, #tpu.memory_space<vmem>>, vector<1x16xi32>,
        %get3A_232 = vector.shape_cast %get3A_231 : vector<1x16xi32> to vector<16xi32>
        %swap3A_233 = arith.constant 32 : index
        %swap3A_234 = tpu.vector_load %arg10[%swap3A_233] {strides = array<i32>} : memref<128xi32, #tpu.memory_space<vmem>>, vector<16xi32>,
        %swap3A_235 = vector.shape_cast %swap3A_234 : vector<16xi32> to vector<16xi32>
        %swap3A_236 = vector.shape_cast %get3A_232 : vector<16xi32> to vector<16xi32>
        tpu.vector_store %arg10[%swap3A_233], %swap3A_236 {strides = array<i32>} : memref<128xi32, #tpu.memory_space<vmem>>, vector<16xi32>,
        %get3A_237 = arith.index_cast %mul3A_210 : i32 to index
        %get3A_238 = arith.constant 48 : index
        %get3A_239 = tpu.vector_load %arg7[%get3A_237, %get3A_238] {strides = array<i32>} : memref<20x128xi32, #tpu.memory_space<vmem>>, vector<1x16xi32>,
        %get3A_240 = vector.shape_cast %get3A_239 : vector<1x16xi32> to vector<16xi32>
        %swap3A_241 = arith.constant 48 : index
        %swap3A_242 = tpu.vector_load %arg10[%swap3A_241] {strides = array<i32>} : memref<128xi32, #tpu.memory_space<vmem>>, vector<16xi32>,
        %swap3A_243 = vector.shape_cast %swap3A_242 : vector<16xi32> to vector<16xi32>
        %swap3A_244 = vector.shape_cast %get3A_240 : vector<16xi32> to vector<16xi32>
        tpu.vector_store %arg10[%swap3A_241], %swap3A_244 {strides = array<i32>} : memref<128xi32, #tpu.memory_space<vmem>>, vector<16xi32>,
        %get3A_245 = arith.index_cast %mul3A_210 : i32 to index
        %get3A_246 = arith.constant 64 : index
        %get3A_247 = tpu.vector_load %arg7[%get3A_245, %get3A_246] {strides = array<i32>} : memref<20x128xi32, #tpu.memory_space<vmem>>, vector<1x16xi32>,
        %get3A_248 = vector.shape_cast %get3A_247 : vector<1x16xi32> to vector<16xi32>
        %swap3A_249 = arith.constant 64 : index
        %swap3A_250 = tpu.vector_load %arg10[%swap3A_249] {strides = array<i32>} : memref<128xi32, #tpu.memory_space<vmem>>, vector<16xi32>,
        %swap3A_251 = vector.shape_cast %swap3A_250 : vector<16xi32> to vector<16xi32>
        %swap3A_252 = vector.shape_cast %get3A_248 : vector<16xi32> to vector<16xi32>
        tpu.vector_store %arg10[%swap3A_249], %swap3A_252 {strides = array<i32>} : memref<128xi32, #tpu.memory_space<vmem>>, vector<16xi32>,
        %get3A_253 = arith.index_cast %mul3A_210 : i32 to index
        %get3A_254 = arith.constant 80 : index
        %get3A_255 = tpu.vector_load %arg7[%get3A_253, %get3A_254] {strides = array<i32>} : memref<20x128xi32, #tpu.memory_space<vmem>>, vector<1x16xi32>,
        %get3A_256 = vector.shape_cast %get3A_255 : vector<1x16xi32> to vector<16xi32>
        %swap3A_257 = arith.constant 80 : index
        %swap3A_258 = tpu.vector_load %arg10[%swap3A_257] {strides = array<i32>} : memref<128xi32, #tpu.memory_space<vmem>>, vector<16xi32>,
        %swap3A_259 = vector.shape_cast %swap3A_258 : vector<16xi32> to vector<16xi32>
        %swap3A_260 = vector.shape_cast %get3A_256 : vector<16xi32> to vector<16xi32>
        tpu.vector_store %arg10[%swap3A_257], %swap3A_260 {strides = array<i32>} : memref<128xi32, #tpu.memory_space<vmem>>, vector<16xi32>,
        %get3A_261 = arith.index_cast %mul3A_210 : i32 to index
        %get3A_262 = arith.constant 96 : index
        %get3A_263 = tpu.vector_load %arg7[%get3A_261, %get3A_262] {strides = array<i32>} : memref<20x128xi32, #tpu.memory_space<vmem>>, vector<1x16xi32>,
        %get3A_264 = vector.shape_cast %get3A_263 : vector<1x16xi32> to vector<16xi32>
        %swap3A_265 = arith.constant 96 : index
        %swap3A_266 = tpu.vector_load %arg10[%swap3A_265] {strides = array<i32>} : memref<128xi32, #tpu.memory_space<vmem>>, vector<16xi32>,
        %swap3A_267 = vector.shape_cast %swap3A_266 : vector<16xi32> to vector<16xi32>
        %swap3A_268 = vector.shape_cast %get3A_264 : vector<16xi32> to vector<16xi32>
        tpu.vector_store %arg10[%swap3A_265], %swap3A_268 {strides = array<i32>} : memref<128xi32, #tpu.memory_space<vmem>>, vector<16xi32>,
        %get3A_269 = arith.index_cast %mul3A_210 : i32 to index
        %get3A_270 = arith.constant 112 : index
        %get3A_271 = tpu.vector_load %arg7[%get3A_269, %get3A_270] {strides = array<i32>} : memref<20x128xi32, #tpu.memory_space<vmem>>, vector<1x16xi32>,
        %get3A_272 = vector.shape_cast %get3A_271 : vector<1x16xi32> to vector<16xi32>
        %swap3A_273 = arith.constant 112 : index
        %swap3A_274 = tpu.vector_load %arg10[%swap3A_273] {strides = array<i32>} : memref<128xi32, #tpu.memory_space<vmem>>, vector<16xi32>,
        %swap3A_275 = vector.shape_cast %swap3A_274 : vector<16xi32> to vector<16xi32>
        %swap3A_276 = vector.shape_cast %get3A_272 : vector<16xi32> to vector<16xi32>
        tpu.vector_store %arg10[%swap3A_273], %swap3A_276 {strides = array<i32>} : memref<128xi32, #tpu.memory_space<vmem>>, vector<16xi32>,
        "tpu.region"() ({
          %run_scoped3A = tpu.sem_alloc : memref<!tpu.dma_semaphore, #tpu.memory_space<semaphore_mem>>
          %dma_start3A_358 = arith.constant 0 : i32
          %dma_start3A_359 = arith.constant 0 : i32
          %dma_start3A_360 = tpu.memref_slice %arg13[%dma_start3A_358, %dma_start3A_359] : memref<10240x128xf32, #tpu.memory_space<vmem_shared>> -> memref<10240x128xf32, #tpu.memory_space<vmem_shared>>
          tpu.enqueue_indirect_dma source(%arg11 : memref<128x128xf32, #tpu.memory_space<vmem>>) target(%dma_start3A_360 : memref<10240x128xf32, #tpu.memory_space<vmem_shared>>) offsets(%arg10 : memref<128xi32, #tpu.memory_space<vmem>>) semaphore(%run_scoped3A : memref<!tpu.dma_semaphore, #tpu.memory_space<semaphore_mem>>) {add = true}
          %dma_wait3A_361 = arith.constant 0 : i32
          %dma_wait3A_362 = arith.constant 0 : i32
          %dma_wait3A_363 = tpu.memref_slice %arg13[%dma_wait3A_361, %dma_wait3A_362] : memref<10240x128xf32, #tpu.memory_space<vmem_shared>> -> memref<10240x128xf32, #tpu.memory_space<vmem_shared>>
          tpu.wait_indirect_dma semaphore(%run_scoped3A : memref<!tpu.dma_semaphore, #tpu.memory_space<semaphore_mem>>) src(%arg11 : memref<128x128xf32, #tpu.memory_space<vmem>>) dst(%dma_wait3A_363 : memref<10240x128xf32, #tpu.memory_space<vmem_shared>>)
          tpu.yield
        }) : () -> ()
        %add3A_277 = arith.constant 2 : i32
        %add3A_278 = arith.addi %mul3A_210, %add3A_277 : i32
        %lt3A = arith.constant 20 : i32
        %lt3A_279 = arith.cmpi slt, %add3A_278, %lt3A : i32
        %convert_element_type3A = arith.extui %lt3A_279 : i1 to i32
        %cond3A = arith.constant 0 : i32
        %cond3A_280 = arith.cmpi ne, %convert_element_type3A, %cond3A : i32
        scf.if %cond3A_280 {
          %add3A_358 = arith.constant 2 : i32
          %add3A_359 = arith.addi %mul3A_210, %add3A_358 : i32
          %get3A_360 = arith.index_cast %add3A_359 : i32 to index
          %get3A_361 = arith.constant 0 : index
          %get3A_362 = tpu.vector_load %arg6[%get3A_360, %get3A_361] {strides = array<i32>} : memref<20x128xi32, #tpu.memory_space<vmem>>, vector<1x16xi32>,
          %get3A_363 = vector.shape_cast %get3A_362 : vector<1x16xi32> to vector<16xi32>
          %swap3A_364 = arith.constant 0 : index
          %swap3A_365 = tpu.vector_load %arg8[%swap3A_364] {strides = array<i32>} : memref<128xi32, #tpu.memory_space<vmem>>, vector<16xi32>,
          %swap3A_366 = vector.shape_cast %swap3A_365 : vector<16xi32> to vector<16xi32>
          %swap3A_367 = vector.shape_cast %get3A_363 : vector<16xi32> to vector<16xi32>
          tpu.vector_store %arg8[%swap3A_364], %swap3A_367 {strides = array<i32>} : memref<128xi32, #tpu.memory_space<vmem>>, vector<16xi32>,
          %get3A_368 = arith.index_cast %add3A_359 : i32 to index
          %get3A_369 = arith.constant 16 : index
          %get3A_370 = tpu.vector_load %arg6[%get3A_368, %get3A_369] {strides = array<i32>} : memref<20x128xi32, #tpu.memory_space<vmem>>, vector<1x16xi32>,
          %get3A_371 = vector.shape_cast %get3A_370 : vector<1x16xi32> to vector<16xi32>
          %swap3A_372 = arith.constant 16 : index
          %swap3A_373 = tpu.vector_load %arg8[%swap3A_372] {strides = array<i32>} : memref<128xi32, #tpu.memory_space<vmem>>, vector<16xi32>,
          %swap3A_374 = vector.shape_cast %swap3A_373 : vector<16xi32> to vector<16xi32>
          %swap3A_375 = vector.shape_cast %get3A_371 : vector<16xi32> to vector<16xi32>
          tpu.vector_store %arg8[%swap3A_372], %swap3A_375 {strides = array<i32>} : memref<128xi32, #tpu.memory_space<vmem>>, vector<16xi32>,
          %get3A_376 = arith.index_cast %add3A_359 : i32 to index
          %get3A_377 = arith.constant 32 : index
          %get3A_378 = tpu.vector_load %arg6[%get3A_376, %get3A_377] {strides = array<i32>} : memref<20x128xi32, #tpu.memory_space<vmem>>, vector<1x16xi32>,
          %get3A_379 = vector.shape_cast %get3A_378 : vector<1x16xi32> to vector<16xi32>
          %swap3A_380 = arith.constant 32 : index
          %swap3A_381 = tpu.vector_load %arg8[%swap3A_380] {strides = array<i32>} : memref<128xi32, #tpu.memory_space<vmem>>, vector<16xi32>,
          %swap3A_382 = vector.shape_cast %swap3A_381 : vector<16xi32> to vector<16xi32>
          %swap3A_383 = vector.shape_cast %get3A_379 : vector<16xi32> to vector<16xi32>
          tpu.vector_store %arg8[%swap3A_380], %swap3A_383 {strides = array<i32>} : memref<128xi32, #tpu.memory_space<vmem>>, vector<16xi32>,
          %get3A_384 = arith.index_cast %add3A_359 : i32 to index
          %get3A_385 = arith.constant 48 : index
          %get3A_386 = tpu.vector_load %arg6[%get3A_384, %get3A_385] {strides = array<i32>} : memref<20x128xi32, #tpu.memory_space<vmem>>, vector<1x16xi32>,
          %get3A_387 = vector.shape_cast %get3A_386 : vector<1x16xi32> to vector<16xi32>
          %swap3A_388 = arith.constant 48 : index
          %swap3A_389 = tpu.vector_load %arg8[%swap3A_388] {strides = array<i32>} : memref<128xi32, #tpu.memory_space<vmem>>, vector<16xi32>,
          %swap3A_390 = vector.shape_cast %swap3A_389 : vector<16xi32> to vector<16xi32>
          %swap3A_391 = vector.shape_cast %get3A_387 : vector<16xi32> to vector<16xi32>
          tpu.vector_store %arg8[%swap3A_388], %swap3A_391 {strides = array<i32>} : memref<128xi32, #tpu.memory_space<vmem>>, vector<16xi32>,
          %get3A_392 = arith.index_cast %add3A_359 : i32 to index
          %get3A_393 = arith.constant 64 : index
          %get3A_394 = tpu.vector_load %arg6[%get3A_392, %get3A_393] {strides = array<i32>} : memref<20x128xi32, #tpu.memory_space<vmem>>, vector<1x16xi32>,
          %get3A_395 = vector.shape_cast %get3A_394 : vector<1x16xi32> to vector<16xi32>
          %swap3A_396 = arith.constant 64 : index
          %swap3A_397 = tpu.vector_load %arg8[%swap3A_396] {strides = array<i32>} : memref<128xi32, #tpu.memory_space<vmem>>, vector<16xi32>,
          %swap3A_398 = vector.shape_cast %swap3A_397 : vector<16xi32> to vector<16xi32>
          %swap3A_399 = vector.shape_cast %get3A_395 : vector<16xi32> to vector<16xi32>
          tpu.vector_store %arg8[%swap3A_396], %swap3A_399 {strides = array<i32>} : memref<128xi32, #tpu.memory_space<vmem>>, vector<16xi32>,
          %get3A_400 = arith.index_cast %add3A_359 : i32 to index
          %get3A_401 = arith.constant 80 : index
          %get3A_402 = tpu.vector_load %arg6[%get3A_400, %get3A_401] {strides = array<i32>} : memref<20x128xi32, #tpu.memory_space<vmem>>, vector<1x16xi32>,
          %get3A_403 = vector.shape_cast %get3A_402 : vector<1x16xi32> to vector<16xi32>
          %swap3A_404 = arith.constant 80 : index
          %swap3A_405 = tpu.vector_load %arg8[%swap3A_404] {strides = array<i32>} : memref<128xi32, #tpu.memory_space<vmem>>, vector<16xi32>,
          %swap3A_406 = vector.shape_cast %swap3A_405 : vector<16xi32> to vector<16xi32>
          %swap3A_407 = vector.shape_cast %get3A_403 : vector<16xi32> to vector<16xi32>
          tpu.vector_store %arg8[%swap3A_404], %swap3A_407 {strides = array<i32>} : memref<128xi32, #tpu.memory_space<vmem>>, vector<16xi32>,
          %get3A_408 = arith.index_cast %add3A_359 : i32 to index
          %get3A_409 = arith.constant 96 : index
          %get3A_410 = tpu.vector_load %arg6[%get3A_408, %get3A_409] {strides = array<i32>} : memref<20x128xi32, #tpu.memory_space<vmem>>, vector<1x16xi32>,
          %get3A_411 = vector.shape_cast %get3A_410 : vector<1x16xi32> to vector<16xi32>
          %swap3A_412 = arith.constant 96 : index
          %swap3A_413 = tpu.vector_load %arg8[%swap3A_412] {strides = array<i32>} : memref<128xi32, #tpu.memory_space<vmem>>, vector<16xi32>,
          %swap3A_414 = vector.shape_cast %swap3A_413 : vector<16xi32> to vector<16xi32>
          %swap3A_415 = vector.shape_cast %get3A_411 : vector<16xi32> to vector<16xi32>
          tpu.vector_store %arg8[%swap3A_412], %swap3A_415 {strides = array<i32>} : memref<128xi32, #tpu.memory_space<vmem>>, vector<16xi32>,
          %get3A_416 = arith.index_cast %add3A_359 : i32 to index
          %get3A_417 = arith.constant 112 : index
          %get3A_418 = tpu.vector_load %arg6[%get3A_416, %get3A_417] {strides = array<i32>} : memref<20x128xi32, #tpu.memory_space<vmem>>, vector<1x16xi32>,
          %get3A_419 = vector.shape_cast %get3A_418 : vector<1x16xi32> to vector<16xi32>
          %swap3A_420 = arith.constant 112 : index
          %swap3A_421 = tpu.vector_load %arg8[%swap3A_420] {strides = array<i32>} : memref<128xi32, #tpu.memory_space<vmem>>, vector<16xi32>,
          %swap3A_422 = vector.shape_cast %swap3A_421 : vector<16xi32> to vector<16xi32>
          %swap3A_423 = vector.shape_cast %get3A_419 : vector<16xi32> to vector<16xi32>
          tpu.vector_store %arg8[%swap3A_420], %swap3A_423 {strides = array<i32>} : memref<128xi32, #tpu.memory_space<vmem>>, vector<16xi32>,
          %dma_start3A_424 = arith.constant 0 : i32
          %dma_start3A_425 = arith.constant 0 : i32
          %dma_start3A_426 = tpu.memref_slice %arg2[%dma_start3A_424, %dma_start3A_425] : memref<10240x128xf32, #tpu.memory_space<hbm>> -> memref<10240x128xf32, #tpu.memory_space<hbm>>
          tpu.enqueue_indirect_dma source(%dma_start3A_426 : memref<10240x128xf32, #tpu.memory_space<hbm>>) target(%arg11 : memref<128x128xf32, #tpu.memory_space<vmem>>) offsets(%arg8 : memref<128xi32, #tpu.memory_space<vmem>>) semaphore(%arg14 : memref<!tpu.dma_semaphore, #tpu.memory_space<semaphore_mem>>)
        } else {
        }
        %dma_wait3A_281 = arith.constant 0 : i32
        %dma_wait3A_282 = arith.constant 0 : i32
        %dma_wait3A_283 = tpu.memref_slice %arg2[%dma_wait3A_281, %dma_wait3A_282] : memref<10240x128xf32, #tpu.memory_space<hbm>> -> memref<10240x128xf32, #tpu.memory_space<hbm>>
        tpu.wait_indirect_dma semaphore(%arg15 : memref<!tpu.dma_semaphore, #tpu.memory_space<semaphore_mem>>) src(%dma_wait3A_283 : memref<10240x128xf32, #tpu.memory_space<hbm>>) dst(%arg12 : memref<128x128xf32, #tpu.memory_space<vmem>>)
        %add3A_284 = arith.constant 1 : i32
        %add3A_285 = arith.addi %mul3A_210, %add3A_284 : i32
        %get3A_286 = arith.index_cast %add3A_285 : i32 to index
        %get3A_287 = arith.constant 0 : index
        %get3A_288 = tpu.vector_load %arg7[%get3A_286, %get3A_287] {strides = array<i32>} : memref<20x128xi32, #tpu.memory_space<vmem>>, vector<1x16xi32>,
        %get3A_289 = vector.shape_cast %get3A_288 : vector<1x16xi32> to vector<16xi32>
        %swap3A_290 = arith.constant 0 : index
        %swap3A_291 = tpu.vector_load %arg10[%swap3A_290] {strides = array<i32>} : memref<128xi32, #tpu.memory_space<vmem>>, vector<16xi32>,
        %swap3A_292 = vector.shape_cast %swap3A_291 : vector<16xi32> to vector<16xi32>
        %swap3A_293 = vector.shape_cast %get3A_289 : vector<16xi32> to vector<16xi32>
        tpu.vector_store %arg10[%swap3A_290], %swap3A_293 {strides = array<i32>} : memref<128xi32, #tpu.memory_space<vmem>>, vector<16xi32>,
        %get3A_294 = arith.index_cast %add3A_285 : i32 to index
        %get3A_295 = arith.constant 16 : index
        %get3A_296 = tpu.vector_load %arg7[%get3A_294, %get3A_295] {strides = array<i32>} : memref<20x128xi32, #tpu.memory_space<vmem>>, vector<1x16xi32>,
        %get3A_297 = vector.shape_cast %get3A_296 : vector<1x16xi32> to vector<16xi32>
        %swap3A_298 = arith.constant 16 : index
        %swap3A_299 = tpu.vector_load %arg10[%swap3A_298] {strides = array<i32>} : memref<128xi32, #tpu.memory_space<vmem>>, vector<16xi32>,
        %swap3A_300 = vector.shape_cast %swap3A_299 : vector<16xi32> to vector<16xi32>
        %swap3A_301 = vector.shape_cast %get3A_297 : vector<16xi32> to vector<16xi32>
        tpu.vector_store %arg10[%swap3A_298], %swap3A_301 {strides = array<i32>} : memref<128xi32, #tpu.memory_space<vmem>>, vector<16xi32>,
        %get3A_302 = arith.index_cast %add3A_285 : i32 to index
        %get3A_303 = arith.constant 32 : index
        %get3A_304 = tpu.vector_load %arg7[%get3A_302, %get3A_303] {strides = array<i32>} : memref<20x128xi32, #tpu.memory_space<vmem>>, vector<1x16xi32>,
        %get3A_305 = vector.shape_cast %get3A_304 : vector<1x16xi32> to vector<16xi32>
        %swap3A_306 = arith.constant 32 : index
        %swap3A_307 = tpu.vector_load %arg10[%swap3A_306] {strides = array<i32>} : memref<128xi32, #tpu.memory_space<vmem>>, vector<16xi32>,
        %swap3A_308 = vector.shape_cast %swap3A_307 : vector<16xi32> to vector<16xi32>
        %swap3A_309 = vector.shape_cast %get3A_305 : vector<16xi32> to vector<16xi32>
        tpu.vector_store %arg10[%swap3A_306], %swap3A_309 {strides = array<i32>} : memref<128xi32, #tpu.memory_space<vmem>>, vector<16xi32>,
        %get3A_310 = arith.index_cast %add3A_285 : i32 to index
        %get3A_311 = arith.constant 48 : index
        %get3A_312 = tpu.vector_load %arg7[%get3A_310, %get3A_311] {strides = array<i32>} : memref<20x128xi32, #tpu.memory_space<vmem>>, vector<1x16xi32>,
        %get3A_313 = vector.shape_cast %get3A_312 : vector<1x16xi32> to vector<16xi32>
        %swap3A_314 = arith.constant 48 : index
        %swap3A_315 = tpu.vector_load %arg10[%swap3A_314] {strides = array<i32>} : memref<128xi32, #tpu.memory_space<vmem>>, vector<16xi32>,
        %swap3A_316 = vector.shape_cast %swap3A_315 : vector<16xi32> to vector<16xi32>
        %swap3A_317 = vector.shape_cast %get3A_313 : vector<16xi32> to vector<16xi32>
        tpu.vector_store %arg10[%swap3A_314], %swap3A_317 {strides = array<i32>} : memref<128xi32, #tpu.memory_space<vmem>>, vector<16xi32>,
        %get3A_318 = arith.index_cast %add3A_285 : i32 to index
        %get3A_319 = arith.constant 64 : index
        %get3A_320 = tpu.vector_load %arg7[%get3A_318, %get3A_319] {strides = array<i32>} : memref<20x128xi32, #tpu.memory_space<vmem>>, vector<1x16xi32>,
        %get3A_321 = vector.shape_cast %get3A_320 : vector<1x16xi32> to vector<16xi32>
        %swap3A_322 = arith.constant 64 : index
        %swap3A_323 = tpu.vector_load %arg10[%swap3A_322] {strides = array<i32>} : memref<128xi32, #tpu.memory_space<vmem>>, vector<16xi32>,
        %swap3A_324 = vector.shape_cast %swap3A_323 : vector<16xi32> to vector<16xi32>
        %swap3A_325 = vector.shape_cast %get3A_321 : vector<16xi32> to vector<16xi32>
        tpu.vector_store %arg10[%swap3A_322], %swap3A_325 {strides = array<i32>} : memref<128xi32, #tpu.memory_space<vmem>>, vector<16xi32>,
        %get3A_326 = arith.index_cast %add3A_285 : i32 to index
        %get3A_327 = arith.constant 80 : index
        %get3A_328 = tpu.vector_load %arg7[%get3A_326, %get3A_327] {strides = array<i32>} : memref<20x128xi32, #tpu.memory_space<vmem>>, vector<1x16xi32>,
        %get3A_329 = vector.shape_cast %get3A_328 : vector<1x16xi32> to vector<16xi32>
        %swap3A_330 = arith.constant 80 : index
        %swap3A_331 = tpu.vector_load %arg10[%swap3A_330] {strides = array<i32>} : memref<128xi32, #tpu.memory_space<vmem>>, vector<16xi32>,
        %swap3A_332 = vector.shape_cast %swap3A_331 : vector<16xi32> to vector<16xi32>
        %swap3A_333 = vector.shape_cast %get3A_329 : vector<16xi32> to vector<16xi32>
        tpu.vector_store %arg10[%swap3A_330], %swap3A_333 {strides = array<i32>} : memref<128xi32, #tpu.memory_space<vmem>>, vector<16xi32>,
        %get3A_334 = arith.index_cast %add3A_285 : i32 to index
        %get3A_335 = arith.constant 96 : index
        %get3A_336 = tpu.vector_load %arg7[%get3A_334, %get3A_335] {strides = array<i32>} : memref<20x128xi32, #tpu.memory_space<vmem>>, vector<1x16xi32>,
        %get3A_337 = vector.shape_cast %get3A_336 : vector<1x16xi32> to vector<16xi32>
        %swap3A_338 = arith.constant 96 : index
        %swap3A_339 = tpu.vector_load %arg10[%swap3A_338] {strides = array<i32>} : memref<128xi32, #tpu.memory_space<vmem>>, vector<16xi32>,
        %swap3A_340 = vector.shape_cast %swap3A_339 : vector<16xi32> to vector<16xi32>
        %swap3A_341 = vector.shape_cast %get3A_337 : vector<16xi32> to vector<16xi32>
        tpu.vector_store %arg10[%swap3A_338], %swap3A_341 {strides = array<i32>} : memref<128xi32, #tpu.memory_space<vmem>>, vector<16xi32>,
        %get3A_342 = arith.index_cast %add3A_285 : i32 to index
        %get3A_343 = arith.constant 112 : index
        %get3A_344 = tpu.vector_load %arg7[%get3A_342, %get3A_343] {strides = array<i32>} : memref<20x128xi32, #tpu.memory_space<vmem>>, vector<1x16xi32>,
        %get3A_345 = vector.shape_cast %get3A_344 : vector<1x16xi32> to vector<16xi32>
        %swap3A_346 = arith.constant 112 : index
        %swap3A_347 = tpu.vector_load %arg10[%swap3A_346] {strides = array<i32>} : memref<128xi32, #tpu.memory_space<vmem>>, vector<16xi32>,
        %swap3A_348 = vector.shape_cast %swap3A_347 : vector<16xi32> to vector<16xi32>
        %swap3A_349 = vector.shape_cast %get3A_345 : vector<16xi32> to vector<16xi32>
        tpu.vector_store %arg10[%swap3A_346], %swap3A_349 {strides = array<i32>} : memref<128xi32, #tpu.memory_space<vmem>>, vector<16xi32>,
        "tpu.region"() ({
          %run_scoped3A = tpu.sem_alloc : memref<!tpu.dma_semaphore, #tpu.memory_space<semaphore_mem>>
          %dma_start3A_358 = arith.constant 0 : i32
          %dma_start3A_359 = arith.constant 0 : i32
          %dma_start3A_360 = tpu.memref_slice %arg13[%dma_start3A_358, %dma_start3A_359] : memref<10240x128xf32, #tpu.memory_space<vmem_shared>> -> memref<10240x128xf32, #tpu.memory_space<vmem_shared>>
          tpu.enqueue_indirect_dma source(%arg12 : memref<128x128xf32, #tpu.memory_space<vmem>>) target(%dma_start3A_360 : memref<10240x128xf32, #tpu.memory_space<vmem_shared>>) offsets(%arg10 : memref<128xi32, #tpu.memory_space<vmem>>) semaphore(%run_scoped3A : memref<!tpu.dma_semaphore, #tpu.memory_space<semaphore_mem>>) {add = true}
          %dma_wait3A_361 = arith.constant 0 : i32
          %dma_wait3A_362 = arith.constant 0 : i32
          %dma_wait3A_363 = tpu.memref_slice %arg13[%dma_wait3A_361, %dma_wait3A_362] : memref<10240x128xf32, #tpu.memory_space<vmem_shared>> -> memref<10240x128xf32, #tpu.memory_space<vmem_shared>>
          tpu.wait_indirect_dma semaphore(%run_scoped3A : memref<!tpu.dma_semaphore, #tpu.memory_space<semaphore_mem>>) src(%arg12 : memref<128x128xf32, #tpu.memory_space<vmem>>) dst(%dma_wait3A_363 : memref<10240x128xf32, #tpu.memory_space<vmem_shared>>)
          tpu.yield
        }) : () -> ()
        %add3A_350 = arith.constant 3 : i32
        %add3A_351 = arith.addi %mul3A_210, %add3A_350 : i32
        %lt3A_352 = arith.constant 20 : i32
        %lt3A_353 = arith.cmpi slt, %add3A_351, %lt3A_352 : i32
        %convert_element_type3A_354 = arith.extui %lt3A_353 : i1 to i32
        %cond3A_355 = arith.constant 0 : i32
        %cond3A_356 = arith.cmpi ne, %convert_element_type3A_354, %cond3A_355 : i32
        scf.if %cond3A_356 {
          %add3A_358 = arith.constant 3 : i32
          %add3A_359 = arith.addi %mul3A_210, %add3A_358 : i32
          %get3A_360 = arith.index_cast %add3A_359 : i32 to index
          %get3A_361 = arith.constant 0 : index
          %get3A_362 = tpu.vector_load %arg6[%get3A_360, %get3A_361] {strides = array<i32>} : memref<20x128xi32, #tpu.memory_space<vmem>>, vector<1x16xi32>,
          %get3A_363 = vector.shape_cast %get3A_362 : vector<1x16xi32> to vector<16xi32>
          %swap3A_364 = arith.constant 0 : index
          %swap3A_365 = tpu.vector_load %arg9[%swap3A_364] {strides = array<i32>} : memref<128xi32, #tpu.memory_space<vmem>>, vector<16xi32>,
          %swap3A_366 = vector.shape_cast %swap3A_365 : vector<16xi32> to vector<16xi32>
          %swap3A_367 = vector.shape_cast %get3A_363 : vector<16xi32> to vector<16xi32>
          tpu.vector_store %arg9[%swap3A_364], %swap3A_367 {strides = array<i32>} : memref<128xi32, #tpu.memory_space<vmem>>, vector<16xi32>,
          %get3A_368 = arith.index_cast %add3A_359 : i32 to index
          %get3A_369 = arith.constant 16 : index
          %get3A_370 = tpu.vector_load %arg6[%get3A_368, %get3A_369] {strides = array<i32>} : memref<20x128xi32, #tpu.memory_space<vmem>>, vector<1x16xi32>,
          %get3A_371 = vector.shape_cast %get3A_370 : vector<1x16xi32> to vector<16xi32>
          %swap3A_372 = arith.constant 16 : index
          %swap3A_373 = tpu.vector_load %arg9[%swap3A_372] {strides = array<i32>} : memref<128xi32, #tpu.memory_space<vmem>>, vector<16xi32>,
          %swap3A_374 = vector.shape_cast %swap3A_373 : vector<16xi32> to vector<16xi32>
          %swap3A_375 = vector.shape_cast %get3A_371 : vector<16xi32> to vector<16xi32>
          tpu.vector_store %arg9[%swap3A_372], %swap3A_375 {strides = array<i32>} : memref<128xi32, #tpu.memory_space<vmem>>, vector<16xi32>,
          %get3A_376 = arith.index_cast %add3A_359 : i32 to index
          %get3A_377 = arith.constant 32 : index
          %get3A_378 = tpu.vector_load %arg6[%get3A_376, %get3A_377] {strides = array<i32>} : memref<20x128xi32, #tpu.memory_space<vmem>>, vector<1x16xi32>,
          %get3A_379 = vector.shape_cast %get3A_378 : vector<1x16xi32> to vector<16xi32>
          %swap3A_380 = arith.constant 32 : index
          %swap3A_381 = tpu.vector_load %arg9[%swap3A_380] {strides = array<i32>} : memref<128xi32, #tpu.memory_space<vmem>>, vector<16xi32>,
          %swap3A_382 = vector.shape_cast %swap3A_381 : vector<16xi32> to vector<16xi32>
          %swap3A_383 = vector.shape_cast %get3A_379 : vector<16xi32> to vector<16xi32>
          tpu.vector_store %arg9[%swap3A_380], %swap3A_383 {strides = array<i32>} : memref<128xi32, #tpu.memory_space<vmem>>, vector<16xi32>,
          %get3A_384 = arith.index_cast %add3A_359 : i32 to index
          %get3A_385 = arith.constant 48 : index
          %get3A_386 = tpu.vector_load %arg6[%get3A_384, %get3A_385] {strides = array<i32>} : memref<20x128xi32, #tpu.memory_space<vmem>>, vector<1x16xi32>,
          %get3A_387 = vector.shape_cast %get3A_386 : vector<1x16xi32> to vector<16xi32>
          %swap3A_388 = arith.constant 48 : index
          %swap3A_389 = tpu.vector_load %arg9[%swap3A_388] {strides = array<i32>} : memref<128xi32, #tpu.memory_space<vmem>>, vector<16xi32>,
          %swap3A_390 = vector.shape_cast %swap3A_389 : vector<16xi32> to vector<16xi32>
          %swap3A_391 = vector.shape_cast %get3A_387 : vector<16xi32> to vector<16xi32>
          tpu.vector_store %arg9[%swap3A_388], %swap3A_391 {strides = array<i32>} : memref<128xi32, #tpu.memory_space<vmem>>, vector<16xi32>,
          %get3A_392 = arith.index_cast %add3A_359 : i32 to index
          %get3A_393 = arith.constant 64 : index
          %get3A_394 = tpu.vector_load %arg6[%get3A_392, %get3A_393] {strides = array<i32>} : memref<20x128xi32, #tpu.memory_space<vmem>>, vector<1x16xi32>,
          %get3A_395 = vector.shape_cast %get3A_394 : vector<1x16xi32> to vector<16xi32>
          %swap3A_396 = arith.constant 64 : index
          %swap3A_397 = tpu.vector_load %arg9[%swap3A_396] {strides = array<i32>} : memref<128xi32, #tpu.memory_space<vmem>>, vector<16xi32>,
          %swap3A_398 = vector.shape_cast %swap3A_397 : vector<16xi32> to vector<16xi32>
          %swap3A_399 = vector.shape_cast %get3A_395 : vector<16xi32> to vector<16xi32>
          tpu.vector_store %arg9[%swap3A_396], %swap3A_399 {strides = array<i32>} : memref<128xi32, #tpu.memory_space<vmem>>, vector<16xi32>,
          %get3A_400 = arith.index_cast %add3A_359 : i32 to index
          %get3A_401 = arith.constant 80 : index
          %get3A_402 = tpu.vector_load %arg6[%get3A_400, %get3A_401] {strides = array<i32>} : memref<20x128xi32, #tpu.memory_space<vmem>>, vector<1x16xi32>,
          %get3A_403 = vector.shape_cast %get3A_402 : vector<1x16xi32> to vector<16xi32>
          %swap3A_404 = arith.constant 80 : index
          %swap3A_405 = tpu.vector_load %arg9[%swap3A_404] {strides = array<i32>} : memref<128xi32, #tpu.memory_space<vmem>>, vector<16xi32>,
          %swap3A_406 = vector.shape_cast %swap3A_405 : vector<16xi32> to vector<16xi32>
          %swap3A_407 = vector.shape_cast %get3A_403 : vector<16xi32> to vector<16xi32>
          tpu.vector_store %arg9[%swap3A_404], %swap3A_407 {strides = array<i32>} : memref<128xi32, #tpu.memory_space<vmem>>, vector<16xi32>,
          %get3A_408 = arith.index_cast %add3A_359 : i32 to index
          %get3A_409 = arith.constant 96 : index
          %get3A_410 = tpu.vector_load %arg6[%get3A_408, %get3A_409] {strides = array<i32>} : memref<20x128xi32, #tpu.memory_space<vmem>>, vector<1x16xi32>,
          %get3A_411 = vector.shape_cast %get3A_410 : vector<1x16xi32> to vector<16xi32>
          %swap3A_412 = arith.constant 96 : index
          %swap3A_413 = tpu.vector_load %arg9[%swap3A_412] {strides = array<i32>} : memref<128xi32, #tpu.memory_space<vmem>>, vector<16xi32>,
          %swap3A_414 = vector.shape_cast %swap3A_413 : vector<16xi32> to vector<16xi32>
          %swap3A_415 = vector.shape_cast %get3A_411 : vector<16xi32> to vector<16xi32>
          tpu.vector_store %arg9[%swap3A_412], %swap3A_415 {strides = array<i32>} : memref<128xi32, #tpu.memory_space<vmem>>, vector<16xi32>,
          %get3A_416 = arith.index_cast %add3A_359 : i32 to index
          %get3A_417 = arith.constant 112 : index
          %get3A_418 = tpu.vector_load %arg6[%get3A_416, %get3A_417] {strides = array<i32>} : memref<20x128xi32, #tpu.memory_space<vmem>>, vector<1x16xi32>,
          %get3A_419 = vector.shape_cast %get3A_418 : vector<1x16xi32> to vector<16xi32>
          %swap3A_420 = arith.constant 112 : index
          %swap3A_421 = tpu.vector_load %arg9[%swap3A_420] {strides = array<i32>} : memref<128xi32, #tpu.memory_space<vmem>>, vector<16xi32>,
          %swap3A_422 = vector.shape_cast %swap3A_421 : vector<16xi32> to vector<16xi32>
          %swap3A_423 = vector.shape_cast %get3A_419 : vector<16xi32> to vector<16xi32>
          tpu.vector_store %arg9[%swap3A_420], %swap3A_423 {strides = array<i32>} : memref<128xi32, #tpu.memory_space<vmem>>, vector<16xi32>,
          %dma_start3A_424 = arith.constant 0 : i32
          %dma_start3A_425 = arith.constant 0 : i32
          %dma_start3A_426 = tpu.memref_slice %arg2[%dma_start3A_424, %dma_start3A_425] : memref<10240x128xf32, #tpu.memory_space<hbm>> -> memref<10240x128xf32, #tpu.memory_space<hbm>>
          tpu.enqueue_indirect_dma source(%dma_start3A_426 : memref<10240x128xf32, #tpu.memory_space<hbm>>) target(%arg12 : memref<128x128xf32, #tpu.memory_space<vmem>>) offsets(%arg9 : memref<128xi32, #tpu.memory_space<vmem>>) semaphore(%arg15 : memref<!tpu.dma_semaphore, #tpu.memory_space<semaphore_mem>>)
        } else {
        }
        %scan3A_357 = arith.constant 0 : i32
        scf.yield %scan3A_357 : i32
      }
      %scan3A_205 = arith.constant 10 : i32
      %while3A_206 = arith.constant 0 : i32
      scf.yield %while3A_206 : i32
    }
    %barrier3A_43 = arith.constant 0 : index
    tpu.barrier barrier_id(%barrier3A_43)
    %mul3A_44 = arith.constant 640 : i32
    %mul3A_45 = arith.muli %arg1, %mul3A_44 : i32
    %mul3A_46 = arith.constant 640 : i32
    %mul3A_47 = arith.muli %arg1, %mul3A_46 : i32
    "tpu.region"() ({
      %run_scoped3A = tpu.sem_alloc : memref<!tpu.dma_semaphore, #tpu.memory_space<semaphore_mem>>
      %dma_start3A = arith.constant 0 : i32
      %dma_start3A_48 = tpu.memref_slice %arg5[%arg0, %mul3A_47, %dma_start3A] : memref<2x10240x128xf32, #tpu.memory_space<hbm>> -> memref<1x640x128xf32, #tpu.memory_space<hbm>>
      %dma_start3A_49 = tpu.memref_squeeze %dma_start3A_48 : memref<1x640x128xf32, #tpu.memory_space<hbm>> -> memref<640x128xf32, #tpu.memory_space<hbm>>
      %dma_start3A_50 = arith.constant 0 : i32
      %dma_start3A_51 = tpu.memref_slice %arg13[%mul3A_45, %dma_start3A_50] : memref<10240x128xf32, #tpu.memory_space<vmem_shared>> -> memref<640x128xf32, #tpu.memory_space<vmem_shared>>
      tpu.enqueue_dma source(%dma_start3A_51 : memref<640x128xf32, #tpu.memory_space<vmem_shared>>) target(%dma_start3A_49 : memref<640x128xf32, #tpu.memory_space<hbm>>) target_semaphore(%run_scoped3A : memref<!tpu.dma_semaphore, #tpu.memory_space<semaphore_mem>>)
      %dma_wait3A = arith.constant 0 : i32
      %dma_wait3A_52 = tpu.memref_slice %arg5[%arg0, %mul3A_47, %dma_wait3A] : memref<2x10240x128xf32, #tpu.memory_space<hbm>> -> memref<1x640x128xf32, #tpu.memory_space<hbm>>
      %dma_wait3A_53 = tpu.memref_squeeze %dma_wait3A_52 : memref<1x640x128xf32, #tpu.memory_space<hbm>> -> memref<640x128xf32, #tpu.memory_space<hbm>>
      %dma_wait3A_54 = arith.constant 0 : i32
      %dma_wait3A_55 = tpu.memref_slice %arg13[%mul3A_45, %dma_wait3A_54] : memref<10240x128xf32, #tpu.memory_space<vmem_shared>> -> memref<640x128xf32, #tpu.memory_space<vmem_shared>>
      tpu.wait_dma2 semaphore(%run_scoped3A : memref<!tpu.dma_semaphore, #tpu.memory_space<semaphore_mem>>) src(%dma_wait3A_55 : memref<640x128xf32, #tpu.memory_space<vmem_shared>>) dst(%dma_wait3A_53 : memref<640x128xf32, #tpu.memory_space<hbm>>)
      tpu.yield
    }) : () -> ()
    return
  }
}

#map = affine_map<(d0, d1) -> (0, 0)>
#map1 = affine_map<(d0, d1) -> (0, 0, 0)>
module attributes {stable_mosaic.version = 14 : i64} {
  func.func @_prop_kernel(%arg0: i32, %arg1: i32, %arg2: memref<10240x128xf32, #tpu.memory_space<hbm>>, %arg3: memref<128x20x128xi32, #tpu.memory_space<hbm>>, %arg4: memref<128x20x128xi32, #tpu.memory_space<hbm>>, %arg5: memref<2x10240x128xf32, #tpu.memory_space<hbm>>, %arg6: memref<20x128xi32, #tpu.memory_space<vmem>>, %arg7: memref<20x128xi32, #tpu.memory_space<vmem>>, %arg8: memref<128xi32, #tpu.memory_space<vmem>>, %arg9: memref<128xi32, #tpu.memory_space<vmem>>, %arg10: memref<128xi32, #tpu.memory_space<vmem>>, %arg11: memref<128x128xf32, #tpu.memory_space<vmem>>, %arg12: memref<128x128xf32, #tpu.memory_space<vmem>>, %arg13: memref<10240x128xf32, #tpu.memory_space<vmem_shared>>, %arg14: memref<!tpu.dma_semaphore, #tpu.memory_space<semaphore_mem>>, %arg15: memref<!tpu.dma_semaphore, #tpu.memory_space<semaphore_mem>>) attributes {dimension_semantics = [#tpu.dimension_semantics<core_parallel>, #tpu.dimension_semantics<subcore_parallel>], iteration_bounds = array<i64: 2, 16>, scalar_prefetch = 0 : i64, scratch_operands = 10 : i64, tpu.core_type = #tpu.core_type<sc_vector_subcore>, window_params = [{transform_indices = #map}, {transform_indices = #map1}, {transform_indices = #map1}, {transform_indices = #map1}]} {
    %eq3A = arith.constant 0 : i32
    %eq3A_0 = arith.cmpi eq, %arg0, %eq3A : i32
    %jit3A = arith.constant 6 : i32
    %jit3A_1 = arith.constant 2 : i32
    %select_n3A = arith.select %eq3A_0, %jit3A, %jit3A_1 : i32
    %mul3A = arith.constant 8 : i32
    %mul3A_2 = arith.muli %arg1, %mul3A : i32
    %mul3A_3 = arith.constant 6 : i32
    %mul3A_4 = arith.muli %arg0, %mul3A_3 : i32
    %add3A = arith.addi %mul3A_2, %mul3A_4 : i32
    %broadcast_in_dim3A = arith.constant 0.000000e+00 : f32
    %broadcast_in_dim3A_5 = vector.broadcast %broadcast_in_dim3A : f32 to vector<16xf32>
    %scan3A = arith.constant 0 : i32
    %scan3A_6 = arith.constant 0 : i32
    %scan3A_7 = arith.constant 128 : i32
    %scan3A_8 = arith.addi %scan3A_6, %scan3A_7 : i32
    %scan3A_9 = arith.constant 1 : i32
    %scan3A_10 = scf.for %scan3A_48 = %scan3A_6 to %scan3A_8 step %scan3A_9 iter_args(%scan3A_49 = %scan3A) -> (i32)  : i32 {
      %swap3A = arith.index_cast %scan3A_48 : i32 to index
      %swap3A_50 = arith.constant 0 : index
      %swap3A_51 = tpu.vector_load %arg11[%swap3A, %swap3A_50] {strides = array<i32>} : memref<128x128xf32, #tpu.memory_space<vmem>>, vector<1x16xf32>,
      %swap3A_52 = vector.shape_cast %swap3A_51 : vector<1x16xf32> to vector<16xf32>
      %swap3A_53 = vector.shape_cast %broadcast_in_dim3A_5 : vector<16xf32> to vector<1x16xf32>
      tpu.vector_store %arg11[%swap3A, %swap3A_50], %swap3A_53 {strides = array<i32>} : memref<128x128xf32, #tpu.memory_space<vmem>>, vector<1x16xf32>,
      %swap3A_54 = arith.index_cast %scan3A_48 : i32 to index
      %swap3A_55 = arith.constant 16 : index
      %swap3A_56 = tpu.vector_load %arg11[%swap3A_54, %swap3A_55] {strides = array<i32>} : memref<128x128xf32, #tpu.memory_space<vmem>>, vector<1x16xf32>,
      %swap3A_57 = vector.shape_cast %swap3A_56 : vector<1x16xf32> to vector<16xf32>
      %swap3A_58 = vector.shape_cast %broadcast_in_dim3A_5 : vector<16xf32> to vector<1x16xf32>
      tpu.vector_store %arg11[%swap3A_54, %swap3A_55], %swap3A_58 {strides = array<i32>} : memref<128x128xf32, #tpu.memory_space<vmem>>, vector<1x16xf32>,
      %swap3A_59 = arith.index_cast %scan3A_48 : i32 to index
      %swap3A_60 = arith.constant 32 : index
      %swap3A_61 = tpu.vector_load %arg11[%swap3A_59, %swap3A_60] {strides = array<i32>} : memref<128x128xf32, #tpu.memory_space<vmem>>, vector<1x16xf32>,
      %swap3A_62 = vector.shape_cast %swap3A_61 : vector<1x16xf32> to vector<16xf32>
      %swap3A_63 = vector.shape_cast %broadcast_in_dim3A_5 : vector<16xf32> to vector<1x16xf32>
      tpu.vector_store %arg11[%swap3A_59, %swap3A_60], %swap3A_63 {strides = array<i32>} : memref<128x128xf32, #tpu.memory_space<vmem>>, vector<1x16xf32>,
      %swap3A_64 = arith.index_cast %scan3A_48 : i32 to index
      %swap3A_65 = arith.constant 48 : index
      %swap3A_66 = tpu.vector_load %arg11[%swap3A_64, %swap3A_65] {strides = array<i32>} : memref<128x128xf32, #tpu.memory_space<vmem>>, vector<1x16xf32>,
      %swap3A_67 = vector.shape_cast %swap3A_66 : vector<1x16xf32> to vector<16xf32>
      %swap3A_68 = vector.shape_cast %broadcast_in_dim3A_5 : vector<16xf32> to vector<1x16xf32>
      tpu.vector_store %arg11[%swap3A_64, %swap3A_65], %swap3A_68 {strides = array<i32>} : memref<128x128xf32, #tpu.memory_space<vmem>>, vector<1x16xf32>,
      %swap3A_69 = arith.index_cast %scan3A_48 : i32 to index
      %swap3A_70 = arith.constant 64 : index
      %swap3A_71 = tpu.vector_load %arg11[%swap3A_69, %swap3A_70] {strides = array<i32>} : memref<128x128xf32, #tpu.memory_space<vmem>>, vector<1x16xf32>,
      %swap3A_72 = vector.shape_cast %swap3A_71 : vector<1x16xf32> to vector<16xf32>
      %swap3A_73 = vector.shape_cast %broadcast_in_dim3A_5 : vector<16xf32> to vector<1x16xf32>
      tpu.vector_store %arg11[%swap3A_69, %swap3A_70], %swap3A_73 {strides = array<i32>} : memref<128x128xf32, #tpu.memory_space<vmem>>, vector<1x16xf32>,
      %swap3A_74 = arith.index_cast %scan3A_48 : i32 to index
      %swap3A_75 = arith.constant 80 : index
      %swap3A_76 = tpu.vector_load %arg11[%swap3A_74, %swap3A_75] {strides = array<i32>} : memref<128x128xf32, #tpu.memory_space<vmem>>, vector<1x16xf32>,
      %swap3A_77 = vector.shape_cast %swap3A_76 : vector<1x16xf32> to vector<16xf32>
      %swap3A_78 = vector.shape_cast %broadcast_in_dim3A_5 : vector<16xf32> to vector<1x16xf32>
      tpu.vector_store %arg11[%swap3A_74, %swap3A_75], %swap3A_78 {strides = array<i32>} : memref<128x128xf32, #tpu.memory_space<vmem>>, vector<1x16xf32>,
      %swap3A_79 = arith.index_cast %scan3A_48 : i32 to index
      %swap3A_80 = arith.constant 96 : index
      %swap3A_81 = tpu.vector_load %arg11[%swap3A_79, %swap3A_80] {strides = array<i32>} : memref<128x128xf32, #tpu.memory_space<vmem>>, vector<1x16xf32>,
      %swap3A_82 = vector.shape_cast %swap3A_81 : vector<1x16xf32> to vector<16xf32>
      %swap3A_83 = vector.shape_cast %broadcast_in_dim3A_5 : vector<16xf32> to vector<1x16xf32>
      tpu.vector_store %arg11[%swap3A_79, %swap3A_80], %swap3A_83 {strides = array<i32>} : memref<128x128xf32, #tpu.memory_space<vmem>>, vector<1x16xf32>,
      %swap3A_84 = arith.index_cast %scan3A_48 : i32 to index
      %swap3A_85 = arith.constant 112 : index
      %swap3A_86 = tpu.vector_load %arg11[%swap3A_84, %swap3A_85] {strides = array<i32>} : memref<128x128xf32, #tpu.memory_space<vmem>>, vector<1x16xf32>,
      %swap3A_87 = vector.shape_cast %swap3A_86 : vector<1x16xf32> to vector<16xf32>
      %swap3A_88 = vector.shape_cast %broadcast_in_dim3A_5 : vector<16xf32> to vector<1x16xf32>
      tpu.vector_store %arg11[%swap3A_84, %swap3A_85], %swap3A_88 {strides = array<i32>} : memref<128x128xf32, #tpu.memory_space<vmem>>, vector<1x16xf32>,
      %scan3A_89 = arith.constant 0 : i32
      scf.yield %scan3A_89 : i32
    }
    %scan3A_11 = arith.constant 128 : i32
    %mul3A_12 = arith.constant 640 : i32
    %mul3A_13 = arith.muli %arg1, %mul3A_12 : i32
    %add3A_14 = arith.constant 0 : i32
    %add3A_15 = arith.addi %mul3A_13, %add3A_14 : i32
    "tpu.region"() ({
      %run_scoped3A = tpu.sem_alloc : memref<!tpu.dma_semaphore, #tpu.memory_space<semaphore_mem>>
      %dma_start3A = arith.constant 0 : i32
      %dma_start3A_48 = tpu.memref_slice %arg13[%add3A_15, %dma_start3A] : memref<10240x128xf32, #tpu.memory_space<vmem_shared>> -> memref<128x128xf32, #tpu.memory_space<vmem_shared>>
      %dma_start3A_49 = arith.constant 0 : i32
      %dma_start3A_50 = tpu.memref_slice %arg13[%add3A_15, %dma_start3A_49] : memref<10240x128xf32, #tpu.memory_space<vmem_shared>> -> memref<128x128xf32, #tpu.memory_space<vmem_shared>>
      tpu.enqueue_dma source(%arg11 : memref<128x128xf32, #tpu.memory_space<vmem>>) target(%dma_start3A_50 : memref<128x128xf32, #tpu.memory_space<vmem_shared>>) target_semaphore(%run_scoped3A : memref<!tpu.dma_semaphore, #tpu.memory_space<semaphore_mem>>)
      %dma_wait3A = arith.constant 0 : i32
      %dma_wait3A_51 = tpu.memref_slice %arg13[%add3A_15, %dma_wait3A] : memref<10240x128xf32, #tpu.memory_space<vmem_shared>> -> memref<128x128xf32, #tpu.memory_space<vmem_shared>>
      %dma_wait3A_52 = arith.constant 0 : i32
      %dma_wait3A_53 = tpu.memref_slice %arg13[%add3A_15, %dma_wait3A_52] : memref<10240x128xf32, #tpu.memory_space<vmem_shared>> -> memref<128x128xf32, #tpu.memory_space<vmem_shared>>
      tpu.wait_dma2 semaphore(%run_scoped3A : memref<!tpu.dma_semaphore, #tpu.memory_space<semaphore_mem>>) src(%arg11 : memref<128x128xf32, #tpu.memory_space<vmem>>) dst(%dma_wait3A_53 : memref<128x128xf32, #tpu.memory_space<vmem_shared>>)
      tpu.yield
    }) : () -> ()
    %mul3A_16 = arith.constant 640 : i32
    %mul3A_17 = arith.muli %arg1, %mul3A_16 : i32
    %add3A_18 = arith.constant 128 : i32
    %add3A_19 = arith.addi %mul3A_17, %add3A_18 : i32
    "tpu.region"() ({
      %run_scoped3A = tpu.sem_alloc : memref<!tpu.dma_semaphore, #tpu.memory_space<semaphore_mem>>
      %dma_start3A = arith.constant 0 : i32
      %dma_start3A_48 = tpu.memref_slice %arg13[%add3A_19, %dma_start3A] : memref<10240x128xf32, #tpu.memory_space<vmem_shared>> -> memref<128x128xf32, #tpu.memory_space<vmem_shared>>
      %dma_start3A_49 = arith.constant 0 : i32
      %dma_start3A_50 = tpu.memref_slice %arg13[%add3A_19, %dma_start3A_49] : memref<10240x128xf32, #tpu.memory_space<vmem_shared>> -> memref<128x128xf32, #tpu.memory_space<vmem_shared>>
      tpu.enqueue_dma source(%arg11 : memref<128x128xf32, #tpu.memory_space<vmem>>) target(%dma_start3A_50 : memref<128x128xf32, #tpu.memory_space<vmem_shared>>) target_semaphore(%run_scoped3A : memref<!tpu.dma_semaphore, #tpu.memory_space<semaphore_mem>>)
      %dma_wait3A = arith.constant 0 : i32
      %dma_wait3A_51 = tpu.memref_slice %arg13[%add3A_19, %dma_wait3A] : memref<10240x128xf32, #tpu.memory_space<vmem_shared>> -> memref<128x128xf32, #tpu.memory_space<vmem_shared>>
      %dma_wait3A_52 = arith.constant 0 : i32
      %dma_wait3A_53 = tpu.memref_slice %arg13[%add3A_19, %dma_wait3A_52] : memref<10240x128xf32, #tpu.memory_space<vmem_shared>> -> memref<128x128xf32, #tpu.memory_space<vmem_shared>>
      tpu.wait_dma2 semaphore(%run_scoped3A : memref<!tpu.dma_semaphore, #tpu.memory_space<semaphore_mem>>) src(%arg11 : memref<128x128xf32, #tpu.memory_space<vmem>>) dst(%dma_wait3A_53 : memref<128x128xf32, #tpu.memory_space<vmem_shared>>)
      tpu.yield
    }) : () -> ()
    %mul3A_20 = arith.constant 640 : i32
    %mul3A_21 = arith.muli %arg1, %mul3A_20 : i32
    %add3A_22 = arith.constant 256 : i32
    %add3A_23 = arith.addi %mul3A_21, %add3A_22 : i32
    "tpu.region"() ({
      %run_scoped3A = tpu.sem_alloc : memref<!tpu.dma_semaphore, #tpu.memory_space<semaphore_mem>>
      %dma_start3A = arith.constant 0 : i32
      %dma_start3A_48 = tpu.memref_slice %arg13[%add3A_23, %dma_start3A] : memref<10240x128xf32, #tpu.memory_space<vmem_shared>> -> memref<128x128xf32, #tpu.memory_space<vmem_shared>>
      %dma_start3A_49 = arith.constant 0 : i32
      %dma_start3A_50 = tpu.memref_slice %arg13[%add3A_23, %dma_start3A_49] : memref<10240x128xf32, #tpu.memory_space<vmem_shared>> -> memref<128x128xf32, #tpu.memory_space<vmem_shared>>
      tpu.enqueue_dma source(%arg11 : memref<128x128xf32, #tpu.memory_space<vmem>>) target(%dma_start3A_50 : memref<128x128xf32, #tpu.memory_space<vmem_shared>>) target_semaphore(%run_scoped3A : memref<!tpu.dma_semaphore, #tpu.memory_space<semaphore_mem>>)
      %dma_wait3A = arith.constant 0 : i32
      %dma_wait3A_51 = tpu.memref_slice %arg13[%add3A_23, %dma_wait3A] : memref<10240x128xf32, #tpu.memory_space<vmem_shared>> -> memref<128x128xf32, #tpu.memory_space<vmem_shared>>
      %dma_wait3A_52 = arith.constant 0 : i32
      %dma_wait3A_53 = tpu.memref_slice %arg13[%add3A_23, %dma_wait3A_52] : memref<10240x128xf32, #tpu.memory_space<vmem_shared>> -> memref<128x128xf32, #tpu.memory_space<vmem_shared>>
      tpu.wait_dma2 semaphore(%run_scoped3A : memref<!tpu.dma_semaphore, #tpu.memory_space<semaphore_mem>>) src(%arg11 : memref<128x128xf32, #tpu.memory_space<vmem>>) dst(%dma_wait3A_53 : memref<128x128xf32, #tpu.memory_space<vmem_shared>>)
      tpu.yield
    }) : () -> ()
    %mul3A_24 = arith.constant 640 : i32
    %mul3A_25 = arith.muli %arg1, %mul3A_24 : i32
    %add3A_26 = arith.constant 384 : i32
    %add3A_27 = arith.addi %mul3A_25, %add3A_26 : i32
    "tpu.region"() ({
      %run_scoped3A = tpu.sem_alloc : memref<!tpu.dma_semaphore, #tpu.memory_space<semaphore_mem>>
      %dma_start3A = arith.constant 0 : i32
      %dma_start3A_48 = tpu.memref_slice %arg13[%add3A_27, %dma_start3A] : memref<10240x128xf32, #tpu.memory_space<vmem_shared>> -> memref<128x128xf32, #tpu.memory_space<vmem_shared>>
      %dma_start3A_49 = arith.constant 0 : i32
      %dma_start3A_50 = tpu.memref_slice %arg13[%add3A_27, %dma_start3A_49] : memref<10240x128xf32, #tpu.memory_space<vmem_shared>> -> memref<128x128xf32, #tpu.memory_space<vmem_shared>>
      tpu.enqueue_dma source(%arg11 : memref<128x128xf32, #tpu.memory_space<vmem>>) target(%dma_start3A_50 : memref<128x128xf32, #tpu.memory_space<vmem_shared>>) target_semaphore(%run_scoped3A : memref<!tpu.dma_semaphore, #tpu.memory_space<semaphore_mem>>)
      %dma_wait3A = arith.constant 0 : i32
      %dma_wait3A_51 = tpu.memref_slice %arg13[%add3A_27, %dma_wait3A] : memref<10240x128xf32, #tpu.memory_space<vmem_shared>> -> memref<128x128xf32, #tpu.memory_space<vmem_shared>>
      %dma_wait3A_52 = arith.constant 0 : i32
      %dma_wait3A_53 = tpu.memref_slice %arg13[%add3A_27, %dma_wait3A_52] : memref<10240x128xf32, #tpu.memory_space<vmem_shared>> -> memref<128x128xf32, #tpu.memory_space<vmem_shared>>
      tpu.wait_dma2 semaphore(%run_scoped3A : memref<!tpu.dma_semaphore, #tpu.memory_space<semaphore_mem>>) src(%arg11 : memref<128x128xf32, #tpu.memory_space<vmem>>) dst(%dma_wait3A_53 : memref<128x128xf32, #tpu.memory_space<vmem_shared>>)
      tpu.yield
    }) : () -> ()
    %mul3A_28 = arith.constant 640 : i32
    %mul3A_29 = arith.muli %arg1, %mul3A_28 : i32
    %add3A_30 = arith.constant 512 : i32
    %add3A_31 = arith.addi %mul3A_29, %add3A_30 : i32
    "tpu.region"() ({
      %run_scoped3A = tpu.sem_alloc : memref<!tpu.dma_semaphore, #tpu.memory_space<semaphore_mem>>
      %dma_start3A = arith.constant 0 : i32
      %dma_start3A_48 = tpu.memref_slice %arg13[%add3A_31, %dma_start3A] : memref<10240x128xf32, #tpu.memory_space<vmem_shared>> -> memref<128x128xf32, #tpu.memory_space<vmem_shared>>
      %dma_start3A_49 = arith.constant 0 : i32
      %dma_start3A_50 = tpu.memref_slice %arg13[%add3A_31, %dma_start3A_49] : memref<10240x128xf32, #tpu.memory_space<vmem_shared>> -> memref<128x128xf32, #tpu.memory_space<vmem_shared>>
      tpu.enqueue_dma source(%arg11 : memref<128x128xf32, #tpu.memory_space<vmem>>) target(%dma_start3A_50 : memref<128x128xf32, #tpu.memory_space<vmem_shared>>) target_semaphore(%run_scoped3A : memref<!tpu.dma_semaphore, #tpu.memory_space<semaphore_mem>>)
      %dma_wait3A = arith.constant 0 : i32
      %dma_wait3A_51 = tpu.memref_slice %arg13[%add3A_31, %dma_wait3A] : memref<10240x128xf32, #tpu.memory_space<vmem_shared>> -> memref<128x128xf32, #tpu.memory_space<vmem_shared>>
      %dma_wait3A_52 = arith.constant 0 : i32
      %dma_wait3A_53 = tpu.memref_slice %arg13[%add3A_31, %dma_wait3A_52] : memref<10240x128xf32, #tpu.memory_space<vmem_shared>> -> memref<128x128xf32, #tpu.memory_space<vmem_shared>>
      tpu.wait_dma2 semaphore(%run_scoped3A : memref<!tpu.dma_semaphore, #tpu.memory_space<semaphore_mem>>) src(%arg11 : memref<128x128xf32, #tpu.memory_space<vmem>>) dst(%dma_wait3A_53 : memref<128x128xf32, #tpu.memory_space<vmem_shared>>)
      tpu.yield
    }) : () -> ()
    %barrier3A = arith.constant 0 : index
    tpu.barrier barrier_id(%barrier3A)
    %while3A = arith.constant 0 : i32
    %while3A_32 = arith.constant 0 : i32
    %while3A_33 = arith.subi %select_n3A, %while3A : i32
    %while3A_34 = arith.addi %while3A, %while3A_33 : i32
    %while3A_35 = arith.constant 1 : i32
    %while3A_36 = arith.divsi %while3A_33, %while3A_35 : i32
    %while3A_37 = arith.muli %while3A_36, %while3A_35 : i32
    %while3A_38 = arith.addi %while3A, %while3A_37 : i32
    %while3A_39 = arith.constant 1 : i32
    %while3A_40 = scf.for %while3A_48 = %while3A to %while3A_38 step %while3A_39 iter_args(%while3A_49 = %while3A_32) -> (i32)  : i32 {
      %add3A_50 = arith.addi %add3A, %while3A_48 : i32
      "tpu.region"() ({
        %run_scoped3A = tpu.sem_alloc : memref<!tpu.dma_semaphore, #tpu.memory_space<semaphore_mem>>
        %dma_start3A_207 = arith.constant 0 : i32
        %dma_start3A_208 = arith.constant 0 : i32
        %dma_start3A_209 = tpu.memref_slice %arg3[%add3A_50, %dma_start3A_207, %dma_start3A_208] : memref<128x20x128xi32, #tpu.memory_space<hbm>> -> memref<1x20x128xi32, #tpu.memory_space<hbm>>
        %dma_start3A_210 = tpu.memref_squeeze %dma_start3A_209 : memref<1x20x128xi32, #tpu.memory_space<hbm>> -> memref<20x128xi32, #tpu.memory_space<hbm>>
        %dma_start3A_211 = arith.constant 0 : i32
        %dma_start3A_212 = arith.constant 0 : i32
        %dma_start3A_213 = tpu.memref_slice %arg3[%add3A_50, %dma_start3A_211, %dma_start3A_212] : memref<128x20x128xi32, #tpu.memory_space<hbm>> -> memref<1x20x128xi32, #tpu.memory_space<hbm>>
        %dma_start3A_214 = tpu.memref_squeeze %dma_start3A_213 : memref<1x20x128xi32, #tpu.memory_space<hbm>> -> memref<20x128xi32, #tpu.memory_space<hbm>>
        tpu.enqueue_dma source(%dma_start3A_214 : memref<20x128xi32, #tpu.memory_space<hbm>>) target(%arg6 : memref<20x128xi32, #tpu.memory_space<vmem>>) target_semaphore(%run_scoped3A : memref<!tpu.dma_semaphore, #tpu.memory_space<semaphore_mem>>)
        %dma_wait3A = arith.constant 0 : i32
        %dma_wait3A_215 = arith.constant 0 : i32
        %dma_wait3A_216 = tpu.memref_slice %arg3[%add3A_50, %dma_wait3A, %dma_wait3A_215] : memref<128x20x128xi32, #tpu.memory_space<hbm>> -> memref<1x20x128xi32, #tpu.memory_space<hbm>>
        %dma_wait3A_217 = tpu.memref_squeeze %dma_wait3A_216 : memref<1x20x128xi32, #tpu.memory_space<hbm>> -> memref<20x128xi32, #tpu.memory_space<hbm>>
        %dma_wait3A_218 = arith.constant 0 : i32
        %dma_wait3A_219 = arith.constant 0 : i32
        %dma_wait3A_220 = tpu.memref_slice %arg3[%add3A_50, %dma_wait3A_218, %dma_wait3A_219] : memref<128x20x128xi32, #tpu.memory_space<hbm>> -> memref<1x20x128xi32, #tpu.memory_space<hbm>>
        %dma_wait3A_221 = tpu.memref_squeeze %dma_wait3A_220 : memref<1x20x128xi32, #tpu.memory_space<hbm>> -> memref<20x128xi32, #tpu.memory_space<hbm>>
        tpu.wait_dma2 semaphore(%run_scoped3A : memref<!tpu.dma_semaphore, #tpu.memory_space<semaphore_mem>>) src(%dma_wait3A_221 : memref<20x128xi32, #tpu.memory_space<hbm>>) dst(%arg6 : memref<20x128xi32, #tpu.memory_space<vmem>>)
        tpu.yield
      }) : () -> ()
      %add3A_51 = arith.addi %add3A, %while3A_48 : i32
      "tpu.region"() ({
        %run_scoped3A = tpu.sem_alloc : memref<!tpu.dma_semaphore, #tpu.memory_space<semaphore_mem>>
        %dma_start3A_207 = arith.constant 0 : i32
        %dma_start3A_208 = arith.constant 0 : i32
        %dma_start3A_209 = tpu.memref_slice %arg4[%add3A_51, %dma_start3A_207, %dma_start3A_208] : memref<128x20x128xi32, #tpu.memory_space<hbm>> -> memref<1x20x128xi32, #tpu.memory_space<hbm>>
        %dma_start3A_210 = tpu.memref_squeeze %dma_start3A_209 : memref<1x20x128xi32, #tpu.memory_space<hbm>> -> memref<20x128xi32, #tpu.memory_space<hbm>>
        %dma_start3A_211 = arith.constant 0 : i32
        %dma_start3A_212 = arith.constant 0 : i32
        %dma_start3A_213 = tpu.memref_slice %arg4[%add3A_51, %dma_start3A_211, %dma_start3A_212] : memref<128x20x128xi32, #tpu.memory_space<hbm>> -> memref<1x20x128xi32, #tpu.memory_space<hbm>>
        %dma_start3A_214 = tpu.memref_squeeze %dma_start3A_213 : memref<1x20x128xi32, #tpu.memory_space<hbm>> -> memref<20x128xi32, #tpu.memory_space<hbm>>
        tpu.enqueue_dma source(%dma_start3A_214 : memref<20x128xi32, #tpu.memory_space<hbm>>) target(%arg7 : memref<20x128xi32, #tpu.memory_space<vmem>>) target_semaphore(%run_scoped3A : memref<!tpu.dma_semaphore, #tpu.memory_space<semaphore_mem>>)
        %dma_wait3A = arith.constant 0 : i32
        %dma_wait3A_215 = arith.constant 0 : i32
        %dma_wait3A_216 = tpu.memref_slice %arg4[%add3A_51, %dma_wait3A, %dma_wait3A_215] : memref<128x20x128xi32, #tpu.memory_space<hbm>> -> memref<1x20x128xi32, #tpu.memory_space<hbm>>
        %dma_wait3A_217 = tpu.memref_squeeze %dma_wait3A_216 : memref<1x20x128xi32, #tpu.memory_space<hbm>> -> memref<20x128xi32, #tpu.memory_space<hbm>>
        %dma_wait3A_218 = arith.constant 0 : i32
        %dma_wait3A_219 = arith.constant 0 : i32
        %dma_wait3A_220 = tpu.memref_slice %arg4[%add3A_51, %dma_wait3A_218, %dma_wait3A_219] : memref<128x20x128xi32, #tpu.memory_space<hbm>> -> memref<1x20x128xi32, #tpu.memory_space<hbm>>
        %dma_wait3A_221 = tpu.memref_squeeze %dma_wait3A_220 : memref<1x20x128xi32, #tpu.memory_space<hbm>> -> memref<20x128xi32, #tpu.memory_space<hbm>>
        tpu.wait_dma2 semaphore(%run_scoped3A : memref<!tpu.dma_semaphore, #tpu.memory_space<semaphore_mem>>) src(%dma_wait3A_221 : memref<20x128xi32, #tpu.memory_space<hbm>>) dst(%arg7 : memref<20x128xi32, #tpu.memory_space<vmem>>)
        tpu.yield
      }) : () -> ()
      %get3A = arith.constant 0 : i32
      %get3A_52 = arith.index_cast %get3A : i32 to index
      %get3A_53 = arith.constant 0 : index
      %get3A_54 = tpu.vector_load %arg6[%get3A_52, %get3A_53] {strides = array<i32>} : memref<20x128xi32, #tpu.memory_space<vmem>>, vector<1x16xi32>,
      %get3A_55 = vector.shape_cast %get3A_54 : vector<1x16xi32> to vector<16xi32>
      %swap3A = arith.constant 0 : index
      %swap3A_56 = tpu.vector_load %arg8[%swap3A] {strides = array<i32>} : memref<128xi32, #tpu.memory_space<vmem>>, vector<16xi32>,
      %swap3A_57 = vector.shape_cast %swap3A_56 : vector<16xi32> to vector<16xi32>
      %swap3A_58 = vector.shape_cast %get3A_55 : vector<16xi32> to vector<16xi32>
      tpu.vector_store %arg8[%swap3A], %swap3A_58 {strides = array<i32>} : memref<128xi32, #tpu.memory_space<vmem>>, vector<16xi32>,
      %get3A_59 = arith.constant 0 : i32
      %get3A_60 = arith.index_cast %get3A_59 : i32 to index
      %get3A_61 = arith.constant 16 : index
      %get3A_62 = tpu.vector_load %arg6[%get3A_60, %get3A_61] {strides = array<i32>} : memref<20x128xi32, #tpu.memory_space<vmem>>, vector<1x16xi32>,
      %get3A_63 = vector.shape_cast %get3A_62 : vector<1x16xi32> to vector<16xi32>
      %swap3A_64 = arith.constant 16 : index
      %swap3A_65 = tpu.vector_load %arg8[%swap3A_64] {strides = array<i32>} : memref<128xi32, #tpu.memory_space<vmem>>, vector<16xi32>,
      %swap3A_66 = vector.shape_cast %swap3A_65 : vector<16xi32> to vector<16xi32>
      %swap3A_67 = vector.shape_cast %get3A_63 : vector<16xi32> to vector<16xi32>
      tpu.vector_store %arg8[%swap3A_64], %swap3A_67 {strides = array<i32>} : memref<128xi32, #tpu.memory_space<vmem>>, vector<16xi32>,
      %get3A_68 = arith.constant 0 : i32
      %get3A_69 = arith.index_cast %get3A_68 : i32 to index
      %get3A_70 = arith.constant 32 : index
      %get3A_71 = tpu.vector_load %arg6[%get3A_69, %get3A_70] {strides = array<i32>} : memref<20x128xi32, #tpu.memory_space<vmem>>, vector<1x16xi32>,
      %get3A_72 = vector.shape_cast %get3A_71 : vector<1x16xi32> to vector<16xi32>
      %swap3A_73 = arith.constant 32 : index
      %swap3A_74 = tpu.vector_load %arg8[%swap3A_73] {strides = array<i32>} : memref<128xi32, #tpu.memory_space<vmem>>, vector<16xi32>,
      %swap3A_75 = vector.shape_cast %swap3A_74 : vector<16xi32> to vector<16xi32>
      %swap3A_76 = vector.shape_cast %get3A_72 : vector<16xi32> to vector<16xi32>
      tpu.vector_store %arg8[%swap3A_73], %swap3A_76 {strides = array<i32>} : memref<128xi32, #tpu.memory_space<vmem>>, vector<16xi32>,
      %get3A_77 = arith.constant 0 : i32
      %get3A_78 = arith.index_cast %get3A_77 : i32 to index
      %get3A_79 = arith.constant 48 : index
      %get3A_80 = tpu.vector_load %arg6[%get3A_78, %get3A_79] {strides = array<i32>} : memref<20x128xi32, #tpu.memory_space<vmem>>, vector<1x16xi32>,
      %get3A_81 = vector.shape_cast %get3A_80 : vector<1x16xi32> to vector<16xi32>
      %swap3A_82 = arith.constant 48 : index
      %swap3A_83 = tpu.vector_load %arg8[%swap3A_82] {strides = array<i32>} : memref<128xi32, #tpu.memory_space<vmem>>, vector<16xi32>,
      %swap3A_84 = vector.shape_cast %swap3A_83 : vector<16xi32> to vector<16xi32>
      %swap3A_85 = vector.shape_cast %get3A_81 : vector<16xi32> to vector<16xi32>
      tpu.vector_store %arg8[%swap3A_82], %swap3A_85 {strides = array<i32>} : memref<128xi32, #tpu.memory_space<vmem>>, vector<16xi32>,
      %get3A_86 = arith.constant 0 : i32
      %get3A_87 = arith.index_cast %get3A_86 : i32 to index
      %get3A_88 = arith.constant 64 : index
      %get3A_89 = tpu.vector_load %arg6[%get3A_87, %get3A_88] {strides = array<i32>} : memref<20x128xi32, #tpu.memory_space<vmem>>, vector<1x16xi32>,
      %get3A_90 = vector.shape_cast %get3A_89 : vector<1x16xi32> to vector<16xi32>
      %swap3A_91 = arith.constant 64 : index
      %swap3A_92 = tpu.vector_load %arg8[%swap3A_91] {strides = array<i32>} : memref<128xi32, #tpu.memory_space<vmem>>, vector<16xi32>,
      %swap3A_93 = vector.shape_cast %swap3A_92 : vector<16xi32> to vector<16xi32>
      %swap3A_94 = vector.shape_cast %get3A_90 : vector<16xi32> to vector<16xi32>
      tpu.vector_store %arg8[%swap3A_91], %swap3A_94 {strides = array<i32>} : memref<128xi32, #tpu.memory_space<vmem>>, vector<16xi32>,
      %get3A_95 = arith.constant 0 : i32
      %get3A_96 = arith.index_cast %get3A_95 : i32 to index
      %get3A_97 = arith.constant 80 : index
      %get3A_98 = tpu.vector_load %arg6[%get3A_96, %get3A_97] {strides = array<i32>} : memref<20x128xi32, #tpu.memory_space<vmem>>, vector<1x16xi32>,
      %get3A_99 = vector.shape_cast %get3A_98 : vector<1x16xi32> to vector<16xi32>
      %swap3A_100 = arith.constant 80 : index
      %swap3A_101 = tpu.vector_load %arg8[%swap3A_100] {strides = array<i32>} : memref<128xi32, #tpu.memory_space<vmem>>, vector<16xi32>,
      %swap3A_102 = vector.shape_cast %swap3A_101 : vector<16xi32> to vector<16xi32>
      %swap3A_103 = vector.shape_cast %get3A_99 : vector<16xi32> to vector<16xi32>
      tpu.vector_store %arg8[%swap3A_100], %swap3A_103 {strides = array<i32>} : memref<128xi32, #tpu.memory_space<vmem>>, vector<16xi32>,
      %get3A_104 = arith.constant 0 : i32
      %get3A_105 = arith.index_cast %get3A_104 : i32 to index
      %get3A_106 = arith.constant 96 : index
      %get3A_107 = tpu.vector_load %arg6[%get3A_105, %get3A_106] {strides = array<i32>} : memref<20x128xi32, #tpu.memory_space<vmem>>, vector<1x16xi32>,
      %get3A_108 = vector.shape_cast %get3A_107 : vector<1x16xi32> to vector<16xi32>
      %swap3A_109 = arith.constant 96 : index
      %swap3A_110 = tpu.vector_load %arg8[%swap3A_109] {strides = array<i32>} : memref<128xi32, #tpu.memory_space<vmem>>, vector<16xi32>,
      %swap3A_111 = vector.shape_cast %swap3A_110 : vector<16xi32> to vector<16xi32>
      %swap3A_112 = vector.shape_cast %get3A_108 : vector<16xi32> to vector<16xi32>
      tpu.vector_store %arg8[%swap3A_109], %swap3A_112 {strides = array<i32>} : memref<128xi32, #tpu.memory_space<vmem>>, vector<16xi32>,
      %get3A_113 = arith.constant 0 : i32
      %get3A_114 = arith.index_cast %get3A_113 : i32 to index
      %get3A_115 = arith.constant 112 : index
      %get3A_116 = tpu.vector_load %arg6[%get3A_114, %get3A_115] {strides = array<i32>} : memref<20x128xi32, #tpu.memory_space<vmem>>, vector<1x16xi32>,
      %get3A_117 = vector.shape_cast %get3A_116 : vector<1x16xi32> to vector<16xi32>
      %swap3A_118 = arith.constant 112 : index
      %swap3A_119 = tpu.vector_load %arg8[%swap3A_118] {strides = array<i32>} : memref<128xi32, #tpu.memory_space<vmem>>, vector<16xi32>,
      %swap3A_120 = vector.shape_cast %swap3A_119 : vector<16xi32> to vector<16xi32>
      %swap3A_121 = vector.shape_cast %get3A_117 : vector<16xi32> to vector<16xi32>
      tpu.vector_store %arg8[%swap3A_118], %swap3A_121 {strides = array<i32>} : memref<128xi32, #tpu.memory_space<vmem>>, vector<16xi32>,
      %dma_start3A = arith.constant 0 : i32
      %dma_start3A_122 = arith.constant 0 : i32
      %dma_start3A_123 = tpu.memref_slice %arg2[%dma_start3A, %dma_start3A_122] : memref<10240x128xf32, #tpu.memory_space<hbm>> -> memref<10240x128xf32, #tpu.memory_space<hbm>>
      tpu.enqueue_indirect_dma source(%dma_start3A_123 : memref<10240x128xf32, #tpu.memory_space<hbm>>) target(%arg11 : memref<128x128xf32, #tpu.memory_space<vmem>>) offsets(%arg8 : memref<128xi32, #tpu.memory_space<vmem>>) semaphore(%arg14 : memref<!tpu.dma_semaphore, #tpu.memory_space<semaphore_mem>>)
      %get3A_124 = arith.constant 1 : i32
      %get3A_125 = arith.index_cast %get3A_124 : i32 to index
      %get3A_126 = arith.constant 0 : index
      %get3A_127 = tpu.vector_load %arg6[%get3A_125, %get3A_126] {strides = array<i32>} : memref<20x128xi32, #tpu.memory_space<vmem>>, vector<1x16xi32>,
      %get3A_128 = vector.shape_cast %get3A_127 : vector<1x16xi32> to vector<16xi32>
      %swap3A_129 = arith.constant 0 : index
      %swap3A_130 = tpu.vector_load %arg9[%swap3A_129] {strides = array<i32>} : memref<128xi32, #tpu.memory_space<vmem>>, vector<16xi32>,
      %swap3A_131 = vector.shape_cast %swap3A_130 : vector<16xi32> to vector<16xi32>
      %swap3A_132 = vector.shape_cast %get3A_128 : vector<16xi32> to vector<16xi32>
      tpu.vector_store %arg9[%swap3A_129], %swap3A_132 {strides = array<i32>} : memref<128xi32, #tpu.memory_space<vmem>>, vector<16xi32>,
      %get3A_133 = arith.constant 1 : i32
      %get3A_134 = arith.index_cast %get3A_133 : i32 to index
      %get3A_135 = arith.constant 16 : index
      %get3A_136 = tpu.vector_load %arg6[%get3A_134, %get3A_135] {strides = array<i32>} : memref<20x128xi32, #tpu.memory_space<vmem>>, vector<1x16xi32>,
      %get3A_137 = vector.shape_cast %get3A_136 : vector<1x16xi32> to vector<16xi32>
      %swap3A_138 = arith.constant 16 : index
      %swap3A_139 = tpu.vector_load %arg9[%swap3A_138] {strides = array<i32>} : memref<128xi32, #tpu.memory_space<vmem>>, vector<16xi32>,
      %swap3A_140 = vector.shape_cast %swap3A_139 : vector<16xi32> to vector<16xi32>
      %swap3A_141 = vector.shape_cast %get3A_137 : vector<16xi32> to vector<16xi32>
      tpu.vector_store %arg9[%swap3A_138], %swap3A_141 {strides = array<i32>} : memref<128xi32, #tpu.memory_space<vmem>>, vector<16xi32>,
      %get3A_142 = arith.constant 1 : i32
      %get3A_143 = arith.index_cast %get3A_142 : i32 to index
      %get3A_144 = arith.constant 32 : index
      %get3A_145 = tpu.vector_load %arg6[%get3A_143, %get3A_144] {strides = array<i32>} : memref<20x128xi32, #tpu.memory_space<vmem>>, vector<1x16xi32>,
      %get3A_146 = vector.shape_cast %get3A_145 : vector<1x16xi32> to vector<16xi32>
      %swap3A_147 = arith.constant 32 : index
      %swap3A_148 = tpu.vector_load %arg9[%swap3A_147] {strides = array<i32>} : memref<128xi32, #tpu.memory_space<vmem>>, vector<16xi32>,
      %swap3A_149 = vector.shape_cast %swap3A_148 : vector<16xi32> to vector<16xi32>
      %swap3A_150 = vector.shape_cast %get3A_146 : vector<16xi32> to vector<16xi32>
      tpu.vector_store %arg9[%swap3A_147], %swap3A_150 {strides = array<i32>} : memref<128xi32, #tpu.memory_space<vmem>>, vector<16xi32>,
      %get3A_151 = arith.constant 1 : i32
      %get3A_152 = arith.index_cast %get3A_151 : i32 to index
      %get3A_153 = arith.constant 48 : index
      %get3A_154 = tpu.vector_load %arg6[%get3A_152, %get3A_153] {strides = array<i32>} : memref<20x128xi32, #tpu.memory_space<vmem>>, vector<1x16xi32>,
      %get3A_155 = vector.shape_cast %get3A_154 : vector<1x16xi32> to vector<16xi32>
      %swap3A_156 = arith.constant 48 : index
      %swap3A_157 = tpu.vector_load %arg9[%swap3A_156] {strides = array<i32>} : memref<128xi32, #tpu.memory_space<vmem>>, vector<16xi32>,
      %swap3A_158 = vector.shape_cast %swap3A_157 : vector<16xi32> to vector<16xi32>
      %swap3A_159 = vector.shape_cast %get3A_155 : vector<16xi32> to vector<16xi32>
      tpu.vector_store %arg9[%swap3A_156], %swap3A_159 {strides = array<i32>} : memref<128xi32, #tpu.memory_space<vmem>>, vector<16xi32>,
      %get3A_160 = arith.constant 1 : i32
      %get3A_161 = arith.index_cast %get3A_160 : i32 to index
      %get3A_162 = arith.constant 64 : index
      %get3A_163 = tpu.vector_load %arg6[%get3A_161, %get3A_162] {strides = array<i32>} : memref<20x128xi32, #tpu.memory_space<vmem>>, vector<1x16xi32>,
      %get3A_164 = vector.shape_cast %get3A_163 : vector<1x16xi32> to vector<16xi32>
      %swap3A_165 = arith.constant 64 : index
      %swap3A_166 = tpu.vector_load %arg9[%swap3A_165] {strides = array<i32>} : memref<128xi32, #tpu.memory_space<vmem>>, vector<16xi32>,
      %swap3A_167 = vector.shape_cast %swap3A_166 : vector<16xi32> to vector<16xi32>
      %swap3A_168 = vector.shape_cast %get3A_164 : vector<16xi32> to vector<16xi32>
      tpu.vector_store %arg9[%swap3A_165], %swap3A_168 {strides = array<i32>} : memref<128xi32, #tpu.memory_space<vmem>>, vector<16xi32>,
      %get3A_169 = arith.constant 1 : i32
      %get3A_170 = arith.index_cast %get3A_169 : i32 to index
      %get3A_171 = arith.constant 80 : index
      %get3A_172 = tpu.vector_load %arg6[%get3A_170, %get3A_171] {strides = array<i32>} : memref<20x128xi32, #tpu.memory_space<vmem>>, vector<1x16xi32>,
      %get3A_173 = vector.shape_cast %get3A_172 : vector<1x16xi32> to vector<16xi32>
      %swap3A_174 = arith.constant 80 : index
      %swap3A_175 = tpu.vector_load %arg9[%swap3A_174] {strides = array<i32>} : memref<128xi32, #tpu.memory_space<vmem>>, vector<16xi32>,
      %swap3A_176 = vector.shape_cast %swap3A_175 : vector<16xi32> to vector<16xi32>
      %swap3A_177 = vector.shape_cast %get3A_173 : vector<16xi32> to vector<16xi32>
      tpu.vector_store %arg9[%swap3A_174], %swap3A_177 {strides = array<i32>} : memref<128xi32, #tpu.memory_space<vmem>>, vector<16xi32>,
      %get3A_178 = arith.constant 1 : i32
      %get3A_179 = arith.index_cast %get3A_178 : i32 to index
      %get3A_180 = arith.constant 96 : index
      %get3A_181 = tpu.vector_load %arg6[%get3A_179, %get3A_180] {strides = array<i32>} : memref<20x128xi32, #tpu.memory_space<vmem>>, vector<1x16xi32>,
      %get3A_182 = vector.shape_cast %get3A_181 : vector<1x16xi32> to vector<16xi32>
      %swap3A_183 = arith.constant 96 : index
      %swap3A_184 = tpu.vector_load %arg9[%swap3A_183] {strides = array<i32>} : memref<128xi32, #tpu.memory_space<vmem>>, vector<16xi32>,
      %swap3A_185 = vector.shape_cast %swap3A_184 : vector<16xi32> to vector<16xi32>
      %swap3A_186 = vector.shape_cast %get3A_182 : vector<16xi32> to vector<16xi32>
      tpu.vector_store %arg9[%swap3A_183], %swap3A_186 {strides = array<i32>} : memref<128xi32, #tpu.memory_space<vmem>>, vector<16xi32>,
      %get3A_187 = arith.constant 1 : i32
      %get3A_188 = arith.index_cast %get3A_187 : i32 to index
      %get3A_189 = arith.constant 112 : index
      %get3A_190 = tpu.vector_load %arg6[%get3A_188, %get3A_189] {strides = array<i32>} : memref<20x128xi32, #tpu.memory_space<vmem>>, vector<1x16xi32>,
      %get3A_191 = vector.shape_cast %get3A_190 : vector<1x16xi32> to vector<16xi32>
      %swap3A_192 = arith.constant 112 : index
      %swap3A_193 = tpu.vector_load %arg9[%swap3A_192] {strides = array<i32>} : memref<128xi32, #tpu.memory_space<vmem>>, vector<16xi32>,
      %swap3A_194 = vector.shape_cast %swap3A_193 : vector<16xi32> to vector<16xi32>
      %swap3A_195 = vector.shape_cast %get3A_191 : vector<16xi32> to vector<16xi32>
      tpu.vector_store %arg9[%swap3A_192], %swap3A_195 {strides = array<i32>} : memref<128xi32, #tpu.memory_space<vmem>>, vector<16xi32>,
      %dma_start3A_196 = arith.constant 0 : i32
      %dma_start3A_197 = arith.constant 0 : i32
      %dma_start3A_198 = tpu.memref_slice %arg2[%dma_start3A_196, %dma_start3A_197] : memref<10240x128xf32, #tpu.memory_space<hbm>> -> memref<10240x128xf32, #tpu.memory_space<hbm>>
      tpu.enqueue_indirect_dma source(%dma_start3A_198 : memref<10240x128xf32, #tpu.memory_space<hbm>>) target(%arg12 : memref<128x128xf32, #tpu.memory_space<vmem>>) offsets(%arg9 : memref<128xi32, #tpu.memory_space<vmem>>) semaphore(%arg15 : memref<!tpu.dma_semaphore, #tpu.memory_space<semaphore_mem>>)
      %scan3A_199 = arith.constant 0 : i32
      %scan3A_200 = arith.constant 0 : i32
      %scan3A_201 = arith.constant 10 : i32
      %scan3A_202 = arith.addi %scan3A_200, %scan3A_201 : i32
      %scan3A_203 = arith.constant 1 : i32
      %scan3A_204 = scf.for %scan3A_207 = %scan3A_200 to %scan3A_202 step %scan3A_203 iter_args(%scan3A_208 = %scan3A_199) -> (i32)  : i32 {
        %mul3A_209 = arith.constant 2 : i32
        %mul3A_210 = arith.muli %mul3A_209, %scan3A_207 : i32
        %dma_wait3A = arith.constant 0 : i32
        %dma_wait3A_211 = arith.constant 0 : i32
        %dma_wait3A_212 = tpu.memref_slice %arg2[%dma_wait3A, %dma_wait3A_211] : memref<10240x128xf32, #tpu.memory_space<hbm>> -> memref<10240x128xf32, #tpu.memory_space<hbm>>
        tpu.wait_indirect_dma semaphore(%arg14 : memref<!tpu.dma_semaphore, #tpu.memory_space<semaphore_mem>>) src(%dma_wait3A_212 : memref<10240x128xf32, #tpu.memory_space<hbm>>) dst(%arg11 : memref<128x128xf32, #tpu.memory_space<vmem>>)
        %get3A_213 = arith.index_cast %mul3A_210 : i32 to index
        %get3A_214 = arith.constant 0 : index
        %get3A_215 = tpu.vector_load %arg7[%get3A_213, %get3A_214] {strides = array<i32>} : memref<20x128xi32, #tpu.memory_space<vmem>>, vector<1x16xi32>,
        %get3A_216 = vector.shape_cast %get3A_215 : vector<1x16xi32> to vector<16xi32>
        %swap3A_217 = arith.constant 0 : index
        %swap3A_218 = tpu.vector_load %arg10[%swap3A_217] {strides = array<i32>} : memref<128xi32, #tpu.memory_space<vmem>>, vector<16xi32>,
        %swap3A_219 = vector.shape_cast %swap3A_218 : vector<16xi32> to vector<16xi32>
        %swap3A_220 = vector.shape_cast %get3A_216 : vector<16xi32> to vector<16xi32>
        tpu.vector_store %arg10[%swap3A_217], %swap3A_220 {strides = array<i32>} : memref<128xi32, #tpu.memory_space<vmem>>, vector<16xi32>,
        %get3A_221 = arith.index_cast %mul3A_210 : i32 to index
        %get3A_222 = arith.constant 16 : index
        %get3A_223 = tpu.vector_load %arg7[%get3A_221, %get3A_222] {strides = array<i32>} : memref<20x128xi32, #tpu.memory_space<vmem>>, vector<1x16xi32>,
        %get3A_224 = vector.shape_cast %get3A_223 : vector<1x16xi32> to vector<16xi32>
        %swap3A_225 = arith.constant 16 : index
        %swap3A_226 = tpu.vector_load %arg10[%swap3A_225] {strides = array<i32>} : memref<128xi32, #tpu.memory_space<vmem>>, vector<16xi32>,
        %swap3A_227 = vector.shape_cast %swap3A_226 : vector<16xi32> to vector<16xi32>
        %swap3A_228 = vector.shape_cast %get3A_224 : vector<16xi32> to vector<16xi32>
        tpu.vector_store %arg10[%swap3A_225], %swap3A_228 {strides = array<i32>} : memref<128xi32, #tpu.memory_space<vmem>>, vector<16xi32>,
        %get3A_229 = arith.index_cast %mul3A_210 : i32 to index
        %get3A_230 = arith.constant 32 : index
        %get3A_231 = tpu.vector_load %arg7[%get3A_229, %get3A_230] {strides = array<i32>} : memref<20x128xi32, #tpu.memory_space<vmem>>, vector<1x16xi32>,
        %get3A_232 = vector.shape_cast %get3A_231 : vector<1x16xi32> to vector<16xi32>
        %swap3A_233 = arith.constant 32 : index
        %swap3A_234 = tpu.vector_load %arg10[%swap3A_233] {strides = array<i32>} : memref<128xi32, #tpu.memory_space<vmem>>, vector<16xi32>,
        %swap3A_235 = vector.shape_cast %swap3A_234 : vector<16xi32> to vector<16xi32>
        %swap3A_236 = vector.shape_cast %get3A_232 : vector<16xi32> to vector<16xi32>
        tpu.vector_store %arg10[%swap3A_233], %swap3A_236 {strides = array<i32>} : memref<128xi32, #tpu.memory_space<vmem>>, vector<16xi32>,
        %get3A_237 = arith.index_cast %mul3A_210 : i32 to index
        %get3A_238 = arith.constant 48 : index
        %get3A_239 = tpu.vector_load %arg7[%get3A_237, %get3A_238] {strides = array<i32>} : memref<20x128xi32, #tpu.memory_space<vmem>>, vector<1x16xi32>,
        %get3A_240 = vector.shape_cast %get3A_239 : vector<1x16xi32> to vector<16xi32>
        %swap3A_241 = arith.constant 48 : index
        %swap3A_242 = tpu.vector_load %arg10[%swap3A_241] {strides = array<i32>} : memref<128xi32, #tpu.memory_space<vmem>>, vector<16xi32>,
        %swap3A_243 = vector.shape_cast %swap3A_242 : vector<16xi32> to vector<16xi32>
        %swap3A_244 = vector.shape_cast %get3A_240 : vector<16xi32> to vector<16xi32>
        tpu.vector_store %arg10[%swap3A_241], %swap3A_244 {strides = array<i32>} : memref<128xi32, #tpu.memory_space<vmem>>, vector<16xi32>,
        %get3A_245 = arith.index_cast %mul3A_210 : i32 to index
        %get3A_246 = arith.constant 64 : index
        %get3A_247 = tpu.vector_load %arg7[%get3A_245, %get3A_246] {strides = array<i32>} : memref<20x128xi32, #tpu.memory_space<vmem>>, vector<1x16xi32>,
        %get3A_248 = vector.shape_cast %get3A_247 : vector<1x16xi32> to vector<16xi32>
        %swap3A_249 = arith.constant 64 : index
        %swap3A_250 = tpu.vector_load %arg10[%swap3A_249] {strides = array<i32>} : memref<128xi32, #tpu.memory_space<vmem>>, vector<16xi32>,
        %swap3A_251 = vector.shape_cast %swap3A_250 : vector<16xi32> to vector<16xi32>
        %swap3A_252 = vector.shape_cast %get3A_248 : vector<16xi32> to vector<16xi32>
        tpu.vector_store %arg10[%swap3A_249], %swap3A_252 {strides = array<i32>} : memref<128xi32, #tpu.memory_space<vmem>>, vector<16xi32>,
        %get3A_253 = arith.index_cast %mul3A_210 : i32 to index
        %get3A_254 = arith.constant 80 : index
        %get3A_255 = tpu.vector_load %arg7[%get3A_253, %get3A_254] {strides = array<i32>} : memref<20x128xi32, #tpu.memory_space<vmem>>, vector<1x16xi32>,
        %get3A_256 = vector.shape_cast %get3A_255 : vector<1x16xi32> to vector<16xi32>
        %swap3A_257 = arith.constant 80 : index
        %swap3A_258 = tpu.vector_load %arg10[%swap3A_257] {strides = array<i32>} : memref<128xi32, #tpu.memory_space<vmem>>, vector<16xi32>,
        %swap3A_259 = vector.shape_cast %swap3A_258 : vector<16xi32> to vector<16xi32>
        %swap3A_260 = vector.shape_cast %get3A_256 : vector<16xi32> to vector<16xi32>
        tpu.vector_store %arg10[%swap3A_257], %swap3A_260 {strides = array<i32>} : memref<128xi32, #tpu.memory_space<vmem>>, vector<16xi32>,
        %get3A_261 = arith.index_cast %mul3A_210 : i32 to index
        %get3A_262 = arith.constant 96 : index
        %get3A_263 = tpu.vector_load %arg7[%get3A_261, %get3A_262] {strides = array<i32>} : memref<20x128xi32, #tpu.memory_space<vmem>>, vector<1x16xi32>,
        %get3A_264 = vector.shape_cast %get3A_263 : vector<1x16xi32> to vector<16xi32>
        %swap3A_265 = arith.constant 96 : index
        %swap3A_266 = tpu.vector_load %arg10[%swap3A_265] {strides = array<i32>} : memref<128xi32, #tpu.memory_space<vmem>>, vector<16xi32>,
        %swap3A_267 = vector.shape_cast %swap3A_266 : vector<16xi32> to vector<16xi32>
        %swap3A_268 = vector.shape_cast %get3A_264 : vector<16xi32> to vector<16xi32>
        tpu.vector_store %arg10[%swap3A_265], %swap3A_268 {strides = array<i32>} : memref<128xi32, #tpu.memory_space<vmem>>, vector<16xi32>,
        %get3A_269 = arith.index_cast %mul3A_210 : i32 to index
        %get3A_270 = arith.constant 112 : index
        %get3A_271 = tpu.vector_load %arg7[%get3A_269, %get3A_270] {strides = array<i32>} : memref<20x128xi32, #tpu.memory_space<vmem>>, vector<1x16xi32>,
        %get3A_272 = vector.shape_cast %get3A_271 : vector<1x16xi32> to vector<16xi32>
        %swap3A_273 = arith.constant 112 : index
        %swap3A_274 = tpu.vector_load %arg10[%swap3A_273] {strides = array<i32>} : memref<128xi32, #tpu.memory_space<vmem>>, vector<16xi32>,
        %swap3A_275 = vector.shape_cast %swap3A_274 : vector<16xi32> to vector<16xi32>
        %swap3A_276 = vector.shape_cast %get3A_272 : vector<16xi32> to vector<16xi32>
        tpu.vector_store %arg10[%swap3A_273], %swap3A_276 {strides = array<i32>} : memref<128xi32, #tpu.memory_space<vmem>>, vector<16xi32>,
        "tpu.region"() ({
          %run_scoped3A = tpu.sem_alloc : memref<!tpu.dma_semaphore, #tpu.memory_space<semaphore_mem>>
          %dma_start3A_358 = arith.constant 0 : i32
          %dma_start3A_359 = arith.constant 0 : i32
          %dma_start3A_360 = tpu.memref_slice %arg13[%dma_start3A_358, %dma_start3A_359] : memref<10240x128xf32, #tpu.memory_space<vmem_shared>> -> memref<10240x128xf32, #tpu.memory_space<vmem_shared>>
          tpu.enqueue_indirect_dma source(%arg11 : memref<128x128xf32, #tpu.memory_space<vmem>>) target(%dma_start3A_360 : memref<10240x128xf32, #tpu.memory_space<vmem_shared>>) offsets(%arg10 : memref<128xi32, #tpu.memory_space<vmem>>) semaphore(%run_scoped3A : memref<!tpu.dma_semaphore, #tpu.memory_space<semaphore_mem>>) {add = true}
          %dma_wait3A_361 = arith.constant 0 : i32
          %dma_wait3A_362 = arith.constant 0 : i32
          %dma_wait3A_363 = tpu.memref_slice %arg13[%dma_wait3A_361, %dma_wait3A_362] : memref<10240x128xf32, #tpu.memory_space<vmem_shared>> -> memref<10240x128xf32, #tpu.memory_space<vmem_shared>>
          tpu.wait_indirect_dma semaphore(%run_scoped3A : memref<!tpu.dma_semaphore, #tpu.memory_space<semaphore_mem>>) src(%arg11 : memref<128x128xf32, #tpu.memory_space<vmem>>) dst(%dma_wait3A_363 : memref<10240x128xf32, #tpu.memory_space<vmem_shared>>)
          tpu.yield
        }) : () -> ()
        %add3A_277 = arith.constant 2 : i32
        %add3A_278 = arith.addi %mul3A_210, %add3A_277 : i32
        %lt3A = arith.constant 20 : i32
        %lt3A_279 = arith.cmpi slt, %add3A_278, %lt3A : i32
        %convert_element_type3A = arith.extui %lt3A_279 : i1 to i32
        %cond3A = arith.constant 0 : i32
        %cond3A_280 = arith.cmpi ne, %convert_element_type3A, %cond3A : i32
        scf.if %cond3A_280 {
          %add3A_358 = arith.constant 2 : i32
          %add3A_359 = arith.addi %mul3A_210, %add3A_358 : i32
          %get3A_360 = arith.index_cast %add3A_359 : i32 to index
          %get3A_361 = arith.constant 0 : index
          %get3A_362 = tpu.vector_load %arg6[%get3A_360, %get3A_361] {strides = array<i32>} : memref<20x128xi32, #tpu.memory_space<vmem>>, vector<1x16xi32>,
          %get3A_363 = vector.shape_cast %get3A_362 : vector<1x16xi32> to vector<16xi32>
          %swap3A_364 = arith.constant 0 : index
          %swap3A_365 = tpu.vector_load %arg8[%swap3A_364] {strides = array<i32>} : memref<128xi32, #tpu.memory_space<vmem>>, vector<16xi32>,
          %swap3A_366 = vector.shape_cast %swap3A_365 : vector<16xi32> to vector<16xi32>
          %swap3A_367 = vector.shape_cast %get3A_363 : vector<16xi32> to vector<16xi32>
          tpu.vector_store %arg8[%swap3A_364], %swap3A_367 {strides = array<i32>} : memref<128xi32, #tpu.memory_space<vmem>>, vector<16xi32>,
          %get3A_368 = arith.index_cast %add3A_359 : i32 to index
          %get3A_369 = arith.constant 16 : index
          %get3A_370 = tpu.vector_load %arg6[%get3A_368, %get3A_369] {strides = array<i32>} : memref<20x128xi32, #tpu.memory_space<vmem>>, vector<1x16xi32>,
          %get3A_371 = vector.shape_cast %get3A_370 : vector<1x16xi32> to vector<16xi32>
          %swap3A_372 = arith.constant 16 : index
          %swap3A_373 = tpu.vector_load %arg8[%swap3A_372] {strides = array<i32>} : memref<128xi32, #tpu.memory_space<vmem>>, vector<16xi32>,
          %swap3A_374 = vector.shape_cast %swap3A_373 : vector<16xi32> to vector<16xi32>
          %swap3A_375 = vector.shape_cast %get3A_371 : vector<16xi32> to vector<16xi32>
          tpu.vector_store %arg8[%swap3A_372], %swap3A_375 {strides = array<i32>} : memref<128xi32, #tpu.memory_space<vmem>>, vector<16xi32>,
          %get3A_376 = arith.index_cast %add3A_359 : i32 to index
          %get3A_377 = arith.constant 32 : index
          %get3A_378 = tpu.vector_load %arg6[%get3A_376, %get3A_377] {strides = array<i32>} : memref<20x128xi32, #tpu.memory_space<vmem>>, vector<1x16xi32>,
          %get3A_379 = vector.shape_cast %get3A_378 : vector<1x16xi32> to vector<16xi32>
          %swap3A_380 = arith.constant 32 : index
          %swap3A_381 = tpu.vector_load %arg8[%swap3A_380] {strides = array<i32>} : memref<128xi32, #tpu.memory_space<vmem>>, vector<16xi32>,
          %swap3A_382 = vector.shape_cast %swap3A_381 : vector<16xi32> to vector<16xi32>
          %swap3A_383 = vector.shape_cast %get3A_379 : vector<16xi32> to vector<16xi32>
          tpu.vector_store %arg8[%swap3A_380], %swap3A_383 {strides = array<i32>} : memref<128xi32, #tpu.memory_space<vmem>>, vector<16xi32>,
          %get3A_384 = arith.index_cast %add3A_359 : i32 to index
          %get3A_385 = arith.constant 48 : index
          %get3A_386 = tpu.vector_load %arg6[%get3A_384, %get3A_385] {strides = array<i32>} : memref<20x128xi32, #tpu.memory_space<vmem>>, vector<1x16xi32>,
          %get3A_387 = vector.shape_cast %get3A_386 : vector<1x16xi32> to vector<16xi32>
          %swap3A_388 = arith.constant 48 : index
          %swap3A_389 = tpu.vector_load %arg8[%swap3A_388] {strides = array<i32>} : memref<128xi32, #tpu.memory_space<vmem>>, vector<16xi32>,
          %swap3A_390 = vector.shape_cast %swap3A_389 : vector<16xi32> to vector<16xi32>
          %swap3A_391 = vector.shape_cast %get3A_387 : vector<16xi32> to vector<16xi32>
          tpu.vector_store %arg8[%swap3A_388], %swap3A_391 {strides = array<i32>} : memref<128xi32, #tpu.memory_space<vmem>>, vector<16xi32>,
          %get3A_392 = arith.index_cast %add3A_359 : i32 to index
          %get3A_393 = arith.constant 64 : index
          %get3A_394 = tpu.vector_load %arg6[%get3A_392, %get3A_393] {strides = array<i32>} : memref<20x128xi32, #tpu.memory_space<vmem>>, vector<1x16xi32>,
          %get3A_395 = vector.shape_cast %get3A_394 : vector<1x16xi32> to vector<16xi32>
          %swap3A_396 = arith.constant 64 : index
          %swap3A_397 = tpu.vector_load %arg8[%swap3A_396] {strides = array<i32>} : memref<128xi32, #tpu.memory_space<vmem>>, vector<16xi32>,
          %swap3A_398 = vector.shape_cast %swap3A_397 : vector<16xi32> to vector<16xi32>
          %swap3A_399 = vector.shape_cast %get3A_395 : vector<16xi32> to vector<16xi32>
          tpu.vector_store %arg8[%swap3A_396], %swap3A_399 {strides = array<i32>} : memref<128xi32, #tpu.memory_space<vmem>>, vector<16xi32>,
          %get3A_400 = arith.index_cast %add3A_359 : i32 to index
          %get3A_401 = arith.constant 80 : index
          %get3A_402 = tpu.vector_load %arg6[%get3A_400, %get3A_401] {strides = array<i32>} : memref<20x128xi32, #tpu.memory_space<vmem>>, vector<1x16xi32>,
          %get3A_403 = vector.shape_cast %get3A_402 : vector<1x16xi32> to vector<16xi32>
          %swap3A_404 = arith.constant 80 : index
          %swap3A_405 = tpu.vector_load %arg8[%swap3A_404] {strides = array<i32>} : memref<128xi32, #tpu.memory_space<vmem>>, vector<16xi32>,
          %swap3A_406 = vector.shape_cast %swap3A_405 : vector<16xi32> to vector<16xi32>
          %swap3A_407 = vector.shape_cast %get3A_403 : vector<16xi32> to vector<16xi32>
          tpu.vector_store %arg8[%swap3A_404], %swap3A_407 {strides = array<i32>} : memref<128xi32, #tpu.memory_space<vmem>>, vector<16xi32>,
          %get3A_408 = arith.index_cast %add3A_359 : i32 to index
          %get3A_409 = arith.constant 96 : index
          %get3A_410 = tpu.vector_load %arg6[%get3A_408, %get3A_409] {strides = array<i32>} : memref<20x128xi32, #tpu.memory_space<vmem>>, vector<1x16xi32>,
          %get3A_411 = vector.shape_cast %get3A_410 : vector<1x16xi32> to vector<16xi32>
          %swap3A_412 = arith.constant 96 : index
          %swap3A_413 = tpu.vector_load %arg8[%swap3A_412] {strides = array<i32>} : memref<128xi32, #tpu.memory_space<vmem>>, vector<16xi32>,
          %swap3A_414 = vector.shape_cast %swap3A_413 : vector<16xi32> to vector<16xi32>
          %swap3A_415 = vector.shape_cast %get3A_411 : vector<16xi32> to vector<16xi32>
          tpu.vector_store %arg8[%swap3A_412], %swap3A_415 {strides = array<i32>} : memref<128xi32, #tpu.memory_space<vmem>>, vector<16xi32>,
          %get3A_416 = arith.index_cast %add3A_359 : i32 to index
          %get3A_417 = arith.constant 112 : index
          %get3A_418 = tpu.vector_load %arg6[%get3A_416, %get3A_417] {strides = array<i32>} : memref<20x128xi32, #tpu.memory_space<vmem>>, vector<1x16xi32>,
          %get3A_419 = vector.shape_cast %get3A_418 : vector<1x16xi32> to vector<16xi32>
          %swap3A_420 = arith.constant 112 : index
          %swap3A_421 = tpu.vector_load %arg8[%swap3A_420] {strides = array<i32>} : memref<128xi32, #tpu.memory_space<vmem>>, vector<16xi32>,
          %swap3A_422 = vector.shape_cast %swap3A_421 : vector<16xi32> to vector<16xi32>
          %swap3A_423 = vector.shape_cast %get3A_419 : vector<16xi32> to vector<16xi32>
          tpu.vector_store %arg8[%swap3A_420], %swap3A_423 {strides = array<i32>} : memref<128xi32, #tpu.memory_space<vmem>>, vector<16xi32>,
          %dma_start3A_424 = arith.constant 0 : i32
          %dma_start3A_425 = arith.constant 0 : i32
          %dma_start3A_426 = tpu.memref_slice %arg2[%dma_start3A_424, %dma_start3A_425] : memref<10240x128xf32, #tpu.memory_space<hbm>> -> memref<10240x128xf32, #tpu.memory_space<hbm>>
          tpu.enqueue_indirect_dma source(%dma_start3A_426 : memref<10240x128xf32, #tpu.memory_space<hbm>>) target(%arg11 : memref<128x128xf32, #tpu.memory_space<vmem>>) offsets(%arg8 : memref<128xi32, #tpu.memory_space<vmem>>) semaphore(%arg14 : memref<!tpu.dma_semaphore, #tpu.memory_space<semaphore_mem>>)
        } else {
        }
        %dma_wait3A_281 = arith.constant 0 : i32
        %dma_wait3A_282 = arith.constant 0 : i32
        %dma_wait3A_283 = tpu.memref_slice %arg2[%dma_wait3A_281, %dma_wait3A_282] : memref<10240x128xf32, #tpu.memory_space<hbm>> -> memref<10240x128xf32, #tpu.memory_space<hbm>>
        tpu.wait_indirect_dma semaphore(%arg15 : memref<!tpu.dma_semaphore, #tpu.memory_space<semaphore_mem>>) src(%dma_wait3A_283 : memref<10240x128xf32, #tpu.memory_space<hbm>>) dst(%arg12 : memref<128x128xf32, #tpu.memory_space<vmem>>)
        %add3A_284 = arith.constant 1 : i32
        %add3A_285 = arith.addi %mul3A_210, %add3A_284 : i32
        %get3A_286 = arith.index_cast %add3A_285 : i32 to index
        %get3A_287 = arith.constant 0 : index
        %get3A_288 = tpu.vector_load %arg7[%get3A_286, %get3A_287] {strides = array<i32>} : memref<20x128xi32, #tpu.memory_space<vmem>>, vector<1x16xi32>,
        %get3A_289 = vector.shape_cast %get3A_288 : vector<1x16xi32> to vector<16xi32>
        %swap3A_290 = arith.constant 0 : index
        %swap3A_291 = tpu.vector_load %arg10[%swap3A_290] {strides = array<i32>} : memref<128xi32, #tpu.memory_space<vmem>>, vector<16xi32>,
        %swap3A_292 = vector.shape_cast %swap3A_291 : vector<16xi32> to vector<16xi32>
        %swap3A_293 = vector.shape_cast %get3A_289 : vector<16xi32> to vector<16xi32>
        tpu.vector_store %arg10[%swap3A_290], %swap3A_293 {strides = array<i32>} : memref<128xi32, #tpu.memory_space<vmem>>, vector<16xi32>,
        %get3A_294 = arith.index_cast %add3A_285 : i32 to index
        %get3A_295 = arith.constant 16 : index
        %get3A_296 = tpu.vector_load %arg7[%get3A_294, %get3A_295] {strides = array<i32>} : memref<20x128xi32, #tpu.memory_space<vmem>>, vector<1x16xi32>,
        %get3A_297 = vector.shape_cast %get3A_296 : vector<1x16xi32> to vector<16xi32>
        %swap3A_298 = arith.constant 16 : index
        %swap3A_299 = tpu.vector_load %arg10[%swap3A_298] {strides = array<i32>} : memref<128xi32, #tpu.memory_space<vmem>>, vector<16xi32>,
        %swap3A_300 = vector.shape_cast %swap3A_299 : vector<16xi32> to vector<16xi32>
        %swap3A_301 = vector.shape_cast %get3A_297 : vector<16xi32> to vector<16xi32>
        tpu.vector_store %arg10[%swap3A_298], %swap3A_301 {strides = array<i32>} : memref<128xi32, #tpu.memory_space<vmem>>, vector<16xi32>,
        %get3A_302 = arith.index_cast %add3A_285 : i32 to index
        %get3A_303 = arith.constant 32 : index
        %get3A_304 = tpu.vector_load %arg7[%get3A_302, %get3A_303] {strides = array<i32>} : memref<20x128xi32, #tpu.memory_space<vmem>>, vector<1x16xi32>,
        %get3A_305 = vector.shape_cast %get3A_304 : vector<1x16xi32> to vector<16xi32>
        %swap3A_306 = arith.constant 32 : index
        %swap3A_307 = tpu.vector_load %arg10[%swap3A_306] {strides = array<i32>} : memref<128xi32, #tpu.memory_space<vmem>>, vector<16xi32>,
        %swap3A_308 = vector.shape_cast %swap3A_307 : vector<16xi32> to vector<16xi32>
        %swap3A_309 = vector.shape_cast %get3A_305 : vector<16xi32> to vector<16xi32>
        tpu.vector_store %arg10[%swap3A_306], %swap3A_309 {strides = array<i32>} : memref<128xi32, #tpu.memory_space<vmem>>, vector<16xi32>,
        %get3A_310 = arith.index_cast %add3A_285 : i32 to index
        %get3A_311 = arith.constant 48 : index
        %get3A_312 = tpu.vector_load %arg7[%get3A_310, %get3A_311] {strides = array<i32>} : memref<20x128xi32, #tpu.memory_space<vmem>>, vector<1x16xi32>,
        %get3A_313 = vector.shape_cast %get3A_312 : vector<1x16xi32> to vector<16xi32>
        %swap3A_314 = arith.constant 48 : index
        %swap3A_315 = tpu.vector_load %arg10[%swap3A_314] {strides = array<i32>} : memref<128xi32, #tpu.memory_space<vmem>>, vector<16xi32>,
        %swap3A_316 = vector.shape_cast %swap3A_315 : vector<16xi32> to vector<16xi32>
        %swap3A_317 = vector.shape_cast %get3A_313 : vector<16xi32> to vector<16xi32>
        tpu.vector_store %arg10[%swap3A_314], %swap3A_317 {strides = array<i32>} : memref<128xi32, #tpu.memory_space<vmem>>, vector<16xi32>,
        %get3A_318 = arith.index_cast %add3A_285 : i32 to index
        %get3A_319 = arith.constant 64 : index
        %get3A_320 = tpu.vector_load %arg7[%get3A_318, %get3A_319] {strides = array<i32>} : memref<20x128xi32, #tpu.memory_space<vmem>>, vector<1x16xi32>,
        %get3A_321 = vector.shape_cast %get3A_320 : vector<1x16xi32> to vector<16xi32>
        %swap3A_322 = arith.constant 64 : index
        %swap3A_323 = tpu.vector_load %arg10[%swap3A_322] {strides = array<i32>} : memref<128xi32, #tpu.memory_space<vmem>>, vector<16xi32>,
        %swap3A_324 = vector.shape_cast %swap3A_323 : vector<16xi32> to vector<16xi32>
        %swap3A_325 = vector.shape_cast %get3A_321 : vector<16xi32> to vector<16xi32>
        tpu.vector_store %arg10[%swap3A_322], %swap3A_325 {strides = array<i32>} : memref<128xi32, #tpu.memory_space<vmem>>, vector<16xi32>,
        %get3A_326 = arith.index_cast %add3A_285 : i32 to index
        %get3A_327 = arith.constant 80 : index
        %get3A_328 = tpu.vector_load %arg7[%get3A_326, %get3A_327] {strides = array<i32>} : memref<20x128xi32, #tpu.memory_space<vmem>>, vector<1x16xi32>,
        %get3A_329 = vector.shape_cast %get3A_328 : vector<1x16xi32> to vector<16xi32>
        %swap3A_330 = arith.constant 80 : index
        %swap3A_331 = tpu.vector_load %arg10[%swap3A_330] {strides = array<i32>} : memref<128xi32, #tpu.memory_space<vmem>>, vector<16xi32>,
        %swap3A_332 = vector.shape_cast %swap3A_331 : vector<16xi32> to vector<16xi32>
        %swap3A_333 = vector.shape_cast %get3A_329 : vector<16xi32> to vector<16xi32>
        tpu.vector_store %arg10[%swap3A_330], %swap3A_333 {strides = array<i32>} : memref<128xi32, #tpu.memory_space<vmem>>, vector<16xi32>,
        %get3A_334 = arith.index_cast %add3A_285 : i32 to index
        %get3A_335 = arith.constant 96 : index
        %get3A_336 = tpu.vector_load %arg7[%get3A_334, %get3A_335] {strides = array<i32>} : memref<20x128xi32, #tpu.memory_space<vmem>>, vector<1x16xi32>,
        %get3A_337 = vector.shape_cast %get3A_336 : vector<1x16xi32> to vector<16xi32>
        %swap3A_338 = arith.constant 96 : index
        %swap3A_339 = tpu.vector_load %arg10[%swap3A_338] {strides = array<i32>} : memref<128xi32, #tpu.memory_space<vmem>>, vector<16xi32>,
        %swap3A_340 = vector.shape_cast %swap3A_339 : vector<16xi32> to vector<16xi32>
        %swap3A_341 = vector.shape_cast %get3A_337 : vector<16xi32> to vector<16xi32>
        tpu.vector_store %arg10[%swap3A_338], %swap3A_341 {strides = array<i32>} : memref<128xi32, #tpu.memory_space<vmem>>, vector<16xi32>,
        %get3A_342 = arith.index_cast %add3A_285 : i32 to index
        %get3A_343 = arith.constant 112 : index
        %get3A_344 = tpu.vector_load %arg7[%get3A_342, %get3A_343] {strides = array<i32>} : memref<20x128xi32, #tpu.memory_space<vmem>>, vector<1x16xi32>,
        %get3A_345 = vector.shape_cast %get3A_344 : vector<1x16xi32> to vector<16xi32>
        %swap3A_346 = arith.constant 112 : index
        %swap3A_347 = tpu.vector_load %arg10[%swap3A_346] {strides = array<i32>} : memref<128xi32, #tpu.memory_space<vmem>>, vector<16xi32>,
        %swap3A_348 = vector.shape_cast %swap3A_347 : vector<16xi32> to vector<16xi32>
        %swap3A_349 = vector.shape_cast %get3A_345 : vector<16xi32> to vector<16xi32>
        tpu.vector_store %arg10[%swap3A_346], %swap3A_349 {strides = array<i32>} : memref<128xi32, #tpu.memory_space<vmem>>, vector<16xi32>,
        "tpu.region"() ({
          %run_scoped3A = tpu.sem_alloc : memref<!tpu.dma_semaphore, #tpu.memory_space<semaphore_mem>>
          %dma_start3A_358 = arith.constant 0 : i32
          %dma_start3A_359 = arith.constant 0 : i32
          %dma_start3A_360 = tpu.memref_slice %arg13[%dma_start3A_358, %dma_start3A_359] : memref<10240x128xf32, #tpu.memory_space<vmem_shared>> -> memref<10240x128xf32, #tpu.memory_space<vmem_shared>>
          tpu.enqueue_indirect_dma source(%arg12 : memref<128x128xf32, #tpu.memory_space<vmem>>) target(%dma_start3A_360 : memref<10240x128xf32, #tpu.memory_space<vmem_shared>>) offsets(%arg10 : memref<128xi32, #tpu.memory_space<vmem>>) semaphore(%run_scoped3A : memref<!tpu.dma_semaphore, #tpu.memory_space<semaphore_mem>>) {add = true}
          %dma_wait3A_361 = arith.constant 0 : i32
          %dma_wait3A_362 = arith.constant 0 : i32
          %dma_wait3A_363 = tpu.memref_slice %arg13[%dma_wait3A_361, %dma_wait3A_362] : memref<10240x128xf32, #tpu.memory_space<vmem_shared>> -> memref<10240x128xf32, #tpu.memory_space<vmem_shared>>
          tpu.wait_indirect_dma semaphore(%run_scoped3A : memref<!tpu.dma_semaphore, #tpu.memory_space<semaphore_mem>>) src(%arg12 : memref<128x128xf32, #tpu.memory_space<vmem>>) dst(%dma_wait3A_363 : memref<10240x128xf32, #tpu.memory_space<vmem_shared>>)
          tpu.yield
        }) : () -> ()
        %add3A_350 = arith.constant 3 : i32
        %add3A_351 = arith.addi %mul3A_210, %add3A_350 : i32
        %lt3A_352 = arith.constant 20 : i32
        %lt3A_353 = arith.cmpi slt, %add3A_351, %lt3A_352 : i32
        %convert_element_type3A_354 = arith.extui %lt3A_353 : i1 to i32
        %cond3A_355 = arith.constant 0 : i32
        %cond3A_356 = arith.cmpi ne, %convert_element_type3A_354, %cond3A_355 : i32
        scf.if %cond3A_356 {
          %add3A_358 = arith.constant 3 : i32
          %add3A_359 = arith.addi %mul3A_210, %add3A_358 : i32
          %get3A_360 = arith.index_cast %add3A_359 : i32 to index
          %get3A_361 = arith.constant 0 : index
          %get3A_362 = tpu.vector_load %arg6[%get3A_360, %get3A_361] {strides = array<i32>} : memref<20x128xi32, #tpu.memory_space<vmem>>, vector<1x16xi32>,
          %get3A_363 = vector.shape_cast %get3A_362 : vector<1x16xi32> to vector<16xi32>
          %swap3A_364 = arith.constant 0 : index
          %swap3A_365 = tpu.vector_load %arg9[%swap3A_364] {strides = array<i32>} : memref<128xi32, #tpu.memory_space<vmem>>, vector<16xi32>,
          %swap3A_366 = vector.shape_cast %swap3A_365 : vector<16xi32> to vector<16xi32>
          %swap3A_367 = vector.shape_cast %get3A_363 : vector<16xi32> to vector<16xi32>
          tpu.vector_store %arg9[%swap3A_364], %swap3A_367 {strides = array<i32>} : memref<128xi32, #tpu.memory_space<vmem>>, vector<16xi32>,
          %get3A_368 = arith.index_cast %add3A_359 : i32 to index
          %get3A_369 = arith.constant 16 : index
          %get3A_370 = tpu.vector_load %arg6[%get3A_368, %get3A_369] {strides = array<i32>} : memref<20x128xi32, #tpu.memory_space<vmem>>, vector<1x16xi32>,
          %get3A_371 = vector.shape_cast %get3A_370 : vector<1x16xi32> to vector<16xi32>
          %swap3A_372 = arith.constant 16 : index
          %swap3A_373 = tpu.vector_load %arg9[%swap3A_372] {strides = array<i32>} : memref<128xi32, #tpu.memory_space<vmem>>, vector<16xi32>,
          %swap3A_374 = vector.shape_cast %swap3A_373 : vector<16xi32> to vector<16xi32>
          %swap3A_375 = vector.shape_cast %get3A_371 : vector<16xi32> to vector<16xi32>
          tpu.vector_store %arg9[%swap3A_372], %swap3A_375 {strides = array<i32>} : memref<128xi32, #tpu.memory_space<vmem>>, vector<16xi32>,
          %get3A_376 = arith.index_cast %add3A_359 : i32 to index
          %get3A_377 = arith.constant 32 : index
          %get3A_378 = tpu.vector_load %arg6[%get3A_376, %get3A_377] {strides = array<i32>} : memref<20x128xi32, #tpu.memory_space<vmem>>, vector<1x16xi32>,
          %get3A_379 = vector.shape_cast %get3A_378 : vector<1x16xi32> to vector<16xi32>
          %swap3A_380 = arith.constant 32 : index
          %swap3A_381 = tpu.vector_load %arg9[%swap3A_380] {strides = array<i32>} : memref<128xi32, #tpu.memory_space<vmem>>, vector<16xi32>,
          %swap3A_382 = vector.shape_cast %swap3A_381 : vector<16xi32> to vector<16xi32>
          %swap3A_383 = vector.shape_cast %get3A_379 : vector<16xi32> to vector<16xi32>
          tpu.vector_store %arg9[%swap3A_380], %swap3A_383 {strides = array<i32>} : memref<128xi32, #tpu.memory_space<vmem>>, vector<16xi32>,
          %get3A_384 = arith.index_cast %add3A_359 : i32 to index
          %get3A_385 = arith.constant 48 : index
          %get3A_386 = tpu.vector_load %arg6[%get3A_384, %get3A_385] {strides = array<i32>} : memref<20x128xi32, #tpu.memory_space<vmem>>, vector<1x16xi32>,
          %get3A_387 = vector.shape_cast %get3A_386 : vector<1x16xi32> to vector<16xi32>
          %swap3A_388 = arith.constant 48 : index
          %swap3A_389 = tpu.vector_load %arg9[%swap3A_388] {strides = array<i32>} : memref<128xi32, #tpu.memory_space<vmem>>, vector<16xi32>,
          %swap3A_390 = vector.shape_cast %swap3A_389 : vector<16xi32> to vector<16xi32>
          %swap3A_391 = vector.shape_cast %get3A_387 : vector<16xi32> to vector<16xi32>
          tpu.vector_store %arg9[%swap3A_388], %swap3A_391 {strides = array<i32>} : memref<128xi32, #tpu.memory_space<vmem>>, vector<16xi32>,
          %get3A_392 = arith.index_cast %add3A_359 : i32 to index
          %get3A_393 = arith.constant 64 : index
          %get3A_394 = tpu.vector_load %arg6[%get3A_392, %get3A_393] {strides = array<i32>} : memref<20x128xi32, #tpu.memory_space<vmem>>, vector<1x16xi32>,
          %get3A_395 = vector.shape_cast %get3A_394 : vector<1x16xi32> to vector<16xi32>
          %swap3A_396 = arith.constant 64 : index
          %swap3A_397 = tpu.vector_load %arg9[%swap3A_396] {strides = array<i32>} : memref<128xi32, #tpu.memory_space<vmem>>, vector<16xi32>,
          %swap3A_398 = vector.shape_cast %swap3A_397 : vector<16xi32> to vector<16xi32>
          %swap3A_399 = vector.shape_cast %get3A_395 : vector<16xi32> to vector<16xi32>
          tpu.vector_store %arg9[%swap3A_396], %swap3A_399 {strides = array<i32>} : memref<128xi32, #tpu.memory_space<vmem>>, vector<16xi32>,
          %get3A_400 = arith.index_cast %add3A_359 : i32 to index
          %get3A_401 = arith.constant 80 : index
          %get3A_402 = tpu.vector_load %arg6[%get3A_400, %get3A_401] {strides = array<i32>} : memref<20x128xi32, #tpu.memory_space<vmem>>, vector<1x16xi32>,
          %get3A_403 = vector.shape_cast %get3A_402 : vector<1x16xi32> to vector<16xi32>
          %swap3A_404 = arith.constant 80 : index
          %swap3A_405 = tpu.vector_load %arg9[%swap3A_404] {strides = array<i32>} : memref<128xi32, #tpu.memory_space<vmem>>, vector<16xi32>,
          %swap3A_406 = vector.shape_cast %swap3A_405 : vector<16xi32> to vector<16xi32>
          %swap3A_407 = vector.shape_cast %get3A_403 : vector<16xi32> to vector<16xi32>
          tpu.vector_store %arg9[%swap3A_404], %swap3A_407 {strides = array<i32>} : memref<128xi32, #tpu.memory_space<vmem>>, vector<16xi32>,
          %get3A_408 = arith.index_cast %add3A_359 : i32 to index
          %get3A_409 = arith.constant 96 : index
          %get3A_410 = tpu.vector_load %arg6[%get3A_408, %get3A_409] {strides = array<i32>} : memref<20x128xi32, #tpu.memory_space<vmem>>, vector<1x16xi32>,
          %get3A_411 = vector.shape_cast %get3A_410 : vector<1x16xi32> to vector<16xi32>
          %swap3A_412 = arith.constant 96 : index
          %swap3A_413 = tpu.vector_load %arg9[%swap3A_412] {strides = array<i32>} : memref<128xi32, #tpu.memory_space<vmem>>, vector<16xi32>,
          %swap3A_414 = vector.shape_cast %swap3A_413 : vector<16xi32> to vector<16xi32>
          %swap3A_415 = vector.shape_cast %get3A_411 : vector<16xi32> to vector<16xi32>
          tpu.vector_store %arg9[%swap3A_412], %swap3A_415 {strides = array<i32>} : memref<128xi32, #tpu.memory_space<vmem>>, vector<16xi32>,
          %get3A_416 = arith.index_cast %add3A_359 : i32 to index
          %get3A_417 = arith.constant 112 : index
          %get3A_418 = tpu.vector_load %arg6[%get3A_416, %get3A_417] {strides = array<i32>} : memref<20x128xi32, #tpu.memory_space<vmem>>, vector<1x16xi32>,
          %get3A_419 = vector.shape_cast %get3A_418 : vector<1x16xi32> to vector<16xi32>
          %swap3A_420 = arith.constant 112 : index
          %swap3A_421 = tpu.vector_load %arg9[%swap3A_420] {strides = array<i32>} : memref<128xi32, #tpu.memory_space<vmem>>, vector<16xi32>,
          %swap3A_422 = vector.shape_cast %swap3A_421 : vector<16xi32> to vector<16xi32>
          %swap3A_423 = vector.shape_cast %get3A_419 : vector<16xi32> to vector<16xi32>
          tpu.vector_store %arg9[%swap3A_420], %swap3A_423 {strides = array<i32>} : memref<128xi32, #tpu.memory_space<vmem>>, vector<16xi32>,
          %dma_start3A_424 = arith.constant 0 : i32
          %dma_start3A_425 = arith.constant 0 : i32
          %dma_start3A_426 = tpu.memref_slice %arg2[%dma_start3A_424, %dma_start3A_425] : memref<10240x128xf32, #tpu.memory_space<hbm>> -> memref<10240x128xf32, #tpu.memory_space<hbm>>
          tpu.enqueue_indirect_dma source(%dma_start3A_426 : memref<10240x128xf32, #tpu.memory_space<hbm>>) target(%arg12 : memref<128x128xf32, #tpu.memory_space<vmem>>) offsets(%arg9 : memref<128xi32, #tpu.memory_space<vmem>>) semaphore(%arg15 : memref<!tpu.dma_semaphore, #tpu.memory_space<semaphore_mem>>)
        } else {
        }
        %scan3A_357 = arith.constant 0 : i32
        scf.yield %scan3A_357 : i32
      }
      %scan3A_205 = arith.constant 10 : i32
      %while3A_206 = arith.constant 0 : i32
      scf.yield %while3A_206 : i32
    }
    %while3A_41 = arith.constant 1 : i32
    %while3A_42 = scf.for %while3A_48 = %while3A_38 to %while3A_34 step %while3A_41 iter_args(%while3A_49 = %while3A_40) -> (i32)  : i32 {
      %add3A_50 = arith.addi %add3A, %while3A_48 : i32
      "tpu.region"() ({
        %run_scoped3A = tpu.sem_alloc : memref<!tpu.dma_semaphore, #tpu.memory_space<semaphore_mem>>
        %dma_start3A_207 = arith.constant 0 : i32
        %dma_start3A_208 = arith.constant 0 : i32
        %dma_start3A_209 = tpu.memref_slice %arg3[%add3A_50, %dma_start3A_207, %dma_start3A_208] : memref<128x20x128xi32, #tpu.memory_space<hbm>> -> memref<1x20x128xi32, #tpu.memory_space<hbm>>
        %dma_start3A_210 = tpu.memref_squeeze %dma_start3A_209 : memref<1x20x128xi32, #tpu.memory_space<hbm>> -> memref<20x128xi32, #tpu.memory_space<hbm>>
        %dma_start3A_211 = arith.constant 0 : i32
        %dma_start3A_212 = arith.constant 0 : i32
        %dma_start3A_213 = tpu.memref_slice %arg3[%add3A_50, %dma_start3A_211, %dma_start3A_212] : memref<128x20x128xi32, #tpu.memory_space<hbm>> -> memref<1x20x128xi32, #tpu.memory_space<hbm>>
        %dma_start3A_214 = tpu.memref_squeeze %dma_start3A_213 : memref<1x20x128xi32, #tpu.memory_space<hbm>> -> memref<20x128xi32, #tpu.memory_space<hbm>>
        tpu.enqueue_dma source(%dma_start3A_214 : memref<20x128xi32, #tpu.memory_space<hbm>>) target(%arg6 : memref<20x128xi32, #tpu.memory_space<vmem>>) target_semaphore(%run_scoped3A : memref<!tpu.dma_semaphore, #tpu.memory_space<semaphore_mem>>)
        %dma_wait3A = arith.constant 0 : i32
        %dma_wait3A_215 = arith.constant 0 : i32
        %dma_wait3A_216 = tpu.memref_slice %arg3[%add3A_50, %dma_wait3A, %dma_wait3A_215] : memref<128x20x128xi32, #tpu.memory_space<hbm>> -> memref<1x20x128xi32, #tpu.memory_space<hbm>>
        %dma_wait3A_217 = tpu.memref_squeeze %dma_wait3A_216 : memref<1x20x128xi32, #tpu.memory_space<hbm>> -> memref<20x128xi32, #tpu.memory_space<hbm>>
        %dma_wait3A_218 = arith.constant 0 : i32
        %dma_wait3A_219 = arith.constant 0 : i32
        %dma_wait3A_220 = tpu.memref_slice %arg3[%add3A_50, %dma_wait3A_218, %dma_wait3A_219] : memref<128x20x128xi32, #tpu.memory_space<hbm>> -> memref<1x20x128xi32, #tpu.memory_space<hbm>>
        %dma_wait3A_221 = tpu.memref_squeeze %dma_wait3A_220 : memref<1x20x128xi32, #tpu.memory_space<hbm>> -> memref<20x128xi32, #tpu.memory_space<hbm>>
        tpu.wait_dma2 semaphore(%run_scoped3A : memref<!tpu.dma_semaphore, #tpu.memory_space<semaphore_mem>>) src(%dma_wait3A_221 : memref<20x128xi32, #tpu.memory_space<hbm>>) dst(%arg6 : memref<20x128xi32, #tpu.memory_space<vmem>>)
        tpu.yield
      }) : () -> ()
      %add3A_51 = arith.addi %add3A, %while3A_48 : i32
      "tpu.region"() ({
        %run_scoped3A = tpu.sem_alloc : memref<!tpu.dma_semaphore, #tpu.memory_space<semaphore_mem>>
        %dma_start3A_207 = arith.constant 0 : i32
        %dma_start3A_208 = arith.constant 0 : i32
        %dma_start3A_209 = tpu.memref_slice %arg4[%add3A_51, %dma_start3A_207, %dma_start3A_208] : memref<128x20x128xi32, #tpu.memory_space<hbm>> -> memref<1x20x128xi32, #tpu.memory_space<hbm>>
        %dma_start3A_210 = tpu.memref_squeeze %dma_start3A_209 : memref<1x20x128xi32, #tpu.memory_space<hbm>> -> memref<20x128xi32, #tpu.memory_space<hbm>>
        %dma_start3A_211 = arith.constant 0 : i32
        %dma_start3A_212 = arith.constant 0 : i32
        %dma_start3A_213 = tpu.memref_slice %arg4[%add3A_51, %dma_start3A_211, %dma_start3A_212] : memref<128x20x128xi32, #tpu.memory_space<hbm>> -> memref<1x20x128xi32, #tpu.memory_space<hbm>>
        %dma_start3A_214 = tpu.memref_squeeze %dma_start3A_213 : memref<1x20x128xi32, #tpu.memory_space<hbm>> -> memref<20x128xi32, #tpu.memory_space<hbm>>
        tpu.enqueue_dma source(%dma_start3A_214 : memref<20x128xi32, #tpu.memory_space<hbm>>) target(%arg7 : memref<20x128xi32, #tpu.memory_space<vmem>>) target_semaphore(%run_scoped3A : memref<!tpu.dma_semaphore, #tpu.memory_space<semaphore_mem>>)
        %dma_wait3A = arith.constant 0 : i32
        %dma_wait3A_215 = arith.constant 0 : i32
        %dma_wait3A_216 = tpu.memref_slice %arg4[%add3A_51, %dma_wait3A, %dma_wait3A_215] : memref<128x20x128xi32, #tpu.memory_space<hbm>> -> memref<1x20x128xi32, #tpu.memory_space<hbm>>
        %dma_wait3A_217 = tpu.memref_squeeze %dma_wait3A_216 : memref<1x20x128xi32, #tpu.memory_space<hbm>> -> memref<20x128xi32, #tpu.memory_space<hbm>>
        %dma_wait3A_218 = arith.constant 0 : i32
        %dma_wait3A_219 = arith.constant 0 : i32
        %dma_wait3A_220 = tpu.memref_slice %arg4[%add3A_51, %dma_wait3A_218, %dma_wait3A_219] : memref<128x20x128xi32, #tpu.memory_space<hbm>> -> memref<1x20x128xi32, #tpu.memory_space<hbm>>
        %dma_wait3A_221 = tpu.memref_squeeze %dma_wait3A_220 : memref<1x20x128xi32, #tpu.memory_space<hbm>> -> memref<20x128xi32, #tpu.memory_space<hbm>>
        tpu.wait_dma2 semaphore(%run_scoped3A : memref<!tpu.dma_semaphore, #tpu.memory_space<semaphore_mem>>) src(%dma_wait3A_221 : memref<20x128xi32, #tpu.memory_space<hbm>>) dst(%arg7 : memref<20x128xi32, #tpu.memory_space<vmem>>)
        tpu.yield
      }) : () -> ()
      %get3A = arith.constant 0 : i32
      %get3A_52 = arith.index_cast %get3A : i32 to index
      %get3A_53 = arith.constant 0 : index
      %get3A_54 = tpu.vector_load %arg6[%get3A_52, %get3A_53] {strides = array<i32>} : memref<20x128xi32, #tpu.memory_space<vmem>>, vector<1x16xi32>,
      %get3A_55 = vector.shape_cast %get3A_54 : vector<1x16xi32> to vector<16xi32>
      %swap3A = arith.constant 0 : index
      %swap3A_56 = tpu.vector_load %arg8[%swap3A] {strides = array<i32>} : memref<128xi32, #tpu.memory_space<vmem>>, vector<16xi32>,
      %swap3A_57 = vector.shape_cast %swap3A_56 : vector<16xi32> to vector<16xi32>
      %swap3A_58 = vector.shape_cast %get3A_55 : vector<16xi32> to vector<16xi32>
      tpu.vector_store %arg8[%swap3A], %swap3A_58 {strides = array<i32>} : memref<128xi32, #tpu.memory_space<vmem>>, vector<16xi32>,
      %get3A_59 = arith.constant 0 : i32
      %get3A_60 = arith.index_cast %get3A_59 : i32 to index
      %get3A_61 = arith.constant 16 : index
      %get3A_62 = tpu.vector_load %arg6[%get3A_60, %get3A_61] {strides = array<i32>} : memref<20x128xi32, #tpu.memory_space<vmem>>, vector<1x16xi32>,
      %get3A_63 = vector.shape_cast %get3A_62 : vector<1x16xi32> to vector<16xi32>
      %swap3A_64 = arith.constant 16 : index
      %swap3A_65 = tpu.vector_load %arg8[%swap3A_64] {strides = array<i32>} : memref<128xi32, #tpu.memory_space<vmem>>, vector<16xi32>,
      %swap3A_66 = vector.shape_cast %swap3A_65 : vector<16xi32> to vector<16xi32>
      %swap3A_67 = vector.shape_cast %get3A_63 : vector<16xi32> to vector<16xi32>
      tpu.vector_store %arg8[%swap3A_64], %swap3A_67 {strides = array<i32>} : memref<128xi32, #tpu.memory_space<vmem>>, vector<16xi32>,
      %get3A_68 = arith.constant 0 : i32
      %get3A_69 = arith.index_cast %get3A_68 : i32 to index
      %get3A_70 = arith.constant 32 : index
      %get3A_71 = tpu.vector_load %arg6[%get3A_69, %get3A_70] {strides = array<i32>} : memref<20x128xi32, #tpu.memory_space<vmem>>, vector<1x16xi32>,
      %get3A_72 = vector.shape_cast %get3A_71 : vector<1x16xi32> to vector<16xi32>
      %swap3A_73 = arith.constant 32 : index
      %swap3A_74 = tpu.vector_load %arg8[%swap3A_73] {strides = array<i32>} : memref<128xi32, #tpu.memory_space<vmem>>, vector<16xi32>,
      %swap3A_75 = vector.shape_cast %swap3A_74 : vector<16xi32> to vector<16xi32>
      %swap3A_76 = vector.shape_cast %get3A_72 : vector<16xi32> to vector<16xi32>
      tpu.vector_store %arg8[%swap3A_73], %swap3A_76 {strides = array<i32>} : memref<128xi32, #tpu.memory_space<vmem>>, vector<16xi32>,
      %get3A_77 = arith.constant 0 : i32
      %get3A_78 = arith.index_cast %get3A_77 : i32 to index
      %get3A_79 = arith.constant 48 : index
      %get3A_80 = tpu.vector_load %arg6[%get3A_78, %get3A_79] {strides = array<i32>} : memref<20x128xi32, #tpu.memory_space<vmem>>, vector<1x16xi32>,
      %get3A_81 = vector.shape_cast %get3A_80 : vector<1x16xi32> to vector<16xi32>
      %swap3A_82 = arith.constant 48 : index
      %swap3A_83 = tpu.vector_load %arg8[%swap3A_82] {strides = array<i32>} : memref<128xi32, #tpu.memory_space<vmem>>, vector<16xi32>,
      %swap3A_84 = vector.shape_cast %swap3A_83 : vector<16xi32> to vector<16xi32>
      %swap3A_85 = vector.shape_cast %get3A_81 : vector<16xi32> to vector<16xi32>
      tpu.vector_store %arg8[%swap3A_82], %swap3A_85 {strides = array<i32>} : memref<128xi32, #tpu.memory_space<vmem>>, vector<16xi32>,
      %get3A_86 = arith.constant 0 : i32
      %get3A_87 = arith.index_cast %get3A_86 : i32 to index
      %get3A_88 = arith.constant 64 : index
      %get3A_89 = tpu.vector_load %arg6[%get3A_87, %get3A_88] {strides = array<i32>} : memref<20x128xi32, #tpu.memory_space<vmem>>, vector<1x16xi32>,
      %get3A_90 = vector.shape_cast %get3A_89 : vector<1x16xi32> to vector<16xi32>
      %swap3A_91 = arith.constant 64 : index
      %swap3A_92 = tpu.vector_load %arg8[%swap3A_91] {strides = array<i32>} : memref<128xi32, #tpu.memory_space<vmem>>, vector<16xi32>,
      %swap3A_93 = vector.shape_cast %swap3A_92 : vector<16xi32> to vector<16xi32>
      %swap3A_94 = vector.shape_cast %get3A_90 : vector<16xi32> to vector<16xi32>
      tpu.vector_store %arg8[%swap3A_91], %swap3A_94 {strides = array<i32>} : memref<128xi32, #tpu.memory_space<vmem>>, vector<16xi32>,
      %get3A_95 = arith.constant 0 : i32
      %get3A_96 = arith.index_cast %get3A_95 : i32 to index
      %get3A_97 = arith.constant 80 : index
      %get3A_98 = tpu.vector_load %arg6[%get3A_96, %get3A_97] {strides = array<i32>} : memref<20x128xi32, #tpu.memory_space<vmem>>, vector<1x16xi32>,
      %get3A_99 = vector.shape_cast %get3A_98 : vector<1x16xi32> to vector<16xi32>
      %swap3A_100 = arith.constant 80 : index
      %swap3A_101 = tpu.vector_load %arg8[%swap3A_100] {strides = array<i32>} : memref<128xi32, #tpu.memory_space<vmem>>, vector<16xi32>,
      %swap3A_102 = vector.shape_cast %swap3A_101 : vector<16xi32> to vector<16xi32>
      %swap3A_103 = vector.shape_cast %get3A_99 : vector<16xi32> to vector<16xi32>
      tpu.vector_store %arg8[%swap3A_100], %swap3A_103 {strides = array<i32>} : memref<128xi32, #tpu.memory_space<vmem>>, vector<16xi32>,
      %get3A_104 = arith.constant 0 : i32
      %get3A_105 = arith.index_cast %get3A_104 : i32 to index
      %get3A_106 = arith.constant 96 : index
      %get3A_107 = tpu.vector_load %arg6[%get3A_105, %get3A_106] {strides = array<i32>} : memref<20x128xi32, #tpu.memory_space<vmem>>, vector<1x16xi32>,
      %get3A_108 = vector.shape_cast %get3A_107 : vector<1x16xi32> to vector<16xi32>
      %swap3A_109 = arith.constant 96 : index
      %swap3A_110 = tpu.vector_load %arg8[%swap3A_109] {strides = array<i32>} : memref<128xi32, #tpu.memory_space<vmem>>, vector<16xi32>,
      %swap3A_111 = vector.shape_cast %swap3A_110 : vector<16xi32> to vector<16xi32>
      %swap3A_112 = vector.shape_cast %get3A_108 : vector<16xi32> to vector<16xi32>
      tpu.vector_store %arg8[%swap3A_109], %swap3A_112 {strides = array<i32>} : memref<128xi32, #tpu.memory_space<vmem>>, vector<16xi32>,
      %get3A_113 = arith.constant 0 : i32
      %get3A_114 = arith.index_cast %get3A_113 : i32 to index
      %get3A_115 = arith.constant 112 : index
      %get3A_116 = tpu.vector_load %arg6[%get3A_114, %get3A_115] {strides = array<i32>} : memref<20x128xi32, #tpu.memory_space<vmem>>, vector<1x16xi32>,
      %get3A_117 = vector.shape_cast %get3A_116 : vector<1x16xi32> to vector<16xi32>
      %swap3A_118 = arith.constant 112 : index
      %swap3A_119 = tpu.vector_load %arg8[%swap3A_118] {strides = array<i32>} : memref<128xi32, #tpu.memory_space<vmem>>, vector<16xi32>,
      %swap3A_120 = vector.shape_cast %swap3A_119 : vector<16xi32> to vector<16xi32>
      %swap3A_121 = vector.shape_cast %get3A_117 : vector<16xi32> to vector<16xi32>
      tpu.vector_store %arg8[%swap3A_118], %swap3A_121 {strides = array<i32>} : memref<128xi32, #tpu.memory_space<vmem>>, vector<16xi32>,
      %dma_start3A = arith.constant 0 : i32
      %dma_start3A_122 = arith.constant 0 : i32
      %dma_start3A_123 = tpu.memref_slice %arg2[%dma_start3A, %dma_start3A_122] : memref<10240x128xf32, #tpu.memory_space<hbm>> -> memref<10240x128xf32, #tpu.memory_space<hbm>>
      tpu.enqueue_indirect_dma source(%dma_start3A_123 : memref<10240x128xf32, #tpu.memory_space<hbm>>) target(%arg11 : memref<128x128xf32, #tpu.memory_space<vmem>>) offsets(%arg8 : memref<128xi32, #tpu.memory_space<vmem>>) semaphore(%arg14 : memref<!tpu.dma_semaphore, #tpu.memory_space<semaphore_mem>>)
      %get3A_124 = arith.constant 1 : i32
      %get3A_125 = arith.index_cast %get3A_124 : i32 to index
      %get3A_126 = arith.constant 0 : index
      %get3A_127 = tpu.vector_load %arg6[%get3A_125, %get3A_126] {strides = array<i32>} : memref<20x128xi32, #tpu.memory_space<vmem>>, vector<1x16xi32>,
      %get3A_128 = vector.shape_cast %get3A_127 : vector<1x16xi32> to vector<16xi32>
      %swap3A_129 = arith.constant 0 : index
      %swap3A_130 = tpu.vector_load %arg9[%swap3A_129] {strides = array<i32>} : memref<128xi32, #tpu.memory_space<vmem>>, vector<16xi32>,
      %swap3A_131 = vector.shape_cast %swap3A_130 : vector<16xi32> to vector<16xi32>
      %swap3A_132 = vector.shape_cast %get3A_128 : vector<16xi32> to vector<16xi32>
      tpu.vector_store %arg9[%swap3A_129], %swap3A_132 {strides = array<i32>} : memref<128xi32, #tpu.memory_space<vmem>>, vector<16xi32>,
      %get3A_133 = arith.constant 1 : i32
      %get3A_134 = arith.index_cast %get3A_133 : i32 to index
      %get3A_135 = arith.constant 16 : index
      %get3A_136 = tpu.vector_load %arg6[%get3A_134, %get3A_135] {strides = array<i32>} : memref<20x128xi32, #tpu.memory_space<vmem>>, vector<1x16xi32>,
      %get3A_137 = vector.shape_cast %get3A_136 : vector<1x16xi32> to vector<16xi32>
      %swap3A_138 = arith.constant 16 : index
      %swap3A_139 = tpu.vector_load %arg9[%swap3A_138] {strides = array<i32>} : memref<128xi32, #tpu.memory_space<vmem>>, vector<16xi32>,
      %swap3A_140 = vector.shape_cast %swap3A_139 : vector<16xi32> to vector<16xi32>
      %swap3A_141 = vector.shape_cast %get3A_137 : vector<16xi32> to vector<16xi32>
      tpu.vector_store %arg9[%swap3A_138], %swap3A_141 {strides = array<i32>} : memref<128xi32, #tpu.memory_space<vmem>>, vector<16xi32>,
      %get3A_142 = arith.constant 1 : i32
      %get3A_143 = arith.index_cast %get3A_142 : i32 to index
      %get3A_144 = arith.constant 32 : index
      %get3A_145 = tpu.vector_load %arg6[%get3A_143, %get3A_144] {strides = array<i32>} : memref<20x128xi32, #tpu.memory_space<vmem>>, vector<1x16xi32>,
      %get3A_146 = vector.shape_cast %get3A_145 : vector<1x16xi32> to vector<16xi32>
      %swap3A_147 = arith.constant 32 : index
      %swap3A_148 = tpu.vector_load %arg9[%swap3A_147] {strides = array<i32>} : memref<128xi32, #tpu.memory_space<vmem>>, vector<16xi32>,
      %swap3A_149 = vector.shape_cast %swap3A_148 : vector<16xi32> to vector<16xi32>
      %swap3A_150 = vector.shape_cast %get3A_146 : vector<16xi32> to vector<16xi32>
      tpu.vector_store %arg9[%swap3A_147], %swap3A_150 {strides = array<i32>} : memref<128xi32, #tpu.memory_space<vmem>>, vector<16xi32>,
      %get3A_151 = arith.constant 1 : i32
      %get3A_152 = arith.index_cast %get3A_151 : i32 to index
      %get3A_153 = arith.constant 48 : index
      %get3A_154 = tpu.vector_load %arg6[%get3A_152, %get3A_153] {strides = array<i32>} : memref<20x128xi32, #tpu.memory_space<vmem>>, vector<1x16xi32>,
      %get3A_155 = vector.shape_cast %get3A_154 : vector<1x16xi32> to vector<16xi32>
      %swap3A_156 = arith.constant 48 : index
      %swap3A_157 = tpu.vector_load %arg9[%swap3A_156] {strides = array<i32>} : memref<128xi32, #tpu.memory_space<vmem>>, vector<16xi32>,
      %swap3A_158 = vector.shape_cast %swap3A_157 : vector<16xi32> to vector<16xi32>
      %swap3A_159 = vector.shape_cast %get3A_155 : vector<16xi32> to vector<16xi32>
      tpu.vector_store %arg9[%swap3A_156], %swap3A_159 {strides = array<i32>} : memref<128xi32, #tpu.memory_space<vmem>>, vector<16xi32>,
      %get3A_160 = arith.constant 1 : i32
      %get3A_161 = arith.index_cast %get3A_160 : i32 to index
      %get3A_162 = arith.constant 64 : index
      %get3A_163 = tpu.vector_load %arg6[%get3A_161, %get3A_162] {strides = array<i32>} : memref<20x128xi32, #tpu.memory_space<vmem>>, vector<1x16xi32>,
      %get3A_164 = vector.shape_cast %get3A_163 : vector<1x16xi32> to vector<16xi32>
      %swap3A_165 = arith.constant 64 : index
      %swap3A_166 = tpu.vector_load %arg9[%swap3A_165] {strides = array<i32>} : memref<128xi32, #tpu.memory_space<vmem>>, vector<16xi32>,
      %swap3A_167 = vector.shape_cast %swap3A_166 : vector<16xi32> to vector<16xi32>
      %swap3A_168 = vector.shape_cast %get3A_164 : vector<16xi32> to vector<16xi32>
      tpu.vector_store %arg9[%swap3A_165], %swap3A_168 {strides = array<i32>} : memref<128xi32, #tpu.memory_space<vmem>>, vector<16xi32>,
      %get3A_169 = arith.constant 1 : i32
      %get3A_170 = arith.index_cast %get3A_169 : i32 to index
      %get3A_171 = arith.constant 80 : index
      %get3A_172 = tpu.vector_load %arg6[%get3A_170, %get3A_171] {strides = array<i32>} : memref<20x128xi32, #tpu.memory_space<vmem>>, vector<1x16xi32>,
      %get3A_173 = vector.shape_cast %get3A_172 : vector<1x16xi32> to vector<16xi32>
      %swap3A_174 = arith.constant 80 : index
      %swap3A_175 = tpu.vector_load %arg9[%swap3A_174] {strides = array<i32>} : memref<128xi32, #tpu.memory_space<vmem>>, vector<16xi32>,
      %swap3A_176 = vector.shape_cast %swap3A_175 : vector<16xi32> to vector<16xi32>
      %swap3A_177 = vector.shape_cast %get3A_173 : vector<16xi32> to vector<16xi32>
      tpu.vector_store %arg9[%swap3A_174], %swap3A_177 {strides = array<i32>} : memref<128xi32, #tpu.memory_space<vmem>>, vector<16xi32>,
      %get3A_178 = arith.constant 1 : i32
      %get3A_179 = arith.index_cast %get3A_178 : i32 to index
      %get3A_180 = arith.constant 96 : index
      %get3A_181 = tpu.vector_load %arg6[%get3A_179, %get3A_180] {strides = array<i32>} : memref<20x128xi32, #tpu.memory_space<vmem>>, vector<1x16xi32>,
      %get3A_182 = vector.shape_cast %get3A_181 : vector<1x16xi32> to vector<16xi32>
      %swap3A_183 = arith.constant 96 : index
      %swap3A_184 = tpu.vector_load %arg9[%swap3A_183] {strides = array<i32>} : memref<128xi32, #tpu.memory_space<vmem>>, vector<16xi32>,
      %swap3A_185 = vector.shape_cast %swap3A_184 : vector<16xi32> to vector<16xi32>
      %swap3A_186 = vector.shape_cast %get3A_182 : vector<16xi32> to vector<16xi32>
      tpu.vector_store %arg9[%swap3A_183], %swap3A_186 {strides = array<i32>} : memref<128xi32, #tpu.memory_space<vmem>>, vector<16xi32>,
      %get3A_187 = arith.constant 1 : i32
      %get3A_188 = arith.index_cast %get3A_187 : i32 to index
      %get3A_189 = arith.constant 112 : index
      %get3A_190 = tpu.vector_load %arg6[%get3A_188, %get3A_189] {strides = array<i32>} : memref<20x128xi32, #tpu.memory_space<vmem>>, vector<1x16xi32>,
      %get3A_191 = vector.shape_cast %get3A_190 : vector<1x16xi32> to vector<16xi32>
      %swap3A_192 = arith.constant 112 : index
      %swap3A_193 = tpu.vector_load %arg9[%swap3A_192] {strides = array<i32>} : memref<128xi32, #tpu.memory_space<vmem>>, vector<16xi32>,
      %swap3A_194 = vector.shape_cast %swap3A_193 : vector<16xi32> to vector<16xi32>
      %swap3A_195 = vector.shape_cast %get3A_191 : vector<16xi32> to vector<16xi32>
      tpu.vector_store %arg9[%swap3A_192], %swap3A_195 {strides = array<i32>} : memref<128xi32, #tpu.memory_space<vmem>>, vector<16xi32>,
      %dma_start3A_196 = arith.constant 0 : i32
      %dma_start3A_197 = arith.constant 0 : i32
      %dma_start3A_198 = tpu.memref_slice %arg2[%dma_start3A_196, %dma_start3A_197] : memref<10240x128xf32, #tpu.memory_space<hbm>> -> memref<10240x128xf32, #tpu.memory_space<hbm>>
      tpu.enqueue_indirect_dma source(%dma_start3A_198 : memref<10240x128xf32, #tpu.memory_space<hbm>>) target(%arg12 : memref<128x128xf32, #tpu.memory_space<vmem>>) offsets(%arg9 : memref<128xi32, #tpu.memory_space<vmem>>) semaphore(%arg15 : memref<!tpu.dma_semaphore, #tpu.memory_space<semaphore_mem>>)
      %scan3A_199 = arith.constant 0 : i32
      %scan3A_200 = arith.constant 0 : i32
      %scan3A_201 = arith.constant 10 : i32
      %scan3A_202 = arith.addi %scan3A_200, %scan3A_201 : i32
      %scan3A_203 = arith.constant 1 : i32
      %scan3A_204 = scf.for %scan3A_207 = %scan3A_200 to %scan3A_202 step %scan3A_203 iter_args(%scan3A_208 = %scan3A_199) -> (i32)  : i32 {
        %mul3A_209 = arith.constant 2 : i32
        %mul3A_210 = arith.muli %mul3A_209, %scan3A_207 : i32
        %dma_wait3A = arith.constant 0 : i32
        %dma_wait3A_211 = arith.constant 0 : i32
        %dma_wait3A_212 = tpu.memref_slice %arg2[%dma_wait3A, %dma_wait3A_211] : memref<10240x128xf32, #tpu.memory_space<hbm>> -> memref<10240x128xf32, #tpu.memory_space<hbm>>
        tpu.wait_indirect_dma semaphore(%arg14 : memref<!tpu.dma_semaphore, #tpu.memory_space<semaphore_mem>>) src(%dma_wait3A_212 : memref<10240x128xf32, #tpu.memory_space<hbm>>) dst(%arg11 : memref<128x128xf32, #tpu.memory_space<vmem>>)
        %get3A_213 = arith.index_cast %mul3A_210 : i32 to index
        %get3A_214 = arith.constant 0 : index
        %get3A_215 = tpu.vector_load %arg7[%get3A_213, %get3A_214] {strides = array<i32>} : memref<20x128xi32, #tpu.memory_space<vmem>>, vector<1x16xi32>,
        %get3A_216 = vector.shape_cast %get3A_215 : vector<1x16xi32> to vector<16xi32>
        %swap3A_217 = arith.constant 0 : index
        %swap3A_218 = tpu.vector_load %arg10[%swap3A_217] {strides = array<i32>} : memref<128xi32, #tpu.memory_space<vmem>>, vector<16xi32>,
        %swap3A_219 = vector.shape_cast %swap3A_218 : vector<16xi32> to vector<16xi32>
        %swap3A_220 = vector.shape_cast %get3A_216 : vector<16xi32> to vector<16xi32>
        tpu.vector_store %arg10[%swap3A_217], %swap3A_220 {strides = array<i32>} : memref<128xi32, #tpu.memory_space<vmem>>, vector<16xi32>,
        %get3A_221 = arith.index_cast %mul3A_210 : i32 to index
        %get3A_222 = arith.constant 16 : index
        %get3A_223 = tpu.vector_load %arg7[%get3A_221, %get3A_222] {strides = array<i32>} : memref<20x128xi32, #tpu.memory_space<vmem>>, vector<1x16xi32>,
        %get3A_224 = vector.shape_cast %get3A_223 : vector<1x16xi32> to vector<16xi32>
        %swap3A_225 = arith.constant 16 : index
        %swap3A_226 = tpu.vector_load %arg10[%swap3A_225] {strides = array<i32>} : memref<128xi32, #tpu.memory_space<vmem>>, vector<16xi32>,
        %swap3A_227 = vector.shape_cast %swap3A_226 : vector<16xi32> to vector<16xi32>
        %swap3A_228 = vector.shape_cast %get3A_224 : vector<16xi32> to vector<16xi32>
        tpu.vector_store %arg10[%swap3A_225], %swap3A_228 {strides = array<i32>} : memref<128xi32, #tpu.memory_space<vmem>>, vector<16xi32>,
        %get3A_229 = arith.index_cast %mul3A_210 : i32 to index
        %get3A_230 = arith.constant 32 : index
        %get3A_231 = tpu.vector_load %arg7[%get3A_229, %get3A_230] {strides = array<i32>} : memref<20x128xi32, #tpu.memory_space<vmem>>, vector<1x16xi32>,
        %get3A_232 = vector.shape_cast %get3A_231 : vector<1x16xi32> to vector<16xi32>
        %swap3A_233 = arith.constant 32 : index
        %swap3A_234 = tpu.vector_load %arg10[%swap3A_233] {strides = array<i32>} : memref<128xi32, #tpu.memory_space<vmem>>, vector<16xi32>,
        %swap3A_235 = vector.shape_cast %swap3A_234 : vector<16xi32> to vector<16xi32>
        %swap3A_236 = vector.shape_cast %get3A_232 : vector<16xi32> to vector<16xi32>
        tpu.vector_store %arg10[%swap3A_233], %swap3A_236 {strides = array<i32>} : memref<128xi32, #tpu.memory_space<vmem>>, vector<16xi32>,
        %get3A_237 = arith.index_cast %mul3A_210 : i32 to index
        %get3A_238 = arith.constant 48 : index
        %get3A_239 = tpu.vector_load %arg7[%get3A_237, %get3A_238] {strides = array<i32>} : memref<20x128xi32, #tpu.memory_space<vmem>>, vector<1x16xi32>,
        %get3A_240 = vector.shape_cast %get3A_239 : vector<1x16xi32> to vector<16xi32>
        %swap3A_241 = arith.constant 48 : index
        %swap3A_242 = tpu.vector_load %arg10[%swap3A_241] {strides = array<i32>} : memref<128xi32, #tpu.memory_space<vmem>>, vector<16xi32>,
        %swap3A_243 = vector.shape_cast %swap3A_242 : vector<16xi32> to vector<16xi32>
        %swap3A_244 = vector.shape_cast %get3A_240 : vector<16xi32> to vector<16xi32>
        tpu.vector_store %arg10[%swap3A_241], %swap3A_244 {strides = array<i32>} : memref<128xi32, #tpu.memory_space<vmem>>, vector<16xi32>,
        %get3A_245 = arith.index_cast %mul3A_210 : i32 to index
        %get3A_246 = arith.constant 64 : index
        %get3A_247 = tpu.vector_load %arg7[%get3A_245, %get3A_246] {strides = array<i32>} : memref<20x128xi32, #tpu.memory_space<vmem>>, vector<1x16xi32>,
        %get3A_248 = vector.shape_cast %get3A_247 : vector<1x16xi32> to vector<16xi32>
        %swap3A_249 = arith.constant 64 : index
        %swap3A_250 = tpu.vector_load %arg10[%swap3A_249] {strides = array<i32>} : memref<128xi32, #tpu.memory_space<vmem>>, vector<16xi32>,
        %swap3A_251 = vector.shape_cast %swap3A_250 : vector<16xi32> to vector<16xi32>
        %swap3A_252 = vector.shape_cast %get3A_248 : vector<16xi32> to vector<16xi32>
        tpu.vector_store %arg10[%swap3A_249], %swap3A_252 {strides = array<i32>} : memref<128xi32, #tpu.memory_space<vmem>>, vector<16xi32>,
        %get3A_253 = arith.index_cast %mul3A_210 : i32 to index
        %get3A_254 = arith.constant 80 : index
        %get3A_255 = tpu.vector_load %arg7[%get3A_253, %get3A_254] {strides = array<i32>} : memref<20x128xi32, #tpu.memory_space<vmem>>, vector<1x16xi32>,
        %get3A_256 = vector.shape_cast %get3A_255 : vector<1x16xi32> to vector<16xi32>
        %swap3A_257 = arith.constant 80 : index
        %swap3A_258 = tpu.vector_load %arg10[%swap3A_257] {strides = array<i32>} : memref<128xi32, #tpu.memory_space<vmem>>, vector<16xi32>,
        %swap3A_259 = vector.shape_cast %swap3A_258 : vector<16xi32> to vector<16xi32>
        %swap3A_260 = vector.shape_cast %get3A_256 : vector<16xi32> to vector<16xi32>
        tpu.vector_store %arg10[%swap3A_257], %swap3A_260 {strides = array<i32>} : memref<128xi32, #tpu.memory_space<vmem>>, vector<16xi32>,
        %get3A_261 = arith.index_cast %mul3A_210 : i32 to index
        %get3A_262 = arith.constant 96 : index
        %get3A_263 = tpu.vector_load %arg7[%get3A_261, %get3A_262] {strides = array<i32>} : memref<20x128xi32, #tpu.memory_space<vmem>>, vector<1x16xi32>,
        %get3A_264 = vector.shape_cast %get3A_263 : vector<1x16xi32> to vector<16xi32>
        %swap3A_265 = arith.constant 96 : index
        %swap3A_266 = tpu.vector_load %arg10[%swap3A_265] {strides = array<i32>} : memref<128xi32, #tpu.memory_space<vmem>>, vector<16xi32>,
        %swap3A_267 = vector.shape_cast %swap3A_266 : vector<16xi32> to vector<16xi32>
        %swap3A_268 = vector.shape_cast %get3A_264 : vector<16xi32> to vector<16xi32>
        tpu.vector_store %arg10[%swap3A_265], %swap3A_268 {strides = array<i32>} : memref<128xi32, #tpu.memory_space<vmem>>, vector<16xi32>,
        %get3A_269 = arith.index_cast %mul3A_210 : i32 to index
        %get3A_270 = arith.constant 112 : index
        %get3A_271 = tpu.vector_load %arg7[%get3A_269, %get3A_270] {strides = array<i32>} : memref<20x128xi32, #tpu.memory_space<vmem>>, vector<1x16xi32>,
        %get3A_272 = vector.shape_cast %get3A_271 : vector<1x16xi32> to vector<16xi32>
        %swap3A_273 = arith.constant 112 : index
        %swap3A_274 = tpu.vector_load %arg10[%swap3A_273] {strides = array<i32>} : memref<128xi32, #tpu.memory_space<vmem>>, vector<16xi32>,
        %swap3A_275 = vector.shape_cast %swap3A_274 : vector<16xi32> to vector<16xi32>
        %swap3A_276 = vector.shape_cast %get3A_272 : vector<16xi32> to vector<16xi32>
        tpu.vector_store %arg10[%swap3A_273], %swap3A_276 {strides = array<i32>} : memref<128xi32, #tpu.memory_space<vmem>>, vector<16xi32>,
        "tpu.region"() ({
          %run_scoped3A = tpu.sem_alloc : memref<!tpu.dma_semaphore, #tpu.memory_space<semaphore_mem>>
          %dma_start3A_358 = arith.constant 0 : i32
          %dma_start3A_359 = arith.constant 0 : i32
          %dma_start3A_360 = tpu.memref_slice %arg13[%dma_start3A_358, %dma_start3A_359] : memref<10240x128xf32, #tpu.memory_space<vmem_shared>> -> memref<10240x128xf32, #tpu.memory_space<vmem_shared>>
          tpu.enqueue_indirect_dma source(%arg11 : memref<128x128xf32, #tpu.memory_space<vmem>>) target(%dma_start3A_360 : memref<10240x128xf32, #tpu.memory_space<vmem_shared>>) offsets(%arg10 : memref<128xi32, #tpu.memory_space<vmem>>) semaphore(%run_scoped3A : memref<!tpu.dma_semaphore, #tpu.memory_space<semaphore_mem>>) {add = true}
          %dma_wait3A_361 = arith.constant 0 : i32
          %dma_wait3A_362 = arith.constant 0 : i32
          %dma_wait3A_363 = tpu.memref_slice %arg13[%dma_wait3A_361, %dma_wait3A_362] : memref<10240x128xf32, #tpu.memory_space<vmem_shared>> -> memref<10240x128xf32, #tpu.memory_space<vmem_shared>>
          tpu.wait_indirect_dma semaphore(%run_scoped3A : memref<!tpu.dma_semaphore, #tpu.memory_space<semaphore_mem>>) src(%arg11 : memref<128x128xf32, #tpu.memory_space<vmem>>) dst(%dma_wait3A_363 : memref<10240x128xf32, #tpu.memory_space<vmem_shared>>)
          tpu.yield
        }) : () -> ()
        %add3A_277 = arith.constant 2 : i32
        %add3A_278 = arith.addi %mul3A_210, %add3A_277 : i32
        %lt3A = arith.constant 20 : i32
        %lt3A_279 = arith.cmpi slt, %add3A_278, %lt3A : i32
        %convert_element_type3A = arith.extui %lt3A_279 : i1 to i32
        %cond3A = arith.constant 0 : i32
        %cond3A_280 = arith.cmpi ne, %convert_element_type3A, %cond3A : i32
        scf.if %cond3A_280 {
          %add3A_358 = arith.constant 2 : i32
          %add3A_359 = arith.addi %mul3A_210, %add3A_358 : i32
          %get3A_360 = arith.index_cast %add3A_359 : i32 to index
          %get3A_361 = arith.constant 0 : index
          %get3A_362 = tpu.vector_load %arg6[%get3A_360, %get3A_361] {strides = array<i32>} : memref<20x128xi32, #tpu.memory_space<vmem>>, vector<1x16xi32>,
          %get3A_363 = vector.shape_cast %get3A_362 : vector<1x16xi32> to vector<16xi32>
          %swap3A_364 = arith.constant 0 : index
          %swap3A_365 = tpu.vector_load %arg8[%swap3A_364] {strides = array<i32>} : memref<128xi32, #tpu.memory_space<vmem>>, vector<16xi32>,
          %swap3A_366 = vector.shape_cast %swap3A_365 : vector<16xi32> to vector<16xi32>
          %swap3A_367 = vector.shape_cast %get3A_363 : vector<16xi32> to vector<16xi32>
          tpu.vector_store %arg8[%swap3A_364], %swap3A_367 {strides = array<i32>} : memref<128xi32, #tpu.memory_space<vmem>>, vector<16xi32>,
          %get3A_368 = arith.index_cast %add3A_359 : i32 to index
          %get3A_369 = arith.constant 16 : index
          %get3A_370 = tpu.vector_load %arg6[%get3A_368, %get3A_369] {strides = array<i32>} : memref<20x128xi32, #tpu.memory_space<vmem>>, vector<1x16xi32>,
          %get3A_371 = vector.shape_cast %get3A_370 : vector<1x16xi32> to vector<16xi32>
          %swap3A_372 = arith.constant 16 : index
          %swap3A_373 = tpu.vector_load %arg8[%swap3A_372] {strides = array<i32>} : memref<128xi32, #tpu.memory_space<vmem>>, vector<16xi32>,
          %swap3A_374 = vector.shape_cast %swap3A_373 : vector<16xi32> to vector<16xi32>
          %swap3A_375 = vector.shape_cast %get3A_371 : vector<16xi32> to vector<16xi32>
          tpu.vector_store %arg8[%swap3A_372], %swap3A_375 {strides = array<i32>} : memref<128xi32, #tpu.memory_space<vmem>>, vector<16xi32>,
          %get3A_376 = arith.index_cast %add3A_359 : i32 to index
          %get3A_377 = arith.constant 32 : index
          %get3A_378 = tpu.vector_load %arg6[%get3A_376, %get3A_377] {strides = array<i32>} : memref<20x128xi32, #tpu.memory_space<vmem>>, vector<1x16xi32>,
          %get3A_379 = vector.shape_cast %get3A_378 : vector<1x16xi32> to vector<16xi32>
          %swap3A_380 = arith.constant 32 : index
          %swap3A_381 = tpu.vector_load %arg8[%swap3A_380] {strides = array<i32>} : memref<128xi32, #tpu.memory_space<vmem>>, vector<16xi32>,
          %swap3A_382 = vector.shape_cast %swap3A_381 : vector<16xi32> to vector<16xi32>
          %swap3A_383 = vector.shape_cast %get3A_379 : vector<16xi32> to vector<16xi32>
          tpu.vector_store %arg8[%swap3A_380], %swap3A_383 {strides = array<i32>} : memref<128xi32, #tpu.memory_space<vmem>>, vector<16xi32>,
          %get3A_384 = arith.index_cast %add3A_359 : i32 to index
          %get3A_385 = arith.constant 48 : index
          %get3A_386 = tpu.vector_load %arg6[%get3A_384, %get3A_385] {strides = array<i32>} : memref<20x128xi32, #tpu.memory_space<vmem>>, vector<1x16xi32>,
          %get3A_387 = vector.shape_cast %get3A_386 : vector<1x16xi32> to vector<16xi32>
          %swap3A_388 = arith.constant 48 : index
          %swap3A_389 = tpu.vector_load %arg8[%swap3A_388] {strides = array<i32>} : memref<128xi32, #tpu.memory_space<vmem>>, vector<16xi32>,
          %swap3A_390 = vector.shape_cast %swap3A_389 : vector<16xi32> to vector<16xi32>
          %swap3A_391 = vector.shape_cast %get3A_387 : vector<16xi32> to vector<16xi32>
          tpu.vector_store %arg8[%swap3A_388], %swap3A_391 {strides = array<i32>} : memref<128xi32, #tpu.memory_space<vmem>>, vector<16xi32>,
          %get3A_392 = arith.index_cast %add3A_359 : i32 to index
          %get3A_393 = arith.constant 64 : index
          %get3A_394 = tpu.vector_load %arg6[%get3A_392, %get3A_393] {strides = array<i32>} : memref<20x128xi32, #tpu.memory_space<vmem>>, vector<1x16xi32>,
          %get3A_395 = vector.shape_cast %get3A_394 : vector<1x16xi32> to vector<16xi32>
          %swap3A_396 = arith.constant 64 : index
          %swap3A_397 = tpu.vector_load %arg8[%swap3A_396] {strides = array<i32>} : memref<128xi32, #tpu.memory_space<vmem>>, vector<16xi32>,
          %swap3A_398 = vector.shape_cast %swap3A_397 : vector<16xi32> to vector<16xi32>
          %swap3A_399 = vector.shape_cast %get3A_395 : vector<16xi32> to vector<16xi32>
          tpu.vector_store %arg8[%swap3A_396], %swap3A_399 {strides = array<i32>} : memref<128xi32, #tpu.memory_space<vmem>>, vector<16xi32>,
          %get3A_400 = arith.index_cast %add3A_359 : i32 to index
          %get3A_401 = arith.constant 80 : index
          %get3A_402 = tpu.vector_load %arg6[%get3A_400, %get3A_401] {strides = array<i32>} : memref<20x128xi32, #tpu.memory_space<vmem>>, vector<1x16xi32>,
          %get3A_403 = vector.shape_cast %get3A_402 : vector<1x16xi32> to vector<16xi32>
          %swap3A_404 = arith.constant 80 : index
          %swap3A_405 = tpu.vector_load %arg8[%swap3A_404] {strides = array<i32>} : memref<128xi32, #tpu.memory_space<vmem>>, vector<16xi32>,
          %swap3A_406 = vector.shape_cast %swap3A_405 : vector<16xi32> to vector<16xi32>
          %swap3A_407 = vector.shape_cast %get3A_403 : vector<16xi32> to vector<16xi32>
          tpu.vector_store %arg8[%swap3A_404], %swap3A_407 {strides = array<i32>} : memref<128xi32, #tpu.memory_space<vmem>>, vector<16xi32>,
          %get3A_408 = arith.index_cast %add3A_359 : i32 to index
          %get3A_409 = arith.constant 96 : index
          %get3A_410 = tpu.vector_load %arg6[%get3A_408, %get3A_409] {strides = array<i32>} : memref<20x128xi32, #tpu.memory_space<vmem>>, vector<1x16xi32>,
          %get3A_411 = vector.shape_cast %get3A_410 : vector<1x16xi32> to vector<16xi32>
          %swap3A_412 = arith.constant 96 : index
          %swap3A_413 = tpu.vector_load %arg8[%swap3A_412] {strides = array<i32>} : memref<128xi32, #tpu.memory_space<vmem>>, vector<16xi32>,
          %swap3A_414 = vector.shape_cast %swap3A_413 : vector<16xi32> to vector<16xi32>
          %swap3A_415 = vector.shape_cast %get3A_411 : vector<16xi32> to vector<16xi32>
          tpu.vector_store %arg8[%swap3A_412], %swap3A_415 {strides = array<i32>} : memref<128xi32, #tpu.memory_space<vmem>>, vector<16xi32>,
          %get3A_416 = arith.index_cast %add3A_359 : i32 to index
          %get3A_417 = arith.constant 112 : index
          %get3A_418 = tpu.vector_load %arg6[%get3A_416, %get3A_417] {strides = array<i32>} : memref<20x128xi32, #tpu.memory_space<vmem>>, vector<1x16xi32>,
          %get3A_419 = vector.shape_cast %get3A_418 : vector<1x16xi32> to vector<16xi32>
          %swap3A_420 = arith.constant 112 : index
          %swap3A_421 = tpu.vector_load %arg8[%swap3A_420] {strides = array<i32>} : memref<128xi32, #tpu.memory_space<vmem>>, vector<16xi32>,
          %swap3A_422 = vector.shape_cast %swap3A_421 : vector<16xi32> to vector<16xi32>
          %swap3A_423 = vector.shape_cast %get3A_419 : vector<16xi32> to vector<16xi32>
          tpu.vector_store %arg8[%swap3A_420], %swap3A_423 {strides = array<i32>} : memref<128xi32, #tpu.memory_space<vmem>>, vector<16xi32>,
          %dma_start3A_424 = arith.constant 0 : i32
          %dma_start3A_425 = arith.constant 0 : i32
          %dma_start3A_426 = tpu.memref_slice %arg2[%dma_start3A_424, %dma_start3A_425] : memref<10240x128xf32, #tpu.memory_space<hbm>> -> memref<10240x128xf32, #tpu.memory_space<hbm>>
          tpu.enqueue_indirect_dma source(%dma_start3A_426 : memref<10240x128xf32, #tpu.memory_space<hbm>>) target(%arg11 : memref<128x128xf32, #tpu.memory_space<vmem>>) offsets(%arg8 : memref<128xi32, #tpu.memory_space<vmem>>) semaphore(%arg14 : memref<!tpu.dma_semaphore, #tpu.memory_space<semaphore_mem>>)
        } else {
        }
        %dma_wait3A_281 = arith.constant 0 : i32
        %dma_wait3A_282 = arith.constant 0 : i32
        %dma_wait3A_283 = tpu.memref_slice %arg2[%dma_wait3A_281, %dma_wait3A_282] : memref<10240x128xf32, #tpu.memory_space<hbm>> -> memref<10240x128xf32, #tpu.memory_space<hbm>>
        tpu.wait_indirect_dma semaphore(%arg15 : memref<!tpu.dma_semaphore, #tpu.memory_space<semaphore_mem>>) src(%dma_wait3A_283 : memref<10240x128xf32, #tpu.memory_space<hbm>>) dst(%arg12 : memref<128x128xf32, #tpu.memory_space<vmem>>)
        %add3A_284 = arith.constant 1 : i32
        %add3A_285 = arith.addi %mul3A_210, %add3A_284 : i32
        %get3A_286 = arith.index_cast %add3A_285 : i32 to index
        %get3A_287 = arith.constant 0 : index
        %get3A_288 = tpu.vector_load %arg7[%get3A_286, %get3A_287] {strides = array<i32>} : memref<20x128xi32, #tpu.memory_space<vmem>>, vector<1x16xi32>,
        %get3A_289 = vector.shape_cast %get3A_288 : vector<1x16xi32> to vector<16xi32>
        %swap3A_290 = arith.constant 0 : index
        %swap3A_291 = tpu.vector_load %arg10[%swap3A_290] {strides = array<i32>} : memref<128xi32, #tpu.memory_space<vmem>>, vector<16xi32>,
        %swap3A_292 = vector.shape_cast %swap3A_291 : vector<16xi32> to vector<16xi32>
        %swap3A_293 = vector.shape_cast %get3A_289 : vector<16xi32> to vector<16xi32>
        tpu.vector_store %arg10[%swap3A_290], %swap3A_293 {strides = array<i32>} : memref<128xi32, #tpu.memory_space<vmem>>, vector<16xi32>,
        %get3A_294 = arith.index_cast %add3A_285 : i32 to index
        %get3A_295 = arith.constant 16 : index
        %get3A_296 = tpu.vector_load %arg7[%get3A_294, %get3A_295] {strides = array<i32>} : memref<20x128xi32, #tpu.memory_space<vmem>>, vector<1x16xi32>,
        %get3A_297 = vector.shape_cast %get3A_296 : vector<1x16xi32> to vector<16xi32>
        %swap3A_298 = arith.constant 16 : index
        %swap3A_299 = tpu.vector_load %arg10[%swap3A_298] {strides = array<i32>} : memref<128xi32, #tpu.memory_space<vmem>>, vector<16xi32>,
        %swap3A_300 = vector.shape_cast %swap3A_299 : vector<16xi32> to vector<16xi32>
        %swap3A_301 = vector.shape_cast %get3A_297 : vector<16xi32> to vector<16xi32>
        tpu.vector_store %arg10[%swap3A_298], %swap3A_301 {strides = array<i32>} : memref<128xi32, #tpu.memory_space<vmem>>, vector<16xi32>,
        %get3A_302 = arith.index_cast %add3A_285 : i32 to index
        %get3A_303 = arith.constant 32 : index
        %get3A_304 = tpu.vector_load %arg7[%get3A_302, %get3A_303] {strides = array<i32>} : memref<20x128xi32, #tpu.memory_space<vmem>>, vector<1x16xi32>,
        %get3A_305 = vector.shape_cast %get3A_304 : vector<1x16xi32> to vector<16xi32>
        %swap3A_306 = arith.constant 32 : index
        %swap3A_307 = tpu.vector_load %arg10[%swap3A_306] {strides = array<i32>} : memref<128xi32, #tpu.memory_space<vmem>>, vector<16xi32>,
        %swap3A_308 = vector.shape_cast %swap3A_307 : vector<16xi32> to vector<16xi32>
        %swap3A_309 = vector.shape_cast %get3A_305 : vector<16xi32> to vector<16xi32>
        tpu.vector_store %arg10[%swap3A_306], %swap3A_309 {strides = array<i32>} : memref<128xi32, #tpu.memory_space<vmem>>, vector<16xi32>,
        %get3A_310 = arith.index_cast %add3A_285 : i32 to index
        %get3A_311 = arith.constant 48 : index
        %get3A_312 = tpu.vector_load %arg7[%get3A_310, %get3A_311] {strides = array<i32>} : memref<20x128xi32, #tpu.memory_space<vmem>>, vector<1x16xi32>,
        %get3A_313 = vector.shape_cast %get3A_312 : vector<1x16xi32> to vector<16xi32>
        %swap3A_314 = arith.constant 48 : index
        %swap3A_315 = tpu.vector_load %arg10[%swap3A_314] {strides = array<i32>} : memref<128xi32, #tpu.memory_space<vmem>>, vector<16xi32>,
        %swap3A_316 = vector.shape_cast %swap3A_315 : vector<16xi32> to vector<16xi32>
        %swap3A_317 = vector.shape_cast %get3A_313 : vector<16xi32> to vector<16xi32>
        tpu.vector_store %arg10[%swap3A_314], %swap3A_317 {strides = array<i32>} : memref<128xi32, #tpu.memory_space<vmem>>, vector<16xi32>,
        %get3A_318 = arith.index_cast %add3A_285 : i32 to index
        %get3A_319 = arith.constant 64 : index
        %get3A_320 = tpu.vector_load %arg7[%get3A_318, %get3A_319] {strides = array<i32>} : memref<20x128xi32, #tpu.memory_space<vmem>>, vector<1x16xi32>,
        %get3A_321 = vector.shape_cast %get3A_320 : vector<1x16xi32> to vector<16xi32>
        %swap3A_322 = arith.constant 64 : index
        %swap3A_323 = tpu.vector_load %arg10[%swap3A_322] {strides = array<i32>} : memref<128xi32, #tpu.memory_space<vmem>>, vector<16xi32>,
        %swap3A_324 = vector.shape_cast %swap3A_323 : vector<16xi32> to vector<16xi32>
        %swap3A_325 = vector.shape_cast %get3A_321 : vector<16xi32> to vector<16xi32>
        tpu.vector_store %arg10[%swap3A_322], %swap3A_325 {strides = array<i32>} : memref<128xi32, #tpu.memory_space<vmem>>, vector<16xi32>,
        %get3A_326 = arith.index_cast %add3A_285 : i32 to index
        %get3A_327 = arith.constant 80 : index
        %get3A_328 = tpu.vector_load %arg7[%get3A_326, %get3A_327] {strides = array<i32>} : memref<20x128xi32, #tpu.memory_space<vmem>>, vector<1x16xi32>,
        %get3A_329 = vector.shape_cast %get3A_328 : vector<1x16xi32> to vector<16xi32>
        %swap3A_330 = arith.constant 80 : index
        %swap3A_331 = tpu.vector_load %arg10[%swap3A_330] {strides = array<i32>} : memref<128xi32, #tpu.memory_space<vmem>>, vector<16xi32>,
        %swap3A_332 = vector.shape_cast %swap3A_331 : vector<16xi32> to vector<16xi32>
        %swap3A_333 = vector.shape_cast %get3A_329 : vector<16xi32> to vector<16xi32>
        tpu.vector_store %arg10[%swap3A_330], %swap3A_333 {strides = array<i32>} : memref<128xi32, #tpu.memory_space<vmem>>, vector<16xi32>,
        %get3A_334 = arith.index_cast %add3A_285 : i32 to index
        %get3A_335 = arith.constant 96 : index
        %get3A_336 = tpu.vector_load %arg7[%get3A_334, %get3A_335] {strides = array<i32>} : memref<20x128xi32, #tpu.memory_space<vmem>>, vector<1x16xi32>,
        %get3A_337 = vector.shape_cast %get3A_336 : vector<1x16xi32> to vector<16xi32>
        %swap3A_338 = arith.constant 96 : index
        %swap3A_339 = tpu.vector_load %arg10[%swap3A_338] {strides = array<i32>} : memref<128xi32, #tpu.memory_space<vmem>>, vector<16xi32>,
        %swap3A_340 = vector.shape_cast %swap3A_339 : vector<16xi32> to vector<16xi32>
        %swap3A_341 = vector.shape_cast %get3A_337 : vector<16xi32> to vector<16xi32>
        tpu.vector_store %arg10[%swap3A_338], %swap3A_341 {strides = array<i32>} : memref<128xi32, #tpu.memory_space<vmem>>, vector<16xi32>,
        %get3A_342 = arith.index_cast %add3A_285 : i32 to index
        %get3A_343 = arith.constant 112 : index
        %get3A_344 = tpu.vector_load %arg7[%get3A_342, %get3A_343] {strides = array<i32>} : memref<20x128xi32, #tpu.memory_space<vmem>>, vector<1x16xi32>,
        %get3A_345 = vector.shape_cast %get3A_344 : vector<1x16xi32> to vector<16xi32>
        %swap3A_346 = arith.constant 112 : index
        %swap3A_347 = tpu.vector_load %arg10[%swap3A_346] {strides = array<i32>} : memref<128xi32, #tpu.memory_space<vmem>>, vector<16xi32>,
        %swap3A_348 = vector.shape_cast %swap3A_347 : vector<16xi32> to vector<16xi32>
        %swap3A_349 = vector.shape_cast %get3A_345 : vector<16xi32> to vector<16xi32>
        tpu.vector_store %arg10[%swap3A_346], %swap3A_349 {strides = array<i32>} : memref<128xi32, #tpu.memory_space<vmem>>, vector<16xi32>,
        "tpu.region"() ({
          %run_scoped3A = tpu.sem_alloc : memref<!tpu.dma_semaphore, #tpu.memory_space<semaphore_mem>>
          %dma_start3A_358 = arith.constant 0 : i32
          %dma_start3A_359 = arith.constant 0 : i32
          %dma_start3A_360 = tpu.memref_slice %arg13[%dma_start3A_358, %dma_start3A_359] : memref<10240x128xf32, #tpu.memory_space<vmem_shared>> -> memref<10240x128xf32, #tpu.memory_space<vmem_shared>>
          tpu.enqueue_indirect_dma source(%arg12 : memref<128x128xf32, #tpu.memory_space<vmem>>) target(%dma_start3A_360 : memref<10240x128xf32, #tpu.memory_space<vmem_shared>>) offsets(%arg10 : memref<128xi32, #tpu.memory_space<vmem>>) semaphore(%run_scoped3A : memref<!tpu.dma_semaphore, #tpu.memory_space<semaphore_mem>>) {add = true}
          %dma_wait3A_361 = arith.constant 0 : i32
          %dma_wait3A_362 = arith.constant 0 : i32
          %dma_wait3A_363 = tpu.memref_slice %arg13[%dma_wait3A_361, %dma_wait3A_362] : memref<10240x128xf32, #tpu.memory_space<vmem_shared>> -> memref<10240x128xf32, #tpu.memory_space<vmem_shared>>
          tpu.wait_indirect_dma semaphore(%run_scoped3A : memref<!tpu.dma_semaphore, #tpu.memory_space<semaphore_mem>>) src(%arg12 : memref<128x128xf32, #tpu.memory_space<vmem>>) dst(%dma_wait3A_363 : memref<10240x128xf32, #tpu.memory_space<vmem_shared>>)
          tpu.yield
        }) : () -> ()
        %add3A_350 = arith.constant 3 : i32
        %add3A_351 = arith.addi %mul3A_210, %add3A_350 : i32
        %lt3A_352 = arith.constant 20 : i32
        %lt3A_353 = arith.cmpi slt, %add3A_351, %lt3A_352 : i32
        %convert_element_type3A_354 = arith.extui %lt3A_353 : i1 to i32
        %cond3A_355 = arith.constant 0 : i32
        %cond3A_356 = arith.cmpi ne, %convert_element_type3A_354, %cond3A_355 : i32
        scf.if %cond3A_356 {
          %add3A_358 = arith.constant 3 : i32
          %add3A_359 = arith.addi %mul3A_210, %add3A_358 : i32
          %get3A_360 = arith.index_cast %add3A_359 : i32 to index
          %get3A_361 = arith.constant 0 : index
          %get3A_362 = tpu.vector_load %arg6[%get3A_360, %get3A_361] {strides = array<i32>} : memref<20x128xi32, #tpu.memory_space<vmem>>, vector<1x16xi32>,
          %get3A_363 = vector.shape_cast %get3A_362 : vector<1x16xi32> to vector<16xi32>
          %swap3A_364 = arith.constant 0 : index
          %swap3A_365 = tpu.vector_load %arg9[%swap3A_364] {strides = array<i32>} : memref<128xi32, #tpu.memory_space<vmem>>, vector<16xi32>,
          %swap3A_366 = vector.shape_cast %swap3A_365 : vector<16xi32> to vector<16xi32>
          %swap3A_367 = vector.shape_cast %get3A_363 : vector<16xi32> to vector<16xi32>
          tpu.vector_store %arg9[%swap3A_364], %swap3A_367 {strides = array<i32>} : memref<128xi32, #tpu.memory_space<vmem>>, vector<16xi32>,
          %get3A_368 = arith.index_cast %add3A_359 : i32 to index
          %get3A_369 = arith.constant 16 : index
          %get3A_370 = tpu.vector_load %arg6[%get3A_368, %get3A_369] {strides = array<i32>} : memref<20x128xi32, #tpu.memory_space<vmem>>, vector<1x16xi32>,
          %get3A_371 = vector.shape_cast %get3A_370 : vector<1x16xi32> to vector<16xi32>
          %swap3A_372 = arith.constant 16 : index
          %swap3A_373 = tpu.vector_load %arg9[%swap3A_372] {strides = array<i32>} : memref<128xi32, #tpu.memory_space<vmem>>, vector<16xi32>,
          %swap3A_374 = vector.shape_cast %swap3A_373 : vector<16xi32> to vector<16xi32>
          %swap3A_375 = vector.shape_cast %get3A_371 : vector<16xi32> to vector<16xi32>
          tpu.vector_store %arg9[%swap3A_372], %swap3A_375 {strides = array<i32>} : memref<128xi32, #tpu.memory_space<vmem>>, vector<16xi32>,
          %get3A_376 = arith.index_cast %add3A_359 : i32 to index
          %get3A_377 = arith.constant 32 : index
          %get3A_378 = tpu.vector_load %arg6[%get3A_376, %get3A_377] {strides = array<i32>} : memref<20x128xi32, #tpu.memory_space<vmem>>, vector<1x16xi32>,
          %get3A_379 = vector.shape_cast %get3A_378 : vector<1x16xi32> to vector<16xi32>
          %swap3A_380 = arith.constant 32 : index
          %swap3A_381 = tpu.vector_load %arg9[%swap3A_380] {strides = array<i32>} : memref<128xi32, #tpu.memory_space<vmem>>, vector<16xi32>,
          %swap3A_382 = vector.shape_cast %swap3A_381 : vector<16xi32> to vector<16xi32>
          %swap3A_383 = vector.shape_cast %get3A_379 : vector<16xi32> to vector<16xi32>
          tpu.vector_store %arg9[%swap3A_380], %swap3A_383 {strides = array<i32>} : memref<128xi32, #tpu.memory_space<vmem>>, vector<16xi32>,
          %get3A_384 = arith.index_cast %add3A_359 : i32 to index
          %get3A_385 = arith.constant 48 : index
          %get3A_386 = tpu.vector_load %arg6[%get3A_384, %get3A_385] {strides = array<i32>} : memref<20x128xi32, #tpu.memory_space<vmem>>, vector<1x16xi32>,
          %get3A_387 = vector.shape_cast %get3A_386 : vector<1x16xi32> to vector<16xi32>
          %swap3A_388 = arith.constant 48 : index
          %swap3A_389 = tpu.vector_load %arg9[%swap3A_388] {strides = array<i32>} : memref<128xi32, #tpu.memory_space<vmem>>, vector<16xi32>,
          %swap3A_390 = vector.shape_cast %swap3A_389 : vector<16xi32> to vector<16xi32>
          %swap3A_391 = vector.shape_cast %get3A_387 : vector<16xi32> to vector<16xi32>
          tpu.vector_store %arg9[%swap3A_388], %swap3A_391 {strides = array<i32>} : memref<128xi32, #tpu.memory_space<vmem>>, vector<16xi32>,
          %get3A_392 = arith.index_cast %add3A_359 : i32 to index
          %get3A_393 = arith.constant 64 : index
          %get3A_394 = tpu.vector_load %arg6[%get3A_392, %get3A_393] {strides = array<i32>} : memref<20x128xi32, #tpu.memory_space<vmem>>, vector<1x16xi32>,
          %get3A_395 = vector.shape_cast %get3A_394 : vector<1x16xi32> to vector<16xi32>
          %swap3A_396 = arith.constant 64 : index
          %swap3A_397 = tpu.vector_load %arg9[%swap3A_396] {strides = array<i32>} : memref<128xi32, #tpu.memory_space<vmem>>, vector<16xi32>,
          %swap3A_398 = vector.shape_cast %swap3A_397 : vector<16xi32> to vector<16xi32>
          %swap3A_399 = vector.shape_cast %get3A_395 : vector<16xi32> to vector<16xi32>
          tpu.vector_store %arg9[%swap3A_396], %swap3A_399 {strides = array<i32>} : memref<128xi32, #tpu.memory_space<vmem>>, vector<16xi32>,
          %get3A_400 = arith.index_cast %add3A_359 : i32 to index
          %get3A_401 = arith.constant 80 : index
          %get3A_402 = tpu.vector_load %arg6[%get3A_400, %get3A_401] {strides = array<i32>} : memref<20x128xi32, #tpu.memory_space<vmem>>, vector<1x16xi32>,
          %get3A_403 = vector.shape_cast %get3A_402 : vector<1x16xi32> to vector<16xi32>
          %swap3A_404 = arith.constant 80 : index
          %swap3A_405 = tpu.vector_load %arg9[%swap3A_404] {strides = array<i32>} : memref<128xi32, #tpu.memory_space<vmem>>, vector<16xi32>,
          %swap3A_406 = vector.shape_cast %swap3A_405 : vector<16xi32> to vector<16xi32>
          %swap3A_407 = vector.shape_cast %get3A_403 : vector<16xi32> to vector<16xi32>
          tpu.vector_store %arg9[%swap3A_404], %swap3A_407 {strides = array<i32>} : memref<128xi32, #tpu.memory_space<vmem>>, vector<16xi32>,
          %get3A_408 = arith.index_cast %add3A_359 : i32 to index
          %get3A_409 = arith.constant 96 : index
          %get3A_410 = tpu.vector_load %arg6[%get3A_408, %get3A_409] {strides = array<i32>} : memref<20x128xi32, #tpu.memory_space<vmem>>, vector<1x16xi32>,
          %get3A_411 = vector.shape_cast %get3A_410 : vector<1x16xi32> to vector<16xi32>
          %swap3A_412 = arith.constant 96 : index
          %swap3A_413 = tpu.vector_load %arg9[%swap3A_412] {strides = array<i32>} : memref<128xi32, #tpu.memory_space<vmem>>, vector<16xi32>,
          %swap3A_414 = vector.shape_cast %swap3A_413 : vector<16xi32> to vector<16xi32>
          %swap3A_415 = vector.shape_cast %get3A_411 : vector<16xi32> to vector<16xi32>
          tpu.vector_store %arg9[%swap3A_412], %swap3A_415 {strides = array<i32>} : memref<128xi32, #tpu.memory_space<vmem>>, vector<16xi32>,
          %get3A_416 = arith.index_cast %add3A_359 : i32 to index
          %get3A_417 = arith.constant 112 : index
          %get3A_418 = tpu.vector_load %arg6[%get3A_416, %get3A_417] {strides = array<i32>} : memref<20x128xi32, #tpu.memory_space<vmem>>, vector<1x16xi32>,
          %get3A_419 = vector.shape_cast %get3A_418 : vector<1x16xi32> to vector<16xi32>
          %swap3A_420 = arith.constant 112 : index
          %swap3A_421 = tpu.vector_load %arg9[%swap3A_420] {strides = array<i32>} : memref<128xi32, #tpu.memory_space<vmem>>, vector<16xi32>,
          %swap3A_422 = vector.shape_cast %swap3A_421 : vector<16xi32> to vector<16xi32>
          %swap3A_423 = vector.shape_cast %get3A_419 : vector<16xi32> to vector<16xi32>
          tpu.vector_store %arg9[%swap3A_420], %swap3A_423 {strides = array<i32>} : memref<128xi32, #tpu.memory_space<vmem>>, vector<16xi32>,
          %dma_start3A_424 = arith.constant 0 : i32
          %dma_start3A_425 = arith.constant 0 : i32
          %dma_start3A_426 = tpu.memref_slice %arg2[%dma_start3A_424, %dma_start3A_425] : memref<10240x128xf32, #tpu.memory_space<hbm>> -> memref<10240x128xf32, #tpu.memory_space<hbm>>
          tpu.enqueue_indirect_dma source(%dma_start3A_426 : memref<10240x128xf32, #tpu.memory_space<hbm>>) target(%arg12 : memref<128x128xf32, #tpu.memory_space<vmem>>) offsets(%arg9 : memref<128xi32, #tpu.memory_space<vmem>>) semaphore(%arg15 : memref<!tpu.dma_semaphore, #tpu.memory_space<semaphore_mem>>)
        } else {
        }
        %scan3A_357 = arith.constant 0 : i32
        scf.yield %scan3A_357 : i32
      }
      %scan3A_205 = arith.constant 10 : i32
      %while3A_206 = arith.constant 0 : i32
      scf.yield %while3A_206 : i32
    }
    %barrier3A_43 = arith.constant 0 : index
    tpu.barrier barrier_id(%barrier3A_43)
    %mul3A_44 = arith.constant 640 : i32
    %mul3A_45 = arith.muli %arg1, %mul3A_44 : i32
    %mul3A_46 = arith.constant 640 : i32
    %mul3A_47 = arith.muli %arg1, %mul3A_46 : i32
    "tpu.region"() ({
      %run_scoped3A = tpu.sem_alloc : memref<!tpu.dma_semaphore, #tpu.memory_space<semaphore_mem>>
      %dma_start3A = arith.constant 0 : i32
      %dma_start3A_48 = tpu.memref_slice %arg5[%arg0, %mul3A_47, %dma_start3A] : memref<2x10240x128xf32, #tpu.memory_space<hbm>> -> memref<1x640x128xf32, #tpu.memory_space<hbm>>
      %dma_start3A_49 = tpu.memref_squeeze %dma_start3A_48 : memref<1x640x128xf32, #tpu.memory_space<hbm>> -> memref<640x128xf32, #tpu.memory_space<hbm>>
      %dma_start3A_50 = arith.constant 0 : i32
      %dma_start3A_51 = tpu.memref_slice %arg13[%mul3A_45, %dma_start3A_50] : memref<10240x128xf32, #tpu.memory_space<vmem_shared>> -> memref<640x128xf32, #tpu.memory_space<vmem_shared>>
      tpu.enqueue_dma source(%dma_start3A_51 : memref<640x128xf32, #tpu.memory_space<vmem_shared>>) target(%dma_start3A_49 : memref<640x128xf32, #tpu.memory_space<hbm>>) target_semaphore(%run_scoped3A : memref<!tpu.dma_semaphore, #tpu.memory_space<semaphore_mem>>)
      %dma_wait3A = arith.constant 0 : i32
      %dma_wait3A_52 = tpu.memref_slice %arg5[%arg0, %mul3A_47, %dma_wait3A] : memref<2x10240x128xf32, #tpu.memory_space<hbm>> -> memref<1x640x128xf32, #tpu.memory_space<hbm>>
      %dma_wait3A_53 = tpu.memref_squeeze %dma_wait3A_52 : memref<1x640x128xf32, #tpu.memory_space<hbm>> -> memref<640x128xf32, #tpu.memory_space<hbm>>
      %dma_wait3A_54 = arith.constant 0 : i32
      %dma_wait3A_55 = tpu.memref_slice %arg13[%mul3A_45, %dma_wait3A_54] : memref<10240x128xf32, #tpu.memory_space<vmem_shared>> -> memref<640x128xf32, #tpu.memory_space<vmem_shared>>
      tpu.wait_dma2 semaphore(%run_scoped3A : memref<!tpu.dma_semaphore, #tpu.memory_space<semaphore_mem>>) src(%dma_wait3A_55 : memref<640x128xf32, #tpu.memory_space<vmem_shared>>) dst(%dma_wait3A_53 : memref<640x128xf32, #tpu.memory_space<hbm>>)
      tpu.yield
    }) : () -> ()
    return
  }
}

#map = affine_map<(d0, d1) -> (0, 0, 0)>
module attributes {stable_mosaic.version = 14 : i64} {
  func.func @_deg_kernel(%arg0: i32, %arg1: i32, %arg2: memref<128x20x128xi32, #tpu.memory_space<hbm>>, %arg3: memref<2x10240x16xf32, #tpu.memory_space<hbm>>, %arg4: memref<20x128xi32, #tpu.memory_space<vmem>>, %arg5: memref<128xi32, #tpu.memory_space<vmem>>, %arg6: memref<128x16xf32, #tpu.memory_space<vmem>>, %arg7: memref<128x16xf32, #tpu.memory_space<vmem>>, %arg8: memref<10240x16xf32, #tpu.memory_space<vmem_shared>>) attributes {dimension_semantics = [#tpu.dimension_semantics<core_parallel>, #tpu.dimension_semantics<subcore_parallel>], iteration_bounds = array<i64: 2, 16>, scalar_prefetch = 0 : i64, scratch_operands = 5 : i64, tpu.core_type = #tpu.core_type<sc_vector_subcore>, window_params = [{transform_indices = #map}, {transform_indices = #map}]} {
    %mul3A = arith.constant 2 : i32
    %mul3A_0 = arith.muli %arg1, %mul3A : i32
    %add3A = arith.addi %mul3A_0, %arg0 : i32
    %broadcast_in_dim3A = arith.constant 1.000000e+00 : f32
    %broadcast_in_dim3A_1 = vector.broadcast %broadcast_in_dim3A : f32 to vector<16xf32>
    %broadcast_in_dim3A_2 = arith.constant 0.000000e+00 : f32
    %broadcast_in_dim3A_3 = vector.broadcast %broadcast_in_dim3A_2 : f32 to vector<16xf32>
    %scan3A = arith.constant 0 : i32
    %scan3A_4 = arith.constant 0 : i32
    %scan3A_5 = arith.constant 128 : i32
    %scan3A_6 = arith.addi %scan3A_4, %scan3A_5 : i32
    %scan3A_7 = arith.constant 1 : i32
    %scan3A_8 = scf.for %scan3A_42 = %scan3A_4 to %scan3A_6 step %scan3A_7 iter_args(%scan3A_43 = %scan3A) -> (i32)  : i32 {
      %swap3A = arith.index_cast %scan3A_42 : i32 to index
      %swap3A_44 = arith.constant 0 : index
      %swap3A_45 = tpu.vector_load %arg6[%swap3A, %swap3A_44] {strides = array<i32>} : memref<128x16xf32, #tpu.memory_space<vmem>>, vector<1x16xf32>,
      %swap3A_46 = vector.shape_cast %swap3A_45 : vector<1x16xf32> to vector<16xf32>
      %swap3A_47 = vector.shape_cast %broadcast_in_dim3A_1 : vector<16xf32> to vector<1x16xf32>
      tpu.vector_store %arg6[%swap3A, %swap3A_44], %swap3A_47 {strides = array<i32>} : memref<128x16xf32, #tpu.memory_space<vmem>>, vector<1x16xf32>,
      %swap3A_48 = arith.index_cast %scan3A_42 : i32 to index
      %swap3A_49 = arith.constant 0 : index
      %swap3A_50 = tpu.vector_load %arg7[%swap3A_48, %swap3A_49] {strides = array<i32>} : memref<128x16xf32, #tpu.memory_space<vmem>>, vector<1x16xf32>,
      %swap3A_51 = vector.shape_cast %swap3A_50 : vector<1x16xf32> to vector<16xf32>
      %swap3A_52 = vector.shape_cast %broadcast_in_dim3A_3 : vector<16xf32> to vector<1x16xf32>
      tpu.vector_store %arg7[%swap3A_48, %swap3A_49], %swap3A_52 {strides = array<i32>} : memref<128x16xf32, #tpu.memory_space<vmem>>, vector<1x16xf32>,
      %scan3A_53 = arith.constant 0 : i32
      scf.yield %scan3A_53 : i32
    }
    %scan3A_9 = arith.constant 128 : i32
    %mul3A_10 = arith.constant 640 : i32
    %mul3A_11 = arith.muli %arg1, %mul3A_10 : i32
    %add3A_12 = arith.constant 0 : i32
    %add3A_13 = arith.addi %mul3A_11, %add3A_12 : i32
    "tpu.region"() ({
      %run_scoped3A = tpu.sem_alloc : memref<!tpu.dma_semaphore, #tpu.memory_space<semaphore_mem>>
      %dma_start3A = arith.constant 0 : i32
      %dma_start3A_42 = tpu.memref_slice %arg8[%add3A_13, %dma_start3A] : memref<10240x16xf32, #tpu.memory_space<vmem_shared>> -> memref<128x16xf32, #tpu.memory_space<vmem_shared>>
      %dma_start3A_43 = arith.constant 0 : i32
      %dma_start3A_44 = tpu.memref_slice %arg8[%add3A_13, %dma_start3A_43] : memref<10240x16xf32, #tpu.memory_space<vmem_shared>> -> memref<128x16xf32, #tpu.memory_space<vmem_shared>>
      tpu.enqueue_dma source(%arg7 : memref<128x16xf32, #tpu.memory_space<vmem>>) target(%dma_start3A_44 : memref<128x16xf32, #tpu.memory_space<vmem_shared>>) target_semaphore(%run_scoped3A : memref<!tpu.dma_semaphore, #tpu.memory_space<semaphore_mem>>)
      %dma_wait3A = arith.constant 0 : i32
      %dma_wait3A_45 = tpu.memref_slice %arg8[%add3A_13, %dma_wait3A] : memref<10240x16xf32, #tpu.memory_space<vmem_shared>> -> memref<128x16xf32, #tpu.memory_space<vmem_shared>>
      %dma_wait3A_46 = arith.constant 0 : i32
      %dma_wait3A_47 = tpu.memref_slice %arg8[%add3A_13, %dma_wait3A_46] : memref<10240x16xf32, #tpu.memory_space<vmem_shared>> -> memref<128x16xf32, #tpu.memory_space<vmem_shared>>
      tpu.wait_dma2 semaphore(%run_scoped3A : memref<!tpu.dma_semaphore, #tpu.memory_space<semaphore_mem>>) src(%arg7 : memref<128x16xf32, #tpu.memory_space<vmem>>) dst(%dma_wait3A_47 : memref<128x16xf32, #tpu.memory_space<vmem_shared>>)
      tpu.yield
    }) : () -> ()
    %mul3A_14 = arith.constant 640 : i32
    %mul3A_15 = arith.muli %arg1, %mul3A_14 : i32
    %add3A_16 = arith.constant 128 : i32
    %add3A_17 = arith.addi %mul3A_15, %add3A_16 : i32
    "tpu.region"() ({
      %run_scoped3A = tpu.sem_alloc : memref<!tpu.dma_semaphore, #tpu.memory_space<semaphore_mem>>
      %dma_start3A = arith.constant 0 : i32
      %dma_start3A_42 = tpu.memref_slice %arg8[%add3A_17, %dma_start3A] : memref<10240x16xf32, #tpu.memory_space<vmem_shared>> -> memref<128x16xf32, #tpu.memory_space<vmem_shared>>
      %dma_start3A_43 = arith.constant 0 : i32
      %dma_start3A_44 = tpu.memref_slice %arg8[%add3A_17, %dma_start3A_43] : memref<10240x16xf32, #tpu.memory_space<vmem_shared>> -> memref<128x16xf32, #tpu.memory_space<vmem_shared>>
      tpu.enqueue_dma source(%arg7 : memref<128x16xf32, #tpu.memory_space<vmem>>) target(%dma_start3A_44 : memref<128x16xf32, #tpu.memory_space<vmem_shared>>) target_semaphore(%run_scoped3A : memref<!tpu.dma_semaphore, #tpu.memory_space<semaphore_mem>>)
      %dma_wait3A = arith.constant 0 : i32
      %dma_wait3A_45 = tpu.memref_slice %arg8[%add3A_17, %dma_wait3A] : memref<10240x16xf32, #tpu.memory_space<vmem_shared>> -> memref<128x16xf32, #tpu.memory_space<vmem_shared>>
      %dma_wait3A_46 = arith.constant 0 : i32
      %dma_wait3A_47 = tpu.memref_slice %arg8[%add3A_17, %dma_wait3A_46] : memref<10240x16xf32, #tpu.memory_space<vmem_shared>> -> memref<128x16xf32, #tpu.memory_space<vmem_shared>>
      tpu.wait_dma2 semaphore(%run_scoped3A : memref<!tpu.dma_semaphore, #tpu.memory_space<semaphore_mem>>) src(%arg7 : memref<128x16xf32, #tpu.memory_space<vmem>>) dst(%dma_wait3A_47 : memref<128x16xf32, #tpu.memory_space<vmem_shared>>)
      tpu.yield
    }) : () -> ()
    %mul3A_18 = arith.constant 640 : i32
    %mul3A_19 = arith.muli %arg1, %mul3A_18 : i32
    %add3A_20 = arith.constant 256 : i32
    %add3A_21 = arith.addi %mul3A_19, %add3A_20 : i32
    "tpu.region"() ({
      %run_scoped3A = tpu.sem_alloc : memref<!tpu.dma_semaphore, #tpu.memory_space<semaphore_mem>>
      %dma_start3A = arith.constant 0 : i32
      %dma_start3A_42 = tpu.memref_slice %arg8[%add3A_21, %dma_start3A] : memref<10240x16xf32, #tpu.memory_space<vmem_shared>> -> memref<128x16xf32, #tpu.memory_space<vmem_shared>>
      %dma_start3A_43 = arith.constant 0 : i32
      %dma_start3A_44 = tpu.memref_slice %arg8[%add3A_21, %dma_start3A_43] : memref<10240x16xf32, #tpu.memory_space<vmem_shared>> -> memref<128x16xf32, #tpu.memory_space<vmem_shared>>
      tpu.enqueue_dma source(%arg7 : memref<128x16xf32, #tpu.memory_space<vmem>>) target(%dma_start3A_44 : memref<128x16xf32, #tpu.memory_space<vmem_shared>>) target_semaphore(%run_scoped3A : memref<!tpu.dma_semaphore, #tpu.memory_space<semaphore_mem>>)
      %dma_wait3A = arith.constant 0 : i32
      %dma_wait3A_45 = tpu.memref_slice %arg8[%add3A_21, %dma_wait3A] : memref<10240x16xf32, #tpu.memory_space<vmem_shared>> -> memref<128x16xf32, #tpu.memory_space<vmem_shared>>
      %dma_wait3A_46 = arith.constant 0 : i32
      %dma_wait3A_47 = tpu.memref_slice %arg8[%add3A_21, %dma_wait3A_46] : memref<10240x16xf32, #tpu.memory_space<vmem_shared>> -> memref<128x16xf32, #tpu.memory_space<vmem_shared>>
      tpu.wait_dma2 semaphore(%run_scoped3A : memref<!tpu.dma_semaphore, #tpu.memory_space<semaphore_mem>>) src(%arg7 : memref<128x16xf32, #tpu.memory_space<vmem>>) dst(%dma_wait3A_47 : memref<128x16xf32, #tpu.memory_space<vmem_shared>>)
      tpu.yield
    }) : () -> ()
    %mul3A_22 = arith.constant 640 : i32
    %mul3A_23 = arith.muli %arg1, %mul3A_22 : i32
    %add3A_24 = arith.constant 384 : i32
    %add3A_25 = arith.addi %mul3A_23, %add3A_24 : i32
    "tpu.region"() ({
      %run_scoped3A = tpu.sem_alloc : memref<!tpu.dma_semaphore, #tpu.memory_space<semaphore_mem>>
      %dma_start3A = arith.constant 0 : i32
      %dma_start3A_42 = tpu.memref_slice %arg8[%add3A_25, %dma_start3A] : memref<10240x16xf32, #tpu.memory_space<vmem_shared>> -> memref<128x16xf32, #tpu.memory_space<vmem_shared>>
      %dma_start3A_43 = arith.constant 0 : i32
      %dma_start3A_44 = tpu.memref_slice %arg8[%add3A_25, %dma_start3A_43] : memref<10240x16xf32, #tpu.memory_space<vmem_shared>> -> memref<128x16xf32, #tpu.memory_space<vmem_shared>>
      tpu.enqueue_dma source(%arg7 : memref<128x16xf32, #tpu.memory_space<vmem>>) target(%dma_start3A_44 : memref<128x16xf32, #tpu.memory_space<vmem_shared>>) target_semaphore(%run_scoped3A : memref<!tpu.dma_semaphore, #tpu.memory_space<semaphore_mem>>)
      %dma_wait3A = arith.constant 0 : i32
      %dma_wait3A_45 = tpu.memref_slice %arg8[%add3A_25, %dma_wait3A] : memref<10240x16xf32, #tpu.memory_space<vmem_shared>> -> memref<128x16xf32, #tpu.memory_space<vmem_shared>>
      %dma_wait3A_46 = arith.constant 0 : i32
      %dma_wait3A_47 = tpu.memref_slice %arg8[%add3A_25, %dma_wait3A_46] : memref<10240x16xf32, #tpu.memory_space<vmem_shared>> -> memref<128x16xf32, #tpu.memory_space<vmem_shared>>
      tpu.wait_dma2 semaphore(%run_scoped3A : memref<!tpu.dma_semaphore, #tpu.memory_space<semaphore_mem>>) src(%arg7 : memref<128x16xf32, #tpu.memory_space<vmem>>) dst(%dma_wait3A_47 : memref<128x16xf32, #tpu.memory_space<vmem_shared>>)
      tpu.yield
    }) : () -> ()
    %mul3A_26 = arith.constant 640 : i32
    %mul3A_27 = arith.muli %arg1, %mul3A_26 : i32
    %add3A_28 = arith.constant 512 : i32
    %add3A_29 = arith.addi %mul3A_27, %add3A_28 : i32
    "tpu.region"() ({
      %run_scoped3A = tpu.sem_alloc : memref<!tpu.dma_semaphore, #tpu.memory_space<semaphore_mem>>
      %dma_start3A = arith.constant 0 : i32
      %dma_start3A_42 = tpu.memref_slice %arg8[%add3A_29, %dma_start3A] : memref<10240x16xf32, #tpu.memory_space<vmem_shared>> -> memref<128x16xf32, #tpu.memory_space<vmem_shared>>
      %dma_start3A_43 = arith.constant 0 : i32
      %dma_start3A_44 = tpu.memref_slice %arg8[%add3A_29, %dma_start3A_43] : memref<10240x16xf32, #tpu.memory_space<vmem_shared>> -> memref<128x16xf32, #tpu.memory_space<vmem_shared>>
      tpu.enqueue_dma source(%arg7 : memref<128x16xf32, #tpu.memory_space<vmem>>) target(%dma_start3A_44 : memref<128x16xf32, #tpu.memory_space<vmem_shared>>) target_semaphore(%run_scoped3A : memref<!tpu.dma_semaphore, #tpu.memory_space<semaphore_mem>>)
      %dma_wait3A = arith.constant 0 : i32
      %dma_wait3A_45 = tpu.memref_slice %arg8[%add3A_29, %dma_wait3A] : memref<10240x16xf32, #tpu.memory_space<vmem_shared>> -> memref<128x16xf32, #tpu.memory_space<vmem_shared>>
      %dma_wait3A_46 = arith.constant 0 : i32
      %dma_wait3A_47 = tpu.memref_slice %arg8[%add3A_29, %dma_wait3A_46] : memref<10240x16xf32, #tpu.memory_space<vmem_shared>> -> memref<128x16xf32, #tpu.memory_space<vmem_shared>>
      tpu.wait_dma2 semaphore(%run_scoped3A : memref<!tpu.dma_semaphore, #tpu.memory_space<semaphore_mem>>) src(%arg7 : memref<128x16xf32, #tpu.memory_space<vmem>>) dst(%dma_wait3A_47 : memref<128x16xf32, #tpu.memory_space<vmem_shared>>)
      tpu.yield
    }) : () -> ()
    %barrier3A = arith.constant 0 : index
    tpu.barrier barrier_id(%barrier3A)
    %scan3A_30 = arith.constant 0 : i32
    %scan3A_31 = arith.constant 0 : i32
    %scan3A_32 = arith.constant 4 : i32
    %scan3A_33 = arith.addi %scan3A_31, %scan3A_32 : i32
    %scan3A_34 = arith.constant 1 : i32
    %scan3A_35 = scf.for %scan3A_42 = %scan3A_31 to %scan3A_33 step %scan3A_34 iter_args(%scan3A_43 = %scan3A_30) -> (i32)  : i32 {
      %mul3A_44 = arith.constant 4 : i32
      %mul3A_45 = arith.muli %add3A, %mul3A_44 : i32
      %add3A_46 = arith.addi %mul3A_45, %scan3A_42 : i32
      "tpu.region"() ({
        %run_scoped3A = tpu.sem_alloc : memref<!tpu.dma_semaphore, #tpu.memory_space<semaphore_mem>>
        %dma_start3A = arith.constant 0 : i32
        %dma_start3A_55 = arith.constant 0 : i32
        %dma_start3A_56 = tpu.memref_slice %arg2[%add3A_46, %dma_start3A, %dma_start3A_55] : memref<128x20x128xi32, #tpu.memory_space<hbm>> -> memref<1x20x128xi32, #tpu.memory_space<hbm>>
        %dma_start3A_57 = tpu.memref_squeeze %dma_start3A_56 : memref<1x20x128xi32, #tpu.memory_space<hbm>> -> memref<20x128xi32, #tpu.memory_space<hbm>>
        %dma_start3A_58 = arith.constant 0 : i32
        %dma_start3A_59 = arith.constant 0 : i32
        %dma_start3A_60 = tpu.memref_slice %arg2[%add3A_46, %dma_start3A_58, %dma_start3A_59] : memref<128x20x128xi32, #tpu.memory_space<hbm>> -> memref<1x20x128xi32, #tpu.memory_space<hbm>>
        %dma_start3A_61 = tpu.memref_squeeze %dma_start3A_60 : memref<1x20x128xi32, #tpu.memory_space<hbm>> -> memref<20x128xi32, #tpu.memory_space<hbm>>
        tpu.enqueue_dma source(%dma_start3A_61 : memref<20x128xi32, #tpu.memory_space<hbm>>) target(%arg4 : memref<20x128xi32, #tpu.memory_space<vmem>>) target_semaphore(%run_scoped3A : memref<!tpu.dma_semaphore, #tpu.memory_space<semaphore_mem>>)
        %dma_wait3A = arith.constant 0 : i32
        %dma_wait3A_62 = arith.constant 0 : i32
        %dma_wait3A_63 = tpu.memref_slice %arg2[%add3A_46, %dma_wait3A, %dma_wait3A_62] : memref<128x20x128xi32, #tpu.memory_space<hbm>> -> memref<1x20x128xi32, #tpu.memory_space<hbm>>
        %dma_wait3A_64 = tpu.memref_squeeze %dma_wait3A_63 : memref<1x20x128xi32, #tpu.memory_space<hbm>> -> memref<20x128xi32, #tpu.memory_space<hbm>>
        %dma_wait3A_65 = arith.constant 0 : i32
        %dma_wait3A_66 = arith.constant 0 : i32
        %dma_wait3A_67 = tpu.memref_slice %arg2[%add3A_46, %dma_wait3A_65, %dma_wait3A_66] : memref<128x20x128xi32, #tpu.memory_space<hbm>> -> memref<1x20x128xi32, #tpu.memory_space<hbm>>
        %dma_wait3A_68 = tpu.memref_squeeze %dma_wait3A_67 : memref<1x20x128xi32, #tpu.memory_space<hbm>> -> memref<20x128xi32, #tpu.memory_space<hbm>>
        tpu.wait_dma2 semaphore(%run_scoped3A : memref<!tpu.dma_semaphore, #tpu.memory_space<semaphore_mem>>) src(%dma_wait3A_68 : memref<20x128xi32, #tpu.memory_space<hbm>>) dst(%arg4 : memref<20x128xi32, #tpu.memory_space<vmem>>)
        tpu.yield
      }) : () -> ()
      %scan3A_47 = arith.constant 0 : i32
      %scan3A_48 = arith.constant 0 : i32
      %scan3A_49 = arith.constant 20 : i32
      %scan3A_50 = arith.addi %scan3A_48, %scan3A_49 : i32
      %scan3A_51 = arith.constant 1 : i32
      %scan3A_52 = scf.for %scan3A_55 = %scan3A_48 to %scan3A_50 step %scan3A_51 iter_args(%scan3A_56 = %scan3A_47) -> (i32)  : i32 {
        %get3A = arith.index_cast %scan3A_55 : i32 to index
        %get3A_57 = arith.constant 0 : index
        %get3A_58 = tpu.vector_load %arg4[%get3A, %get3A_57] {strides = array<i32>} : memref<20x128xi32, #tpu.memory_space<vmem>>, vector<1x16xi32>,
        %get3A_59 = vector.shape_cast %get3A_58 : vector<1x16xi32> to vector<16xi32>
        %swap3A = arith.constant 0 : index
        %swap3A_60 = tpu.vector_load %arg5[%swap3A] {strides = array<i32>} : memref<128xi32, #tpu.memory_space<vmem>>, vector<16xi32>,
        %swap3A_61 = vector.shape_cast %swap3A_60 : vector<16xi32> to vector<16xi32>
        %swap3A_62 = vector.shape_cast %get3A_59 : vector<16xi32> to vector<16xi32>
        tpu.vector_store %arg5[%swap3A], %swap3A_62 {strides = array<i32>} : memref<128xi32, #tpu.memory_space<vmem>>, vector<16xi32>,
        %get3A_63 = arith.index_cast %scan3A_55 : i32 to index
        %get3A_64 = arith.constant 16 : index
        %get3A_65 = tpu.vector_load %arg4[%get3A_63, %get3A_64] {strides = array<i32>} : memref<20x128xi32, #tpu.memory_space<vmem>>, vector<1x16xi32>,
        %get3A_66 = vector.shape_cast %get3A_65 : vector<1x16xi32> to vector<16xi32>
        %swap3A_67 = arith.constant 16 : index
        %swap3A_68 = tpu.vector_load %arg5[%swap3A_67] {strides = array<i32>} : memref<128xi32, #tpu.memory_space<vmem>>, vector<16xi32>,
        %swap3A_69 = vector.shape_cast %swap3A_68 : vector<16xi32> to vector<16xi32>
        %swap3A_70 = vector.shape_cast %get3A_66 : vector<16xi32> to vector<16xi32>
        tpu.vector_store %arg5[%swap3A_67], %swap3A_70 {strides = array<i32>} : memref<128xi32, #tpu.memory_space<vmem>>, vector<16xi32>,
        %get3A_71 = arith.index_cast %scan3A_55 : i32 to index
        %get3A_72 = arith.constant 32 : index
        %get3A_73 = tpu.vector_load %arg4[%get3A_71, %get3A_72] {strides = array<i32>} : memref<20x128xi32, #tpu.memory_space<vmem>>, vector<1x16xi32>,
        %get3A_74 = vector.shape_cast %get3A_73 : vector<1x16xi32> to vector<16xi32>
        %swap3A_75 = arith.constant 32 : index
        %swap3A_76 = tpu.vector_load %arg5[%swap3A_75] {strides = array<i32>} : memref<128xi32, #tpu.memory_space<vmem>>, vector<16xi32>,
        %swap3A_77 = vector.shape_cast %swap3A_76 : vector<16xi32> to vector<16xi32>
        %swap3A_78 = vector.shape_cast %get3A_74 : vector<16xi32> to vector<16xi32>
        tpu.vector_store %arg5[%swap3A_75], %swap3A_78 {strides = array<i32>} : memref<128xi32, #tpu.memory_space<vmem>>, vector<16xi32>,
        %get3A_79 = arith.index_cast %scan3A_55 : i32 to index
        %get3A_80 = arith.constant 48 : index
        %get3A_81 = tpu.vector_load %arg4[%get3A_79, %get3A_80] {strides = array<i32>} : memref<20x128xi32, #tpu.memory_space<vmem>>, vector<1x16xi32>,
        %get3A_82 = vector.shape_cast %get3A_81 : vector<1x16xi32> to vector<16xi32>
        %swap3A_83 = arith.constant 48 : index
        %swap3A_84 = tpu.vector_load %arg5[%swap3A_83] {strides = array<i32>} : memref<128xi32, #tpu.memory_space<vmem>>, vector<16xi32>,
        %swap3A_85 = vector.shape_cast %swap3A_84 : vector<16xi32> to vector<16xi32>
        %swap3A_86 = vector.shape_cast %get3A_82 : vector<16xi32> to vector<16xi32>
        tpu.vector_store %arg5[%swap3A_83], %swap3A_86 {strides = array<i32>} : memref<128xi32, #tpu.memory_space<vmem>>, vector<16xi32>,
        %get3A_87 = arith.index_cast %scan3A_55 : i32 to index
        %get3A_88 = arith.constant 64 : index
        %get3A_89 = tpu.vector_load %arg4[%get3A_87, %get3A_88] {strides = array<i32>} : memref<20x128xi32, #tpu.memory_space<vmem>>, vector<1x16xi32>,
        %get3A_90 = vector.shape_cast %get3A_89 : vector<1x16xi32> to vector<16xi32>
        %swap3A_91 = arith.constant 64 : index
        %swap3A_92 = tpu.vector_load %arg5[%swap3A_91] {strides = array<i32>} : memref<128xi32, #tpu.memory_space<vmem>>, vector<16xi32>,
        %swap3A_93 = vector.shape_cast %swap3A_92 : vector<16xi32> to vector<16xi32>
        %swap3A_94 = vector.shape_cast %get3A_90 : vector<16xi32> to vector<16xi32>
        tpu.vector_store %arg5[%swap3A_91], %swap3A_94 {strides = array<i32>} : memref<128xi32, #tpu.memory_space<vmem>>, vector<16xi32>,
        %get3A_95 = arith.index_cast %scan3A_55 : i32 to index
        %get3A_96 = arith.constant 80 : index
        %get3A_97 = tpu.vector_load %arg4[%get3A_95, %get3A_96] {strides = array<i32>} : memref<20x128xi32, #tpu.memory_space<vmem>>, vector<1x16xi32>,
        %get3A_98 = vector.shape_cast %get3A_97 : vector<1x16xi32> to vector<16xi32>
        %swap3A_99 = arith.constant 80 : index
        %swap3A_100 = tpu.vector_load %arg5[%swap3A_99] {strides = array<i32>} : memref<128xi32, #tpu.memory_space<vmem>>, vector<16xi32>,
        %swap3A_101 = vector.shape_cast %swap3A_100 : vector<16xi32> to vector<16xi32>
        %swap3A_102 = vector.shape_cast %get3A_98 : vector<16xi32> to vector<16xi32>
        tpu.vector_store %arg5[%swap3A_99], %swap3A_102 {strides = array<i32>} : memref<128xi32, #tpu.memory_space<vmem>>, vector<16xi32>,
        %get3A_103 = arith.index_cast %scan3A_55 : i32 to index
        %get3A_104 = arith.constant 96 : index
        %get3A_105 = tpu.vector_load %arg4[%get3A_103, %get3A_104] {strides = array<i32>} : memref<20x128xi32, #tpu.memory_space<vmem>>, vector<1x16xi32>,
        %get3A_106 = vector.shape_cast %get3A_105 : vector<1x16xi32> to vector<16xi32>
        %swap3A_107 = arith.constant 96 : index
        %swap3A_108 = tpu.vector_load %arg5[%swap3A_107] {strides = array<i32>} : memref<128xi32, #tpu.memory_space<vmem>>, vector<16xi32>,
        %swap3A_109 = vector.shape_cast %swap3A_108 : vector<16xi32> to vector<16xi32>
        %swap3A_110 = vector.shape_cast %get3A_106 : vector<16xi32> to vector<16xi32>
        tpu.vector_store %arg5[%swap3A_107], %swap3A_110 {strides = array<i32>} : memref<128xi32, #tpu.memory_space<vmem>>, vector<16xi32>,
        %get3A_111 = arith.index_cast %scan3A_55 : i32 to index
        %get3A_112 = arith.constant 112 : index
        %get3A_113 = tpu.vector_load %arg4[%get3A_111, %get3A_112] {strides = array<i32>} : memref<20x128xi32, #tpu.memory_space<vmem>>, vector<1x16xi32>,
        %get3A_114 = vector.shape_cast %get3A_113 : vector<1x16xi32> to vector<16xi32>
        %swap3A_115 = arith.constant 112 : index
        %swap3A_116 = tpu.vector_load %arg5[%swap3A_115] {strides = array<i32>} : memref<128xi32, #tpu.memory_space<vmem>>, vector<16xi32>,
        %swap3A_117 = vector.shape_cast %swap3A_116 : vector<16xi32> to vector<16xi32>
        %swap3A_118 = vector.shape_cast %get3A_114 : vector<16xi32> to vector<16xi32>
        tpu.vector_store %arg5[%swap3A_115], %swap3A_118 {strides = array<i32>} : memref<128xi32, #tpu.memory_space<vmem>>, vector<16xi32>,
        "tpu.region"() ({
          %run_scoped3A = tpu.sem_alloc : memref<!tpu.dma_semaphore, #tpu.memory_space<semaphore_mem>>
          %dma_start3A = arith.constant 0 : i32
          %dma_start3A_120 = arith.constant 0 : i32
          %dma_start3A_121 = tpu.memref_slice %arg8[%dma_start3A, %dma_start3A_120] : memref<10240x16xf32, #tpu.memory_space<vmem_shared>> -> memref<10240x16xf32, #tpu.memory_space<vmem_shared>>
          tpu.enqueue_indirect_dma source(%arg6 : memref<128x16xf32, #tpu.memory_space<vmem>>) target(%dma_start3A_121 : memref<10240x16xf32, #tpu.memory_space<vmem_shared>>) offsets(%arg5 : memref<128xi32, #tpu.memory_space<vmem>>) semaphore(%run_scoped3A : memref<!tpu.dma_semaphore, #tpu.memory_space<semaphore_mem>>) {add = true}
          %dma_wait3A = arith.constant 0 : i32
          %dma_wait3A_122 = arith.constant 0 : i32
          %dma_wait3A_123 = tpu.memref_slice %arg8[%dma_wait3A, %dma_wait3A_122] : memref<10240x16xf32, #tpu.memory_space<vmem_shared>> -> memref<10240x16xf32, #tpu.memory_space<vmem_shared>>
          tpu.wait_indirect_dma semaphore(%run_scoped3A : memref<!tpu.dma_semaphore, #tpu.memory_space<semaphore_mem>>) src(%arg6 : memref<128x16xf32, #tpu.memory_space<vmem>>) dst(%dma_wait3A_123 : memref<10240x16xf32, #tpu.memory_space<vmem_shared>>)
          tpu.yield
        }) : () -> ()
        %scan3A_119 = arith.constant 0 : i32
        scf.yield %scan3A_119 : i32
      }
      %scan3A_53 = arith.constant 20 : i32
      %scan3A_54 = arith.constant 0 : i32
      scf.yield %scan3A_54 : i32
    }
    %scan3A_36 = arith.constant 4 : i32
    %barrier3A_37 = arith.constant 0 : index
    tpu.barrier barrier_id(%barrier3A_37)
    %mul3A_38 = arith.constant 640 : i32
    %mul3A_39 = arith.muli %arg1, %mul3A_38 : i32
    %mul3A_40 = arith.constant 640 : i32
    %mul3A_41 = arith.muli %arg1, %mul3A_40 : i32
    "tpu.region"() ({
      %run_scoped3A = tpu.sem_alloc : memref<!tpu.dma_semaphore, #tpu.memory_space<semaphore_mem>>
      %dma_start3A = arith.constant 0 : i32
      %dma_start3A_42 = tpu.memref_slice %arg3[%arg0, %mul3A_41, %dma_start3A] : memref<2x10240x16xf32, #tpu.memory_space<hbm>> -> memref<1x640x16xf32, #tpu.memory_space<hbm>>
      %dma_start3A_43 = tpu.memref_squeeze %dma_start3A_42 : memref<1x640x16xf32, #tpu.memory_space<hbm>> -> memref<640x16xf32, #tpu.memory_space<hbm>>
      %dma_start3A_44 = arith.constant 0 : i32
      %dma_start3A_45 = tpu.memref_slice %arg8[%mul3A_39, %dma_start3A_44] : memref<10240x16xf32, #tpu.memory_space<vmem_shared>> -> memref<640x16xf32, #tpu.memory_space<vmem_shared>>
      tpu.enqueue_dma source(%dma_start3A_45 : memref<640x16xf32, #tpu.memory_space<vmem_shared>>) target(%dma_start3A_43 : memref<640x16xf32, #tpu.memory_space<hbm>>) target_semaphore(%run_scoped3A : memref<!tpu.dma_semaphore, #tpu.memory_space<semaphore_mem>>)
      %dma_wait3A = arith.constant 0 : i32
      %dma_wait3A_46 = tpu.memref_slice %arg3[%arg0, %mul3A_41, %dma_wait3A] : memref<2x10240x16xf32, #tpu.memory_space<hbm>> -> memref<1x640x16xf32, #tpu.memory_space<hbm>>
      %dma_wait3A_47 = tpu.memref_squeeze %dma_wait3A_46 : memref<1x640x16xf32, #tpu.memory_space<hbm>> -> memref<640x16xf32, #tpu.memory_space<hbm>>
      %dma_wait3A_48 = arith.constant 0 : i32
      %dma_wait3A_49 = tpu.memref_slice %arg8[%mul3A_39, %dma_wait3A_48] : memref<10240x16xf32, #tpu.memory_space<vmem_shared>> -> memref<640x16xf32, #tpu.memory_space<vmem_shared>>
      tpu.wait_dma2 semaphore(%run_scoped3A : memref<!tpu.dma_semaphore, #tpu.memory_space<semaphore_mem>>) src(%dma_wait3A_49 : memref<640x16xf32, #tpu.memory_space<vmem_shared>>) dst(%dma_wait3A_47 : memref<640x16xf32, #tpu.memory_space<hbm>>)
      tpu.yield
    }) : () -> ()
    return
  }
}

module attributes {stable_mosaic.version = 14 : i64} {
  func.func @_mm_body(%arg0: i32, %arg1: memref<512x128xf32, #tpu.memory_space<vmem>>, %arg2: memref<128x128xf32, #tpu.memory_space<vmem>>, %arg3: memref<512x128xf32, #tpu.memory_space<vmem>>) attributes {dimension_semantics = [#tpu.dimension_semantics<arbitrary>], iteration_bounds = array<i64: 20>, scalar_prefetch = 0 : i64, scratch_operands = 0 : i64, tpu.core_type = #tpu.core_type<tc>, window_params = [{transform_indices = @transform_0, window_bounds = array<i64: 512, 128>}, {pipeline_mode = #tpu.pipeline_mode<synchronous>, transform_indices = @transform_1, window_bounds = array<i64: 128, 128>}, {transform_indices = @transform_2, window_bounds = array<i64: 512, 128>}]} {
    %get3A = arith.constant 0 : index
    %get3A_0 = arith.constant 0 : index
    %get3A_1 = vector.load %arg1[%get3A, %get3A_0] : memref<512x128xf32, #tpu.memory_space<vmem>>, vector<512x128xf32>
    %get3A_2 = arith.constant 0 : index
    %get3A_3 = arith.constant 0 : index
    %get3A_4 = vector.load %arg2[%get3A_2, %get3A_3] : memref<128x128xf32, #tpu.memory_space<vmem>>, vector<128x128xf32>
    %dot_general3A = arith.constant dense<0.000000e+00> : vector<512x128xf32>
    %dot_general3A_5 = tpu.matmul %get3A_1, %get3A_4, %dot_general3A {dimension_numbers = #tpu.dot_dimension_numbers<[1], [0], [0], [1], [0, 0, 1, 1], [], []>, transpose_lhs_hint = false} : vector<512x128xf32>, vector<128x128xf32>, vector<512x128xf32> -> vector<512x128xf32>
    %swap3A = arith.constant 0 : index
    %swap3A_6 = arith.constant 0 : index
    %swap3A_7 = vector.load %arg3[%swap3A, %swap3A_6] : memref<512x128xf32, #tpu.memory_space<vmem>>, vector<512x128xf32>
    tpu.vector_store %arg3[%swap3A, %swap3A_6], %dot_general3A_5 {strides = array<i32>} : memref<512x128xf32, #tpu.memory_space<vmem>>, vector<512x128xf32>,
    return
  }
  func.func @transform_0(%arg0: i32) -> (i32, i32) {
    %c0_i32 = arith.constant 0 : i32
    %c0_i32_0 = arith.constant 0 : i32
    return %arg0, %c0_i32 : i32, i32
  }
  func.func @transform_1(%arg0: i32) -> (i32, i32) {
    %c0_i32 = arith.constant 0 : i32
    %c0_i32_0 = arith.constant 0 : i32
    %c0_i32_1 = arith.constant 0 : i32
    return %c0_i32, %c0_i32_0 : i32, i32
  }
  func.func @transform_2(%arg0: i32) -> (i32, i32) {
    %c0_i32 = arith.constant 0 : i32
    %c0_i32_0 = arith.constant 0 : i32
    return %arg0, %c0_i32 : i32, i32
  }
}

module attributes {stable_mosaic.version = 14 : i64} {
  func.func @_scale_body(%arg0: i32, %arg1: memref<512x16xf32, #tpu.memory_space<vmem>>, %arg2: memref<512x128xf32, #tpu.memory_space<vmem>>, %arg3: memref<512x128xf32, #tpu.memory_space<vmem>>) attributes {dimension_semantics = [#tpu.dimension_semantics<arbitrary>], iteration_bounds = array<i64: 20>, scalar_prefetch = 0 : i64, scratch_operands = 0 : i64, tpu.core_type = #tpu.core_type<tc>, window_params = [{transform_indices = @transform_0, window_bounds = array<i64: 512, 16>}, {transform_indices = @transform_1, window_bounds = array<i64: 512, 128>}, {transform_indices = @transform_2, window_bounds = array<i64: 512, 128>}]} {
    %get3A = arith.constant 0 : index
    %get3A_0 = arith.constant 0 : index
    %get3A_1 = vector.load %arg1[%get3A, %get3A_0] : memref<512x16xf32, #tpu.memory_space<vmem>>, vector<512x1xf32>
    %add3A = arith.constant 1.000000e+00 : f32
    %add3A_2 = vector.broadcast %add3A : f32 to vector<512x1xf32>
    %add3A_3 = arith.addf %get3A_1, %add3A_2 : vector<512x1xf32>
    %rsqrt3A = math.rsqrt %add3A_3 : vector<512x1xf32>
    %get3A_4 = arith.constant 0 : index
    %get3A_5 = arith.constant 0 : index
    %get3A_6 = vector.load %arg2[%get3A_4, %get3A_5] : memref<512x128xf32, #tpu.memory_space<vmem>>, vector<512x128xf32>
    %mul3A = vector.broadcast %rsqrt3A : vector<512x1xf32> to vector<512x128xf32>
    %mul3A_7 = arith.mulf %mul3A, %get3A_6 : vector<512x128xf32>
    %swap3A = arith.constant 0 : index
    %swap3A_8 = arith.constant 0 : index
    %swap3A_9 = vector.load %arg3[%swap3A, %swap3A_8] : memref<512x128xf32, #tpu.memory_space<vmem>>, vector<512x128xf32>
    tpu.vector_store %arg3[%swap3A, %swap3A_8], %mul3A_7 {strides = array<i32>} : memref<512x128xf32, #tpu.memory_space<vmem>>, vector<512x128xf32>,
    return
  }
  func.func @transform_0(%arg0: i32) -> (i32, i32) {
    %c0_i32 = arith.constant 0 : i32
    %c0_i32_0 = arith.constant 0 : i32
    return %arg0, %c0_i32 : i32, i32
  }
  func.func @transform_1(%arg0: i32) -> (i32, i32) {
    %c0_i32 = arith.constant 0 : i32
    %c0_i32_0 = arith.constant 0 : i32
    return %arg0, %c0_i32 : i32, i32
  }
  func.func @transform_2(%arg0: i32) -> (i32, i32) {
    %c0_i32 = arith.constant 0 : i32
    %c0_i32_0 = arith.constant 0 : i32
    return %arg0, %c0_i32 : i32, i32
  }
}

module attributes {stable_mosaic.version = 14 : i64} {
  func.func @_hrelu_body(%arg0: i32, %arg1: memref<512x128xf32, #tpu.memory_space<vmem>>, %arg2: memref<512x128xf32, #tpu.memory_space<vmem>>, %arg3: memref<512x16xf32, #tpu.memory_space<vmem>>, %arg4: memref<1x128xf32, #tpu.memory_space<vmem>>, %arg5: memref<512x128xf32, #tpu.memory_space<vmem>>) attributes {dimension_semantics = [#tpu.dimension_semantics<arbitrary>], iteration_bounds = array<i64: 20>, scalar_prefetch = 0 : i64, scratch_operands = 0 : i64, tpu.core_type = #tpu.core_type<tc>, window_params = [{transform_indices = @transform_0, window_bounds = array<i64: 512, 128>}, {transform_indices = @transform_1, window_bounds = array<i64: 512, 128>}, {transform_indices = @transform_2, window_bounds = array<i64: 512, 16>}, {pipeline_mode = #tpu.pipeline_mode<synchronous>, transform_indices = @transform_3, window_bounds = array<i64: 1, 128>}, {transform_indices = @transform_4, window_bounds = array<i64: 512, 128>}]} {
    %get3A = arith.constant 0 : index
    %get3A_0 = arith.constant 0 : index
    %get3A_1 = vector.load %arg3[%get3A, %get3A_0] : memref<512x16xf32, #tpu.memory_space<vmem>>, vector<512x1xf32>
    %add3A = arith.constant 1.000000e+00 : f32
    %add3A_2 = vector.broadcast %add3A : f32 to vector<512x1xf32>
    %add3A_3 = arith.addf %get3A_1, %add3A_2 : vector<512x1xf32>
    %rsqrt3A = math.rsqrt %add3A_3 : vector<512x1xf32>
    %get3A_4 = arith.constant 0 : index
    %get3A_5 = arith.constant 0 : index
    %get3A_6 = vector.load %arg1[%get3A_4, %get3A_5] : memref<512x128xf32, #tpu.memory_space<vmem>>, vector<512x128xf32>
    %mul3A = vector.broadcast %rsqrt3A : vector<512x1xf32> to vector<512x128xf32>
    %mul3A_7 = arith.mulf %mul3A, %get3A_6 : vector<512x128xf32>
    %mul3A_8 = arith.mulf %rsqrt3A, %rsqrt3A : vector<512x1xf32>
    %get3A_9 = arith.constant 0 : index
    %get3A_10 = arith.constant 0 : index
    %get3A_11 = vector.load %arg2[%get3A_9, %get3A_10] : memref<512x128xf32, #tpu.memory_space<vmem>>, vector<512x128xf32>
    %mul3A_12 = vector.broadcast %mul3A_8 : vector<512x1xf32> to vector<512x128xf32>
    %mul3A_13 = arith.mulf %mul3A_12, %get3A_11 : vector<512x128xf32>
    %add3A_14 = arith.addf %mul3A_7, %mul3A_13 : vector<512x128xf32>
    %get3A_15 = arith.constant 0 : index
    %get3A_16 = arith.constant 0 : index
    %get3A_17 = vector.load %arg4[%get3A_15, %get3A_16] : memref<1x128xf32, #tpu.memory_space<vmem>>, vector<1x128xf32>
    %add3A_18 = vector.broadcast %get3A_17 : vector<1x128xf32> to vector<512x128xf32>
    %add3A_19 = arith.addf %add3A_14, %add3A_18 : vector<512x128xf32>
    %max3A = arith.constant 0.000000e+00 : f32
    %max3A_20 = vector.broadcast %max3A : f32 to vector<512x128xf32>
    %max3A_21 = arith.maximumf %add3A_19, %max3A_20 : vector<512x128xf32>
    %swap3A = arith.constant 0 : index
    %swap3A_22 = arith.constant 0 : index
    %swap3A_23 = vector.load %arg5[%swap3A, %swap3A_22] : memref<512x128xf32, #tpu.memory_space<vmem>>, vector<512x128xf32>
    tpu.vector_store %arg5[%swap3A, %swap3A_22], %max3A_21 {strides = array<i32>} : memref<512x128xf32, #tpu.memory_space<vmem>>, vector<512x128xf32>,
    return
  }
  func.func @transform_0(%arg0: i32) -> (i32, i32) {
    %c0_i32 = arith.constant 0 : i32
    %c0_i32_0 = arith.constant 0 : i32
    return %arg0, %c0_i32 : i32, i32
  }
  func.func @transform_1(%arg0: i32) -> (i32, i32) {
    %c0_i32 = arith.constant 0 : i32
    %c0_i32_0 = arith.constant 0 : i32
    return %arg0, %c0_i32 : i32, i32
  }
  func.func @transform_2(%arg0: i32) -> (i32, i32) {
    %c0_i32 = arith.constant 0 : i32
    %c0_i32_0 = arith.constant 0 : i32
    return %arg0, %c0_i32 : i32, i32
  }
  func.func @transform_3(%arg0: i32) -> (i32, i32) {
    %c0_i32 = arith.constant 0 : i32
    %c0_i32_0 = arith.constant 0 : i32
    %c0_i32_1 = arith.constant 0 : i32
    return %c0_i32, %c0_i32_0 : i32, i32
  }
  func.func @transform_4(%arg0: i32) -> (i32, i32) {
    %c0_i32 = arith.constant 0 : i32
    %c0_i32_0 = arith.constant 0 : i32
    return %arg0, %c0_i32 : i32, i32
  }
}

module attributes {stable_mosaic.version = 14 : i64} {
  func.func @_final_body(%arg0: i32, %arg1: memref<512x128xf32, #tpu.memory_space<vmem>>, %arg2: memref<512x128xf32, #tpu.memory_space<vmem>>, %arg3: memref<512x16xf32, #tpu.memory_space<vmem>>, %arg4: memref<1x128xf32, #tpu.memory_space<vmem>>, %arg5: memref<512x128xf32, #tpu.memory_space<vmem>>) attributes {dimension_semantics = [#tpu.dimension_semantics<arbitrary>], iteration_bounds = array<i64: 20>, scalar_prefetch = 0 : i64, scratch_operands = 0 : i64, tpu.core_type = #tpu.core_type<tc>, window_params = [{transform_indices = @transform_0, window_bounds = array<i64: 512, 128>}, {transform_indices = @transform_1, window_bounds = array<i64: 512, 128>}, {transform_indices = @transform_2, window_bounds = array<i64: 512, 16>}, {pipeline_mode = #tpu.pipeline_mode<synchronous>, transform_indices = @transform_3, window_bounds = array<i64: 1, 128>}, {transform_indices = @transform_4, window_bounds = array<i64: 512, 128>}]} {
    %get3A = arith.constant 0 : index
    %get3A_0 = arith.constant 0 : index
    %get3A_1 = vector.load %arg3[%get3A, %get3A_0] : memref<512x16xf32, #tpu.memory_space<vmem>>, vector<512x1xf32>
    %add3A = arith.constant 1.000000e+00 : f32
    %add3A_2 = vector.broadcast %add3A : f32 to vector<512x1xf32>
    %add3A_3 = arith.addf %get3A_1, %add3A_2 : vector<512x1xf32>
    %rsqrt3A = math.rsqrt %add3A_3 : vector<512x1xf32>
    %get3A_4 = arith.constant 0 : index
    %get3A_5 = arith.constant 0 : index
    %get3A_6 = vector.load %arg1[%get3A_4, %get3A_5] : memref<512x128xf32, #tpu.memory_space<vmem>>, vector<512x128xf32>
    %mul3A = vector.broadcast %rsqrt3A : vector<512x1xf32> to vector<512x128xf32>
    %mul3A_7 = arith.mulf %mul3A, %get3A_6 : vector<512x128xf32>
    %mul3A_8 = arith.mulf %rsqrt3A, %rsqrt3A : vector<512x1xf32>
    %get3A_9 = arith.constant 0 : index
    %get3A_10 = arith.constant 0 : index
    %get3A_11 = vector.load %arg2[%get3A_9, %get3A_10] : memref<512x128xf32, #tpu.memory_space<vmem>>, vector<512x128xf32>
    %mul3A_12 = vector.broadcast %mul3A_8 : vector<512x1xf32> to vector<512x128xf32>
    %mul3A_13 = arith.mulf %mul3A_12, %get3A_11 : vector<512x128xf32>
    %add3A_14 = arith.addf %mul3A_7, %mul3A_13 : vector<512x128xf32>
    %get3A_15 = arith.constant 0 : index
    %get3A_16 = arith.constant 0 : index
    %get3A_17 = vector.load %arg4[%get3A_15, %get3A_16] : memref<1x128xf32, #tpu.memory_space<vmem>>, vector<1x128xf32>
    %add3A_18 = vector.broadcast %get3A_17 : vector<1x128xf32> to vector<512x128xf32>
    %add3A_19 = arith.addf %add3A_14, %add3A_18 : vector<512x128xf32>
    %swap3A = arith.constant 0 : index
    %swap3A_20 = arith.constant 0 : index
    %swap3A_21 = vector.load %arg5[%swap3A, %swap3A_20] : memref<512x128xf32, #tpu.memory_space<vmem>>, vector<512x128xf32>
    tpu.vector_store %arg5[%swap3A, %swap3A_20], %add3A_19 {strides = array<i32>} : memref<512x128xf32, #tpu.memory_space<vmem>>, vector<512x128xf32>,
    return
  }
  func.func @transform_0(%arg0: i32) -> (i32, i32) {
    %c0_i32 = arith.constant 0 : i32
    %c0_i32_0 = arith.constant 0 : i32
    return %arg0, %c0_i32 : i32, i32
  }
  func.func @transform_1(%arg0: i32) -> (i32, i32) {
    %c0_i32 = arith.constant 0 : i32
    %c0_i32_0 = arith.constant 0 : i32
    return %arg0, %c0_i32 : i32, i32
  }
  func.func @transform_2(%arg0: i32) -> (i32, i32) {
    %c0_i32 = arith.constant 0 : i32
    %c0_i32_0 = arith.constant 0 : i32
    return %arg0, %c0_i32 : i32, i32
  }
  func.func @transform_3(%arg0: i32) -> (i32, i32) {
    %c0_i32 = arith.constant 0 : i32
    %c0_i32_0 = arith.constant 0 : i32
    %c0_i32_1 = arith.constant 0 : i32
    return %c0_i32, %c0_i32_0 : i32, i32
  }
  func.func @transform_4(%arg0: i32) -> (i32, i32) {
    %c0_i32 = arith.constant 0 : i32
    %c0_i32_0 = arith.constant 0 : i32
    return %arg0, %c0_i32 : i32, i32
  }
}

</mosaic_0001>

<sc_bundles>
// kernel: kernel.11.cloned.1.call-start
scs
__scs_entry_jumppad:
0x0: {  	(pc) =	sbr.rel $0x88, $3  }
0x1: {  	(tag) =	ssettag $0x0;
	lr =	simm.s32 $0x1  }
0x2: {  	[smem:$0x3F9B] =	sst lr;
	_ =	strace $0xD0000000  }
0x3: {  	_ = 	snop  }
0x4: {  	_ = 	snop  }
0x5: {  	_ = 	snop  }
0x6: {  	_ = 	snop  }
0x7: {  	_ = 	snop  }
__scs_overlays_trampoline_lowered:
0x8: {  	[smem:$0x3FAA] =	sst s0  }
0x9: {  	[smem:$0x3FAB] =	sst s1  }
0xa: {  	[smem:$0x3FAC] =	sst s2  }
0xb: {  	[smem:$0x3FAD] =	sst s3  }
0xc: {  	[smem:$0x3FAE] =	sst s4  }
0xd: {  	[smem:$0x3FAF] =	sst s5  }
0xe: {  	[smem:$0x3FB0] =	sst s6  }
0xf: {  	[smem:$0x3FB1] =	sst s7  }
0x10: {  	[smem:$0x3FB2] =	sst s8  }
0x11: {  	[smem:$0x3FB3] =	sst s9;
	s0 =	simm.s32 @!p0 $0x0  }
0x12: {  	s1 =	sld [smem:$0x3F99];
	s0 =	simm.s32 @p0 $0x1  }
0x13: {  	[smem:$0x3FB4] =	sst s0;
	s0 =	simm.s32 @!p1 $0x0  }
0x14: {  	s2 =	sld [smem:$0x3F98];
	s0 =	simm.s32 @p1 $0x1  }
0x15: {  	[smem:$0x3FB5] =	sst s0;
	s0 =	simm.s32 @!p2 $0x0  }
0x16: {  	s3 =	sld [smem:$0x3FDB];
	s0 =	simm.s32 @p2 $0x1  }
0x17: {  	s4 =	simm.s32 $0x1BF5;
	[smem:$0x3FB7] =	sst s0  }
0x18: {  	s0 =	sld [smem:$0x3F9A];
	_ =	swait.ge [sflag:s4], $0x0  }
0x19: {  	s7 =	sld [smem:$0x3F9B]  }
0x1a: {  	s8 =	sadd.s32 $0xFFFFE003, lr  }
0x1b: {  	s9 =	sadd.s32 $0xFFFFFEF7, lr;
	s5 =	simm.s32 $0xFFFFFFFF;
	p2 =	slt.u32 s8, $0xFFFFF086  }
0x1c: {  	p1 =	slt.u32 s9, $0xF7A;
	s5 =	simm.s32 @!p2 $0x0  }
0x1d: {  	s5 =	simm.s32 @p1 $0x1;
	p0 =	seq.s32 s7, s2  }
0x1e: {  	s7 =	smul.u32 @!p0 $0xF7A, s2;
	p2 =	seq.s32 @!p0 s5, $0x0  }
0x1f: {  	s9 =	smul.u32 $0xF7A, s1;
	s8 =	simm.s32 @!p0 $0x1BF5;
	p2 =	por !p2, p0  }
0x20: {  	[sflag:s8] =	ssyncset.s32 @!p0 $0xFFFFF086;
	s6 =	sadd.s32 @!p0 s3, s7;
	s7 =	simm.s32 @!p0 $0x108  }
0x21: {  	s3 =	sadd.s32 s3, s9;
	s6 =	sadd.s32 @!p0 $0x88, s6;
	s7 =	simm.s32 @p2 $0x1082  }
0x22: {  	[simem:s7], [sflag:s8] =	dma.local @!p0 [hbm:s6], $0xF7A  }
0x23: {  	s9 =	sor.u32 $0xD0000000, s2;
	s6 =	simm.s32 $0x108;
	_ =	swait.ge @!p0 [sflag:s8], $0x0  }
0x24: {  	s3 =	sadd.s32 $0x88, s3;
	s6 =	simm.s32 @!p1 $0x1082;
	[sflag:s4] =	ssyncset.s32 $0xFFFFF086  }
0x25: {  	[simem:s6], [sflag:s4] =	dma.local [hbm:s3], $0xF7A  }
0x26: {  	[smem:$0x3F9B] =	sst s1;
	(tag) =	ssettag s2;
	_ =	strace s9  }
0x27: {  	s1 =	sld [smem:$0x3FAB]  }
0x28: {  	s2 =	sld [smem:$0x3FAC]  }
0x29: {  	s4 =	sld [smem:$0x3FAE]  }
0x2a: {  	p0 =	seq.s32 s5, $0x0;
	s5 =	sld [smem:$0x3FAF]  }
0x2b: {  	s6 =	sld [smem:$0x3FB0]  }
0x2c: {  	s7 =	sld [smem:$0x3FB1]  }
0x2d: {  	s3 =	simm.s32 $0x108;
	s8 =	sld [smem:$0x3FB2]  }
0x2e: {  	s3 =	simm.s32 @!p0 $0x1082;
	s9 =	sld [smem:$0x3FB3]  }
0x2f: {  	lr =	sadd.s32 s0, s3;
	s0 =	sld [smem:$0x3FAA]  }
0x30: {  	s3 =	sld [smem:$0x3FAD]  }
0x31: {  	[smem:$0x3FB6] =	sst s10  }
0x32: {  	s10 =	sld [smem:$0x3FB4];
	_ =	sdelay $0x3  }
0x33: {  	p0 =	seq.s32 s10, $0x1;
	s10 =	sld [smem:$0x3FB6];
	_ =	sdelay $0x3  }
0x34: {  	[smem:$0x3FB6] =	sst s10  }
0x35: {  	s10 =	sld [smem:$0x3FB5];
	_ =	sdelay $0x3  }
0x36: {  	p1 =	seq.s32 s10, $0x1;
	s10 =	sld [smem:$0x3FB6];
	_ =	sdelay $0x3  }
0x37: {  	[smem:$0x3FB6] =	sst s10  }
0x38: {  	s10 =	sld [smem:$0x3FB7]  }
0x39: {  	_ = 	snop;
	(pc) =	sbr.ind lr, $3  }
0x3a: {  	_ = 	snop  }
0x3b: {  	_ = 	snop  }
0x3c: {  	p2 =	seq.s32 s10, $0x1;
	s10 =	sld [smem:$0x3FB6]  }
0x3d: {  	_ =	shalt  }
0x3e: {  	_ =	shalt  }
0x3f: {  	_ =	shalt  }
0x40: {  	_ =	shalt  }
0x41: {  	_ =	shalt  }
0x42: {  	_ =	shalt  }
0x43: {  	_ =	shalt  }
0x44: {  	_ =	shalt  }
0x45: {  	_ =	shalt  }
0x46: {  	_ =	shalt  }
0x47: {  	_ =	shalt  }
0x48: {  	_ =	shalt  }
0x49: {  	_ =	shalt  }
0x4a: {  	_ =	shalt  }
0x4b: {  	_ =	shalt  }
0x4c: {  	_ =	shalt  }
0x4d: {  	_ =	shalt  }
0x4e: {  	_ =	shalt  }
0x4f: {  	_ =	shalt  }
0x50: {  	_ =	shalt  }
0x51: {  	_ =	shalt  }
0x52: {  	_ =	shalt  }
0x53: {  	_ =	shalt  }
0x54: {  	_ =	shalt  }
0x55: {  	_ =	shalt  }
0x56: {  	_ =	shalt  }
0x57: {  	_ =	shalt  }
0x58: {  	_ =	shalt  }
0x59: {  	_ =	shalt  }
0x5a: {  	_ =	shalt  }
0x5b: {  	_ =	shalt  }
0x5c: {  	_ =	shalt  }
0x5d: {  	_ =	shalt  }
0x5e: {  	_ =	shalt  }
0x5f: {  	_ =	shalt  }
0x60: {  	_ =	shalt  }
0x61: {  	_ =	shalt  }
0x62: {  	_ =	shalt  }
0x63: {  	_ =	shalt  }
0x64: {  	_ =	shalt  }
0x65: {  	_ =	shalt  }
0x66: {  	_ =	shalt  }
0x67: {  	_ =	shalt  }
0x68: {  	_ =	shalt  }
0x69: {  	_ =	shalt  }
0x6a: {  	_ =	shalt  }
0x6b: {  	_ =	shalt  }
0x6c: {  	_ =	shalt  }
0x6d: {  	_ =	shalt  }
0x6e: {  	_ =	shalt  }
0x6f: {  	_ =	shalt  }
0x70: {  	_ =	shalt  }
0x71: {  	_ =	shalt  }
0x72: {  	_ =	shalt  }
0x73: {  	_ =	shalt  }
0x74: {  	_ =	shalt  }
0x75: {  	_ =	shalt  }
0x76: {  	_ =	shalt  }
0x77: {  	_ =	shalt  }
0x78: {  	_ =	shalt  }
0x79: {  	_ =	shalt  }
0x7a: {  	_ =	shalt  }
0x7b: {  	_ =	shalt  }
0x7c: {  	_ =	shalt  }
0x7d: {  	_ =	shalt  }
0x7e: {  	_ =	shalt  }
0x7f: {  	_ =	shalt  }
0x80: {  	_ =	shalt  }
0x81: {  	_ =	shalt  }
0x82: {  	_ =	shalt  }
0x83: {  	_ =	shalt  }
0x84: {  	_ =	shalt  }
0x85: {  	_ =	shalt  }
0x86: {  	_ =	shalt  }
0x87: {  	_ =	shalt  }
.Lfunc_end0:
.L_simem_size_0:
called_computation_lowered:
.L_overlay_start_0:
0x88: {  	s2 =	sld [smem:$0x3FD9]  }
0x89: {  	s3 =	sld [smem:$0x3FFE];
	_ =	sdelay $0x1  }
0x8a: {  	s1 =	srdreg.scid  }
0x8b: {  	s0 =	sand.u32 $0x1, s1  }
0x8c: {  	s17 =	sshll.u32 s0, $0xA;
	s2 =	sadd.s32 s3, s2  }
0x8d: {  	s2 =	sadd.s32 s2, s17  }
0x8e: {  	[smem:$0x3FC2] =	sst s2  }
0x8f: {  	_ = 	snop  }
0x90: {  	s2 =	sld [smem:$0x3FD0];
	(tm) =	ssettm $0x1  }
0x91: {  	s18 =	sld [smem:$0x3FFB];
	_ =	sdelay $0x3  }
0x92: {  	_ =	strace s18  }
0x93: {  	s3 =	sld [smem:$0x3FFC];
	_ =	sdelay $0x3  }
0x94: {  	_ =	strace s3  }
0x95: {  	s3 =	sld [smem:$0x3FFD];
	_ =	sdelay $0x3  }
0x96: {  	_ =	strace s3  }
0x97: {  	_ =	strace $0x8FFFFFFF  }
0x98: {  	s19 =	sld [smem:$0x3FDB];
	_ =	sdelay $0x1  }
0x99: {  	s4 =	simm.s32 $_scs_section_size  }
0x9a: {  	s5 =	simm.s32 $_size__tile_overlayer_lowered;
	s6 =	simm.s32 $_tile_overlayer_lowered  }
0x9b: {  	s22 =	simm.s32 $0x1BFF;
	s21 =	sshll.u32 s6, $0x1;
	s3 =	sadd.s32 s4, s19  }
0x9c: {  	s7 =	simm.s32 $0x0;
	s20 =	sshll.u32 s5, $0x1;
	s5 =	sadd.s32 s21, s3  }
0x9d: {  	[timem:s7], [sflag:s22] =	dma.local [hbm:s5], s20  }
0x9e: {  	_ =	swait.ge [sflag:s22], s20  }
0x9f: {  	s4 =	ssub.s32 $0x0, s20;
	[sflag:s22] =	ssyncset.done $0x0  }
0xa0: {  	[sflag:s22] =	ssyncadd.s32 s4;
	_ =	sdelay $0x1  }
0xa1: {  	s23 =	simm.s32 $0x1B8B  }
0xa2: {  	_ =	swait.ge [sflag:s23], $0x1  }
0xa3: {  	[sflag:s23] =	ssyncset.done $0x0  }
0xa4: {  	s25 =	simm.s32 $0x1B8E;
	s24 =	sld [smem:$0x3FFE];
	[sflag:s23] =	ssyncadd.s32 $0xFFFFFFFF  }
0xa5: {  	s26 =	simm.s32 $execute0_lowered;
	[smem:$0x3FD2] =	sst s25  }
0xa6: {  	s5 =	sshll.u32 s26, $0x1;
	_ =	strace $0x80000046;
	[dreg:$0x1] =	wrdreg $0xFFFFFFFF  }
0xa7: {  	s28 =	simm.s32 $_size_execute0_lowered;
	s3 =	sadd.s32 s3, s5;
	[dreg:$0x0] =	wrdreg $0x0  }
0xa8: {  	s5 =	sshll.u32 s28, $0x1;
	[dreg:$0x2] =	wrdreg s3  }
0xa9: {  	[dreg:$0x3] =	wrdreg s5  }
0xaa: {  	[dreg:$0x4] =	wrdreg $0xC0  }
0xab: {  	_ =	task [dreg:s7], $0x5FFFF  }
0xac: {  	[dreg:$0x1] =	wrdreg $0xFFFFFFFF  }
0xad: {  	[dreg:$0x0] =	wrdreg $0x60  }
0xae: {  	[dreg:$0x2] =	wrdreg s2  }
0xaf: {  	[dreg:$0x3] =	wrdreg s24  }
0xb0: {  	[dreg:$0x4] =	wrdreg $0x8C800  }
0xb1: {  	[dreg:$0x5] =	wrdreg $0x9  }
0xb2: {  	_ =	task.clear_ibuf [dreg:s7], $0x6FFFF;
	_ =	strace $0x90000046  }
0xb3: {  	s29 =	simm.s32 $0x9;
	_ =	strace $0x80000048  }
0xb4: {  	_ =	swait.ge [sflag:s29], $0x1  }
0xb5: {  	[sflag:s29] =	ssyncadd.s32 $0xFFFFFFFF  }
0xb6: {  	_ =	strace $0x90000048  }
0xb7: {  	_ =	sfence  }
0xb8: {  	s30 =	sld [smem:$0x0];
	_ =	sdelay $0x2  }
0xb9: {  	s31 =	sshll.u32 s1, $0xD;
	s1 =	sshrl.u32 s1, $0x2  }
0xba: {  	s3 =	sand.u32 $0x4000, s31;
	s1 =	sadd.s32 s1, s30  }
0xbb: {  	s0 =	sor.u32 s3, s0;
	s1 =	sshll.u32 s1, $0x11  }
0xbc: {  	s0 =	sor.u32 s1, s0  }
0xbd: {  	s0 =	sadd.s32 $0x8F2B, s0  }
0xbe: {  	[sflag:s0] =	ssyncadd.remote.s32 $0x1  }
0xbf: {  	_ =	sfence.sel $0xFFFF  }
0xc0: {  	[dreg:$0x0] =	wrdreg $0xFFFFFFFF;
	(pc) =	sbr.abs _section_cstart, $3  }
0xc1: {  	[dreg:$0x1] =	wrdreg $0xFFFFFFFF  }
0xc2: {  	_ =	task.clear_ibuf [dreg:s7], $0x2FFFF;
	_ =	strace $0x9FFFFFFF  }
0xc3: {  	(tm) =	ssettm $0x7FFFFFFF  }
tec
execute0_lowered:
.L_overlay_start_1:
0x0: {  	(tag) =	ssettag $0x1  }
0x1: {  	s10 =	rddreg [dreg:$0x0]  }
0x2: {  	s6 =	rddreg [dreg:$0x1]  }
0x3: {  	s0 =	srdreg.scid;
	s2 =	rddreg [dreg:$0x2]  }
0x4: {  	s1 =	rddreg [dreg:$0x3];
	s3 =	simm.s32 $0x0;
	s15 =	simm.s32 $0x4C80  }
0x5: {  	s16 =	simm.s32 $0x1;
	s17 =	simm.s32 $0x80;
	s4 =	sand.u32 $0x1, s0  }
0x6: {  	s18 =	simm.s32 $0xC00;
	s0 =	stileid.u32;
	s5 =	smul.u32 $0x140000, s4  }
0x7: {  	s19 =	simm.s32 $0xC80;
	[smem:$0x7FF] =	sst s3;
	s7 =	smul.u32 $0x14000, s0  }
0x8: {  	s29 =	smul.u32 $0x50000, s0;
	s30 =	ssub.s32 $0x2, s4;
	s31 =	sshll.u32 s0, $0x3  }
0x9: {  	s4 =	sshll.u32 s4, $0x2;
	s8 =	sshrl.u32 s30, $0x1;
	s5 =	sadd.s32 s7, s5  }
0xa: {  	s7 =	sor.u32 s4, s31;
	s11 =	ssub.s32 s30, s8;
	s5 =	sshrl.u32 s5, $0x3  }
0xb: {  	s12 =	smul.u32 $0x180, s7;
	s9 =	sadd.s32 s5, s6;
	s5 =	sshrl.u32 s29, $0x2  }
0xc: {  	_ =	strace $0x80000047;
	s11 =	smax.u32 s11, $0x1;
	s4 =	sadd.s32 s5, s2  }
0xd: {  	s9 =	sadd.s32 $0x1800, s9;
	s10 =	sadd.s32 s10, s12;
	s5 =	sadd.s32 $0x4000, s4  }
0xe: {  	s6 =	sadd.s32 $0x8000, s4;
	s7 =	sadd.s32 $0xC000, s4;
	s8 =	sadd.s32 $0x10000, s4  }
0xf: {  	v0 =	vimm.f32 $1.000000000e+00;
	v1 =	vimm.f32 $0.0e+00;
	s12 =	sadd.s32 $0x180, s10;
	s13 =	sadd.s32 $0x300, s10;
	s14 =	sadd.s32 $0x480, s10  }
.LBB2_1:
0x10: {  	s20 =	simm.s32 $0x200;
	s21 =	simm.s32 $0x0  }
.LBB2_2:
0x11: {  	p0 =	sne.s32 s20, $0xFE00;
	[tilespmem:s21+$0xC80] =	vst v0;
	s22 =	smov.u32 s20;
	s20 =	sadd.s32 $0x200, s20  }
.Ltmp0:
0x12: {  	[tilespmem:s21+$0x4C80] =	vst v1;
	(pc) =	sbr.rel @p0 .LBB2_2-.Ltmp0, $2  }
0x13: {  	_ =	sdelay $0x2  }
0x14: {  	s21 =	sshra.s32 s22, $0x2  }
0x15: {  	[tilespmem:s21+$0xC80] =	vst v0  }
0x16: {  	[tilespmem:s21+$0x4C80] =	vst v1  }
0x17: {  	[spmem:s4] =	stream.linear.scatter [tilespmem:s15], [sflag:$0x1], $0x4000, $0x38;
	[tilespmem:$0xB480] =	vst v63  }
0x18: {  	_ =	swait.ge [sflag:s16], $0x4000  }
0x19: {  	[sflag:s16] =	ssyncset.done $0x0  }
0x1a: {  	[sflag:s16] =	ssyncadd.s32 $0xFFFFC000  }
0x1b: {  	[spmem:s5] =	stream.linear.scatter [tilespmem:s15], [sflag:$0x1], $0x4000, $0x38;
	[tilespmem:$0xB480] =	vst v63  }
0x1c: {  	_ =	swait.ge [sflag:s16], $0x4000  }
0x1d: {  	[sflag:s16] =	ssyncset.done $0x0  }
0x1e: {  	[sflag:s16] =	ssyncadd.s32 $0xFFFFC000  }
0x1f: {  	[spmem:s6] =	stream.linear.scatter [tilespmem:s15], [sflag:$0x1], $0x4000, $0x38;
	[tilespmem:$0xB480] =	vst v63  }
0x20: {  	_ =	swait.ge [sflag:s16], $0x4000  }
0x21: {  	[sflag:s16] =	ssyncset.done $0x0  }
0x22: {  	[sflag:s16] =	ssyncadd.s32 $0xFFFFC000  }
0x23: {  	[spmem:s7] =	stream.linear.scatter [tilespmem:s15], [sflag:$0x1], $0x4000, $0x38;
	[tilespmem:$0xB480] =	vst v63  }
0x24: {  	_ =	swait.ge [sflag:s16], $0x4000  }
0x25: {  	[sflag:s16] =	ssyncset.done $0x0  }
0x26: {  	[sflag:s16] =	ssyncadd.s32 $0xFFFFC000  }
0x27: {  	[spmem:s8] =	stream.linear.scatter [tilespmem:s15], [sflag:$0x1], $0x4000, $0x38;
	[tilespmem:$0xB480] =	vst v63  }
0x28: {  	_ =	swait.ge [sflag:s16], $0x4000  }
0x29: {  	[sflag:s16] =	ssyncset.done $0x0  }
0x2a: {  	[sflag:s16] =	ssyncadd.s32 $0xFFFFC000  }
0x2b: {  	s20 =	simm.s32 $0x0;
	[bflag:$0x0] =	sbarrier.arrive $0xFFFF  }
0x2c: {  	[tilespmem:s20], [sflag:$0x1] =	stream.linear.gather [hbm4b:s10+s20], $0xA00, $0x38;
	[tilespmem:$0xB480] =	vst v63  }
0x2d: {  	_ =	swait.ge [sflag:s16], $0xA00  }
0x2e: {  	[sflag:s16] =	ssyncset.done $0x0  }
0x2f: {  	s31 =	simm.s32 $0x0;
	[sflag:s16] =	ssyncadd.s32 $0xFFFFF600  }
0x30: {  	v2 =	vld [tilespmem:s31+$0x0];
	_ =	sdelay $0x4  }
0x31: {  	[tilespmem:$0xC00] =	vst v2  }
0x32: {  	v2 =	vld [tilespmem:s31+$0x10];
	_ =	sdelay $0x4  }
0x33: {  	[tilespmem:$0xC10] =	vst v2  }
0x34: {  	v2 =	vld [tilespmem:s31+$0x20];
	_ =	sdelay $0x4  }
0x35: {  	[tilespmem:$0xC20] =	vst v2  }
0x36: {  	v2 =	vld [tilespmem:s31+$0x30];
	_ =	sdelay $0x4  }
0x37: {  	[tilespmem:$0xC30] =	vst v2  }
0x38: {  	v2 =	vld [tilespmem:s31+$0x40];
	_ =	sdelay $0x4  }
0x39: {  	[tilespmem:$0xC40] =	vst v2  }
0x3a: {  	v2 =	vld [tilespmem:s31+$0x50];
	_ =	sdelay $0x4  }
0x3b: {  	[tilespmem:$0xC50] =	vst v2  }
0x3c: {  	v2 =	vld [tilespmem:s31+$0x60];
	_ =	sdelay $0x4  }
0x3d: {  	[tilespmem:$0xC60] =	vst v2  }
0x3e: {  	v2 =	vld [tilespmem:s31+$0x70];
	_ =	sdelay $0x4  }
0x3f: {  	[tilespmem:$0xC70] =	vst v2  }
0x40: {  	[spmem:s2] =	stream.indirect.scatter.add.f32 [tilespmem:s19], [sflag:$0x1], $0x10, s18, s17, $0xb8;
	[tilespmem:$0xB480] =	vst v63  }
0x41: {  	_ =	swait.ge [sflag:s16], $0x800  }
0x42: {  	s22 =	simm.s32 $0x400;
	s20 =	simm.s32 $0x200;
	[sflag:s16] =	ssyncset.done $0x0  }
.LBB2_4:
0x43: {  	s23 =	sshra.s32 s20, $0x2  }
0x44: {  	[sflag:s16] =	ssyncadd.s32 $0xFFFFF800;
	s20 =	smov.u32 s22;
	s21 =	sadd.s32 $0x200, s22  }
0x45: {  	p0 =	sne.s32 s22, $0x2600;
	v2 =	vld [tilespmem:s23+$0x0];
	_ =	sdelay $0x4  }
0x46: {  	[tilespmem:$0xC00] =	vst v2  }
0x47: {  	v2 =	vld [tilespmem:s23+$0x10];
	_ =	sdelay $0x4  }
0x48: {  	[tilespmem:$0xC10] =	vst v2  }
0x49: {  	v2 =	vld [tilespmem:s23+$0x20];
	_ =	sdelay $0x4  }
0x4a: {  	[tilespmem:$0xC20] =	vst v2  }
0x4b: {  	v2 =	vld [tilespmem:s23+$0x30];
	_ =	sdelay $0x4  }
0x4c: {  	[tilespmem:$0xC30] =	vst v2  }
0x4d: {  	v2 =	vld [tilespmem:s23+$0x40];
	_ =	sdelay $0x4  }
0x4e: {  	[tilespmem:$0xC40] =	vst v2  }
0x4f: {  	v2 =	vld [tilespmem:s23+$0x50];
	_ =	sdelay $0x4  }
0x50: {  	[tilespmem:$0xC50] =	vst v2  }
0x51: {  	v2 =	vld [tilespmem:s23+$0x60];
	_ =	sdelay $0x4  }
0x52: {  	[tilespmem:$0xC60] =	vst v2  }
0x53: {  	v2 =	vld [tilespmem:s23+$0x70];
	_ =	sdelay $0x3  }
.Ltmp1:
0x54: {  	(pc) =	sbr.rel @p0 .LBB2_4-.Ltmp1, $4  }
0x55: {  	[tilespmem:$0xC70] =	vst v2  }
0x56: {  	[spmem:s2] =	stream.indirect.scatter.add.f32 [tilespmem:s19], [sflag:$0x1], $0x10, s18, s17, $0xb8;
	[tilespmem:$0xB480] =	vst v63  }
0x57: {  	_ =	swait.ge [sflag:s16], $0x800  }
0x58: {  	s22 =	smov.u32 s21;
	[sflag:s16] =	ssyncset.done $0x0  }
0x59: {  	s20 =	sshra.s32 s20, $0x2;
	[sflag:s16] =	ssyncadd.s32 $0xFFFFF800  }
0x5a: {  	v2 =	vld [tilespmem:s20+$0x0];
	_ =	sdelay $0x4  }
0x5b: {  	[tilespmem:$0xC00] =	vst v2  }
0x5c: {  	v2 =	vld [tilespmem:s20+$0x10];
	_ =	sdelay $0x4  }
0x5d: {  	[tilespmem:$0xC10] =	vst v2  }
0x5e: {  	v2 =	vld [tilespmem:s20+$0x20];
	_ =	sdelay $0x4  }
0x5f: {  	[tilespmem:$0xC20] =	vst v2  }
0x60: {  	v2 =	vld [tilespmem:s20+$0x30];
	_ =	sdelay $0x4  }
0x61: {  	[tilespmem:$0xC30] =	vst v2  }
0x62: {  	v2 =	vld [tilespmem:s20+$0x40];
	_ =	sdelay $0x4  }
0x63: {  	[tilespmem:$0xC40] =	vst v2  }
0x64: {  	v2 =	vld [tilespmem:s20+$0x50];
	_ =	sdelay $0x4  }
0x65: {  	[tilespmem:$0xC50] =	vst v2  }
0x66: {  	v2 =	vld [tilespmem:s20+$0x60];
	_ =	sdelay $0x4  }
0x67: {  	[tilespmem:$0xC60] =	vst v2  }
0x68: {  	v2 =	vld [tilespmem:s20+$0x70];
	_ =	sdelay $0x4  }
0x69: {  	[tilespmem:$0xC70] =	vst v2  }
0x6a: {  	[spmem:s2] =	stream.indirect.scatter.add.f32 [tilespmem:s19], [sflag:$0x1], $0x10, s18, s17, $0xb8;
	[tilespmem:$0xB480] =	vst v63  }
0x6b: {  	_ =	swait.ge [sflag:s16], $0x800  }
0x6c: {  	[sflag:s16] =	ssyncset.done $0x0  }
0x6d: {  	s30 =	simm.s32 $0x0;
	[sflag:s16] =	ssyncadd.s32 $0xFFFFF800  }
0x6e: {  	[tilespmem:s30], [sflag:$0x1] =	stream.linear.gather [hbm4b:s12+s30], $0xA00, $0x38;
	[tilespmem:$0xB480] =	vst v63  }
0x6f: {  	_ =	swait.ge [sflag:s16], $0xA00  }
0x70: {  	[sflag:s16] =	ssyncset.done $0x0  }
0x71: {  	s31 =	simm.s32 $0x0;
	[sflag:s16] =	ssyncadd.s32 $0xFFFFF600  }
0x72: {  	v2 =	vld [tilespmem:s31+$0x0];
	_ =	sdelay $0x4  }
0x73: {  	[tilespmem:$0xC00] =	vst v2  }
0x74: {  	v2 =	vld [tilespmem:s31+$0x10];
	_ =	sdelay $0x4  }
0x75: {  	[tilespmem:$0xC10] =	vst v2  }
0x76: {  	v2 =	vld [tilespmem:s31+$0x20];
	_ =	sdelay $0x4  }
0x77: {  	[tilespmem:$0xC20] =	vst v2  }
0x78: {  	v2 =	vld [tilespmem:s31+$0x30];
	_ =	sdelay $0x4  }
0x79: {  	[tilespmem:$0xC30] =	vst v2  }
0x7a: {  	v2 =	vld [tilespmem:s31+$0x40];
	_ =	sdelay $0x4  }
0x7b: {  	[tilespmem:$0xC40] =	vst v2  }
0x7c: {  	v2 =	vld [tilespmem:s31+$0x50];
	_ =	sdelay $0x4  }
0x7d: {  	[tilespmem:$0xC50] =	vst v2  }
0x7e: {  	v2 =	vld [tilespmem:s31+$0x60];
	_ =	sdelay $0x4  }
0x7f: {  	[tilespmem:$0xC60] =	vst v2  }
0x80: {  	v2 =	vld [tilespmem:s31+$0x70];
	_ =	sdelay $0x4  }
0x81: {  	[tilespmem:$0xC70] =	vst v2  }
0x82: {  	[spmem:s2] =	stream.indirect.scatter.add.f32 [tilespmem:s19], [sflag:$0x1], $0x10, s18, s17, $0xb8;
	[tilespmem:$0xB480] =	vst v63  }
0x83: {  	_ =	swait.ge [sflag:s16], $0x800  }
0x84: {  	s22 =	simm.s32 $0x400;
	s20 =	simm.s32 $0x200;
	[sflag:s16] =	ssyncset.done $0x0  }
.LBB2_6:
0x85: {  	s23 =	sshra.s32 s20, $0x2  }
0x86: {  	[sflag:s16] =	ssyncadd.s32 $0xFFFFF800;
	s20 =	smov.u32 s22;
	s21 =	sadd.s32 $0x200, s22  }
0x87: {  	p0 =	sne.s32 s22, $0x2600;
	v2 =	vld [tilespmem:s23+$0x0];
	_ =	sdelay $0x4  }
0x88: {  	[tilespmem:$0xC00] =	vst v2  }
0x89: {  	v2 =	vld [tilespmem:s23+$0x10];
	_ =	sdelay $0x4  }
0x8a: {  	[tilespmem:$0xC10] =	vst v2  }
0x8b: {  	v2 =	vld [tilespmem:s23+$0x20];
	_ =	sdelay $0x4  }
0x8c: {  	[tilespmem:$0xC20] =	vst v2  }
0x8d: {  	v2 =	vld [tilespmem:s23+$0x30];
	_ =	sdelay $0x4  }
0x8e: {  	[tilespmem:$0xC30] =	vst v2  }
0x8f: {  	v2 =	vld [tilespmem:s23+$0x40];
	_ =	sdelay $0x4  }
0x90: {  	[tilespmem:$0xC40] =	vst v2  }
0x91: {  	v2 =	vld [tilespmem:s23+$0x50];
	_ =	sdelay $0x4  }
0x92: {  	[tilespmem:$0xC50] =	vst v2  }
0x93: {  	v2 =	vld [tilespmem:s23+$0x60];
	_ =	sdelay $0x4  }
0x94: {  	[tilespmem:$0xC60] =	vst v2  }
0x95: {  	v2 =	vld [tilespmem:s23+$0x70];
	_ =	sdelay $0x3  }
.Ltmp2:
0x96: {  	(pc) =	sbr.rel @p0 .LBB2_6-.Ltmp2, $4  }
0x97: {  	[tilespmem:$0xC70] =	vst v2  }
0x98: {  	[spmem:s2] =	stream.indirect.scatter.add.f32 [tilespmem:s19], [sflag:$0x1], $0x10, s18, s17, $0xb8;
	[tilespmem:$0xB480] =	vst v63  }
0x99: {  	_ =	swait.ge [sflag:s16], $0x800  }
0x9a: {  	s22 =	smov.u32 s21;
	[sflag:s16] =	ssyncset.done $0x0  }
0x9b: {  	s20 =	sshra.s32 s20, $0x2;
	[sflag:s16] =	ssyncadd.s32 $0xFFFFF800  }
0x9c: {  	v2 =	vld [tilespmem:s20+$0x0];
	_ =	sdelay $0x4  }
0x9d: {  	[tilespmem:$0xC00] =	vst v2  }
0x9e: {  	v2 =	vld [tilespmem:s20+$0x10];
	_ =	sdelay $0x4  }
0x9f: {  	[tilespmem:$0xC10] =	vst v2  }
0xa0: {  	v2 =	vld [tilespmem:s20+$0x20];
	_ =	sdelay $0x4  }
0xa1: {  	[tilespmem:$0xC20] =	vst v2  }
0xa2: {  	v2 =	vld [tilespmem:s20+$0x30];
	_ =	sdelay $0x4  }
0xa3: {  	[tilespmem:$0xC30] =	vst v2  }
0xa4: {  	v2 =	vld [tilespmem:s20+$0x40];
	_ =	sdelay $0x4  }
0xa5: {  	[tilespmem:$0xC40] =	vst v2  }
0xa6: {  	v2 =	vld [tilespmem:s20+$0x50];
	_ =	sdelay $0x4  }
0xa7: {  	[tilespmem:$0xC50] =	vst v2  }
0xa8: {  	v2 =	vld [tilespmem:s20+$0x60];
	_ =	sdelay $0x4  }
0xa9: {  	[tilespmem:$0xC60] =	vst v2  }
0xaa: {  	v2 =	vld [tilespmem:s20+$0x70];
	_ =	sdelay $0x4  }
0xab: {  	[tilespmem:$0xC70] =	vst v2  }
0xac: {  	[spmem:s2] =	stream.indirect.scatter.add.f32 [tilespmem:s19], [sflag:$0x1], $0x10, s18, s17, $0xb8;
	[tilespmem:$0xB480] =	vst v63  }
0xad: {  	_ =	swait.ge [sflag:s16], $0x800  }
0xae: {  	[sflag:s16] =	ssyncset.done $0x0  }
0xaf: {  	s30 =	simm.s32 $0x0;
	[sflag:s16] =	ssyncadd.s32 $0xFFFFF800  }
0xb0: {  	[tilespmem:s30], [sflag:$0x1] =	stream.linear.gather [hbm4b:s13+s30], $0xA00, $0x38;
	[tilespmem:$0xB480] =	vst v63  }
0xb1: {  	_ =	swait.ge [sflag:s16], $0xA00  }
0xb2: {  	[sflag:s16] =	ssyncset.done $0x0  }
0xb3: {  	s31 =	simm.s32 $0x0;
	[sflag:s16] =	ssyncadd.s32 $0xFFFFF600  }
0xb4: {  	v2 =	vld [tilespmem:s31+$0x0];
	_ =	sdelay $0x4  }
0xb5: {  	[tilespmem:$0xC00] =	vst v2  }
0xb6: {  	v2 =	vld [tilespmem:s31+$0x10];
	_ =	sdelay $0x4  }
0xb7: {  	[tilespmem:$0xC10] =	vst v2  }
0xb8: {  	v2 =	vld [tilespmem:s31+$0x20];
	_ =	sdelay $0x4  }
0xb9: {  	[tilespmem:$0xC20] =	vst v2  }
0xba: {  	v2 =	vld [tilespmem:s31+$0x30];
	_ =	sdelay $0x4  }
0xbb: {  	[tilespmem:$0xC30] =	vst v2  }
0xbc: {  	v2 =	vld [tilespmem:s31+$0x40];
	_ =	sdelay $0x4  }
0xbd: {  	[tilespmem:$0xC40] =	vst v2  }
0xbe: {  	v2 =	vld [tilespmem:s31+$0x50];
	_ =	sdelay $0x4  }
0xbf: {  	[tilespmem:$0xC50] =	vst v2  }
0xc0: {  	v2 =	vld [tilespmem:s31+$0x60];
	_ =	sdelay $0x4  }
0xc1: {  	[tilespmem:$0xC60] =	vst v2  }
0xc2: {  	v2 =	vld [tilespmem:s31+$0x70];
	_ =	sdelay $0x4  }
0xc3: {  	[tilespmem:$0xC70] =	vst v2  }
0xc4: {  	[spmem:s2] =	stream.indirect.scatter.add.f32 [tilespmem:s19], [sflag:$0x1], $0x10, s18, s17, $0xb8;
	[tilespmem:$0xB480] =	vst v63  }
0xc5: {  	_ =	swait.ge [sflag:s16], $0x800  }
0xc6: {  	s22 =	simm.s32 $0x400;
	s20 =	simm.s32 $0x200;
	[sflag:s16] =	ssyncset.done $0x0  }
.LBB2_8:
0xc7: {  	s23 =	sshra.s32 s20, $0x2  }
0xc8: {  	[sflag:s16] =	ssyncadd.s32 $0xFFFFF800;
	s20 =	smov.u32 s22;
	s21 =	sadd.s32 $0x200, s22  }
0xc9: {  	p0 =	sne.s32 s22, $0x2600;
	v2 =	vld [tilespmem:s23+$0x0];
	_ =	sdelay $0x4  }
0xca: {  	[tilespmem:$0xC00] =	vst v2  }
0xcb: {  	v2 =	vld [tilespmem:s23+$0x10];
	_ =	sdelay $0x4  }
0xcc: {  	[tilespmem:$0xC10] =	vst v2  }
0xcd: {  	v2 =	vld [tilespmem:s23+$0x20];
	_ =	sdelay $0x4  }
0xce: {  	[tilespmem:$0xC20] =	vst v2  }
0xcf: {  	v2 =	vld [tilespmem:s23+$0x30];
	_ =	sdelay $0x4  }
0xd0: {  	[tilespmem:$0xC30] =	vst v2  }
0xd1: {  	v2 =	vld [tilespmem:s23+$0x40];
	_ =	sdelay $0x4  }
0xd2: {  	[tilespmem:$0xC40] =	vst v2  }
0xd3: {  	v2 =	vld [tilespmem:s23+$0x50];
	_ =	sdelay $0x4  }
0xd4: {  	[tilespmem:$0xC50] =	vst v2  }
0xd5: {  	v2 =	vld [tilespmem:s23+$0x60];
	_ =	sdelay $0x4  }
0xd6: {  	[tilespmem:$0xC60] =	vst v2  }
0xd7: {  	v2 =	vld [tilespmem:s23+$0x70];
	_ =	sdelay $0x3  }
.Ltmp3:
0xd8: {  	(pc) =	sbr.rel @p0 .LBB2_8-.Ltmp3, $4  }
0xd9: {  	[tilespmem:$0xC70] =	vst v2  }
0xda: {  	[spmem:s2] =	stream.indirect.scatter.add.f32 [tilespmem:s19], [sflag:$0x1], $0x10, s18, s17, $0xb8;
	[tilespmem:$0xB480] =	vst v63  }
0xdb: {  	_ =	swait.ge [sflag:s16], $0x800  }
0xdc: {  	s22 =	smov.u32 s21;
	[sflag:s16] =	ssyncset.done $0x0  }
0xdd: {  	s20 =	sshra.s32 s20, $0x2;
	[sflag:s16] =	ssyncadd.s32 $0xFFFFF800  }
0xde: {  	v2 =	vld [tilespmem:s20+$0x0];
	_ =	sdelay $0x4  }
0xdf: {  	[tilespmem:$0xC00] =	vst v2  }
0xe0: {  	v2 =	vld [tilespmem:s20+$0x10];
	_ =	sdelay $0x4  }
0xe1: {  	[tilespmem:$0xC10] =	vst v2  }
0xe2: {  	v2 =	vld [tilespmem:s20+$0x20];
	_ =	sdelay $0x4  }
0xe3: {  	[tilespmem:$0xC20] =	vst v2  }
0xe4: {  	v2 =	vld [tilespmem:s20+$0x30];
	_ =	sdelay $0x4  }
0xe5: {  	[tilespmem:$0xC30] =	vst v2  }
0xe6: {  	v2 =	vld [tilespmem:s20+$0x40];
	_ =	sdelay $0x4  }
0xe7: {  	[tilespmem:$0xC40] =	vst v2  }
0xe8: {  	v2 =	vld [tilespmem:s20+$0x50];
	_ =	sdelay $0x4  }
0xe9: {  	[tilespmem:$0xC50] =	vst v2  }
0xea: {  	v2 =	vld [tilespmem:s20+$0x60];
	_ =	sdelay $0x4  }
0xeb: {  	[tilespmem:$0xC60] =	vst v2  }
0xec: {  	v2 =	vld [tilespmem:s20+$0x70];
	_ =	sdelay $0x4  }
0xed: {  	[tilespmem:$0xC70] =	vst v2  }
0xee: {  	[spmem:s2] =	stream.indirect.scatter.add.f32 [tilespmem:s19], [sflag:$0x1], $0x10, s18, s17, $0xb8;
	[tilespmem:$0xB480] =	vst v63  }
0xef: {  	_ =	swait.ge [sflag:s16], $0x800  }
0xf0: {  	[sflag:s16] =	ssyncset.done $0x0  }
0xf1: {  	s30 =	simm.s32 $0x0;
	[sflag:s16] =	ssyncadd.s32 $0xFFFFF800  }
0xf2: {  	[tilespmem:s30], [sflag:$0x1] =	stream.linear.gather [hbm4b:s14+s30], $0xA00, $0x38;
	[tilespmem:$0xB480] =	vst v63  }
0xf3: {  	_ =	swait.ge [sflag:s16], $0xA00  }
0xf4: {  	[sflag:s16] =	ssyncset.done $0x0  }
0xf5: {  	s31 =	simm.s32 $0x0;
	[sflag:s16] =	ssyncadd.s32 $0xFFFFF600  }
0xf6: {  	v2 =	vld [tilespmem:s31+$0x0];
	_ =	sdelay $0x4  }
0xf7: {  	[tilespmem:$0xC00] =	vst v2  }
0xf8: {  	v2 =	vld [tilespmem:s31+$0x10];
	_ =	sdelay $0x4  }
0xf9: {  	[tilespmem:$0xC10] =	vst v2  }
0xfa: {  	v2 =	vld [tilespmem:s31+$0x20];
	_ =	sdelay $0x4  }
0xfb: {  	[tilespmem:$0xC20] =	vst v2  }
0xfc: {  	v2 =	vld [tilespmem:s31+$0x30];
	_ =	sdelay $0x4  }
0xfd: {  	[tilespmem:$0xC30] =	vst v2  }
0xfe: {  	v2 =	vld [tilespmem:s31+$0x40];
	_ =	sdelay $0x4  }
0xff: {  	[tilespmem:$0xC40] =	vst v2  }
0x100: {  	v2 =	vld [tilespmem:s31+$0x50];
	_ =	sdelay $0x4  }
0x101: {  	[tilespmem:$0xC50] =	vst v2  }
0x102: {  	v2 =	vld [tilespmem:s31+$0x60];
	_ =	sdelay $0x4  }
0x103: {  	[tilespmem:$0xC60] =	vst v2  }
0x104: {  	v2 =	vld [tilespmem:s31+$0x70];
	_ =	sdelay $0x4  }
0x105: {  	[tilespmem:$0xC70] =	vst v2  }
0x106: {  	[spmem:s2] =	stream.indirect.scatter.add.f32 [tilespmem:s19], [sflag:$0x1], $0x10, s18, s17, $0xb8;
	[tilespmem:$0xB480] =	vst v63  }
0x107: {  	_ =	swait.ge [sflag:s16], $0x800  }
0x108: {  	s22 =	simm.s32 $0x400;
	s20 =	simm.s32 $0x200;
	[sflag:s16] =	ssyncset.done $0x0  }
.LBB2_10:
0x109: {  	s23 =	sshra.s32 s20, $0x2  }
0x10a: {  	[sflag:s16] =	ssyncadd.s32 $0xFFFFF800;
	s20 =	smov.u32 s22;
	s21 =	sadd.s32 $0x200, s22  }
0x10b: {  	p0 =	sne.s32 s22, $0x2600;
	v2 =	vld [tilespmem:s23+$0x0];
	_ =	sdelay $0x4  }
0x10c: {  	[tilespmem:$0xC00] =	vst v2  }
0x10d: {  	v2 =	vld [tilespmem:s23+$0x10];
	_ =	sdelay $0x4  }
0x10e: {  	[tilespmem:$0xC10] =	vst v2  }
0x10f: {  	v2 =	vld [tilespmem:s23+$0x20];
	_ =	sdelay $0x4  }
0x110: {  	[tilespmem:$0xC20] =	vst v2  }
0x111: {  	v2 =	vld [tilespmem:s23+$0x30];
	_ =	sdelay $0x4  }
0x112: {  	[tilespmem:$0xC30] =	vst v2  }
0x113: {  	v2 =	vld [tilespmem:s23+$0x40];
	_ =	sdelay $0x4  }
0x114: {  	[tilespmem:$0xC40] =	vst v2  }
0x115: {  	v2 =	vld [tilespmem:s23+$0x50];
	_ =	sdelay $0x4  }
0x116: {  	[tilespmem:$0xC50] =	vst v2  }
0x117: {  	v2 =	vld [tilespmem:s23+$0x60];
	_ =	sdelay $0x4  }
0x118: {  	[tilespmem:$0xC60] =	vst v2  }
0x119: {  	v2 =	vld [tilespmem:s23+$0x70];
	_ =	sdelay $0x3  }
.Ltmp4:
0x11a: {  	(pc) =	sbr.rel @p0 .LBB2_10-.Ltmp4, $4  }
0x11b: {  	[tilespmem:$0xC70] =	vst v2  }
0x11c: {  	[spmem:s2] =	stream.indirect.scatter.add.f32 [tilespmem:s19], [sflag:$0x1], $0x10, s18, s17, $0xb8;
	[tilespmem:$0xB480] =	vst v63  }
0x11d: {  	_ =	swait.ge [sflag:s16], $0x800  }
0x11e: {  	s22 =	smov.u32 s21;
	[sflag:s16] =	ssyncset.done $0x0  }
0x11f: {  	s20 =	sshra.s32 s20, $0x2;
	[sflag:s16] =	ssyncadd.s32 $0xFFFFF800  }
0x120: {  	v2 =	vld [tilespmem:s20+$0x0];
	_ =	sdelay $0x4  }
0x121: {  	[tilespmem:$0xC00] =	vst v2  }
0x122: {  	v2 =	vld [tilespmem:s20+$0x10];
	_ =	sdelay $0x4  }
0x123: {  	[tilespmem:$0xC10] =	vst v2  }
0x124: {  	v2 =	vld [tilespmem:s20+$0x20];
	_ =	sdelay $0x4  }
0x125: {  	[tilespmem:$0xC20] =	vst v2  }
0x126: {  	v2 =	vld [tilespmem:s20+$0x30];
	_ =	sdelay $0x4  }
0x127: {  	[tilespmem:$0xC30] =	vst v2  }
0x128: {  	v2 =	vld [tilespmem:s20+$0x40];
	_ =	sdelay $0x4  }
0x129: {  	[tilespmem:$0xC40] =	vst v2  }
0x12a: {  	v2 =	vld [tilespmem:s20+$0x50];
	_ =	sdelay $0x4  }
0x12b: {  	[tilespmem:$0xC50] =	vst v2  }
0x12c: {  	v2 =	vld [tilespmem:s20+$0x60];
	_ =	sdelay $0x4  }
0x12d: {  	[tilespmem:$0xC60] =	vst v2  }
0x12e: {  	v2 =	vld [tilespmem:s20+$0x70];
	_ =	sdelay $0x4  }
0x12f: {  	[tilespmem:$0xC70] =	vst v2  }
0x130: {  	[spmem:s2] =	stream.indirect.scatter.add.f32 [tilespmem:s19], [sflag:$0x1], $0x10, s18, s17, $0xb8;
	[tilespmem:$0xB480] =	vst v63  }
0x131: {  	_ =	swait.ge [sflag:s16], $0x800  }
0x132: {  	s31 =	sshll.u32 s0, $0x6;
	s3 =	sadd.s32 $0x1, s3;
	[sflag:s16] =	ssyncset.done $0x0  }
0x133: {  	s21 =	sshrl.u32 s4, $0x3;
	p0 =	sne.s32 s3, s11;
	[sflag:s16] =	ssyncadd.s32 $0xFFFFF800  }
.Ltmp5:
0x134: {  	s20 =	sor.u32 $0x1C01, s31;
	[bflag:$0x0] =	sbarrier.arrive $0xFFFF;
	(pc) =	sbr.rel @p0 .LBB2_1-.Ltmp5, $4  }
0x135: {  	[hbm:s9], [sflag:s20] =	dma.local [spmem:s21], $0x2800  }
0x136: {  	_ =	swait.ge [sflag:s16], $0x2800  }
0x137: {  	[sflag:s16] =	ssyncset.done $0x0  }
0x138: {  	[sflag:s16] =	ssyncadd.s32 $0xFFFFD800  }
0x139: {  	_ =	sfence.sel $0x180000  }
0x13a: {  	[bflag:$0x0] =	sbarrier.arrive $0xFFFF  }
0x13b: {  	p0 =	sne.s32 s0, $0x0;
	_ =	strace $0x90000047  }
0x13c: {  	s0 =	sadd.s32 @!p0 $0x100000, s1;
	[bflag:$0x2] =	sbarrier.arrive $0xFFFF  }
0x13d: {  	[sflag:s0] =	ssyncadd.tile.s32 @!p0 $0x1;
	_ =	shalt  }
.Lfunc_end2:
_tile_overlayer_lowered:
.L_overlay_start_2:
0x13e: {  	(tag) =	ssettag $0x2  }
0x13f: {  	s0 =	rddreg [dreg:$0x0];
	s2 =	stileid.u32  }
0x140: {  	s1 =	rddreg [dreg:$0x1];
	p0 =	sne.s32 s2, $0x0  }
0x141: {  	s3 =	rddreg [dreg:$0x2];
	[bflag:$0x3] =	sbarrier.arrive $0xFFFF;
	s2 =	simm.s32 @!p0 $0x1C01  }
0x142: {  	[timem:s3], [sflag:s2] =	dma.local @!p0 [hbm:s0], s1  }
0x143: {  	s0 =	simm.s32 @!p0 $0x1  }
0x144: {  	_ =	swait.ge @!p0 [sflag:s0], s1  }
0x145: {  	s1 =	ssub.s32 @!p0 $0x0, s1;
	[sflag:s0] =	ssyncset.done @!p0 $0x0  }
0x146: {  	[sflag:s0] =	ssyncadd.s32 @!p0 s1  }
0x147: {  	[bflag:$0x3] =	sbarrier.arrive $0xFFFF  }
0x148: {  	_ =	shalt  }

// kernel: kernel.14.cloned.1.call-start
scs
__scs_entry_jumppad:
0x0: {  	(pc) =	sbr.rel $0x88, $3  }
0x1: {  	(tag) =	ssettag $0x0;
	lr =	simm.s32 $0x1  }
0x2: {  	[smem:$0x3F9B] =	sst lr;
	_ =	strace $0xD0000000  }
0x3: {  	_ = 	snop  }
0x4: {  	_ = 	snop  }
0x5: {  	_ = 	snop  }
0x6: {  	_ = 	snop  }
0x7: {  	_ = 	snop  }
__scs_overlays_trampoline_lowered:
0x8: {  	[smem:$0x3FAA] =	sst s0  }
0x9: {  	[smem:$0x3FAB] =	sst s1  }
0xa: {  	[smem:$0x3FAC] =	sst s2  }
0xb: {  	[smem:$0x3FAD] =	sst s3  }
0xc: {  	[smem:$0x3FAE] =	sst s4  }
0xd: {  	[smem:$0x3FAF] =	sst s5  }
0xe: {  	[smem:$0x3FB0] =	sst s6  }
0xf: {  	[smem:$0x3FB1] =	sst s7  }
0x10: {  	[smem:$0x3FB2] =	sst s8  }
0x11: {  	[smem:$0x3FB3] =	sst s9;
	s0 =	simm.s32 @!p0 $0x0  }
0x12: {  	s1 =	sld [smem:$0x3F99];
	s0 =	simm.s32 @p0 $0x1  }
0x13: {  	[smem:$0x3FB4] =	sst s0;
	s0 =	simm.s32 @!p1 $0x0  }
0x14: {  	s2 =	sld [smem:$0x3F98];
	s0 =	simm.s32 @p1 $0x1  }
0x15: {  	[smem:$0x3FB5] =	sst s0;
	s0 =	simm.s32 @!p2 $0x0  }
0x16: {  	s3 =	sld [smem:$0x3FDB];
	s0 =	simm.s32 @p2 $0x1  }
0x17: {  	s4 =	simm.s32 $0x1BF5;
	[smem:$0x3FB7] =	sst s0  }
0x18: {  	s0 =	sld [smem:$0x3F9A];
	_ =	swait.ge [sflag:s4], $0x0  }
0x19: {  	s7 =	sld [smem:$0x3F9B]  }
0x1a: {  	s8 =	sadd.s32 $0xFFFFE003, lr  }
0x1b: {  	s9 =	sadd.s32 $0xFFFFFEF7, lr;
	s5 =	simm.s32 $0xFFFFFFFF;
	p2 =	slt.u32 s8, $0xFFFFF086  }
0x1c: {  	p1 =	slt.u32 s9, $0xF7A;
	s5 =	simm.s32 @!p2 $0x0  }
0x1d: {  	s5 =	simm.s32 @p1 $0x1;
	p0 =	seq.s32 s7, s2  }
0x1e: {  	s7 =	smul.u32 @!p0 $0xF7A, s2;
	p2 =	seq.s32 @!p0 s5, $0x0  }
0x1f: {  	s9 =	smul.u32 $0xF7A, s1;
	s8 =	simm.s32 @!p0 $0x1BF5;
	p2 =	por !p2, p0  }
0x20: {  	[sflag:s8] =	ssyncset.s32 @!p0 $0xFFFFF086;
	s6 =	sadd.s32 @!p0 s3, s7;
	s7 =	simm.s32 @!p0 $0x108  }
0x21: {  	s3 =	sadd.s32 s3, s9;
	s6 =	sadd.s32 @!p0 $0x88, s6;
	s7 =	simm.s32 @p2 $0x1082  }
0x22: {  	[simem:s7], [sflag:s8] =	dma.local @!p0 [hbm:s6], $0xF7A  }
0x23: {  	s9 =	sor.u32 $0xD0000000, s2;
	s6 =	simm.s32 $0x108;
	_ =	swait.ge @!p0 [sflag:s8], $0x0  }
0x24: {  	s3 =	sadd.s32 $0x88, s3;
	s6 =	simm.s32 @!p1 $0x1082;
	[sflag:s4] =	ssyncset.s32 $0xFFFFF086  }
0x25: {  	[simem:s6], [sflag:s4] =	dma.local [hbm:s3], $0xF7A  }
0x26: {  	[smem:$0x3F9B] =	sst s1;
	(tag) =	ssettag s2;
	_ =	strace s9  }
0x27: {  	s1 =	sld [smem:$0x3FAB]  }
0x28: {  	s2 =	sld [smem:$0x3FAC]  }
0x29: {  	s4 =	sld [smem:$0x3FAE]  }
0x2a: {  	p0 =	seq.s32 s5, $0x0;
	s5 =	sld [smem:$0x3FAF]  }
0x2b: {  	s6 =	sld [smem:$0x3FB0]  }
0x2c: {  	s7 =	sld [smem:$0x3FB1]  }
0x2d: {  	s3 =	simm.s32 $0x108;
	s8 =	sld [smem:$0x3FB2]  }
0x2e: {  	s3 =	simm.s32 @!p0 $0x1082;
	s9 =	sld [smem:$0x3FB3]  }
0x2f: {  	lr =	sadd.s32 s0, s3;
	s0 =	sld [smem:$0x3FAA]  }
0x30: {  	s3 =	sld [smem:$0x3FAD]  }
0x31: {  	[smem:$0x3FB6] =	sst s10  }
0x32: {  	s10 =	sld [smem:$0x3FB4];
	_ =	sdelay $0x3  }
0x33: {  	p0 =	seq.s32 s10, $0x1;
	s10 =	sld [smem:$0x3FB6];
	_ =	sdelay $0x3  }
0x34: {  	[smem:$0x3FB6] =	sst s10  }
0x35: {  	s10 =	sld [smem:$0x3FB5];
	_ =	sdelay $0x3  }
0x36: {  	p1 =	seq.s32 s10, $0x1;
	s10 =	sld [smem:$0x3FB6];
	_ =	sdelay $0x3  }
0x37: {  	[smem:$0x3FB6] =	sst s10  }
0x38: {  	s10 =	sld [smem:$0x3FB7]  }
0x39: {  	_ = 	snop;
	(pc) =	sbr.ind lr, $3  }
0x3a: {  	_ = 	snop  }
0x3b: {  	_ = 	snop  }
0x3c: {  	p2 =	seq.s32 s10, $0x1;
	s10 =	sld [smem:$0x3FB6]  }
0x3d: {  	_ =	shalt  }
0x3e: {  	_ =	shalt  }
0x3f: {  	_ =	shalt  }
0x40: {  	_ =	shalt  }
0x41: {  	_ =	shalt  }
0x42: {  	_ =	shalt  }
0x43: {  	_ =	shalt  }
0x44: {  	_ =	shalt  }
0x45: {  	_ =	shalt  }
0x46: {  	_ =	shalt  }
0x47: {  	_ =	shalt  }
0x48: {  	_ =	shalt  }
0x49: {  	_ =	shalt  }
0x4a: {  	_ =	shalt  }
0x4b: {  	_ =	shalt  }
0x4c: {  	_ =	shalt  }
0x4d: {  	_ =	shalt  }
0x4e: {  	_ =	shalt  }
0x4f: {  	_ =	shalt  }
0x50: {  	_ =	shalt  }
0x51: {  	_ =	shalt  }
0x52: {  	_ =	shalt  }
0x53: {  	_ =	shalt  }
0x54: {  	_ =	shalt  }
0x55: {  	_ =	shalt  }
0x56: {  	_ =	shalt  }
0x57: {  	_ =	shalt  }
0x58: {  	_ =	shalt  }
0x59: {  	_ =	shalt  }
0x5a: {  	_ =	shalt  }
0x5b: {  	_ =	shalt  }
0x5c: {  	_ =	shalt  }
0x5d: {  	_ =	shalt  }
0x5e: {  	_ =	shalt  }
0x5f: {  	_ =	shalt  }
0x60: {  	_ =	shalt  }
0x61: {  	_ =	shalt  }
0x62: {  	_ =	shalt  }
0x63: {  	_ =	shalt  }
0x64: {  	_ =	shalt  }
0x65: {  	_ =	shalt  }
0x66: {  	_ =	shalt  }
0x67: {  	_ =	shalt  }
0x68: {  	_ =	shalt  }
0x69: {  	_ =	shalt  }
0x6a: {  	_ =	shalt  }
0x6b: {  	_ =	shalt  }
0x6c: {  	_ =	shalt  }
0x6d: {  	_ =	shalt  }
0x6e: {  	_ =	shalt  }
0x6f: {  	_ =	shalt  }
0x70: {  	_ =	shalt  }
0x71: {  	_ =	shalt  }
0x72: {  	_ =	shalt  }
0x73: {  	_ =	shalt  }
0x74: {  	_ =	shalt  }
0x75: {  	_ =	shalt  }
0x76: {  	_ =	shalt  }
0x77: {  	_ =	shalt  }
0x78: {  	_ =	shalt  }
0x79: {  	_ =	shalt  }
0x7a: {  	_ =	shalt  }
0x7b: {  	_ =	shalt  }
0x7c: {  	_ =	shalt  }
0x7d: {  	_ =	shalt  }
0x7e: {  	_ =	shalt  }
0x7f: {  	_ =	shalt  }
0x80: {  	_ =	shalt  }
0x81: {  	_ =	shalt  }
0x82: {  	_ =	shalt  }
0x83: {  	_ =	shalt  }
0x84: {  	_ =	shalt  }
0x85: {  	_ =	shalt  }
0x86: {  	_ =	shalt  }
0x87: {  	_ =	shalt  }
.Lfunc_end0:
.L_simem_size_0:
called_computation.1_lowered:
.L_overlay_start_0:
0x88: {  	s2 =	sld [smem:$0x3FD9]  }
0x89: {  	s3 =	sld [smem:$0x3FFE];
	_ =	sdelay $0x1  }
0x8a: {  	s1 =	srdreg.scid  }
0x8b: {  	s0 =	sand.u32 $0x1, s1  }
0x8c: {  	s17 =	sshll.u32 s0, $0xA;
	s2 =	sadd.s32 s3, s2  }
0x8d: {  	s2 =	sadd.s32 s2, s17  }
0x8e: {  	[smem:$0x3FC2] =	sst s2  }
0x8f: {  	_ = 	snop  }
0x90: {  	s2 =	sld [smem:$0x3FD0];
	(tm) =	ssettm $0x1  }
0x91: {  	s18 =	sld [smem:$0x3FFB];
	_ =	sdelay $0x3  }
0x92: {  	_ =	strace s18  }
0x93: {  	s3 =	sld [smem:$0x3FFC];
	_ =	sdelay $0x3  }
0x94: {  	_ =	strace s3  }
0x95: {  	s3 =	sld [smem:$0x3FFD];
	_ =	sdelay $0x3  }
0x96: {  	_ =	strace s3  }
0x97: {  	_ =	strace $0x8FFFFFFF  }
0x98: {  	s19 =	sld [smem:$0x3FDB];
	_ =	sdelay $0x1  }
0x99: {  	s4 =	simm.s32 $_scs_section_size  }
0x9a: {  	s5 =	simm.s32 $_size__tile_overlayer_lowered;
	s6 =	simm.s32 $_tile_overlayer_lowered  }
0x9b: {  	s22 =	simm.s32 $0x1BFF;
	s21 =	sshll.u32 s6, $0x1;
	s3 =	sadd.s32 s4, s19  }
0x9c: {  	s7 =	simm.s32 $0x0;
	s20 =	sshll.u32 s5, $0x1;
	s5 =	sadd.s32 s21, s3  }
0x9d: {  	[timem:s7], [sflag:s22] =	dma.local [hbm:s5], s20  }
0x9e: {  	_ =	swait.ge [sflag:s22], s20  }
0x9f: {  	s4 =	ssub.s32 $0x0, s20;
	[sflag:s22] =	ssyncset.done $0x0  }
0xa0: {  	[sflag:s22] =	ssyncadd.s32 s4;
	_ =	sdelay $0x1  }
0xa1: {  	s23 =	simm.s32 $0x1B8B  }
0xa2: {  	_ =	swait.ge [sflag:s23], $0x1  }
0xa3: {  	[sflag:s23] =	ssyncset.done $0x0  }
0xa4: {  	s25 =	simm.s32 $0x1B8E;
	s24 =	sld [smem:$0x3FFE];
	[sflag:s23] =	ssyncadd.s32 $0xFFFFFFFF  }
0xa5: {  	s26 =	simm.s32 $execute0_lowered;
	[smem:$0x3FD2] =	sst s25  }
0xa6: {  	s5 =	sshll.u32 s26, $0x1;
	_ =	strace $0x80000049;
	[dreg:$0x1] =	wrdreg $0xFFFFFFFF  }
0xa7: {  	s28 =	simm.s32 $_size_execute0_lowered;
	s3 =	sadd.s32 s3, s5;
	[dreg:$0x0] =	wrdreg $0x0  }
0xa8: {  	s5 =	sshll.u32 s28, $0x1;
	[dreg:$0x2] =	wrdreg s3  }
0xa9: {  	[dreg:$0x3] =	wrdreg s5  }
0xaa: {  	[dreg:$0x4] =	wrdreg $0xC0  }
0xab: {  	_ =	task [dreg:s7], $0x5FFFF  }
0xac: {  	[dreg:$0x1] =	wrdreg $0xFFFFFFFF  }
0xad: {  	[dreg:$0x0] =	wrdreg $0x60  }
0xae: {  	[dreg:$0x2] =	wrdreg s24  }
0xaf: {  	[dreg:$0x3] =	wrdreg s2  }
0xb0: {  	[dreg:$0x4] =	wrdreg $0x99800  }
0xb1: {  	[dreg:$0x5] =	wrdreg $0x9  }
0xb2: {  	_ =	task.clear_ibuf [dreg:s7], $0x6FFFF;
	_ =	strace $0x90000049  }
0xb3: {  	s29 =	simm.s32 $0x9;
	_ =	strace $0x8000004B  }
0xb4: {  	_ =	swait.ge [sflag:s29], $0x1  }
0xb5: {  	[sflag:s29] =	ssyncadd.s32 $0xFFFFFFFF  }
0xb6: {  	_ =	strace $0x9000004B  }
0xb7: {  	_ =	sfence  }
0xb8: {  	s30 =	sld [smem:$0x0];
	_ =	sdelay $0x2  }
0xb9: {  	s31 =	sshll.u32 s1, $0xD;
	s1 =	sshrl.u32 s1, $0x2  }
0xba: {  	s3 =	sand.u32 $0x4000, s31;
	s1 =	sadd.s32 s1, s30  }
0xbb: {  	s0 =	sor.u32 s3, s0;
	s1 =	sshll.u32 s1, $0x11  }
0xbc: {  	s0 =	sor.u32 s1, s0  }
0xbd: {  	s0 =	sadd.s32 $0x8F2B, s0  }
0xbe: {  	[sflag:s0] =	ssyncadd.remote.s32 $0x1  }
0xbf: {  	_ =	sfence.sel $0xFFFF  }
0xc0: {  	[dreg:$0x0] =	wrdreg $0xFFFFFFFF;
	(pc) =	sbr.abs _section_cstart, $3  }
0xc1: {  	[dreg:$0x1] =	wrdreg $0xFFFFFFFF  }
0xc2: {  	_ =	task.clear_ibuf [dreg:s7], $0x2FFFF;
	_ =	strace $0x9FFFFFFF  }
0xc3: {  	(tm) =	ssettm $0x7FFFFFFF  }
tec
execute0_lowered:
.L_overlay_start_1:
0x0: {  	(tag) =	ssettag $0x1  }
0x1: {  	s7 =	rddreg [dreg:$0x0]  }
0x2: {  	s1 =	rddreg [dreg:$0x1]  }
0x3: {  	s2 =	rddreg [dreg:$0x2]  }
0x4: {  	s3 =	srdreg.scid;
	s4 =	simm.s32 $0x0;
	s0 =	stileid.u32  }
0x5: {  	s16 =	simm.s32 $0x1980;
	s17 =	simm.s32 $0x3;
	s18 =	simm.s32 $0xC00  }
0x6: {  	s19 =	simm.s32 $0x80;
	s20 =	simm.s32 $0x1800;
	s21 =	simm.s32 $0x1880  }
0x7: {  	s22 =	simm.s32 $0x5980;
	s23 =	simm.s32 $0x1;
	s24 =	simm.s32 $0x1900  }
0x8: {  	s25 =	simm.s32 $0x2;
	s8 =	sand.u32 $0x1, s3;
	s9 =	smul.u32 $0x14000, s0  }
0x9: {  	[smem:$0x7FF] =	sst s4;
	s5 =	sadd.s32 $0x1800, s7;
	s12 =	smul.u32 $0x50000, s0  }
0xa: {  	s31 =	sshll.u32 s0, $0x3;
	s6 =	smul.u32 $0x140000, s8;
	_ =	strace $0x8000004A  }
0xb: {  	s28 =	ssub.s32 $0x2, s8;
	p0 =	seq.s32 s8, $0x0;
	s29 =	smul.u32 $0x6, s8  }
0xc: {  	s11 =	sshrl.u32 s28, $0x1;
	s30 =	sshrl.u32 s12, $0x2;
	s6 =	sadd.s32 s9, s6  }
.Ltmp0:
0xd: {  	s15 =	ssub.s32 s28, s11;
	s8 =	sadd.s32 s30, s2;
	(pc) =	sbr.rel .LBB2_1-.Ltmp0, $4  }
0xe: {  	s9 =	sor.u32 s29, s31;
	s10 =	sshrl.u32 s6, $0x3;
	s6 =	sadd.s32 $0x51800, s7  }
0xf: {  	s11 =	sadd.s32 $0x8000, s8;
	s12 =	sadd.s32 $0xC000, s8;
	s13 =	sadd.s32 $0x10000, s8  }
0x10: {  	s15 =	smax.u32 s15, $0x1;
	s14 =	sadd.s32 s10, s7;
	s7 =	simm.s32 $0x6  }
0x11: {  	v0 =	vimm.f32 $0.0e+00;
	s10 =	sadd.s32 $0x4000, s8;
	s7 =	simm.s32 @!p0 $0x2;
	s14 =	sadd.s32 $0x5D800, s14  }
.LBB2_8:
0x12: {  	s0 =	stileid.u32;
	s4 =	sadd.s32 $0x1, s4  }
0x13: {  	[bflag:$0x0] =	sbarrier.arrive $0xFFFF;
	s0 =	sshll.u32 s0, $0x6;
	p0 =	sne.s32 s4, s15  }
.Ltmp1:
0x14: {  	s3 =	sshrl.u32 s8, $0x3;
	s0 =	sor.u32 $0x1C03, s0;
	(pc) =	sbr.rel @!p0 .LBB2_9-.Ltmp1, $4  }
0x15: {  	[hbm:s14], [sflag:s0] =	dma.local [spmem:s3], $0x2800  }
0x16: {  	_ =	swait.ge [sflag:s17], $0x2800  }
0x17: {  	[sflag:s17] =	ssyncset.done $0x0  }
0x18: {  	[sflag:s17] =	ssyncadd.s32 $0xFFFFD800  }
.LBB2_1:
0x19: {  	s26 =	simm.s32 $0x0;
	s28 =	simm.s32 $0x200  }
.LBB2_2:
0x1a: {  	p0 =	sne.s32 s28, $0xFE00;
	[tilespmem:s26+$0x19F0] =	vst v0  }
0x1b: {  	[tilespmem:s26+$0x1980] =	vst v0  }
0x1c: {  	[tilespmem:s26+$0x1990] =	vst v0  }
.Ltmp2:
0x1d: {  	[tilespmem:s26+$0x19A0] =	vst v0;
	(pc) =	sbr.rel @p0 .LBB2_2-.Ltmp2, $4  }
0x1e: {  	[tilespmem:s26+$0x19B0] =	vst v0  }
0x1f: {  	[tilespmem:s26+$0x19C0] =	vst v0  }
0x20: {  	[tilespmem:s26+$0x19D0] =	vst v0  }
0x21: {  	[tilespmem:s26+$0x19E0] =	vst v0;
	s26 =	sshra.s32 s28, $0x2;
	s28 =	sadd.s32 $0x200, s28  }
0x22: {  	[tilespmem:s26+$0x19F0] =	vst v0  }
0x23: {  	[tilespmem:s26+$0x1980] =	vst v0  }
0x24: {  	[tilespmem:s26+$0x1990] =	vst v0  }
0x25: {  	[tilespmem:s26+$0x19A0] =	vst v0  }
0x26: {  	[tilespmem:s26+$0x19B0] =	vst v0  }
0x27: {  	[tilespmem:s26+$0x19C0] =	vst v0  }
0x28: {  	[tilespmem:s26+$0x19D0] =	vst v0  }
0x29: {  	[tilespmem:s26+$0x19E0] =	vst v0  }
0x2a: {  	[spmem:s8] =	stream.linear.scatter [tilespmem:s16], [sflag:$0x3], $0x4000, $0x38;
	[tilespmem:$0x1D980] =	vst v63  }
0x2b: {  	_ =	swait.ge [sflag:s17], $0x4000  }
0x2c: {  	[sflag:s17] =	ssyncset.done $0x0  }
0x2d: {  	[sflag:s17] =	ssyncadd.s32 $0xFFFFC000  }
0x2e: {  	[spmem:s10] =	stream.linear.scatter [tilespmem:s16], [sflag:$0x3], $0x4000, $0x38;
	[tilespmem:$0x1D980] =	vst v63  }
0x2f: {  	_ =	swait.ge [sflag:s17], $0x4000  }
0x30: {  	[sflag:s17] =	ssyncset.done $0x0  }
0x31: {  	[sflag:s17] =	ssyncadd.s32 $0xFFFFC000  }
0x32: {  	[spmem:s11] =	stream.linear.scatter [tilespmem:s16], [sflag:$0x3], $0x4000, $0x38;
	[tilespmem:$0x1D980] =	vst v63  }
0x33: {  	_ =	swait.ge [sflag:s17], $0x4000  }
0x34: {  	[sflag:s17] =	ssyncset.done $0x0  }
0x35: {  	[sflag:s17] =	ssyncadd.s32 $0xFFFFC000  }
0x36: {  	[spmem:s12] =	stream.linear.scatter [tilespmem:s16], [sflag:$0x3], $0x4000, $0x38;
	[tilespmem:$0x1D980] =	vst v63  }
0x37: {  	_ =	swait.ge [sflag:s17], $0x4000  }
0x38: {  	[sflag:s17] =	ssyncset.done $0x0  }
0x39: {  	[sflag:s17] =	ssyncadd.s32 $0xFFFFC000  }
0x3a: {  	[spmem:s13] =	stream.linear.scatter [tilespmem:s16], [sflag:$0x3], $0x4000, $0x38;
	[tilespmem:$0x1D980] =	vst v63  }
.Ltmp3:
0x3b: {  	_ =	swait.ge [sflag:s17], $0x4000;
	(pc) =	sbr.rel .LBB2_4-.Ltmp3, $4  }
0x3c: {  	[sflag:s17] =	ssyncset.done $0x0  }
0x3d: {  	[sflag:s17] =	ssyncadd.s32 $0xFFFFC000  }
0x3e: {  	[bflag:$0x0] =	sbarrier.arrive $0xFFFF  }
0x3f: {  	s26 =	simm.s32 $0x0;
	s28 =	simm.s32 $0x0  }
.LBB2_7:
0x40: {  	s28 =	sadd.s32 $0x1, s28  }
0x41: {  	p0 =	sne.s32 s28, s7  }
.Ltmp4:
0x42: {  	_ = 	snop;
	(pc) =	sbr.rel @!p0 .LBB2_8-.Ltmp4, $1  }
0x43: {  	_ =	sdelay $0x3  }
.LBB2_4:
0x44: {  	s29 =	sadd.s32 s28, s9  }
0x45: {  	s29 =	smul.u32 $0x180, s29;
	_ =	sdelay $0x1  }
0x46: {  	s30 =	sadd.s32 s6, s29  }
0x47: {  	[tilespmem:s26], [sflag:$0x3] =	stream.linear.gather [hbm4b:s30+s26], $0xA00, $0x38;
	[tilespmem:$0x1D980] =	vst v63  }
0x48: {  	_ =	swait.ge [sflag:s17], $0xA00  }
0x49: {  	[sflag:s17] =	ssyncset.done $0x0  }
0x4a: {  	s29 =	sadd.s32 s1, s29;
	[sflag:s17] =	ssyncadd.s32 $0xFFFFF600  }
0x4b: {  	[tilespmem:s18], [sflag:$0x3] =	stream.linear.gather [hbm4b:s29+s26], $0xA00, $0x38;
	[tilespmem:$0x1D980] =	vst v63  }
0x4c: {  	_ =	swait.ge [sflag:s17], $0xA00  }
0x4d: {  	[sflag:s17] =	ssyncset.done $0x0  }
0x4e: {  	[sflag:s17] =	ssyncadd.s32 $0xFFFFF600  }
0x4f: {  	v1 =	vld [tilespmem:$0x0]  }
0x50: {  	v2 =	vld [tilespmem:$0x10]  }
0x51: {  	v3 =	vld [tilespmem:$0x20]  }
0x52: {  	v4 =	vld [tilespmem:$0x30]  }
0x53: {  	v5 =	vld [tilespmem:$0x40]  }
0x54: {  	[tilespmem:$0x1800] =	vst v1;
	v1 =	vld [tilespmem:$0x50]  }
0x55: {  	[tilespmem:$0x1810] =	vst v2;
	v2 =	vld [tilespmem:$0x60]  }
0x56: {  	[tilespmem:$0x1820] =	vst v3;
	v3 =	vld [tilespmem:$0x70]  }
0x57: {  	[tilespmem:$0x1830] =	vst v4  }
0x58: {  	[tilespmem:$0x1840] =	vst v5  }
0x59: {  	[tilespmem:$0x1850] =	vst v1  }
0x5a: {  	[tilespmem:$0x1860] =	vst v2  }
0x5b: {  	[tilespmem:$0x1870] =	vst v3  }
0x5c: {  	[tilespmem:s16], [sflag:$0x1] =	stream.indirect.gather [hbm4b:s5+s19], $0x80, s20, s19, $0xb8;
	[tilespmem:$0x1D980] =	vst v63  }
0x5d: {  	v1 =	vld [tilespmem:$0x80]  }
0x5e: {  	v2 =	vld [tilespmem:$0x90]  }
0x5f: {  	v3 =	vld [tilespmem:$0xA0]  }
0x60: {  	v62 =	vld [tilespmem:$0xB0]  }
0x61: {  	v63 =	vld [tilespmem:$0xC0]  }
0x62: {  	[tilespmem:$0x1880] =	vst v1;
	v1 =	vld [tilespmem:$0xD0]  }
0x63: {  	[tilespmem:$0x1890] =	vst v2;
	v2 =	vld [tilespmem:$0xE0]  }
0x64: {  	[tilespmem:$0x18A0] =	vst v3;
	v3 =	vld [tilespmem:$0xF0]  }
0x65: {  	[tilespmem:$0x18B0] =	vst v62  }
0x66: {  	[tilespmem:$0x18C0] =	vst v63  }
0x67: {  	[tilespmem:$0x18D0] =	vst v1  }
0x68: {  	[tilespmem:$0x18E0] =	vst v2  }
0x69: {  	s29 =	simm.s32 $0x0;
	[tilespmem:$0x18F0] =	vst v3  }
0x6a: {  	[tilespmem:s22], [sflag:$0x2] =	stream.indirect.gather [hbm4b:s5+s19], $0x80, s21, s19, $0xb8;
	[tilespmem:$0x1D980] =	vst v63  }
.LBB2_5:
0x6b: {  	_ =	swait.ge [sflag:s23], $0x4000  }
0x6c: {  	[sflag:s23] =	ssyncset.done $0x0  }
0x6d: {  	s30 =	sshra.s32 s29, $0x2;
	[sflag:s23] =	ssyncadd.s32 $0xFFFFC000  }
0x6e: {  	v1 =	vld [tilespmem:s30+$0xC00];
	_ =	sdelay $0x4  }
0x6f: {  	[tilespmem:$0x1900] =	vst v1  }
0x70: {  	v1 =	vld [tilespmem:s30+$0xC10];
	_ =	sdelay $0x4  }
0x71: {  	[tilespmem:$0x1910] =	vst v1  }
0x72: {  	v1 =	vld [tilespmem:s30+$0xC20];
	_ =	sdelay $0x4  }
0x73: {  	[tilespmem:$0x1920] =	vst v1  }
0x74: {  	v1 =	vld [tilespmem:s30+$0xC30];
	_ =	sdelay $0x4  }
0x75: {  	[tilespmem:$0x1930] =	vst v1  }
0x76: {  	v1 =	vld [tilespmem:s30+$0xC40];
	_ =	sdelay $0x4  }
0x77: {  	[tilespmem:$0x1940] =	vst v1  }
0x78: {  	v1 =	vld [tilespmem:s30+$0xC50];
	_ =	sdelay $0x4  }
0x79: {  	[tilespmem:$0x1950] =	vst v1  }
0x7a: {  	v1 =	vld [tilespmem:s30+$0xC60];
	_ =	sdelay $0x4  }
0x7b: {  	[tilespmem:$0x1960] =	vst v1  }
0x7c: {  	v1 =	vld [tilespmem:s30+$0xC70];
	_ =	sdelay $0x4  }
0x7d: {  	[tilespmem:$0x1970] =	vst v1  }
0x7e: {  	[spmem:s2] =	stream.indirect.scatter.add.f32 [tilespmem:s16], [sflag:$0x3], $0x80, s24, s19, $0xb8;
	[tilespmem:$0x1D980] =	vst v63  }
0x7f: {  	_ =	swait.ge [sflag:s17], $0x4000  }
0x80: {  	p0 =	seq.s32 s29, $0x2400;
	[sflag:s17] =	ssyncset.done $0x0  }
0x81: {  	s31 =	sshra.s32 @!p0 s29, $0x2;
	[sflag:s17] =	ssyncadd.s32 $0xFFFFC000  }
0x82: {  	v1 =	vld @!p0 [tilespmem:s31+$0x100];
	_ =	sdelay $0x4  }
0x83: {  	[tilespmem:$0x1800] =	vst @!p0 v1  }
0x84: {  	v1 =	vld @!p0 [tilespmem:s31+$0x110];
	_ =	sdelay $0x4  }
0x85: {  	[tilespmem:$0x1810] =	vst @!p0 v1  }
0x86: {  	v1 =	vld @!p0 [tilespmem:s31+$0x120];
	_ =	sdelay $0x4  }
0x87: {  	[tilespmem:$0x1820] =	vst @!p0 v1  }
0x88: {  	v1 =	vld @!p0 [tilespmem:s31+$0x130];
	_ =	sdelay $0x4  }
0x89: {  	[tilespmem:$0x1830] =	vst @!p0 v1  }
0x8a: {  	v1 =	vld @!p0 [tilespmem:s31+$0x140];
	_ =	sdelay $0x4  }
0x8b: {  	[tilespmem:$0x1840] =	vst @!p0 v1  }
0x8c: {  	v1 =	vld @!p0 [tilespmem:s31+$0x150];
	_ =	sdelay $0x4  }
0x8d: {  	[tilespmem:$0x1850] =	vst @!p0 v1  }
0x8e: {  	v1 =	vld @!p0 [tilespmem:s31+$0x160];
	_ =	sdelay $0x4  }
0x8f: {  	[tilespmem:$0x1860] =	vst @!p0 v1  }
0x90: {  	v1 =	vld @!p0 [tilespmem:s31+$0x170];
	_ =	sdelay $0x4  }
0x91: {  	s0 =	simm.s32 @!p0 $0x1800;
	s3 =	simm.s32 @!p0 $0x1980;
	s31 =	simm.s32 @!p0 $0x80;
	[tilespmem:$0x1870] =	vst @!p0 v1  }
0x92: {  	[tilespmem:s3], [sflag:$0x1] =	stream.indirect.gather @!p0 [hbm4b:s5+s31], $0x80, s0, s31, $0xb8;
	[tilespmem:$0x1D980] =	vst v63  }
0x93: {  	_ =	swait.ge [sflag:s25], $0x4000  }
0x94: {  	[sflag:s25] =	ssyncset.done $0x0  }
0x95: {  	[sflag:s25] =	ssyncadd.s32 $0xFFFFC000  }
0x96: {  	v1 =	vld [tilespmem:s30+$0xC80];
	_ =	sdelay $0x4  }
0x97: {  	[tilespmem:$0x1900] =	vst v1  }
0x98: {  	v1 =	vld [tilespmem:s30+$0xC90];
	_ =	sdelay $0x4  }
0x99: {  	[tilespmem:$0x1910] =	vst v1  }
0x9a: {  	v1 =	vld [tilespmem:s30+$0xCA0];
	_ =	sdelay $0x4  }
0x9b: {  	[tilespmem:$0x1920] =	vst v1  }
0x9c: {  	v1 =	vld [tilespmem:s30+$0xCB0];
	_ =	sdelay $0x4  }
0x9d: {  	[tilespmem:$0x1930] =	vst v1  }
0x9e: {  	v1 =	vld [tilespmem:s30+$0xCC0];
	_ =	sdelay $0x4  }
0x9f: {  	[tilespmem:$0x1940] =	vst v1  }
0xa0: {  	v1 =	vld [tilespmem:s30+$0xCD0];
	_ =	sdelay $0x4  }
0xa1: {  	[tilespmem:$0x1950] =	vst v1  }
0xa2: {  	v1 =	vld [tilespmem:s30+$0xCE0];
	_ =	sdelay $0x4  }
0xa3: {  	[tilespmem:$0x1960] =	vst v1  }
0xa4: {  	v1 =	vld [tilespmem:s30+$0xCF0];
	_ =	sdelay $0x4  }
.Ltmp5:
0xa5: {  	[tilespmem:$0x1970] =	vst v1;
	(pc) =	sbr.rel @p0 .LBB2_7-.Ltmp5, $4  }
0xa6: {  	[spmem:s2] =	stream.indirect.scatter.add.f32 [tilespmem:s22], [sflag:$0x3], $0x80, s24, s19, $0xb8;
	[tilespmem:$0x1D980] =	vst v63  }
0xa7: {  	_ =	swait.ge [sflag:s17], $0x4000  }
0xa8: {  	[sflag:s17] =	ssyncset.done $0x0  }
0xa9: {  	[sflag:s17] =	ssyncadd.s32 $0xFFFFC000  }
0xaa: {  	v1 =	vld [tilespmem:s30+$0x180];
	_ =	sdelay $0x4  }
0xab: {  	[tilespmem:$0x1880] =	vst v1  }
0xac: {  	v1 =	vld [tilespmem:s30+$0x190];
	_ =	sdelay $0x4  }
0xad: {  	[tilespmem:$0x1890] =	vst v1  }
0xae: {  	v1 =	vld [tilespmem:s30+$0x1A0];
	_ =	sdelay $0x4  }
0xaf: {  	[tilespmem:$0x18A0] =	vst v1  }
0xb0: {  	v1 =	vld [tilespmem:s30+$0x1B0];
	_ =	sdelay $0x4  }
0xb1: {  	[tilespmem:$0x18B0] =	vst v1  }
0xb2: {  	v1 =	vld [tilespmem:s30+$0x1C0];
	_ =	sdelay $0x4  }
0xb3: {  	[tilespmem:$0x18C0] =	vst v1  }
0xb4: {  	v1 =	vld [tilespmem:s30+$0x1D0];
	_ =	sdelay $0x4  }
0xb5: {  	[tilespmem:$0x18D0] =	vst v1  }
0xb6: {  	v1 =	vld [tilespmem:s30+$0x1E0];
	_ =	sdelay $0x4  }
0xb7: {  	[tilespmem:$0x18E0] =	vst v1  }
0xb8: {  	v1 =	vld [tilespmem:s30+$0x1F0];
	_ =	sdelay $0x1  }
.Ltmp6:
0xb9: {  	_ = 	snop;
	(pc) =	sbr.rel .LBB2_5-.Ltmp6, $3  }
0xba: {  	_ =	sdelay $0x1  }
0xbb: {  	s29 =	sadd.s32 $0x400, s29;
	[tilespmem:$0x18F0] =	vst v1  }
0xbc: {  	[tilespmem:s22], [sflag:$0x2] =	stream.indirect.gather [hbm4b:s5+s19], $0x80, s21, s19, $0xb8;
	[tilespmem:$0x1D980] =	vst v63  }
.LBB2_9:
0xbd: {  	_ =	sfence.sel $0x180000  }
0xbe: {  	[bflag:$0x0] =	sbarrier.arrive $0xFFFF  }
0xbf: {  	_ =	strace $0x9000004A  }
0xc0: {  	s0 =	stileid.u32;
	[bflag:$0x2] =	sbarrier.arrive $0xFFFF  }
0xc1: {  	p0 =	sne.s32 s0, $0x0;
	s0 =	rddreg [dreg:$0x3]  }
0xc2: {  	s0 =	sadd.s32 @!p0 $0x100000, s0  }
0xc3: {  	[sflag:s0] =	ssyncadd.tile.s32 @!p0 $0x1;
	_ =	shalt  }
.Lfunc_end2:
_tile_overlayer_lowered:
.L_overlay_start_2:
0xc4: {  	(tag) =	ssettag $0x2  }
0xc5: {  	s0 =	rddreg [dreg:$0x0];
	s2 =	stileid.u32  }
0xc6: {  	s1 =	rddreg [dreg:$0x1];
	p0 =	sne.s32 s2, $0x0  }
0xc7: {  	s3 =	rddreg [dreg:$0x2];
	[bflag:$0x3] =	sbarrier.arrive $0xFFFF;
	s2 =	simm.s32 @!p0 $0x1C03  }
0xc8: {  	[timem:s3], [sflag:s2] =	dma.local @!p0 [hbm:s0], s1  }
0xc9: {  	s0 =	simm.s32 @!p0 $0x3  }
0xca: {  	_ =	swait.ge @!p0 [sflag:s0], s1  }
0xcb: {  	s1 =	ssub.s32 @!p0 $0x0, s1;
	[sflag:s0] =	ssyncset.done @!p0 $0x0  }
0xcc: {  	[sflag:s0] =	ssyncadd.s32 @!p0 s1  }
0xcd: {  	[bflag:$0x3] =	sbarrier.arrive $0xFFFF  }
0xce: {  	_ =	shalt  }

// kernel: kernel.17.cloned.1.call-start
scs
__scs_entry_jumppad:
0x0: {  	(pc) =	sbr.rel $0x88, $3  }
0x1: {  	(tag) =	ssettag $0x0;
	lr =	simm.s32 $0x1  }
0x2: {  	[smem:$0x3F9B] =	sst lr;
	_ =	strace $0xD0000000  }
0x3: {  	_ = 	snop  }
0x4: {  	_ = 	snop  }
0x5: {  	_ = 	snop  }
0x6: {  	_ = 	snop  }
0x7: {  	_ = 	snop  }
__scs_overlays_trampoline_lowered:
0x8: {  	[smem:$0x3FAA] =	sst s0  }
0x9: {  	[smem:$0x3FAB] =	sst s1  }
0xa: {  	[smem:$0x3FAC] =	sst s2  }
0xb: {  	[smem:$0x3FAD] =	sst s3  }
0xc: {  	[smem:$0x3FAE] =	sst s4  }
0xd: {  	[smem:$0x3FAF] =	sst s5  }
0xe: {  	[smem:$0x3FB0] =	sst s6  }
0xf: {  	[smem:$0x3FB1] =	sst s7  }
0x10: {  	[smem:$0x3FB2] =	sst s8  }
0x11: {  	[smem:$0x3FB3] =	sst s9;
	s0 =	simm.s32 @!p0 $0x0  }
0x12: {  	s1 =	sld [smem:$0x3F99];
	s0 =	simm.s32 @p0 $0x1  }
0x13: {  	[smem:$0x3FB4] =	sst s0;
	s0 =	simm.s32 @!p1 $0x0  }
0x14: {  	s2 =	sld [smem:$0x3F98];
	s0 =	simm.s32 @p1 $0x1  }
0x15: {  	[smem:$0x3FB5] =	sst s0;
	s0 =	simm.s32 @!p2 $0x0  }
0x16: {  	s3 =	sld [smem:$0x3FDB];
	s0 =	simm.s32 @p2 $0x1  }
0x17: {  	s4 =	simm.s32 $0x1BF5;
	[smem:$0x3FB7] =	sst s0  }
0x18: {  	s0 =	sld [smem:$0x3F9A];
	_ =	swait.ge [sflag:s4], $0x0  }
0x19: {  	s7 =	sld [smem:$0x3F9B]  }
0x1a: {  	s8 =	sadd.s32 $0xFFFFE003, lr  }
0x1b: {  	s9 =	sadd.s32 $0xFFFFFEF7, lr;
	s5 =	simm.s32 $0xFFFFFFFF;
	p2 =	slt.u32 s8, $0xFFFFF086  }
0x1c: {  	p1 =	slt.u32 s9, $0xF7A;
	s5 =	simm.s32 @!p2 $0x0  }
0x1d: {  	s5 =	simm.s32 @p1 $0x1;
	p0 =	seq.s32 s7, s2  }
0x1e: {  	s7 =	smul.u32 @!p0 $0xF7A, s2;
	p2 =	seq.s32 @!p0 s5, $0x0  }
0x1f: {  	s9 =	smul.u32 $0xF7A, s1;
	s8 =	simm.s32 @!p0 $0x1BF5;
	p2 =	por !p2, p0  }
0x20: {  	[sflag:s8] =	ssyncset.s32 @!p0 $0xFFFFF086;
	s6 =	sadd.s32 @!p0 s3, s7;
	s7 =	simm.s32 @!p0 $0x108  }
0x21: {  	s3 =	sadd.s32 s3, s9;
	s6 =	sadd.s32 @!p0 $0x88, s6;
	s7 =	simm.s32 @p2 $0x1082  }
0x22: {  	[simem:s7], [sflag:s8] =	dma.local @!p0 [hbm:s6], $0xF7A  }
0x23: {  	s9 =	sor.u32 $0xD0000000, s2;
	s6 =	simm.s32 $0x108;
	_ =	swait.ge @!p0 [sflag:s8], $0x0  }
0x24: {  	s3 =	sadd.s32 $0x88, s3;
	s6 =	simm.s32 @!p1 $0x1082;
	[sflag:s4] =	ssyncset.s32 $0xFFFFF086  }
0x25: {  	[simem:s6], [sflag:s4] =	dma.local [hbm:s3], $0xF7A  }
0x26: {  	[smem:$0x3F9B] =	sst s1;
	(tag) =	ssettag s2;
	_ =	strace s9  }
0x27: {  	s1 =	sld [smem:$0x3FAB]  }
0x28: {  	s2 =	sld [smem:$0x3FAC]  }
0x29: {  	s4 =	sld [smem:$0x3FAE]  }
0x2a: {  	p0 =	seq.s32 s5, $0x0;
	s5 =	sld [smem:$0x3FAF]  }
0x2b: {  	s6 =	sld [smem:$0x3FB0]  }
0x2c: {  	s7 =	sld [smem:$0x3FB1]  }
0x2d: {  	s3 =	simm.s32 $0x108;
	s8 =	sld [smem:$0x3FB2]  }
0x2e: {  	s3 =	simm.s32 @!p0 $0x1082;
	s9 =	sld [smem:$0x3FB3]  }
0x2f: {  	lr =	sadd.s32 s0, s3;
	s0 =	sld [smem:$0x3FAA]  }
0x30: {  	s3 =	sld [smem:$0x3FAD]  }
0x31: {  	[smem:$0x3FB6] =	sst s10  }
0x32: {  	s10 =	sld [smem:$0x3FB4];
	_ =	sdelay $0x3  }
0x33: {  	p0 =	seq.s32 s10, $0x1;
	s10 =	sld [smem:$0x3FB6];
	_ =	sdelay $0x3  }
0x34: {  	[smem:$0x3FB6] =	sst s10  }
0x35: {  	s10 =	sld [smem:$0x3FB5];
	_ =	sdelay $0x3  }
0x36: {  	p1 =	seq.s32 s10, $0x1;
	s10 =	sld [smem:$0x3FB6];
	_ =	sdelay $0x3  }
0x37: {  	[smem:$0x3FB6] =	sst s10  }
0x38: {  	s10 =	sld [smem:$0x3FB7]  }
0x39: {  	_ = 	snop;
	(pc) =	sbr.ind lr, $3  }
0x3a: {  	_ = 	snop  }
0x3b: {  	_ = 	snop  }
0x3c: {  	p2 =	seq.s32 s10, $0x1;
	s10 =	sld [smem:$0x3FB6]  }
0x3d: {  	_ =	shalt  }
0x3e: {  	_ =	shalt  }
0x3f: {  	_ =	shalt  }
0x40: {  	_ =	shalt  }
0x41: {  	_ =	shalt  }
0x42: {  	_ =	shalt  }
0x43: {  	_ =	shalt  }
0x44: {  	_ =	shalt  }
0x45: {  	_ =	shalt  }
0x46: {  	_ =	shalt  }
0x47: {  	_ =	shalt  }
0x48: {  	_ =	shalt  }
0x49: {  	_ =	shalt  }
0x4a: {  	_ =	shalt  }
0x4b: {  	_ =	shalt  }
0x4c: {  	_ =	shalt  }
0x4d: {  	_ =	shalt  }
0x4e: {  	_ =	shalt  }
0x4f: {  	_ =	shalt  }
0x50: {  	_ =	shalt  }
0x51: {  	_ =	shalt  }
0x52: {  	_ =	shalt  }
0x53: {  	_ =	shalt  }
0x54: {  	_ =	shalt  }
0x55: {  	_ =	shalt  }
0x56: {  	_ =	shalt  }
0x57: {  	_ =	shalt  }
0x58: {  	_ =	shalt  }
0x59: {  	_ =	shalt  }
0x5a: {  	_ =	shalt  }
0x5b: {  	_ =	shalt  }
0x5c: {  	_ =	shalt  }
0x5d: {  	_ =	shalt  }
0x5e: {  	_ =	shalt  }
0x5f: {  	_ =	shalt  }
0x60: {  	_ =	shalt  }
0x61: {  	_ =	shalt  }
0x62: {  	_ =	shalt  }
0x63: {  	_ =	shalt  }
0x64: {  	_ =	shalt  }
0x65: {  	_ =	shalt  }
0x66: {  	_ =	shalt  }
0x67: {  	_ =	shalt  }
0x68: {  	_ =	shalt  }
0x69: {  	_ =	shalt  }
0x6a: {  	_ =	shalt  }
0x6b: {  	_ =	shalt  }
0x6c: {  	_ =	shalt  }
0x6d: {  	_ =	shalt  }
0x6e: {  	_ =	shalt  }
0x6f: {  	_ =	shalt  }
0x70: {  	_ =	shalt  }
0x71: {  	_ =	shalt  }
0x72: {  	_ =	shalt  }
0x73: {  	_ =	shalt  }
0x74: {  	_ =	shalt  }
0x75: {  	_ =	shalt  }
0x76: {  	_ =	shalt  }
0x77: {  	_ =	shalt  }
0x78: {  	_ =	shalt  }
0x79: {  	_ =	shalt  }
0x7a: {  	_ =	shalt  }
0x7b: {  	_ =	shalt  }
0x7c: {  	_ =	shalt  }
0x7d: {  	_ =	shalt  }
0x7e: {  	_ =	shalt  }
0x7f: {  	_ =	shalt  }
0x80: {  	_ =	shalt  }
0x81: {  	_ =	shalt  }
0x82: {  	_ =	shalt  }
0x83: {  	_ =	shalt  }
0x84: {  	_ =	shalt  }
0x85: {  	_ =	shalt  }
0x86: {  	_ =	shalt  }
0x87: {  	_ =	shalt  }
.Lfunc_end0:
.L_simem_size_0:
called_computation.2_lowered:
.L_overlay_start_0:
0x88: {  	s2 =	sld [smem:$0x3FD9]  }
0x89: {  	s3 =	sld [smem:$0x3FFE];
	_ =	sdelay $0x1  }
0x8a: {  	s1 =	srdreg.scid  }
0x8b: {  	s0 =	sand.u32 $0x1, s1  }
0x8c: {  	s17 =	sshll.u32 s0, $0xA;
	s2 =	sadd.s32 s3, s2  }
0x8d: {  	s2 =	sadd.s32 s2, s17  }
0x8e: {  	[smem:$0x3FC2] =	sst s2  }
0x8f: {  	_ = 	snop  }
0x90: {  	s2 =	sld [smem:$0x3FD0];
	(tm) =	ssettm $0x1  }
0x91: {  	s18 =	sld [smem:$0x3FFB];
	_ =	sdelay $0x3  }
0x92: {  	_ =	strace s18  }
0x93: {  	s3 =	sld [smem:$0x3FFC];
	_ =	sdelay $0x3  }
0x94: {  	_ =	strace s3  }
0x95: {  	s3 =	sld [smem:$0x3FFD];
	_ =	sdelay $0x3  }
0x96: {  	_ =	strace s3  }
0x97: {  	_ =	strace $0x8FFFFFFF  }
0x98: {  	s19 =	sld [smem:$0x3FDB];
	_ =	sdelay $0x1  }
0x99: {  	s4 =	simm.s32 $_scs_section_size  }
0x9a: {  	s5 =	simm.s32 $_size__tile_overlayer_lowered;
	s6 =	simm.s32 $_tile_overlayer_lowered  }
0x9b: {  	s22 =	simm.s32 $0x1BFF;
	s21 =	sshll.u32 s6, $0x1;
	s3 =	sadd.s32 s4, s19  }
0x9c: {  	s7 =	simm.s32 $0x0;
	s20 =	sshll.u32 s5, $0x1;
	s5 =	sadd.s32 s21, s3  }
0x9d: {  	[timem:s7], [sflag:s22] =	dma.local [hbm:s5], s20  }
0x9e: {  	_ =	swait.ge [sflag:s22], s20  }
0x9f: {  	s4 =	ssub.s32 $0x0, s20;
	[sflag:s22] =	ssyncset.done $0x0  }
0xa0: {  	[sflag:s22] =	ssyncadd.s32 s4;
	_ =	sdelay $0x1  }
0xa1: {  	s23 =	simm.s32 $0x1B8B  }
0xa2: {  	_ =	swait.ge [sflag:s23], $0x1  }
0xa3: {  	[sflag:s23] =	ssyncset.done $0x0  }
0xa4: {  	s25 =	simm.s32 $0x1B8E;
	s24 =	sld [smem:$0x3FFE];
	[sflag:s23] =	ssyncadd.s32 $0xFFFFFFFF  }
0xa5: {  	s26 =	simm.s32 $execute0_lowered;
	[smem:$0x3FD2] =	sst s25  }
0xa6: {  	s5 =	sshll.u32 s26, $0x1;
	_ =	strace $0x8000004C;
	[dreg:$0x1] =	wrdreg $0xFFFFFFFF  }
0xa7: {  	s28 =	simm.s32 $_size_execute0_lowered;
	s3 =	sadd.s32 s3, s5;
	[dreg:$0x0] =	wrdreg $0x0  }
0xa8: {  	s5 =	sshll.u32 s28, $0x1;
	[dreg:$0x2] =	wrdreg s3  }
0xa9: {  	[dreg:$0x3] =	wrdreg s5  }
0xaa: {  	[dreg:$0x4] =	wrdreg $0xC0  }
0xab: {  	_ =	task [dreg:s7], $0x5FFFF  }
0xac: {  	[dreg:$0x1] =	wrdreg $0xFFFFFFFF  }
0xad: {  	[dreg:$0x0] =	wrdreg $0x60  }
0xae: {  	[dreg:$0x2] =	wrdreg s24  }
0xaf: {  	[dreg:$0x3] =	wrdreg s2  }
0xb0: {  	[dreg:$0x4] =	wrdreg $0x99800  }
0xb1: {  	[dreg:$0x5] =	wrdreg $0x9  }
0xb2: {  	_ =	task.clear_ibuf [dreg:s7], $0x6FFFF;
	_ =	strace $0x9000004C  }
0xb3: {  	s29 =	simm.s32 $0x9;
	_ =	strace $0x8000004E  }
0xb4: {  	_ =	swait.ge [sflag:s29], $0x1  }
0xb5: {  	[sflag:s29] =	ssyncadd.s32 $0xFFFFFFFF  }
0xb6: {  	_ =	strace $0x9000004E  }
0xb7: {  	_ =	sfence  }
0xb8: {  	s30 =	sld [smem:$0x0];
	_ =	sdelay $0x2  }
0xb9: {  	s31 =	sshll.u32 s1, $0xD;
	s1 =	sshrl.u32 s1, $0x2  }
0xba: {  	s3 =	sand.u32 $0x4000, s31;
	s1 =	sadd.s32 s1, s30  }
0xbb: {  	s0 =	sor.u32 s3, s0;
	s1 =	sshll.u32 s1, $0x11  }
0xbc: {  	s0 =	sor.u32 s1, s0  }
0xbd: {  	s0 =	sadd.s32 $0x8F2B, s0  }
0xbe: {  	[sflag:s0] =	ssyncadd.remote.s32 $0x1  }
0xbf: {  	_ =	sfence.sel $0xFFFF  }
0xc0: {  	[dreg:$0x0] =	wrdreg $0xFFFFFFFF;
	(pc) =	sbr.abs _section_cstart, $3  }
0xc1: {  	[dreg:$0x1] =	wrdreg $0xFFFFFFFF  }
0xc2: {  	_ =	task.clear_ibuf [dreg:s7], $0x2FFFF;
	_ =	strace $0x9FFFFFFF  }
0xc3: {  	(tm) =	ssettm $0x7FFFFFFF  }
tec
execute0_lowered:
.L_overlay_start_1:
0x0: {  	(tag) =	ssettag $0x1  }
0x1: {  	s7 =	rddreg [dreg:$0x0]  }
0x2: {  	s1 =	rddreg [dreg:$0x1]  }
0x3: {  	s2 =	rddreg [dreg:$0x2]  }
0x4: {  	s3 =	srdreg.scid;
	s4 =	simm.s32 $0x0;
	s0 =	stileid.u32  }
0x5: {  	s16 =	simm.s32 $0x1980;
	s17 =	simm.s32 $0x3;
	s18 =	simm.s32 $0xC00  }
0x6: {  	s19 =	simm.s32 $0x80;
	s20 =	simm.s32 $0x1800;
	s21 =	simm.s32 $0x1880  }
0x7: {  	s22 =	simm.s32 $0x5980;
	s23 =	simm.s32 $0x1;
	s24 =	simm.s32 $0x1900  }
0x8: {  	s25 =	simm.s32 $0x2;
	s8 =	sand.u32 $0x1, s3;
	s9 =	smul.u32 $0x14000, s0  }
0x9: {  	[smem:$0x7FF] =	sst s4;
	s5 =	sadd.s32 $0x1800, s7;
	s12 =	smul.u32 $0x50000, s0  }
0xa: {  	s31 =	sshll.u32 s0, $0x3;
	s6 =	smul.u32 $0x140000, s8;
	_ =	strace $0x8000004D  }
0xb: {  	s28 =	ssub.s32 $0x2, s8;
	p0 =	seq.s32 s8, $0x0;
	s29 =	smul.u32 $0x6, s8  }
0xc: {  	s11 =	sshrl.u32 s28, $0x1;
	s30 =	sshrl.u32 s12, $0x2;
	s6 =	sadd.s32 s9, s6  }
.Ltmp0:
0xd: {  	s15 =	ssub.s32 s28, s11;
	s8 =	sadd.s32 s30, s2;
	(pc) =	sbr.rel .LBB2_1-.Ltmp0, $4  }
0xe: {  	s9 =	sor.u32 s29, s31;
	s10 =	sshrl.u32 s6, $0x3;
	s6 =	sadd.s32 $0x51800, s7  }
0xf: {  	s11 =	sadd.s32 $0x8000, s8;
	s12 =	sadd.s32 $0xC000, s8;
	s13 =	sadd.s32 $0x10000, s8  }
0x10: {  	s15 =	smax.u32 s15, $0x1;
	s14 =	sadd.s32 s10, s7;
	s7 =	simm.s32 $0x6  }
0x11: {  	v0 =	vimm.f32 $0.0e+00;
	s10 =	sadd.s32 $0x4000, s8;
	s7 =	simm.s32 @!p0 $0x2;
	s14 =	sadd.s32 $0x5D800, s14  }
.LBB2_8:
0x12: {  	s0 =	stileid.u32;
	s4 =	sadd.s32 $0x1, s4  }
0x13: {  	[bflag:$0x0] =	sbarrier.arrive $0xFFFF;
	s0 =	sshll.u32 s0, $0x6;
	p0 =	sne.s32 s4, s15  }
.Ltmp1:
0x14: {  	s3 =	sshrl.u32 s8, $0x3;
	s0 =	sor.u32 $0x1C03, s0;
	(pc) =	sbr.rel @!p0 .LBB2_9-.Ltmp1, $4  }
0x15: {  	[hbm:s14], [sflag:s0] =	dma.local [spmem:s3], $0x2800  }
0x16: {  	_ =	swait.ge [sflag:s17], $0x2800  }
0x17: {  	[sflag:s17] =	ssyncset.done $0x0  }
0x18: {  	[sflag:s17] =	ssyncadd.s32 $0xFFFFD800  }
.LBB2_1:
0x19: {  	s26 =	simm.s32 $0x0;
	s28 =	simm.s32 $0x200  }
.LBB2_2:
0x1a: {  	p0 =	sne.s32 s28, $0xFE00;
	[tilespmem:s26+$0x19F0] =	vst v0  }
0x1b: {  	[tilespmem:s26+$0x1980] =	vst v0  }
0x1c: {  	[tilespmem:s26+$0x1990] =	vst v0  }
.Ltmp2:
0x1d: {  	[tilespmem:s26+$0x19A0] =	vst v0;
	(pc) =	sbr.rel @p0 .LBB2_2-.Ltmp2, $4  }
0x1e: {  	[tilespmem:s26+$0x19B0] =	vst v0  }
0x1f: {  	[tilespmem:s26+$0x19C0] =	vst v0  }
0x20: {  	[tilespmem:s26+$0x19D0] =	vst v0  }
0x21: {  	[tilespmem:s26+$0x19E0] =	vst v0;
	s26 =	sshra.s32 s28, $0x2;
	s28 =	sadd.s32 $0x200, s28  }
0x22: {  	[tilespmem:s26+$0x19F0] =	vst v0  }
0x23: {  	[tilespmem:s26+$0x1980] =	vst v0  }
0x24: {  	[tilespmem:s26+$0x1990] =	vst v0  }
0x25: {  	[tilespmem:s26+$0x19A0] =	vst v0  }
0x26: {  	[tilespmem:s26+$0x19B0] =	vst v0  }
0x27: {  	[tilespmem:s26+$0x19C0] =	vst v0  }
0x28: {  	[tilespmem:s26+$0x19D0] =	vst v0  }
0x29: {  	[tilespmem:s26+$0x19E0] =	vst v0  }
0x2a: {  	[spmem:s8] =	stream.linear.scatter [tilespmem:s16], [sflag:$0x3], $0x4000, $0x38;
	[tilespmem:$0x1D980] =	vst v63  }
0x2b: {  	_ =	swait.ge [sflag:s17], $0x4000  }
0x2c: {  	[sflag:s17] =	ssyncset.done $0x0  }
0x2d: {  	[sflag:s17] =	ssyncadd.s32 $0xFFFFC000  }
0x2e: {  	[spmem:s10] =	stream.linear.scatter [tilespmem:s16], [sflag:$0x3], $0x4000, $0x38;
	[tilespmem:$0x1D980] =	vst v63  }
0x2f: {  	_ =	swait.ge [sflag:s17], $0x4000  }
0x30: {  	[sflag:s17] =	ssyncset.done $0x0  }
0x31: {  	[sflag:s17] =	ssyncadd.s32 $0xFFFFC000  }
0x32: {  	[spmem:s11] =	stream.linear.scatter [tilespmem:s16], [sflag:$0x3], $0x4000, $0x38;
	[tilespmem:$0x1D980] =	vst v63  }
0x33: {  	_ =	swait.ge [sflag:s17], $0x4000  }
0x34: {  	[sflag:s17] =	ssyncset.done $0x0  }
0x35: {  	[sflag:s17] =	ssyncadd.s32 $0xFFFFC000  }
0x36: {  	[spmem:s12] =	stream.linear.scatter [tilespmem:s16], [sflag:$0x3], $0x4000, $0x38;
	[tilespmem:$0x1D980] =	vst v63  }
0x37: {  	_ =	swait.ge [sflag:s17], $0x4000  }
0x38: {  	[sflag:s17] =	ssyncset.done $0x0  }
0x39: {  	[sflag:s17] =	ssyncadd.s32 $0xFFFFC000  }
0x3a: {  	[spmem:s13] =	stream.linear.scatter [tilespmem:s16], [sflag:$0x3], $0x4000, $0x38;
	[tilespmem:$0x1D980] =	vst v63  }
.Ltmp3:
0x3b: {  	_ =	swait.ge [sflag:s17], $0x4000;
	(pc) =	sbr.rel .LBB2_4-.Ltmp3, $4  }
0x3c: {  	[sflag:s17] =	ssyncset.done $0x0  }
0x3d: {  	[sflag:s17] =	ssyncadd.s32 $0xFFFFC000  }
0x3e: {  	[bflag:$0x0] =	sbarrier.arrive $0xFFFF  }
0x3f: {  	s26 =	simm.s32 $0x0;
	s28 =	simm.s32 $0x0  }
.LBB2_7:
0x40: {  	s28 =	sadd.s32 $0x1, s28  }
0x41: {  	p0 =	sne.s32 s28, s7  }
.Ltmp4:
0x42: {  	_ = 	snop;
	(pc) =	sbr.rel @!p0 .LBB2_8-.Ltmp4, $1  }
0x43: {  	_ =	sdelay $0x3  }
.LBB2_4:
0x44: {  	s29 =	sadd.s32 s28, s9  }
0x45: {  	s29 =	smul.u32 $0x180, s29;
	_ =	sdelay $0x1  }
0x46: {  	s30 =	sadd.s32 s6, s29  }
0x47: {  	[tilespmem:s26], [sflag:$0x3] =	stream.linear.gather [hbm4b:s30+s26], $0xA00, $0x38;
	[tilespmem:$0x1D980] =	vst v63  }
0x48: {  	_ =	swait.ge [sflag:s17], $0xA00  }
0x49: {  	[sflag:s17] =	ssyncset.done $0x0  }
0x4a: {  	s29 =	sadd.s32 s1, s29;
	[sflag:s17] =	ssyncadd.s32 $0xFFFFF600  }
0x4b: {  	[tilespmem:s18], [sflag:$0x3] =	stream.linear.gather [hbm4b:s29+s26], $0xA00, $0x38;
	[tilespmem:$0x1D980] =	vst v63  }
0x4c: {  	_ =	swait.ge [sflag:s17], $0xA00  }
0x4d: {  	[sflag:s17] =	ssyncset.done $0x0  }
0x4e: {  	[sflag:s17] =	ssyncadd.s32 $0xFFFFF600  }
0x4f: {  	v1 =	vld [tilespmem:$0x0]  }
0x50: {  	v2 =	vld [tilespmem:$0x10]  }
0x51: {  	v3 =	vld [tilespmem:$0x20]  }
0x52: {  	v4 =	vld [tilespmem:$0x30]  }
0x53: {  	v5 =	vld [tilespmem:$0x40]  }
0x54: {  	[tilespmem:$0x1800] =	vst v1;
	v1 =	vld [tilespmem:$0x50]  }
0x55: {  	[tilespmem:$0x1810] =	vst v2;
	v2 =	vld [tilespmem:$0x60]  }
0x56: {  	[tilespmem:$0x1820] =	vst v3;
	v3 =	vld [tilespmem:$0x70]  }
0x57: {  	[tilespmem:$0x1830] =	vst v4  }
0x58: {  	[tilespmem:$0x1840] =	vst v5  }
0x59: {  	[tilespmem:$0x1850] =	vst v1  }
0x5a: {  	[tilespmem:$0x1860] =	vst v2  }
0x5b: {  	[tilespmem:$0x1870] =	vst v3  }
0x5c: {  	[tilespmem:s16], [sflag:$0x1] =	stream.indirect.gather [hbm4b:s5+s19], $0x80, s20, s19, $0xb8;
	[tilespmem:$0x1D980] =	vst v63  }
0x5d: {  	v1 =	vld [tilespmem:$0x80]  }
0x5e: {  	v2 =	vld [tilespmem:$0x90]  }
0x5f: {  	v3 =	vld [tilespmem:$0xA0]  }
0x60: {  	v62 =	vld [tilespmem:$0xB0]  }
0x61: {  	v63 =	vld [tilespmem:$0xC0]  }
0x62: {  	[tilespmem:$0x1880] =	vst v1;
	v1 =	vld [tilespmem:$0xD0]  }
0x63: {  	[tilespmem:$0x1890] =	vst v2;
	v2 =	vld [tilespmem:$0xE0]  }
0x64: {  	[tilespmem:$0x18A0] =	vst v3;
	v3 =	vld [tilespmem:$0xF0]  }
0x65: {  	[tilespmem:$0x18B0] =	vst v62  }
0x66: {  	[tilespmem:$0x18C0] =	vst v63  }
0x67: {  	[tilespmem:$0x18D0] =	vst v1  }
0x68: {  	[tilespmem:$0x18E0] =	vst v2  }
0x69: {  	s29 =	simm.s32 $0x0;
	[tilespmem:$0x18F0] =	vst v3  }
0x6a: {  	[tilespmem:s22], [sflag:$0x2] =	stream.indirect.gather [hbm4b:s5+s19], $0x80, s21, s19, $0xb8;
	[tilespmem:$0x1D980] =	vst v63  }
.LBB2_5:
0x6b: {  	_ =	swait.ge [sflag:s23], $0x4000  }
0x6c: {  	[sflag:s23] =	ssyncset.done $0x0  }
0x6d: {  	s30 =	sshra.s32 s29, $0x2;
	[sflag:s23] =	ssyncadd.s32 $0xFFFFC000  }
0x6e: {  	v1 =	vld [tilespmem:s30+$0xC00];
	_ =	sdelay $0x4  }
0x6f: {  	[tilespmem:$0x1900] =	vst v1  }
0x70: {  	v1 =	vld [tilespmem:s30+$0xC10];
	_ =	sdelay $0x4  }
0x71: {  	[tilespmem:$0x1910] =	vst v1  }
0x72: {  	v1 =	vld [tilespmem:s30+$0xC20];
	_ =	sdelay $0x4  }
0x73: {  	[tilespmem:$0x1920] =	vst v1  }
0x74: {  	v1 =	vld [tilespmem:s30+$0xC30];
	_ =	sdelay $0x4  }
0x75: {  	[tilespmem:$0x1930] =	vst v1  }
0x76: {  	v1 =	vld [tilespmem:s30+$0xC40];
	_ =	sdelay $0x4  }
0x77: {  	[tilespmem:$0x1940] =	vst v1  }
0x78: {  	v1 =	vld [tilespmem:s30+$0xC50];
	_ =	sdelay $0x4  }
0x79: {  	[tilespmem:$0x1950] =	vst v1  }
0x7a: {  	v1 =	vld [tilespmem:s30+$0xC60];
	_ =	sdelay $0x4  }
0x7b: {  	[tilespmem:$0x1960] =	vst v1  }
0x7c: {  	v1 =	vld [tilespmem:s30+$0xC70];
	_ =	sdelay $0x4  }
0x7d: {  	[tilespmem:$0x1970] =	vst v1  }
0x7e: {  	[spmem:s2] =	stream.indirect.scatter.add.f32 [tilespmem:s16], [sflag:$0x3], $0x80, s24, s19, $0xb8;
	[tilespmem:$0x1D980] =	vst v63  }
0x7f: {  	_ =	swait.ge [sflag:s17], $0x4000  }
0x80: {  	p0 =	seq.s32 s29, $0x2400;
	[sflag:s17] =	ssyncset.done $0x0  }
0x81: {  	s31 =	sshra.s32 @!p0 s29, $0x2;
	[sflag:s17] =	ssyncadd.s32 $0xFFFFC000  }
0x82: {  	v1 =	vld @!p0 [tilespmem:s31+$0x100];
	_ =	sdelay $0x4  }
0x83: {  	[tilespmem:$0x1800] =	vst @!p0 v1  }
0x84: {  	v1 =	vld @!p0 [tilespmem:s31+$0x110];
	_ =	sdelay $0x4  }
0x85: {  	[tilespmem:$0x1810] =	vst @!p0 v1  }
0x86: {  	v1 =	vld @!p0 [tilespmem:s31+$0x120];
	_ =	sdelay $0x4  }
0x87: {  	[tilespmem:$0x1820] =	vst @!p0 v1  }
0x88: {  	v1 =	vld @!p0 [tilespmem:s31+$0x130];
	_ =	sdelay $0x4  }
0x89: {  	[tilespmem:$0x1830] =	vst @!p0 v1  }
0x8a: {  	v1 =	vld @!p0 [tilespmem:s31+$0x140];
	_ =	sdelay $0x4  }
0x8b: {  	[tilespmem:$0x1840] =	vst @!p0 v1  }
0x8c: {  	v1 =	vld @!p0 [tilespmem:s31+$0x150];
	_ =	sdelay $0x4  }
0x8d: {  	[tilespmem:$0x1850] =	vst @!p0 v1  }
0x8e: {  	v1 =	vld @!p0 [tilespmem:s31+$0x160];
	_ =	sdelay $0x4  }
0x8f: {  	[tilespmem:$0x1860] =	vst @!p0 v1  }
0x90: {  	v1 =	vld @!p0 [tilespmem:s31+$0x170];
	_ =	sdelay $0x4  }
0x91: {  	s0 =	simm.s32 @!p0 $0x1800;
	s3 =	simm.s32 @!p0 $0x1980;
	s31 =	simm.s32 @!p0 $0x80;
	[tilespmem:$0x1870] =	vst @!p0 v1  }
0x92: {  	[tilespmem:s3], [sflag:$0x1] =	stream.indirect.gather @!p0 [hbm4b:s5+s31], $0x80, s0, s31, $0xb8;
	[tilespmem:$0x1D980] =	vst v63  }
0x93: {  	_ =	swait.ge [sflag:s25], $0x4000  }
0x94: {  	[sflag:s25] =	ssyncset.done $0x0  }
0x95: {  	[sflag:s25] =	ssyncadd.s32 $0xFFFFC000  }
0x96: {  	v1 =	vld [tilespmem:s30+$0xC80];
	_ =	sdelay $0x4  }
0x97: {  	[tilespmem:$0x1900] =	vst v1  }
0x98: {  	v1 =	vld [tilespmem:s30+$0xC90];
	_ =	sdelay $0x4  }
0x99: {  	[tilespmem:$0x1910] =	vst v1  }
0x9a: {  	v1 =	vld [tilespmem:s30+$0xCA0];
	_ =	sdelay $0x4  }
0x9b: {  	[tilespmem:$0x1920] =	vst v1  }
0x9c: {  	v1 =	vld [tilespmem:s30+$0xCB0];
	_ =	sdelay $0x4  }
0x9d: {  	[tilespmem:$0x1930] =	vst v1  }
0x9e: {  	v1 =	vld [tilespmem:s30+$0xCC0];
	_ =	sdelay $0x4  }
0x9f: {  	[tilespmem:$0x1940] =	vst v1  }
0xa0: {  	v1 =	vld [tilespmem:s30+$0xCD0];
	_ =	sdelay $0x4  }
0xa1: {  	[tilespmem:$0x1950] =	vst v1  }
0xa2: {  	v1 =	vld [tilespmem:s30+$0xCE0];
	_ =	sdelay $0x4  }
0xa3: {  	[tilespmem:$0x1960] =	vst v1  }
0xa4: {  	v1 =	vld [tilespmem:s30+$0xCF0];
	_ =	sdelay $0x4  }
.Ltmp5:
0xa5: {  	[tilespmem:$0x1970] =	vst v1;
	(pc) =	sbr.rel @p0 .LBB2_7-.Ltmp5, $4  }
0xa6: {  	[spmem:s2] =	stream.indirect.scatter.add.f32 [tilespmem:s22], [sflag:$0x3], $0x80, s24, s19, $0xb8;
	[tilespmem:$0x1D980] =	vst v63  }
0xa7: {  	_ =	swait.ge [sflag:s17], $0x4000  }
0xa8: {  	[sflag:s17] =	ssyncset.done $0x0  }
0xa9: {  	[sflag:s17] =	ssyncadd.s32 $0xFFFFC000  }
0xaa: {  	v1 =	vld [tilespmem:s30+$0x180];
	_ =	sdelay $0x4  }
0xab: {  	[tilespmem:$0x1880] =	vst v1  }
0xac: {  	v1 =	vld [tilespmem:s30+$0x190];
	_ =	sdelay $0x4  }
0xad: {  	[tilespmem:$0x1890] =	vst v1  }
0xae: {  	v1 =	vld [tilespmem:s30+$0x1A0];
	_ =	sdelay $0x4  }
0xaf: {  	[tilespmem:$0x18A0] =	vst v1  }
0xb0: {  	v1 =	vld [tilespmem:s30+$0x1B0];
	_ =	sdelay $0x4  }
0xb1: {  	[tilespmem:$0x18B0] =	vst v1  }
0xb2: {  	v1 =	vld [tilespmem:s30+$0x1C0];
	_ =	sdelay $0x4  }
0xb3: {  	[tilespmem:$0x18C0] =	vst v1  }
0xb4: {  	v1 =	vld [tilespmem:s30+$0x1D0];
	_ =	sdelay $0x4  }
0xb5: {  	[tilespmem:$0x18D0] =	vst v1  }
0xb6: {  	v1 =	vld [tilespmem:s30+$0x1E0];
	_ =	sdelay $0x4  }
0xb7: {  	[tilespmem:$0x18E0] =	vst v1  }
0xb8: {  	v1 =	vld [tilespmem:s30+$0x1F0];
	_ =	sdelay $0x1  }
.Ltmp6:
0xb9: {  	_ = 	snop;
	(pc) =	sbr.rel .LBB2_5-.Ltmp6, $3  }
0xba: {  	_ =	sdelay $0x1  }
0xbb: {  	s29 =	sadd.s32 $0x400, s29;
	[tilespmem:$0x18F0] =	vst v1  }
0xbc: {  	[tilespmem:s22], [sflag:$0x2] =	stream.indirect.gather [hbm4b:s5+s19], $0x80, s21, s19, $0xb8;
	[tilespmem:$0x1D980] =	vst v63  }
.LBB2_9:
0xbd: {  	_ =	sfence.sel $0x180000  }
0xbe: {  	[bflag:$0x0] =	sbarrier.arrive $0xFFFF  }
0xbf: {  	_ =	strace $0x9000004D  }
0xc0: {  	s0 =	stileid.u32;
	[bflag:$0x2] =	sbarrier.arrive $0xFFFF  }
0xc1: {  	p0 =	sne.s32 s0, $0x0;
	s0 =	rddreg [dreg:$0x3]  }
0xc2: {  	s0 =	sadd.s32 @!p0 $0x100000, s0  }
0xc3: {  	[sflag:s0] =	ssyncadd.tile.s32 @!p0 $0x1;
	_ =	shalt  }
.Lfunc_end2:
_tile_overlayer_lowered:
.L_overlay_start_2:
0xc4: {  	(tag) =	ssettag $0x2  }
0xc5: {  	s0 =	rddreg [dreg:$0x0];
	s2 =	stileid.u32  }
0xc6: {  	s1 =	rddreg [dreg:$0x1];
	p0 =	sne.s32 s2, $0x0  }
0xc7: {  	s3 =	rddreg [dreg:$0x2];
	[bflag:$0x3] =	sbarrier.arrive $0xFFFF;
	s2 =	simm.s32 @!p0 $0x1C03  }
0xc8: {  	[timem:s3], [sflag:s2] =	dma.local @!p0 [hbm:s0], s1  }
0xc9: {  	s0 =	simm.s32 @!p0 $0x3  }
0xca: {  	_ =	swait.ge @!p0 [sflag:s0], s1  }
0xcb: {  	s1 =	ssub.s32 @!p0 $0x0, s1;
	[sflag:s0] =	ssyncset.done @!p0 $0x0  }
0xcc: {  	[sflag:s0] =	ssyncadd.s32 @!p0 s1  }
0xcd: {  	[bflag:$0x3] =	sbarrier.arrive $0xFFFF  }
0xce: {  	_ =	shalt  }

</sc_bundles>
